<compile_context>
chip_gen: v7x
topology: tpu7x:2x2x1
jax: 0.10.2.dev20260603
libtpu: 0.0.44.dev20260713+nightly
codegen_flags: <defaults>
</compile_context>

<pallas_src>
import functools

import jax
import jax.numpy as jnp
from jax import lax
from jax.experimental import pallas as pl
from jax.experimental.pallas import tpu as pltpu
from jax.experimental.pallas import tpu_sc as plsc

N = 10000
E = 320000
D = 128
C = 40
CP = 128

NC = 2
NS = 16
NW = NC * NS

K = 128
EPW = 10240
NCH = EPW // K
EPAD = EPW * NW
NPAD = 10368
RPT = NPAD // NS
DUMP = 10240

ROWBLK = 1000


def _sc_mesh():
    return plsc.VectorSubcoreMesh(
        core_axis_name="c", subcore_axis_name="s", num_cores=NC, num_subcores=NS
    )


def _unpack_chunk(packed_v, j, sidx_v, didx_v):
    for t in range(K // 16):
        v = packed_v[j, pl.ds(t * 16, 16)]
        sidx_v[pl.ds(t * 16, 16)] = lax.bitwise_and(v, 16383)
        didx_v[pl.ds(t * 16, 16)] = lax.shift_right_logical(v, 14)


@functools.partial(
    pl.kernel,
    out_type=jax.ShapeDtypeStruct((NC, NPAD, D), jnp.float32),
    mesh=_sc_mesh(),
    scratch_types=[
        pltpu.VMEM((NCH, K), jnp.int32),
        pltpu.VMEM((K,), jnp.int32),
        pltpu.VMEM((K,), jnp.int32),
        pltpu.VMEM((K, D), jnp.float32),
        pltpu.VMEM_SHARED((NPAD, D), jnp.float32),
    ],
)
def _sc_degree(packed_hbm, ones_hbm, zeros_hbm, out_hbm,
               packed_v, sidx_v, didx_v, ones_v, acc_sh):
    cid = lax.axis_index("c")
    sid = lax.axis_index("s")
    wid = sid * NC + cid
    pltpu.sync_copy(packed_hbm.at[wid], packed_v)
    pltpu.sync_copy(ones_hbm, ones_v)
    pltpu.sync_copy(zeros_hbm, acc_sh.at[pl.ds(sid * RPT, RPT)])
    plsc.subcore_barrier()

    def body(j, _):
        _unpack_chunk(packed_v, j, sidx_v, didx_v)
        pltpu.sync_copy(ones_v, acc_sh.at[didx_v], add=True)
        return _

    lax.fori_loop(0, NCH, body, 0)
    plsc.subcore_barrier()
    pltpu.sync_copy(
        acc_sh.at[pl.ds(sid * RPT, RPT)], out_hbm.at[cid, pl.ds(sid * RPT, RPT)]
    )


def _make_segsum(width):
    @functools.partial(
        pl.kernel,
        out_type=jax.ShapeDtypeStruct((NC, NPAD, width), jnp.float32),
        mesh=_sc_mesh(),
        scratch_types=[
            pltpu.VMEM((NCH, K), jnp.int32),
            pltpu.VMEM((K,), jnp.int32),
            pltpu.VMEM((K,), jnp.int32),
            pltpu.VMEM((K,), jnp.int32),
            pltpu.VMEM((K,), jnp.int32),
            pltpu.VMEM((K, width), jnp.float32),
            pltpu.VMEM((K, width), jnp.float32),
            pltpu.VMEM_SHARED((NPAD, width), jnp.float32),
            pltpu.SemaphoreType.DMA,
            pltpu.SemaphoreType.DMA,
        ],
    )
    def segsum(rows_hbm, packed_hbm, zeros_hbm, out_hbm,
               packed_v, sidx0, sidx1, didx0, didx1, buf0, buf1,
               acc_sh, sem0, sem1):
        cid = lax.axis_index("c")
        sid = lax.axis_index("s")
        wid = sid * NC + cid
        pltpu.sync_copy(packed_hbm.at[wid], packed_v)
        pltpu.sync_copy(zeros_hbm, acc_sh.at[pl.ds(sid * RPT, RPT)])
        plsc.subcore_barrier()

        _unpack_chunk(packed_v, 0, sidx0, didx0)
        pltpu.async_copy(rows_hbm.at[sidx0], buf0, sem0)
        _unpack_chunk(packed_v, 1, sidx1, didx1)
        pltpu.async_copy(rows_hbm.at[sidx1], buf1, sem1)

        def body(i, _):
            j = 2 * i
            pltpu.make_async_copy(rows_hbm.at[sidx0], buf0, sem0).wait()
            pltpu.sync_copy(buf0, acc_sh.at[didx0], add=True)
            _unpack_chunk(packed_v, jnp.minimum(j + 2, NCH - 1), sidx0, didx0)
            pltpu.async_copy(rows_hbm.at[sidx0], buf0, sem0)
            pltpu.make_async_copy(rows_hbm.at[sidx1], buf1, sem1).wait()
            pltpu.sync_copy(buf1, acc_sh.at[didx1], add=True)
            _unpack_chunk(packed_v, jnp.minimum(j + 3, NCH - 1), sidx1, didx1)
            pltpu.async_copy(rows_hbm.at[sidx1], buf1, sem1)
            return _

        lax.fori_loop(0, NCH // 2, body, 0)
        pltpu.make_async_copy(rows_hbm.at[sidx0], buf0, sem0).wait()
        pltpu.make_async_copy(rows_hbm.at[sidx1], buf1, sem1).wait()
        plsc.subcore_barrier()
        pltpu.sync_copy(
            acc_sh.at[pl.ds(sid * RPT, RPT)], out_hbm.at[cid, pl.ds(sid * RPT, RPT)]
        )

    return segsum


_segsum_d = _make_segsum(D)
_segsum_c = _make_segsum(CP)


def _gelu(x):
    return 0.5 * x * (1.0 + lax.erf(x * 0.7071067811865476))


_row = lambda i: (i, 0)
_c00 = lambda i: (0, 0)


def _blk(shape, imap):
    return pl.BlockSpec(shape, imap)


def _tc_mm(x, w1):
    def body(x_ref, w_ref, h_ref):
        h_ref[...] = jnp.dot(
            x_ref[...], w_ref[...], preferred_element_type=jnp.float32
        )

    return pl.pallas_call(
        body,
        grid=(N // ROWBLK,),
        in_specs=[_blk((ROWBLK, D), _row), _blk((D, D), _c00)],
        out_specs=_blk((ROWBLK, D), _row),
        out_shape=jax.ShapeDtypeStruct((N, D), jnp.float32),
    )(x, w1)


def _tc_scale(deg2, h1):
    def body(d0_ref, d1_ref, h_ref, hs_ref, dinv_ref):
        deg = d0_ref[0, :, 0:1] + d1_ref[0, :, 0:1] + 2.0
        dinv = lax.rsqrt(deg)
        hs_ref[...] = dinv * h_ref[...]
        dinv_ref[...] = dinv

    return pl.pallas_call(
        body,
        grid=(N // ROWBLK,),
        in_specs=[
            _blk((1, ROWBLK, D), lambda i: (0, i, 0)),
            _blk((1, ROWBLK, D), lambda i: (1, i, 0)),
            _blk((ROWBLK, D), _row),
        ],
        out_specs=[
            _blk((ROWBLK, D), _row),
            _blk((ROWBLK, 1), _row),
        ],
        out_shape=[
            jax.ShapeDtypeStruct((N, D), jnp.float32),
            jax.ShapeDtypeStruct((N, 1), jnp.float32),
        ],
    )(deg2, deg2, h1)


def _tc_mid(p, h, dinv, b, w, res=None):
    wout = w.shape[1]
    nres = 0 if res is None else 1

    def body(*refs):
        p0_ref, p1_ref, h_ref, dinv_ref, b_ref, w_ref = refs[:6]
        res_ref = refs[6] if nres else None
        a_ref, hn_ref, hsn_ref = refs[6 + nres:]
        dinv = dinv_ref[...]
        t = (dinv * (p0_ref[0] + p1_ref[0])
             + (2.0 * dinv * dinv) * h_ref[...] + b_ref[...])
        if nres:
            t = t + res_ref[...]
        a = _gelu(t)
        hn = jnp.dot(a, w_ref[...], preferred_element_type=jnp.float32)
        a_ref[...] = a
        hn_ref[...] = hn
        hsn_ref[...] = dinv * hn

    in_specs = [
        _blk((1, ROWBLK, D), lambda i: (0, i, 0)),
        _blk((1, ROWBLK, D), lambda i: (1, i, 0)),
        _blk((ROWBLK, D), _row),
        _blk((ROWBLK, 1), _row),
        _blk((1, D), _c00),
        _blk((D, wout), _c00),
    ]
    args = [p, p, h, dinv, b, w]
    if nres:
        in_specs.append(_blk((ROWBLK, D), _row))
        args.append(res)
    return pl.pallas_call(
        body,
        grid=(N // ROWBLK,),
        in_specs=in_specs,
        out_specs=[
            _blk((ROWBLK, D), _row),
            _blk((ROWBLK, wout), _row),
            _blk((ROWBLK, wout), _row),
        ],
        out_shape=[
            jax.ShapeDtypeStruct((N, D), jnp.float32),
            jax.ShapeDtypeStruct((N, wout), jnp.float32),
            jax.ShapeDtypeStruct((N, wout), jnp.float32),
        ],
    )(*args)


def _tc_final(p, h, dinv, b):
    def body(p0_ref, p1_ref, h_ref, dinv_ref, b_ref, o_ref):
        dinv = dinv_ref[...]
        t = (dinv * (p0_ref[0] + p1_ref[0])
             + (2.0 * dinv * dinv) * h_ref[...] + b_ref[...])
        o_ref[...] = t[:, :C]

    return pl.pallas_call(
        body,
        grid=(N // ROWBLK,),
        in_specs=[
            _blk((1, ROWBLK, CP), lambda i: (0, i, 0)),
            _blk((1, ROWBLK, CP), lambda i: (1, i, 0)),
            _blk((ROWBLK, CP), _row),
            _blk((ROWBLK, 1), _row),
            _blk((1, CP), _c00),
        ],
        out_specs=_blk((ROWBLK, C), _row),
        out_shape=jax.ShapeDtypeStruct((N, C), jnp.float32),
    )(p, p, h, dinv, b)


def kernel(x, edge_index, W1, b1, W2, b2, W3, b3):
    pad_iota = jnp.arange(EPAD - E, dtype=jnp.int32)
    src = jnp.concatenate([edge_index[0], pad_iota % 4096])
    dst = jnp.concatenate([edge_index[1], DUMP + (pad_iota % 128)])
    packed = jnp.bitwise_or(src, jnp.left_shift(dst, 14)).reshape(NW, NCH, K)
    ones_d = jnp.ones((K, D), jnp.float32)
    zeros_d = jnp.zeros((RPT, D), jnp.float32)
    zeros_c = jnp.zeros((RPT, CP), jnp.float32)
    w3p = jnp.zeros((D, CP), jnp.float32).at[:, :C].set(W3)
    b3p = jnp.zeros((1, CP), jnp.float32).at[0, :C].set(b3)

    h1 = _tc_mm(x, W1)
    deg = _sc_degree(packed, ones_d, zeros_d)
    hs1, dinv = _tc_scale(deg, h1)
    p1 = _segsum_d(hs1, packed, zeros_d)
    a1, h2, hs2 = _tc_mid(p1, h1, dinv, b1.reshape(1, D), W2)
    p2 = _segsum_d(hs2, packed, zeros_d)
    _, h3, hs3 = _tc_mid(p2, h2, dinv, b2.reshape(1, D), w3p, res=a1)
    p3 = _segsum_c(hs3, packed, zeros_c)
    return _tc_final(p3, h3, dinv, b3p)

# --- scband reference (transcript-rebuilt; emitter-appended) ---
"""Pipeline reference for scband-gcnnode-classification-79980880986187 (READ-ONLY COPY).

The authoritative reference and input builder live on the scoring server;
editing this copy changes nothing except your own understanding.
"""

import jax, jax.numpy as jnp
import numpy as np

N_NODES = 10000
N_EDGES = 320000
D_FEAT = 128
HIDDEN = 128
N_CLASSES = 40


def glorot(key, shape):
    fan_in, fan_out = shape[0], shape[1]
    scale = jnp.sqrt(6.0 / (fan_in + fan_out))
    return jax.random.uniform(key, shape, jnp.float32, -scale, scale)


def setup_inputs(seed: int = 0) -> dict:
    key = jax.random.key(seed)
    ks = jax.random.split(key, 8)
    x = jax.random.normal(ks[0], (N_NODES, D_FEAT), jnp.float32)
    edge_index = jax.random.randint(ks[1], (2, N_EDGES), 0, N_NODES, jnp.int32)
    W1 = glorot(ks[2], (D_FEAT, HIDDEN))
    b1 = jnp.zeros((HIDDEN,), jnp.float32)
    W2 = glorot(ks[3], (HIDDEN, HIDDEN))
    b2 = jnp.zeros((HIDDEN,), jnp.float32)
    W3 = glorot(ks[4], (HIDDEN, N_CLASSES))
    b3 = jnp.zeros((N_CLASSES,), jnp.float32)
    return {"x": x, "edge_index": edge_index, "W1": W1, "b1": b1, "W2": W2, "b2": b2, "W3": W3, "b3": b3}


def gcn_conv(x, W, b, src, dst):
    # GCNConv(improved=True): self-loop fill value = 2.0
    n = x.shape[0]
    h = x @ W
    deg = jnp.zeros((n,), jnp.float32).at[dst].add(1.0) + 2.0
    dinv = jax.lax.rsqrt(deg)
    norm = dinv[src] * dinv[dst]
    agg = jnp.zeros_like(h).at[dst].add(norm[:, None] * h[src])
    # self-loop contribution: norm_ii = dinv[i]*dinv[i]*2.0
    agg = agg + (2.0 * dinv * dinv)[:, None] * h
    return agg + b


def reference(x, edge_index, W1, b1, W2, b2, W3, b3):
    src = edge_index[0]
    dst = edge_index[1]
    # layer 1
    h = gcn_conv(x, W1, b1, src, dst)
    # layer 2 with Residual wrapper; dropout is identity in eval mode
    a = jax.nn.gelu(h, approximate=False)
    h = h_res = gcn_conv(a, W2, b2, src, dst) + a
    # layer 3
    a = jax.nn.gelu(h, approximate=False)
    out = gcn_conv(a, W3, b3, src, dst)
    return out

if __name__ == "__main__":
    import jax
    _d = setup_inputs()
    print(jax.jit(kernel)(*tuple(_d.values())))

</pallas_src>

<mosaic_0001>
#map = affine_map<(d0, d1) -> (0, 0)>
#map1 = affine_map<(d0, d1) -> (0, 0, 0)>
module attributes {stable_mosaic.version = 14 : i64} {
  func.func @segsum(%arg0: i32, %arg1: i32, %arg2: memref<10000x128xf32, #tpu.memory_space<hbm>>, %arg3: memref<32x80x128xi32, #tpu.memory_space<hbm>>, %arg4: memref<648x128xf32, #tpu.memory_space<hbm>>, %arg5: memref<2x10368x128xf32, #tpu.memory_space<hbm>>, %arg6: memref<80x128xi32, #tpu.memory_space<vmem>>, %arg7: memref<128xi32, #tpu.memory_space<vmem>>, %arg8: memref<128xi32, #tpu.memory_space<vmem>>, %arg9: memref<128xi32, #tpu.memory_space<vmem>>, %arg10: memref<128xi32, #tpu.memory_space<vmem>>, %arg11: memref<128x128xf32, #tpu.memory_space<vmem>>, %arg12: memref<128x128xf32, #tpu.memory_space<vmem>>, %arg13: memref<10368x128xf32, #tpu.memory_space<vmem_shared>>, %arg14: memref<!tpu.dma_semaphore, #tpu.memory_space<semaphore_mem>>, %arg15: memref<!tpu.dma_semaphore, #tpu.memory_space<semaphore_mem>>) attributes {dimension_semantics = [#tpu.dimension_semantics<core_parallel>, #tpu.dimension_semantics<subcore_parallel>], iteration_bounds = array<i64: 2, 16>, scalar_prefetch = 0 : i64, scratch_operands = 10 : i64, tpu.core_type = #tpu.core_type<sc_vector_subcore>, window_params = [{transform_indices = #map}, {transform_indices = #map1}, {transform_indices = #map}, {transform_indices = #map1}]} {
    %mul3A = arith.constant 2 : i32
    %mul3A_0 = arith.muli %arg1, %mul3A : i32
    %add3A = arith.addi %mul3A_0, %arg0 : i32
    "tpu.region"() ({
      %run_scoped3A = tpu.sem_alloc : memref<!tpu.dma_semaphore, #tpu.memory_space<semaphore_mem>>
      %dma_start3A_323 = arith.constant 0 : i32
      %dma_start3A_324 = arith.constant 0 : i32
      %dma_start3A_325 = tpu.memref_slice %arg3[%add3A, %dma_start3A_323, %dma_start3A_324] : memref<32x80x128xi32, #tpu.memory_space<hbm>> -> memref<1x80x128xi32, #tpu.memory_space<hbm>>
      %dma_start3A_326 = tpu.memref_squeeze %dma_start3A_325 : memref<1x80x128xi32, #tpu.memory_space<hbm>> -> memref<80x128xi32, #tpu.memory_space<hbm>>
      %dma_start3A_327 = arith.constant 0 : i32
      %dma_start3A_328 = arith.constant 0 : i32
      %dma_start3A_329 = tpu.memref_slice %arg3[%add3A, %dma_start3A_327, %dma_start3A_328] : memref<32x80x128xi32, #tpu.memory_space<hbm>> -> memref<1x80x128xi32, #tpu.memory_space<hbm>>
      %dma_start3A_330 = tpu.memref_squeeze %dma_start3A_329 : memref<1x80x128xi32, #tpu.memory_space<hbm>> -> memref<80x128xi32, #tpu.memory_space<hbm>>
      tpu.enqueue_dma source(%dma_start3A_330 : memref<80x128xi32, #tpu.memory_space<hbm>>) target(%arg6 : memref<80x128xi32, #tpu.memory_space<vmem>>) target_semaphore(%run_scoped3A : memref<!tpu.dma_semaphore, #tpu.memory_space<semaphore_mem>>)
      %dma_wait3A_331 = arith.constant 0 : i32
      %dma_wait3A_332 = arith.constant 0 : i32
      %dma_wait3A_333 = tpu.memref_slice %arg3[%add3A, %dma_wait3A_331, %dma_wait3A_332] : memref<32x80x128xi32, #tpu.memory_space<hbm>> -> memref<1x80x128xi32, #tpu.memory_space<hbm>>
      %dma_wait3A_334 = tpu.memref_squeeze %dma_wait3A_333 : memref<1x80x128xi32, #tpu.memory_space<hbm>> -> memref<80x128xi32, #tpu.memory_space<hbm>>
      %dma_wait3A_335 = arith.constant 0 : i32
      %dma_wait3A_336 = arith.constant 0 : i32
      %dma_wait3A_337 = tpu.memref_slice %arg3[%add3A, %dma_wait3A_335, %dma_wait3A_336] : memref<32x80x128xi32, #tpu.memory_space<hbm>> -> memref<1x80x128xi32, #tpu.memory_space<hbm>>
      %dma_wait3A_338 = tpu.memref_squeeze %dma_wait3A_337 : memref<1x80x128xi32, #tpu.memory_space<hbm>> -> memref<80x128xi32, #tpu.memory_space<hbm>>
      tpu.wait_dma2 semaphore(%run_scoped3A : memref<!tpu.dma_semaphore, #tpu.memory_space<semaphore_mem>>) src(%dma_wait3A_338 : memref<80x128xi32, #tpu.memory_space<hbm>>) dst(%arg6 : memref<80x128xi32, #tpu.memory_space<vmem>>)
      tpu.yield
    }) : () -> ()
    %mul3A_1 = arith.constant 648 : i32
    %mul3A_2 = arith.muli %arg1, %mul3A_1 : i32
    "tpu.region"() ({
      %run_scoped3A = tpu.sem_alloc : memref<!tpu.dma_semaphore, #tpu.memory_space<semaphore_mem>>
      %dma_start3A_323 = arith.constant 0 : i32
      %dma_start3A_324 = tpu.memref_slice %arg13[%mul3A_2, %dma_start3A_323] : memref<10368x128xf32, #tpu.memory_space<vmem_shared>> -> memref<648x128xf32, #tpu.memory_space<vmem_shared>>
      tpu.enqueue_dma source(%arg4 : memref<648x128xf32, #tpu.memory_space<hbm>>) target(%dma_start3A_324 : memref<648x128xf32, #tpu.memory_space<vmem_shared>>) target_semaphore(%run_scoped3A : memref<!tpu.dma_semaphore, #tpu.memory_space<semaphore_mem>>)
      %dma_wait3A_325 = arith.constant 0 : i32
      %dma_wait3A_326 = tpu.memref_slice %arg13[%mul3A_2, %dma_wait3A_325] : memref<10368x128xf32, #tpu.memory_space<vmem_shared>> -> memref<648x128xf32, #tpu.memory_space<vmem_shared>>
      tpu.wait_dma2 semaphore(%run_scoped3A : memref<!tpu.dma_semaphore, #tpu.memory_space<semaphore_mem>>) src(%arg4 : memref<648x128xf32, #tpu.memory_space<hbm>>) dst(%dma_wait3A_326 : memref<648x128xf32, #tpu.memory_space<vmem_shared>>)
      tpu.yield
    }) : () -> ()
    %barrier3A = arith.constant 0 : index
    tpu.barrier barrier_id(%barrier3A)
    %get3A = arith.constant 0 : i32
    %get3A_3 = arith.index_cast %get3A : i32 to index
    %get3A_4 = arith.constant 0 : index
    %get3A_5 = tpu.vector_load %arg6[%get3A_3, %get3A_4] {strides = array<i32>} : memref<80x128xi32, #tpu.memory_space<vmem>>, vector<1x16xi32>,
    %get3A_6 = vector.shape_cast %get3A_5 : vector<1x16xi32> to vector<16xi32>
    %and3A = arith.constant 16383 : i32
    %and3A_7 = vector.broadcast %and3A : i32 to vector<16xi32>
    %and3A_8 = arith.andi %get3A_6, %and3A_7 : vector<16xi32>
    %swap3A = arith.constant 0 : index
    %swap3A_9 = tpu.vector_load %arg7[%swap3A] {strides = array<i32>} : memref<128xi32, #tpu.memory_space<vmem>>, vector<16xi32>,
    %swap3A_10 = vector.shape_cast %swap3A_9 : vector<16xi32> to vector<16xi32>
    %swap3A_11 = vector.shape_cast %and3A_8 : vector<16xi32> to vector<16xi32>
    tpu.vector_store %arg7[%swap3A], %swap3A_11 {strides = array<i32>} : memref<128xi32, #tpu.memory_space<vmem>>, vector<16xi32>,
    %shift_right_logical3A = arith.constant 14 : i32
    %shift_right_logical3A_12 = vector.broadcast %shift_right_logical3A : i32 to vector<16xi32>
    %shift_right_logical3A_13 = arith.shrui %get3A_6, %shift_right_logical3A_12 : vector<16xi32>
    %swap3A_14 = arith.constant 0 : index
    %swap3A_15 = tpu.vector_load %arg9[%swap3A_14] {strides = array<i32>} : memref<128xi32, #tpu.memory_space<vmem>>, vector<16xi32>,
    %swap3A_16 = vector.shape_cast %swap3A_15 : vector<16xi32> to vector<16xi32>
    %swap3A_17 = vector.shape_cast %shift_right_logical3A_13 : vector<16xi32> to vector<16xi32>
    tpu.vector_store %arg9[%swap3A_14], %swap3A_17 {strides = array<i32>} : memref<128xi32, #tpu.memory_space<vmem>>, vector<16xi32>,
    %get3A_18 = arith.constant 0 : i32
    %get3A_19 = arith.index_cast %get3A_18 : i32 to index
    %get3A_20 = arith.constant 16 : index
    %get3A_21 = tpu.vector_load %arg6[%get3A_19, %get3A_20] {strides = array<i32>} : memref<80x128xi32, #tpu.memory_space<vmem>>, vector<1x16xi32>,
    %get3A_22 = vector.shape_cast %get3A_21 : vector<1x16xi32> to vector<16xi32>
    %and3A_23 = arith.constant 16383 : i32
    %and3A_24 = vector.broadcast %and3A_23 : i32 to vector<16xi32>
    %and3A_25 = arith.andi %get3A_22, %and3A_24 : vector<16xi32>
    %swap3A_26 = arith.constant 16 : index
    %swap3A_27 = tpu.vector_load %arg7[%swap3A_26] {strides = array<i32>} : memref<128xi32, #tpu.memory_space<vmem>>, vector<16xi32>,
    %swap3A_28 = vector.shape_cast %swap3A_27 : vector<16xi32> to vector<16xi32>
    %swap3A_29 = vector.shape_cast %and3A_25 : vector<16xi32> to vector<16xi32>
    tpu.vector_store %arg7[%swap3A_26], %swap3A_29 {strides = array<i32>} : memref<128xi32, #tpu.memory_space<vmem>>, vector<16xi32>,
    %shift_right_logical3A_30 = arith.constant 14 : i32
    %shift_right_logical3A_31 = vector.broadcast %shift_right_logical3A_30 : i32 to vector<16xi32>
    %shift_right_logical3A_32 = arith.shrui %get3A_22, %shift_right_logical3A_31 : vector<16xi32>
    %swap3A_33 = arith.constant 16 : index
    %swap3A_34 = tpu.vector_load %arg9[%swap3A_33] {strides = array<i32>} : memref<128xi32, #tpu.memory_space<vmem>>, vector<16xi32>,
    %swap3A_35 = vector.shape_cast %swap3A_34 : vector<16xi32> to vector<16xi32>
    %swap3A_36 = vector.shape_cast %shift_right_logical3A_32 : vector<16xi32> to vector<16xi32>
    tpu.vector_store %arg9[%swap3A_33], %swap3A_36 {strides = array<i32>} : memref<128xi32, #tpu.memory_space<vmem>>, vector<16xi32>,
    %get3A_37 = arith.constant 0 : i32
    %get3A_38 = arith.index_cast %get3A_37 : i32 to index
    %get3A_39 = arith.constant 32 : index
    %get3A_40 = tpu.vector_load %arg6[%get3A_38, %get3A_39] {strides = array<i32>} : memref<80x128xi32, #tpu.memory_space<vmem>>, vector<1x16xi32>,
    %get3A_41 = vector.shape_cast %get3A_40 : vector<1x16xi32> to vector<16xi32>
    %and3A_42 = arith.constant 16383 : i32
    %and3A_43 = vector.broadcast %and3A_42 : i32 to vector<16xi32>
    %and3A_44 = arith.andi %get3A_41, %and3A_43 : vector<16xi32>
    %swap3A_45 = arith.constant 32 : index
    %swap3A_46 = tpu.vector_load %arg7[%swap3A_45] {strides = array<i32>} : memref<128xi32, #tpu.memory_space<vmem>>, vector<16xi32>,
    %swap3A_47 = vector.shape_cast %swap3A_46 : vector<16xi32> to vector<16xi32>
    %swap3A_48 = vector.shape_cast %and3A_44 : vector<16xi32> to vector<16xi32>
    tpu.vector_store %arg7[%swap3A_45], %swap3A_48 {strides = array<i32>} : memref<128xi32, #tpu.memory_space<vmem>>, vector<16xi32>,
    %shift_right_logical3A_49 = arith.constant 14 : i32
    %shift_right_logical3A_50 = vector.broadcast %shift_right_logical3A_49 : i32 to vector<16xi32>
    %shift_right_logical3A_51 = arith.shrui %get3A_41, %shift_right_logical3A_50 : vector<16xi32>
    %swap3A_52 = arith.constant 32 : index
    %swap3A_53 = tpu.vector_load %arg9[%swap3A_52] {strides = array<i32>} : memref<128xi32, #tpu.memory_space<vmem>>, vector<16xi32>,
    %swap3A_54 = vector.shape_cast %swap3A_53 : vector<16xi32> to vector<16xi32>
    %swap3A_55 = vector.shape_cast %shift_right_logical3A_51 : vector<16xi32> to vector<16xi32>
    tpu.vector_store %arg9[%swap3A_52], %swap3A_55 {strides = array<i32>} : memref<128xi32, #tpu.memory_space<vmem>>, vector<16xi32>,
    %get3A_56 = arith.constant 0 : i32
    %get3A_57 = arith.index_cast %get3A_56 : i32 to index
    %get3A_58 = arith.constant 48 : index
    %get3A_59 = tpu.vector_load %arg6[%get3A_57, %get3A_58] {strides = array<i32>} : memref<80x128xi32, #tpu.memory_space<vmem>>, vector<1x16xi32>,
    %get3A_60 = vector.shape_cast %get3A_59 : vector<1x16xi32> to vector<16xi32>
    %and3A_61 = arith.constant 16383 : i32
    %and3A_62 = vector.broadcast %and3A_61 : i32 to vector<16xi32>
    %and3A_63 = arith.andi %get3A_60, %and3A_62 : vector<16xi32>
    %swap3A_64 = arith.constant 48 : index
    %swap3A_65 = tpu.vector_load %arg7[%swap3A_64] {strides = array<i32>} : memref<128xi32, #tpu.memory_space<vmem>>, vector<16xi32>,
    %swap3A_66 = vector.shape_cast %swap3A_65 : vector<16xi32> to vector<16xi32>
    %swap3A_67 = vector.shape_cast %and3A_63 : vector<16xi32> to vector<16xi32>
    tpu.vector_store %arg7[%swap3A_64], %swap3A_67 {strides = array<i32>} : memref<128xi32, #tpu.memory_space<vmem>>, vector<16xi32>,
    %shift_right_logical3A_68 = arith.constant 14 : i32
    %shift_right_logical3A_69 = vector.broadcast %shift_right_logical3A_68 : i32 to vector<16xi32>
    %shift_right_logical3A_70 = arith.shrui %get3A_60, %shift_right_logical3A_69 : vector<16xi32>
    %swap3A_71 = arith.constant 48 : index
    %swap3A_72 = tpu.vector_load %arg9[%swap3A_71] {strides = array<i32>} : memref<128xi32, #tpu.memory_space<vmem>>, vector<16xi32>,
    %swap3A_73 = vector.shape_cast %swap3A_72 : vector<16xi32> to vector<16xi32>
    %swap3A_74 = vector.shape_cast %shift_right_logical3A_70 : vector<16xi32> to vector<16xi32>
    tpu.vector_store %arg9[%swap3A_71], %swap3A_74 {strides = array<i32>} : memref<128xi32, #tpu.memory_space<vmem>>, vector<16xi32>,
    %get3A_75 = arith.constant 0 : i32
    %get3A_76 = arith.index_cast %get3A_75 : i32 to index
    %get3A_77 = arith.constant 64 : index
    %get3A_78 = tpu.vector_load %arg6[%get3A_76, %get3A_77] {strides = array<i32>} : memref<80x128xi32, #tpu.memory_space<vmem>>, vector<1x16xi32>,
    %get3A_79 = vector.shape_cast %get3A_78 : vector<1x16xi32> to vector<16xi32>
    %and3A_80 = arith.constant 16383 : i32
    %and3A_81 = vector.broadcast %and3A_80 : i32 to vector<16xi32>
    %and3A_82 = arith.andi %get3A_79, %and3A_81 : vector<16xi32>
    %swap3A_83 = arith.constant 64 : index
    %swap3A_84 = tpu.vector_load %arg7[%swap3A_83] {strides = array<i32>} : memref<128xi32, #tpu.memory_space<vmem>>, vector<16xi32>,
    %swap3A_85 = vector.shape_cast %swap3A_84 : vector<16xi32> to vector<16xi32>
    %swap3A_86 = vector.shape_cast %and3A_82 : vector<16xi32> to vector<16xi32>
    tpu.vector_store %arg7[%swap3A_83], %swap3A_86 {strides = array<i32>} : memref<128xi32, #tpu.memory_space<vmem>>, vector<16xi32>,
    %shift_right_logical3A_87 = arith.constant 14 : i32
    %shift_right_logical3A_88 = vector.broadcast %shift_right_logical3A_87 : i32 to vector<16xi32>
    %shift_right_logical3A_89 = arith.shrui %get3A_79, %shift_right_logical3A_88 : vector<16xi32>
    %swap3A_90 = arith.constant 64 : index
    %swap3A_91 = tpu.vector_load %arg9[%swap3A_90] {strides = array<i32>} : memref<128xi32, #tpu.memory_space<vmem>>, vector<16xi32>,
    %swap3A_92 = vector.shape_cast %swap3A_91 : vector<16xi32> to vector<16xi32>
    %swap3A_93 = vector.shape_cast %shift_right_logical3A_89 : vector<16xi32> to vector<16xi32>
    tpu.vector_store %arg9[%swap3A_90], %swap3A_93 {strides = array<i32>} : memref<128xi32, #tpu.memory_space<vmem>>, vector<16xi32>,
    %get3A_94 = arith.constant 0 : i32
    %get3A_95 = arith.index_cast %get3A_94 : i32 to index
    %get3A_96 = arith.constant 80 : index
    %get3A_97 = tpu.vector_load %arg6[%get3A_95, %get3A_96] {strides = array<i32>} : memref<80x128xi32, #tpu.memory_space<vmem>>, vector<1x16xi32>,
    %get3A_98 = vector.shape_cast %get3A_97 : vector<1x16xi32> to vector<16xi32>
    %and3A_99 = arith.constant 16383 : i32
    %and3A_100 = vector.broadcast %and3A_99 : i32 to vector<16xi32>
    %and3A_101 = arith.andi %get3A_98, %and3A_100 : vector<16xi32>
    %swap3A_102 = arith.constant 80 : index
    %swap3A_103 = tpu.vector_load %arg7[%swap3A_102] {strides = array<i32>} : memref<128xi32, #tpu.memory_space<vmem>>, vector<16xi32>,
    %swap3A_104 = vector.shape_cast %swap3A_103 : vector<16xi32> to vector<16xi32>
    %swap3A_105 = vector.shape_cast %and3A_101 : vector<16xi32> to vector<16xi32>
    tpu.vector_store %arg7[%swap3A_102], %swap3A_105 {strides = array<i32>} : memref<128xi32, #tpu.memory_space<vmem>>, vector<16xi32>,
    %shift_right_logical3A_106 = arith.constant 14 : i32
    %shift_right_logical3A_107 = vector.broadcast %shift_right_logical3A_106 : i32 to vector<16xi32>
    %shift_right_logical3A_108 = arith.shrui %get3A_98, %shift_right_logical3A_107 : vector<16xi32>
    %swap3A_109 = arith.constant 80 : index
    %swap3A_110 = tpu.vector_load %arg9[%swap3A_109] {strides = array<i32>} : memref<128xi32, #tpu.memory_space<vmem>>, vector<16xi32>,
    %swap3A_111 = vector.shape_cast %swap3A_110 : vector<16xi32> to vector<16xi32>
    %swap3A_112 = vector.shape_cast %shift_right_logical3A_108 : vector<16xi32> to vector<16xi32>
    tpu.vector_store %arg9[%swap3A_109], %swap3A_112 {strides = array<i32>} : memref<128xi32, #tpu.memory_space<vmem>>, vector<16xi32>,
    %get3A_113 = arith.constant 0 : i32
    %get3A_114 = arith.index_cast %get3A_113 : i32 to index
    %get3A_115 = arith.constant 96 : index
    %get3A_116 = tpu.vector_load %arg6[%get3A_114, %get3A_115] {strides = array<i32>} : memref<80x128xi32, #tpu.memory_space<vmem>>, vector<1x16xi32>,
    %get3A_117 = vector.shape_cast %get3A_116 : vector<1x16xi32> to vector<16xi32>
    %and3A_118 = arith.constant 16383 : i32
    %and3A_119 = vector.broadcast %and3A_118 : i32 to vector<16xi32>
    %and3A_120 = arith.andi %get3A_117, %and3A_119 : vector<16xi32>
    %swap3A_121 = arith.constant 96 : index
    %swap3A_122 = tpu.vector_load %arg7[%swap3A_121] {strides = array<i32>} : memref<128xi32, #tpu.memory_space<vmem>>, vector<16xi32>,
    %swap3A_123 = vector.shape_cast %swap3A_122 : vector<16xi32> to vector<16xi32>
    %swap3A_124 = vector.shape_cast %and3A_120 : vector<16xi32> to vector<16xi32>
    tpu.vector_store %arg7[%swap3A_121], %swap3A_124 {strides = array<i32>} : memref<128xi32, #tpu.memory_space<vmem>>, vector<16xi32>,
    %shift_right_logical3A_125 = arith.constant 14 : i32
    %shift_right_logical3A_126 = vector.broadcast %shift_right_logical3A_125 : i32 to vector<16xi32>
    %shift_right_logical3A_127 = arith.shrui %get3A_117, %shift_right_logical3A_126 : vector<16xi32>
    %swap3A_128 = arith.constant 96 : index
    %swap3A_129 = tpu.vector_load %arg9[%swap3A_128] {strides = array<i32>} : memref<128xi32, #tpu.memory_space<vmem>>, vector<16xi32>,
    %swap3A_130 = vector.shape_cast %swap3A_129 : vector<16xi32> to vector<16xi32>
    %swap3A_131 = vector.shape_cast %shift_right_logical3A_127 : vector<16xi32> to vector<16xi32>
    tpu.vector_store %arg9[%swap3A_128], %swap3A_131 {strides = array<i32>} : memref<128xi32, #tpu.memory_space<vmem>>, vector<16xi32>,
    %get3A_132 = arith.constant 0 : i32
    %get3A_133 = arith.index_cast %get3A_132 : i32 to index
    %get3A_134 = arith.constant 112 : index
    %get3A_135 = tpu.vector_load %arg6[%get3A_133, %get3A_134] {strides = array<i32>} : memref<80x128xi32, #tpu.memory_space<vmem>>, vector<1x16xi32>,
    %get3A_136 = vector.shape_cast %get3A_135 : vector<1x16xi32> to vector<16xi32>
    %and3A_137 = arith.constant 16383 : i32
    %and3A_138 = vector.broadcast %and3A_137 : i32 to vector<16xi32>
    %and3A_139 = arith.andi %get3A_136, %and3A_138 : vector<16xi32>
    %swap3A_140 = arith.constant 112 : index
    %swap3A_141 = tpu.vector_load %arg7[%swap3A_140] {strides = array<i32>} : memref<128xi32, #tpu.memory_space<vmem>>, vector<16xi32>,
    %swap3A_142 = vector.shape_cast %swap3A_141 : vector<16xi32> to vector<16xi32>
    %swap3A_143 = vector.shape_cast %and3A_139 : vector<16xi32> to vector<16xi32>
    tpu.vector_store %arg7[%swap3A_140], %swap3A_143 {strides = array<i32>} : memref<128xi32, #tpu.memory_space<vmem>>, vector<16xi32>,
    %shift_right_logical3A_144 = arith.constant 14 : i32
    %shift_right_logical3A_145 = vector.broadcast %shift_right_logical3A_144 : i32 to vector<16xi32>
    %shift_right_logical3A_146 = arith.shrui %get3A_136, %shift_right_logical3A_145 : vector<16xi32>
    %swap3A_147 = arith.constant 112 : index
    %swap3A_148 = tpu.vector_load %arg9[%swap3A_147] {strides = array<i32>} : memref<128xi32, #tpu.memory_space<vmem>>, vector<16xi32>,
    %swap3A_149 = vector.shape_cast %swap3A_148 : vector<16xi32> to vector<16xi32>
    %swap3A_150 = vector.shape_cast %shift_right_logical3A_146 : vector<16xi32> to vector<16xi32>
    tpu.vector_store %arg9[%swap3A_147], %swap3A_150 {strides = array<i32>} : memref<128xi32, #tpu.memory_space<vmem>>, vector<16xi32>,
    %dma_start3A = arith.constant 0 : i32
    %dma_start3A_151 = arith.constant 0 : i32
    %dma_start3A_152 = tpu.memref_slice %arg2[%dma_start3A, %dma_start3A_151] : memref<10000x128xf32, #tpu.memory_space<hbm>> -> memref<10000x128xf32, #tpu.memory_space<hbm>>
    tpu.enqueue_indirect_dma source(%dma_start3A_152 : memref<10000x128xf32, #tpu.memory_space<hbm>>) target(%arg11 : memref<128x128xf32, #tpu.memory_space<vmem>>) offsets(%arg7 : memref<128xi32, #tpu.memory_space<vmem>>) semaphore(%arg14 : memref<!tpu.dma_semaphore, #tpu.memory_space<semaphore_mem>>)
    %get3A_153 = arith.constant 1 : i32
    %get3A_154 = arith.index_cast %get3A_153 : i32 to index
    %get3A_155 = arith.constant 0 : index
    %get3A_156 = tpu.vector_load %arg6[%get3A_154, %get3A_155] {strides = array<i32>} : memref<80x128xi32, #tpu.memory_space<vmem>>, vector<1x16xi32>,
    %get3A_157 = vector.shape_cast %get3A_156 : vector<1x16xi32> to vector<16xi32>
    %and3A_158 = arith.constant 16383 : i32
    %and3A_159 = vector.broadcast %and3A_158 : i32 to vector<16xi32>
    %and3A_160 = arith.andi %get3A_157, %and3A_159 : vector<16xi32>
    %swap3A_161 = arith.constant 0 : index
    %swap3A_162 = tpu.vector_load %arg8[%swap3A_161] {strides = array<i32>} : memref<128xi32, #tpu.memory_space<vmem>>, vector<16xi32>,
    %swap3A_163 = vector.shape_cast %swap3A_162 : vector<16xi32> to vector<16xi32>
    %swap3A_164 = vector.shape_cast %and3A_160 : vector<16xi32> to vector<16xi32>
    tpu.vector_store %arg8[%swap3A_161], %swap3A_164 {strides = array<i32>} : memref<128xi32, #tpu.memory_space<vmem>>, vector<16xi32>,
    %shift_right_logical3A_165 = arith.constant 14 : i32
    %shift_right_logical3A_166 = vector.broadcast %shift_right_logical3A_165 : i32 to vector<16xi32>
    %shift_right_logical3A_167 = arith.shrui %get3A_157, %shift_right_logical3A_166 : vector<16xi32>
    %swap3A_168 = arith.constant 0 : index
    %swap3A_169 = tpu.vector_load %arg10[%swap3A_168] {strides = array<i32>} : memref<128xi32, #tpu.memory_space<vmem>>, vector<16xi32>,
    %swap3A_170 = vector.shape_cast %swap3A_169 : vector<16xi32> to vector<16xi32>
    %swap3A_171 = vector.shape_cast %shift_right_logical3A_167 : vector<16xi32> to vector<16xi32>
    tpu.vector_store %arg10[%swap3A_168], %swap3A_171 {strides = array<i32>} : memref<128xi32, #tpu.memory_space<vmem>>, vector<16xi32>,
    %get3A_172 = arith.constant 1 : i32
    %get3A_173 = arith.index_cast %get3A_172 : i32 to index
    %get3A_174 = arith.constant 16 : index
    %get3A_175 = tpu.vector_load %arg6[%get3A_173, %get3A_174] {strides = array<i32>} : memref<80x128xi32, #tpu.memory_space<vmem>>, vector<1x16xi32>,
    %get3A_176 = vector.shape_cast %get3A_175 : vector<1x16xi32> to vector<16xi32>
    %and3A_177 = arith.constant 16383 : i32
    %and3A_178 = vector.broadcast %and3A_177 : i32 to vector<16xi32>
    %and3A_179 = arith.andi %get3A_176, %and3A_178 : vector<16xi32>
    %swap3A_180 = arith.constant 16 : index
    %swap3A_181 = tpu.vector_load %arg8[%swap3A_180] {strides = array<i32>} : memref<128xi32, #tpu.memory_space<vmem>>, vector<16xi32>,
    %swap3A_182 = vector.shape_cast %swap3A_181 : vector<16xi32> to vector<16xi32>
    %swap3A_183 = vector.shape_cast %and3A_179 : vector<16xi32> to vector<16xi32>
    tpu.vector_store %arg8[%swap3A_180], %swap3A_183 {strides = array<i32>} : memref<128xi32, #tpu.memory_space<vmem>>, vector<16xi32>,
    %shift_right_logical3A_184 = arith.constant 14 : i32
    %shift_right_logical3A_185 = vector.broadcast %shift_right_logical3A_184 : i32 to vector<16xi32>
    %shift_right_logical3A_186 = arith.shrui %get3A_176, %shift_right_logical3A_185 : vector<16xi32>
    %swap3A_187 = arith.constant 16 : index
    %swap3A_188 = tpu.vector_load %arg10[%swap3A_187] {strides = array<i32>} : memref<128xi32, #tpu.memory_space<vmem>>, vector<16xi32>,
    %swap3A_189 = vector.shape_cast %swap3A_188 : vector<16xi32> to vector<16xi32>
    %swap3A_190 = vector.shape_cast %shift_right_logical3A_186 : vector<16xi32> to vector<16xi32>
    tpu.vector_store %arg10[%swap3A_187], %swap3A_190 {strides = array<i32>} : memref<128xi32, #tpu.memory_space<vmem>>, vector<16xi32>,
    %get3A_191 = arith.constant 1 : i32
    %get3A_192 = arith.index_cast %get3A_191 : i32 to index
    %get3A_193 = arith.constant 32 : index
    %get3A_194 = tpu.vector_load %arg6[%get3A_192, %get3A_193] {strides = array<i32>} : memref<80x128xi32, #tpu.memory_space<vmem>>, vector<1x16xi32>,
    %get3A_195 = vector.shape_cast %get3A_194 : vector<1x16xi32> to vector<16xi32>
    %and3A_196 = arith.constant 16383 : i32
    %and3A_197 = vector.broadcast %and3A_196 : i32 to vector<16xi32>
    %and3A_198 = arith.andi %get3A_195, %and3A_197 : vector<16xi32>
    %swap3A_199 = arith.constant 32 : index
    %swap3A_200 = tpu.vector_load %arg8[%swap3A_199] {strides = array<i32>} : memref<128xi32, #tpu.memory_space<vmem>>, vector<16xi32>,
    %swap3A_201 = vector.shape_cast %swap3A_200 : vector<16xi32> to vector<16xi32>
    %swap3A_202 = vector.shape_cast %and3A_198 : vector<16xi32> to vector<16xi32>
    tpu.vector_store %arg8[%swap3A_199], %swap3A_202 {strides = array<i32>} : memref<128xi32, #tpu.memory_space<vmem>>, vector<16xi32>,
    %shift_right_logical3A_203 = arith.constant 14 : i32
    %shift_right_logical3A_204 = vector.broadcast %shift_right_logical3A_203 : i32 to vector<16xi32>
    %shift_right_logical3A_205 = arith.shrui %get3A_195, %shift_right_logical3A_204 : vector<16xi32>
    %swap3A_206 = arith.constant 32 : index
    %swap3A_207 = tpu.vector_load %arg10[%swap3A_206] {strides = array<i32>} : memref<128xi32, #tpu.memory_space<vmem>>, vector<16xi32>,
    %swap3A_208 = vector.shape_cast %swap3A_207 : vector<16xi32> to vector<16xi32>
    %swap3A_209 = vector.shape_cast %shift_right_logical3A_205 : vector<16xi32> to vector<16xi32>
    tpu.vector_store %arg10[%swap3A_206], %swap3A_209 {strides = array<i32>} : memref<128xi32, #tpu.memory_space<vmem>>, vector<16xi32>,
    %get3A_210 = arith.constant 1 : i32
    %get3A_211 = arith.index_cast %get3A_210 : i32 to index
    %get3A_212 = arith.constant 48 : index
    %get3A_213 = tpu.vector_load %arg6[%get3A_211, %get3A_212] {strides = array<i32>} : memref<80x128xi32, #tpu.memory_space<vmem>>, vector<1x16xi32>,
    %get3A_214 = vector.shape_cast %get3A_213 : vector<1x16xi32> to vector<16xi32>
    %and3A_215 = arith.constant 16383 : i32
    %and3A_216 = vector.broadcast %and3A_215 : i32 to vector<16xi32>
    %and3A_217 = arith.andi %get3A_214, %and3A_216 : vector<16xi32>
    %swap3A_218 = arith.constant 48 : index
    %swap3A_219 = tpu.vector_load %arg8[%swap3A_218] {strides = array<i32>} : memref<128xi32, #tpu.memory_space<vmem>>, vector<16xi32>,
    %swap3A_220 = vector.shape_cast %swap3A_219 : vector<16xi32> to vector<16xi32>
    %swap3A_221 = vector.shape_cast %and3A_217 : vector<16xi32> to vector<16xi32>
    tpu.vector_store %arg8[%swap3A_218], %swap3A_221 {strides = array<i32>} : memref<128xi32, #tpu.memory_space<vmem>>, vector<16xi32>,
    %shift_right_logical3A_222 = arith.constant 14 : i32
    %shift_right_logical3A_223 = vector.broadcast %shift_right_logical3A_222 : i32 to vector<16xi32>
    %shift_right_logical3A_224 = arith.shrui %get3A_214, %shift_right_logical3A_223 : vector<16xi32>
    %swap3A_225 = arith.constant 48 : index
    %swap3A_226 = tpu.vector_load %arg10[%swap3A_225] {strides = array<i32>} : memref<128xi32, #tpu.memory_space<vmem>>, vector<16xi32>,
    %swap3A_227 = vector.shape_cast %swap3A_226 : vector<16xi32> to vector<16xi32>
    %swap3A_228 = vector.shape_cast %shift_right_logical3A_224 : vector<16xi32> to vector<16xi32>
    tpu.vector_store %arg10[%swap3A_225], %swap3A_228 {strides = array<i32>} : memref<128xi32, #tpu.memory_space<vmem>>, vector<16xi32>,
    %get3A_229 = arith.constant 1 : i32
    %get3A_230 = arith.index_cast %get3A_229 : i32 to index
    %get3A_231 = arith.constant 64 : index
    %get3A_232 = tpu.vector_load %arg6[%get3A_230, %get3A_231] {strides = array<i32>} : memref<80x128xi32, #tpu.memory_space<vmem>>, vector<1x16xi32>,
    %get3A_233 = vector.shape_cast %get3A_232 : vector<1x16xi32> to vector<16xi32>
    %and3A_234 = arith.constant 16383 : i32
    %and3A_235 = vector.broadcast %and3A_234 : i32 to vector<16xi32>
    %and3A_236 = arith.andi %get3A_233, %and3A_235 : vector<16xi32>
    %swap3A_237 = arith.constant 64 : index
    %swap3A_238 = tpu.vector_load %arg8[%swap3A_237] {strides = array<i32>} : memref<128xi32, #tpu.memory_space<vmem>>, vector<16xi32>,
    %swap3A_239 = vector.shape_cast %swap3A_238 : vector<16xi32> to vector<16xi32>
    %swap3A_240 = vector.shape_cast %and3A_236 : vector<16xi32> to vector<16xi32>
    tpu.vector_store %arg8[%swap3A_237], %swap3A_240 {strides = array<i32>} : memref<128xi32, #tpu.memory_space<vmem>>, vector<16xi32>,
    %shift_right_logical3A_241 = arith.constant 14 : i32
    %shift_right_logical3A_242 = vector.broadcast %shift_right_logical3A_241 : i32 to vector<16xi32>
    %shift_right_logical3A_243 = arith.shrui %get3A_233, %shift_right_logical3A_242 : vector<16xi32>
    %swap3A_244 = arith.constant 64 : index
    %swap3A_245 = tpu.vector_load %arg10[%swap3A_244] {strides = array<i32>} : memref<128xi32, #tpu.memory_space<vmem>>, vector<16xi32>,
    %swap3A_246 = vector.shape_cast %swap3A_245 : vector<16xi32> to vector<16xi32>
    %swap3A_247 = vector.shape_cast %shift_right_logical3A_243 : vector<16xi32> to vector<16xi32>
    tpu.vector_store %arg10[%swap3A_244], %swap3A_247 {strides = array<i32>} : memref<128xi32, #tpu.memory_space<vmem>>, vector<16xi32>,
    %get3A_248 = arith.constant 1 : i32
    %get3A_249 = arith.index_cast %get3A_248 : i32 to index
    %get3A_250 = arith.constant 80 : index
    %get3A_251 = tpu.vector_load %arg6[%get3A_249, %get3A_250] {strides = array<i32>} : memref<80x128xi32, #tpu.memory_space<vmem>>, vector<1x16xi32>,
    %get3A_252 = vector.shape_cast %get3A_251 : vector<1x16xi32> to vector<16xi32>
    %and3A_253 = arith.constant 16383 : i32
    %and3A_254 = vector.broadcast %and3A_253 : i32 to vector<16xi32>
    %and3A_255 = arith.andi %get3A_252, %and3A_254 : vector<16xi32>
    %swap3A_256 = arith.constant 80 : index
    %swap3A_257 = tpu.vector_load %arg8[%swap3A_256] {strides = array<i32>} : memref<128xi32, #tpu.memory_space<vmem>>, vector<16xi32>,
    %swap3A_258 = vector.shape_cast %swap3A_257 : vector<16xi32> to vector<16xi32>
    %swap3A_259 = vector.shape_cast %and3A_255 : vector<16xi32> to vector<16xi32>
    tpu.vector_store %arg8[%swap3A_256], %swap3A_259 {strides = array<i32>} : memref<128xi32, #tpu.memory_space<vmem>>, vector<16xi32>,
    %shift_right_logical3A_260 = arith.constant 14 : i32
    %shift_right_logical3A_261 = vector.broadcast %shift_right_logical3A_260 : i32 to vector<16xi32>
    %shift_right_logical3A_262 = arith.shrui %get3A_252, %shift_right_logical3A_261 : vector<16xi32>
    %swap3A_263 = arith.constant 80 : index
    %swap3A_264 = tpu.vector_load %arg10[%swap3A_263] {strides = array<i32>} : memref<128xi32, #tpu.memory_space<vmem>>, vector<16xi32>,
    %swap3A_265 = vector.shape_cast %swap3A_264 : vector<16xi32> to vector<16xi32>
    %swap3A_266 = vector.shape_cast %shift_right_logical3A_262 : vector<16xi32> to vector<16xi32>
    tpu.vector_store %arg10[%swap3A_263], %swap3A_266 {strides = array<i32>} : memref<128xi32, #tpu.memory_space<vmem>>, vector<16xi32>,
    %get3A_267 = arith.constant 1 : i32
    %get3A_268 = arith.index_cast %get3A_267 : i32 to index
    %get3A_269 = arith.constant 96 : index
    %get3A_270 = tpu.vector_load %arg6[%get3A_268, %get3A_269] {strides = array<i32>} : memref<80x128xi32, #tpu.memory_space<vmem>>, vector<1x16xi32>,
    %get3A_271 = vector.shape_cast %get3A_270 : vector<1x16xi32> to vector<16xi32>
    %and3A_272 = arith.constant 16383 : i32
    %and3A_273 = vector.broadcast %and3A_272 : i32 to vector<16xi32>
    %and3A_274 = arith.andi %get3A_271, %and3A_273 : vector<16xi32>
    %swap3A_275 = arith.constant 96 : index
    %swap3A_276 = tpu.vector_load %arg8[%swap3A_275] {strides = array<i32>} : memref<128xi32, #tpu.memory_space<vmem>>, vector<16xi32>,
    %swap3A_277 = vector.shape_cast %swap3A_276 : vector<16xi32> to vector<16xi32>
    %swap3A_278 = vector.shape_cast %and3A_274 : vector<16xi32> to vector<16xi32>
    tpu.vector_store %arg8[%swap3A_275], %swap3A_278 {strides = array<i32>} : memref<128xi32, #tpu.memory_space<vmem>>, vector<16xi32>,
    %shift_right_logical3A_279 = arith.constant 14 : i32
    %shift_right_logical3A_280 = vector.broadcast %shift_right_logical3A_279 : i32 to vector<16xi32>
    %shift_right_logical3A_281 = arith.shrui %get3A_271, %shift_right_logical3A_280 : vector<16xi32>
    %swap3A_282 = arith.constant 96 : index
    %swap3A_283 = tpu.vector_load %arg10[%swap3A_282] {strides = array<i32>} : memref<128xi32, #tpu.memory_space<vmem>>, vector<16xi32>,
    %swap3A_284 = vector.shape_cast %swap3A_283 : vector<16xi32> to vector<16xi32>
    %swap3A_285 = vector.shape_cast %shift_right_logical3A_281 : vector<16xi32> to vector<16xi32>
    tpu.vector_store %arg10[%swap3A_282], %swap3A_285 {strides = array<i32>} : memref<128xi32, #tpu.memory_space<vmem>>, vector<16xi32>,
    %get3A_286 = arith.constant 1 : i32
    %get3A_287 = arith.index_cast %get3A_286 : i32 to index
    %get3A_288 = arith.constant 112 : index
    %get3A_289 = tpu.vector_load %arg6[%get3A_287, %get3A_288] {strides = array<i32>} : memref<80x128xi32, #tpu.memory_space<vmem>>, vector<1x16xi32>,
    %get3A_290 = vector.shape_cast %get3A_289 : vector<1x16xi32> to vector<16xi32>
    %and3A_291 = arith.constant 16383 : i32
    %and3A_292 = vector.broadcast %and3A_291 : i32 to vector<16xi32>
    %and3A_293 = arith.andi %get3A_290, %and3A_292 : vector<16xi32>
    %swap3A_294 = arith.constant 112 : index
    %swap3A_295 = tpu.vector_load %arg8[%swap3A_294] {strides = array<i32>} : memref<128xi32, #tpu.memory_space<vmem>>, vector<16xi32>,
    %swap3A_296 = vector.shape_cast %swap3A_295 : vector<16xi32> to vector<16xi32>
    %swap3A_297 = vector.shape_cast %and3A_293 : vector<16xi32> to vector<16xi32>
    tpu.vector_store %arg8[%swap3A_294], %swap3A_297 {strides = array<i32>} : memref<128xi32, #tpu.memory_space<vmem>>, vector<16xi32>,
    %shift_right_logical3A_298 = arith.constant 14 : i32
    %shift_right_logical3A_299 = vector.broadcast %shift_right_logical3A_298 : i32 to vector<16xi32>
    %shift_right_logical3A_300 = arith.shrui %get3A_290, %shift_right_logical3A_299 : vector<16xi32>
    %swap3A_301 = arith.constant 112 : index
    %swap3A_302 = tpu.vector_load %arg10[%swap3A_301] {strides = array<i32>} : memref<128xi32, #tpu.memory_space<vmem>>, vector<16xi32>,
    %swap3A_303 = vector.shape_cast %swap3A_302 : vector<16xi32> to vector<16xi32>
    %swap3A_304 = vector.shape_cast %shift_right_logical3A_300 : vector<16xi32> to vector<16xi32>
    tpu.vector_store %arg10[%swap3A_301], %swap3A_304 {strides = array<i32>} : memref<128xi32, #tpu.memory_space<vmem>>, vector<16xi32>,
    %dma_start3A_305 = arith.constant 0 : i32
    %dma_start3A_306 = arith.constant 0 : i32
    %dma_start3A_307 = tpu.memref_slice %arg2[%dma_start3A_305, %dma_start3A_306] : memref<10000x128xf32, #tpu.memory_space<hbm>> -> memref<10000x128xf32, #tpu.memory_space<hbm>>
    tpu.enqueue_indirect_dma source(%dma_start3A_307 : memref<10000x128xf32, #tpu.memory_space<hbm>>) target(%arg12 : memref<128x128xf32, #tpu.memory_space<vmem>>) offsets(%arg8 : memref<128xi32, #tpu.memory_space<vmem>>) semaphore(%arg15 : memref<!tpu.dma_semaphore, #tpu.memory_space<semaphore_mem>>)
    %scan3A = arith.constant 0 : i32
    %scan3A_308 = arith.constant 0 : i32
    %scan3A_309 = arith.constant 40 : i32
    %scan3A_310 = arith.addi %scan3A_308, %scan3A_309 : i32
    %scan3A_311 = arith.constant 1 : i32
    scf.for %scan3A_323 = %scan3A_308 to %scan3A_310 step %scan3A_311  : i32 {
      %mul3A_324 = arith.constant 2 : i32
      %mul3A_325 = arith.muli %mul3A_324, %scan3A_323 : i32
      %dma_wait3A_326 = arith.constant 0 : i32
      %dma_wait3A_327 = arith.constant 0 : i32
      %dma_wait3A_328 = tpu.memref_slice %arg2[%dma_wait3A_326, %dma_wait3A_327] : memref<10000x128xf32, #tpu.memory_space<hbm>> -> memref<10000x128xf32, #tpu.memory_space<hbm>>
      tpu.wait_indirect_dma semaphore(%arg14 : memref<!tpu.dma_semaphore, #tpu.memory_space<semaphore_mem>>) src(%dma_wait3A_328 : memref<10000x128xf32, #tpu.memory_space<hbm>>) dst(%arg11 : memref<128x128xf32, #tpu.memory_space<vmem>>)
      "tpu.region"() ({
        %run_scoped3A = tpu.sem_alloc : memref<!tpu.dma_semaphore, #tpu.memory_space<semaphore_mem>>
        %dma_start3A_633 = arith.constant 0 : i32
        %dma_start3A_634 = arith.constant 0 : i32
        %dma_start3A_635 = tpu.memref_slice %arg13[%dma_start3A_633, %dma_start3A_634] : memref<10368x128xf32, #tpu.memory_space<vmem_shared>> -> memref<10368x128xf32, #tpu.memory_space<vmem_shared>>
        tpu.enqueue_indirect_dma source(%arg11 : memref<128x128xf32, #tpu.memory_space<vmem>>) target(%dma_start3A_635 : memref<10368x128xf32, #tpu.memory_space<vmem_shared>>) offsets(%arg9 : memref<128xi32, #tpu.memory_space<vmem>>) semaphore(%run_scoped3A : memref<!tpu.dma_semaphore, #tpu.memory_space<semaphore_mem>>) {add = true}
        %dma_wait3A_636 = arith.constant 0 : i32
        %dma_wait3A_637 = arith.constant 0 : i32
        %dma_wait3A_638 = tpu.memref_slice %arg13[%dma_wait3A_636, %dma_wait3A_637] : memref<10368x128xf32, #tpu.memory_space<vmem_shared>> -> memref<10368x128xf32, #tpu.memory_space<vmem_shared>>
        tpu.wait_indirect_dma semaphore(%run_scoped3A : memref<!tpu.dma_semaphore, #tpu.memory_space<semaphore_mem>>) src(%arg11 : memref<128x128xf32, #tpu.memory_space<vmem>>) dst(%dma_wait3A_638 : memref<10368x128xf32, #tpu.memory_space<vmem_shared>>)
        tpu.yield
      }) : () -> ()
      %add3A_329 = arith.constant 2 : i32
      %add3A_330 = arith.addi %mul3A_325, %add3A_329 : i32
      %min3A = arith.constant 79 : i32
      %min3A_331 = arith.minsi %add3A_330, %min3A : i32
      %get3A_332 = arith.index_cast %min3A_331 : i32 to index
      %get3A_333 = arith.constant 0 : index
      %get3A_334 = tpu.vector_load %arg6[%get3A_332, %get3A_333] {strides = array<i32>} : memref<80x128xi32, #tpu.memory_space<vmem>>, vector<1x16xi32>,
      %get3A_335 = vector.shape_cast %get3A_334 : vector<1x16xi32> to vector<16xi32>
      %and3A_336 = arith.constant 16383 : i32
      %and3A_337 = vector.broadcast %and3A_336 : i32 to vector<16xi32>
      %and3A_338 = arith.andi %get3A_335, %and3A_337 : vector<16xi32>
      %swap3A_339 = arith.constant 0 : index
      %swap3A_340 = tpu.vector_load %arg7[%swap3A_339] {strides = array<i32>} : memref<128xi32, #tpu.memory_space<vmem>>, vector<16xi32>,
      %swap3A_341 = vector.shape_cast %swap3A_340 : vector<16xi32> to vector<16xi32>
      %swap3A_342 = vector.shape_cast %and3A_338 : vector<16xi32> to vector<16xi32>
      tpu.vector_store %arg7[%swap3A_339], %swap3A_342 {strides = array<i32>} : memref<128xi32, #tpu.memory_space<vmem>>, vector<16xi32>,
      %shift_right_logical3A_343 = arith.constant 14 : i32
      %shift_right_logical3A_344 = vector.broadcast %shift_right_logical3A_343 : i32 to vector<16xi32>
      %shift_right_logical3A_345 = arith.shrui %get3A_335, %shift_right_logical3A_344 : vector<16xi32>
      %swap3A_346 = arith.constant 0 : index
      %swap3A_347 = tpu.vector_load %arg9[%swap3A_346] {strides = array<i32>} : memref<128xi32, #tpu.memory_space<vmem>>, vector<16xi32>,
      %swap3A_348 = vector.shape_cast %swap3A_347 : vector<16xi32> to vector<16xi32>
      %swap3A_349 = vector.shape_cast %shift_right_logical3A_345 : vector<16xi32> to vector<16xi32>
      tpu.vector_store %arg9[%swap3A_346], %swap3A_349 {strides = array<i32>} : memref<128xi32, #tpu.memory_space<vmem>>, vector<16xi32>,
      %get3A_350 = arith.index_cast %min3A_331 : i32 to index
      %get3A_351 = arith.constant 16 : index
      %get3A_352 = tpu.vector_load %arg6[%get3A_350, %get3A_351] {strides = array<i32>} : memref<80x128xi32, #tpu.memory_space<vmem>>, vector<1x16xi32>,
      %get3A_353 = vector.shape_cast %get3A_352 : vector<1x16xi32> to vector<16xi32>
      %and3A_354 = arith.constant 16383 : i32
      %and3A_355 = vector.broadcast %and3A_354 : i32 to vector<16xi32>
      %and3A_356 = arith.andi %get3A_353, %and3A_355 : vector<16xi32>
      %swap3A_357 = arith.constant 16 : index
      %swap3A_358 = tpu.vector_load %arg7[%swap3A_357] {strides = array<i32>} : memref<128xi32, #tpu.memory_space<vmem>>, vector<16xi32>,
      %swap3A_359 = vector.shape_cast %swap3A_358 : vector<16xi32> to vector<16xi32>
      %swap3A_360 = vector.shape_cast %and3A_356 : vector<16xi32> to vector<16xi32>
      tpu.vector_store %arg7[%swap3A_357], %swap3A_360 {strides = array<i32>} : memref<128xi32, #tpu.memory_space<vmem>>, vector<16xi32>,
      %shift_right_logical3A_361 = arith.constant 14 : i32
      %shift_right_logical3A_362 = vector.broadcast %shift_right_logical3A_361 : i32 to vector<16xi32>
      %shift_right_logical3A_363 = arith.shrui %get3A_353, %shift_right_logical3A_362 : vector<16xi32>
      %swap3A_364 = arith.constant 16 : index
      %swap3A_365 = tpu.vector_load %arg9[%swap3A_364] {strides = array<i32>} : memref<128xi32, #tpu.memory_space<vmem>>, vector<16xi32>,
      %swap3A_366 = vector.shape_cast %swap3A_365 : vector<16xi32> to vector<16xi32>
      %swap3A_367 = vector.shape_cast %shift_right_logical3A_363 : vector<16xi32> to vector<16xi32>
      tpu.vector_store %arg9[%swap3A_364], %swap3A_367 {strides = array<i32>} : memref<128xi32, #tpu.memory_space<vmem>>, vector<16xi32>,
      %get3A_368 = arith.index_cast %min3A_331 : i32 to index
      %get3A_369 = arith.constant 32 : index
      %get3A_370 = tpu.vector_load %arg6[%get3A_368, %get3A_369] {strides = array<i32>} : memref<80x128xi32, #tpu.memory_space<vmem>>, vector<1x16xi32>,
      %get3A_371 = vector.shape_cast %get3A_370 : vector<1x16xi32> to vector<16xi32>
      %and3A_372 = arith.constant 16383 : i32
      %and3A_373 = vector.broadcast %and3A_372 : i32 to vector<16xi32>
      %and3A_374 = arith.andi %get3A_371, %and3A_373 : vector<16xi32>
      %swap3A_375 = arith.constant 32 : index
      %swap3A_376 = tpu.vector_load %arg7[%swap3A_375] {strides = array<i32>} : memref<128xi32, #tpu.memory_space<vmem>>, vector<16xi32>,
      %swap3A_377 = vector.shape_cast %swap3A_376 : vector<16xi32> to vector<16xi32>
      %swap3A_378 = vector.shape_cast %and3A_374 : vector<16xi32> to vector<16xi32>
      tpu.vector_store %arg7[%swap3A_375], %swap3A_378 {strides = array<i32>} : memref<128xi32, #tpu.memory_space<vmem>>, vector<16xi32>,
      %shift_right_logical3A_379 = arith.constant 14 : i32
      %shift_right_logical3A_380 = vector.broadcast %shift_right_logical3A_379 : i32 to vector<16xi32>
      %shift_right_logical3A_381 = arith.shrui %get3A_371, %shift_right_logical3A_380 : vector<16xi32>
      %swap3A_382 = arith.constant 32 : index
      %swap3A_383 = tpu.vector_load %arg9[%swap3A_382] {strides = array<i32>} : memref<128xi32, #tpu.memory_space<vmem>>, vector<16xi32>,
      %swap3A_384 = vector.shape_cast %swap3A_383 : vector<16xi32> to vector<16xi32>
      %swap3A_385 = vector.shape_cast %shift_right_logical3A_381 : vector<16xi32> to vector<16xi32>
      tpu.vector_store %arg9[%swap3A_382], %swap3A_385 {strides = array<i32>} : memref<128xi32, #tpu.memory_space<vmem>>, vector<16xi32>,
      %get3A_386 = arith.index_cast %min3A_331 : i32 to index
      %get3A_387 = arith.constant 48 : index
      %get3A_388 = tpu.vector_load %arg6[%get3A_386, %get3A_387] {strides = array<i32>} : memref<80x128xi32, #tpu.memory_space<vmem>>, vector<1x16xi32>,
      %get3A_389 = vector.shape_cast %get3A_388 : vector<1x16xi32> to vector<16xi32>
      %and3A_390 = arith.constant 16383 : i32
      %and3A_391 = vector.broadcast %and3A_390 : i32 to vector<16xi32>
      %and3A_392 = arith.andi %get3A_389, %and3A_391 : vector<16xi32>
      %swap3A_393 = arith.constant 48 : index
      %swap3A_394 = tpu.vector_load %arg7[%swap3A_393] {strides = array<i32>} : memref<128xi32, #tpu.memory_space<vmem>>, vector<16xi32>,
      %swap3A_395 = vector.shape_cast %swap3A_394 : vector<16xi32> to vector<16xi32>
      %swap3A_396 = vector.shape_cast %and3A_392 : vector<16xi32> to vector<16xi32>
      tpu.vector_store %arg7[%swap3A_393], %swap3A_396 {strides = array<i32>} : memref<128xi32, #tpu.memory_space<vmem>>, vector<16xi32>,
      %shift_right_logical3A_397 = arith.constant 14 : i32
      %shift_right_logical3A_398 = vector.broadcast %shift_right_logical3A_397 : i32 to vector<16xi32>
      %shift_right_logical3A_399 = arith.shrui %get3A_389, %shift_right_logical3A_398 : vector<16xi32>
      %swap3A_400 = arith.constant 48 : index
      %swap3A_401 = tpu.vector_load %arg9[%swap3A_400] {strides = array<i32>} : memref<128xi32, #tpu.memory_space<vmem>>, vector<16xi32>,
      %swap3A_402 = vector.shape_cast %swap3A_401 : vector<16xi32> to vector<16xi32>
      %swap3A_403 = vector.shape_cast %shift_right_logical3A_399 : vector<16xi32> to vector<16xi32>
      tpu.vector_store %arg9[%swap3A_400], %swap3A_403 {strides = array<i32>} : memref<128xi32, #tpu.memory_space<vmem>>, vector<16xi32>,
      %get3A_404 = arith.index_cast %min3A_331 : i32 to index
      %get3A_405 = arith.constant 64 : index
      %get3A_406 = tpu.vector_load %arg6[%get3A_404, %get3A_405] {strides = array<i32>} : memref<80x128xi32, #tpu.memory_space<vmem>>, vector<1x16xi32>,
      %get3A_407 = vector.shape_cast %get3A_406 : vector<1x16xi32> to vector<16xi32>
      %and3A_408 = arith.constant 16383 : i32
      %and3A_409 = vector.broadcast %and3A_408 : i32 to vector<16xi32>
      %and3A_410 = arith.andi %get3A_407, %and3A_409 : vector<16xi32>
      %swap3A_411 = arith.constant 64 : index
      %swap3A_412 = tpu.vector_load %arg7[%swap3A_411] {strides = array<i32>} : memref<128xi32, #tpu.memory_space<vmem>>, vector<16xi32>,
      %swap3A_413 = vector.shape_cast %swap3A_412 : vector<16xi32> to vector<16xi32>
      %swap3A_414 = vector.shape_cast %and3A_410 : vector<16xi32> to vector<16xi32>
      tpu.vector_store %arg7[%swap3A_411], %swap3A_414 {strides = array<i32>} : memref<128xi32, #tpu.memory_space<vmem>>, vector<16xi32>,
      %shift_right_logical3A_415 = arith.constant 14 : i32
      %shift_right_logical3A_416 = vector.broadcast %shift_right_logical3A_415 : i32 to vector<16xi32>
      %shift_right_logical3A_417 = arith.shrui %get3A_407, %shift_right_logical3A_416 : vector<16xi32>
      %swap3A_418 = arith.constant 64 : index
      %swap3A_419 = tpu.vector_load %arg9[%swap3A_418] {strides = array<i32>} : memref<128xi32, #tpu.memory_space<vmem>>, vector<16xi32>,
      %swap3A_420 = vector.shape_cast %swap3A_419 : vector<16xi32> to vector<16xi32>
      %swap3A_421 = vector.shape_cast %shift_right_logical3A_417 : vector<16xi32> to vector<16xi32>
      tpu.vector_store %arg9[%swap3A_418], %swap3A_421 {strides = array<i32>} : memref<128xi32, #tpu.memory_space<vmem>>, vector<16xi32>,
      %get3A_422 = arith.index_cast %min3A_331 : i32 to index
      %get3A_423 = arith.constant 80 : index
      %get3A_424 = tpu.vector_load %arg6[%get3A_422, %get3A_423] {strides = array<i32>} : memref<80x128xi32, #tpu.memory_space<vmem>>, vector<1x16xi32>,
      %get3A_425 = vector.shape_cast %get3A_424 : vector<1x16xi32> to vector<16xi32>
      %and3A_426 = arith.constant 16383 : i32
      %and3A_427 = vector.broadcast %and3A_426 : i32 to vector<16xi32>
      %and3A_428 = arith.andi %get3A_425, %and3A_427 : vector<16xi32>
      %swap3A_429 = arith.constant 80 : index
      %swap3A_430 = tpu.vector_load %arg7[%swap3A_429] {strides = array<i32>} : memref<128xi32, #tpu.memory_space<vmem>>, vector<16xi32>,
      %swap3A_431 = vector.shape_cast %swap3A_430 : vector<16xi32> to vector<16xi32>
      %swap3A_432 = vector.shape_cast %and3A_428 : vector<16xi32> to vector<16xi32>
      tpu.vector_store %arg7[%swap3A_429], %swap3A_432 {strides = array<i32>} : memref<128xi32, #tpu.memory_space<vmem>>, vector<16xi32>,
      %shift_right_logical3A_433 = arith.constant 14 : i32
      %shift_right_logical3A_434 = vector.broadcast %shift_right_logical3A_433 : i32 to vector<16xi32>
      %shift_right_logical3A_435 = arith.shrui %get3A_425, %shift_right_logical3A_434 : vector<16xi32>
      %swap3A_436 = arith.constant 80 : index
      %swap3A_437 = tpu.vector_load %arg9[%swap3A_436] {strides = array<i32>} : memref<128xi32, #tpu.memory_space<vmem>>, vector<16xi32>,
      %swap3A_438 = vector.shape_cast %swap3A_437 : vector<16xi32> to vector<16xi32>
      %swap3A_439 = vector.shape_cast %shift_right_logical3A_435 : vector<16xi32> to vector<16xi32>
      tpu.vector_store %arg9[%swap3A_436], %swap3A_439 {strides = array<i32>} : memref<128xi32, #tpu.memory_space<vmem>>, vector<16xi32>,
      %get3A_440 = arith.index_cast %min3A_331 : i32 to index
      %get3A_441 = arith.constant 96 : index
      %get3A_442 = tpu.vector_load %arg6[%get3A_440, %get3A_441] {strides = array<i32>} : memref<80x128xi32, #tpu.memory_space<vmem>>, vector<1x16xi32>,
      %get3A_443 = vector.shape_cast %get3A_442 : vector<1x16xi32> to vector<16xi32>
      %and3A_444 = arith.constant 16383 : i32
      %and3A_445 = vector.broadcast %and3A_444 : i32 to vector<16xi32>
      %and3A_446 = arith.andi %get3A_443, %and3A_445 : vector<16xi32>
      %swap3A_447 = arith.constant 96 : index
      %swap3A_448 = tpu.vector_load %arg7[%swap3A_447] {strides = array<i32>} : memref<128xi32, #tpu.memory_space<vmem>>, vector<16xi32>,
      %swap3A_449 = vector.shape_cast %swap3A_448 : vector<16xi32> to vector<16xi32>
      %swap3A_450 = vector.shape_cast %and3A_446 : vector<16xi32> to vector<16xi32>
      tpu.vector_store %arg7[%swap3A_447], %swap3A_450 {strides = array<i32>} : memref<128xi32, #tpu.memory_space<vmem>>, vector<16xi32>,
      %shift_right_logical3A_451 = arith.constant 14 : i32
      %shift_right_logical3A_452 = vector.broadcast %shift_right_logical3A_451 : i32 to vector<16xi32>
      %shift_right_logical3A_453 = arith.shrui %get3A_443, %shift_right_logical3A_452 : vector<16xi32>
      %swap3A_454 = arith.constant 96 : index
      %swap3A_455 = tpu.vector_load %arg9[%swap3A_454] {strides = array<i32>} : memref<128xi32, #tpu.memory_space<vmem>>, vector<16xi32>,
      %swap3A_456 = vector.shape_cast %swap3A_455 : vector<16xi32> to vector<16xi32>
      %swap3A_457 = vector.shape_cast %shift_right_logical3A_453 : vector<16xi32> to vector<16xi32>
      tpu.vector_store %arg9[%swap3A_454], %swap3A_457 {strides = array<i32>} : memref<128xi32, #tpu.memory_space<vmem>>, vector<16xi32>,
      %get3A_458 = arith.index_cast %min3A_331 : i32 to index
      %get3A_459 = arith.constant 112 : index
      %get3A_460 = tpu.vector_load %arg6[%get3A_458, %get3A_459] {strides = array<i32>} : memref<80x128xi32, #tpu.memory_space<vmem>>, vector<1x16xi32>,
      %get3A_461 = vector.shape_cast %get3A_460 : vector<1x16xi32> to vector<16xi32>
      %and3A_462 = arith.constant 16383 : i32
      %and3A_463 = vector.broadcast %and3A_462 : i32 to vector<16xi32>
      %and3A_464 = arith.andi %get3A_461, %and3A_463 : vector<16xi32>
      %swap3A_465 = arith.constant 112 : index
      %swap3A_466 = tpu.vector_load %arg7[%swap3A_465] {strides = array<i32>} : memref<128xi32, #tpu.memory_space<vmem>>, vector<16xi32>,
      %swap3A_467 = vector.shape_cast %swap3A_466 : vector<16xi32> to vector<16xi32>
      %swap3A_468 = vector.shape_cast %and3A_464 : vector<16xi32> to vector<16xi32>
      tpu.vector_store %arg7[%swap3A_465], %swap3A_468 {strides = array<i32>} : memref<128xi32, #tpu.memory_space<vmem>>, vector<16xi32>,
      %shift_right_logical3A_469 = arith.constant 14 : i32
      %shift_right_logical3A_470 = vector.broadcast %shift_right_logical3A_469 : i32 to vector<16xi32>
      %shift_right_logical3A_471 = arith.shrui %get3A_461, %shift_right_logical3A_470 : vector<16xi32>
      %swap3A_472 = arith.constant 112 : index
      %swap3A_473 = tpu.vector_load %arg9[%swap3A_472] {strides = array<i32>} : memref<128xi32, #tpu.memory_space<vmem>>, vector<16xi32>,
      %swap3A_474 = vector.shape_cast %swap3A_473 : vector<16xi32> to vector<16xi32>
      %swap3A_475 = vector.shape_cast %shift_right_logical3A_471 : vector<16xi32> to vector<16xi32>
      tpu.vector_store %arg9[%swap3A_472], %swap3A_475 {strides = array<i32>} : memref<128xi32, #tpu.memory_space<vmem>>, vector<16xi32>,
      %dma_start3A_476 = arith.constant 0 : i32
      %dma_start3A_477 = arith.constant 0 : i32
      %dma_start3A_478 = tpu.memref_slice %arg2[%dma_start3A_476, %dma_start3A_477] : memref<10000x128xf32, #tpu.memory_space<hbm>> -> memref<10000x128xf32, #tpu.memory_space<hbm>>
      tpu.enqueue_indirect_dma source(%dma_start3A_478 : memref<10000x128xf32, #tpu.memory_space<hbm>>) target(%arg11 : memref<128x128xf32, #tpu.memory_space<vmem>>) offsets(%arg7 : memref<128xi32, #tpu.memory_space<vmem>>) semaphore(%arg14 : memref<!tpu.dma_semaphore, #tpu.memory_space<semaphore_mem>>)
      %dma_wait3A_479 = arith.constant 0 : i32
      %dma_wait3A_480 = arith.constant 0 : i32
      %dma_wait3A_481 = tpu.memref_slice %arg2[%dma_wait3A_479, %dma_wait3A_480] : memref<10000x128xf32, #tpu.memory_space<hbm>> -> memref<10000x128xf32, #tpu.memory_space<hbm>>
      tpu.wait_indirect_dma semaphore(%arg15 : memref<!tpu.dma_semaphore, #tpu.memory_space<semaphore_mem>>) src(%dma_wait3A_481 : memref<10000x128xf32, #tpu.memory_space<hbm>>) dst(%arg12 : memref<128x128xf32, #tpu.memory_space<vmem>>)
      "tpu.region"() ({
        %run_scoped3A = tpu.sem_alloc : memref<!tpu.dma_semaphore, #tpu.memory_space<semaphore_mem>>
        %dma_start3A_633 = arith.constant 0 : i32
        %dma_start3A_634 = arith.constant 0 : i32
        %dma_start3A_635 = tpu.memref_slice %arg13[%dma_start3A_633, %dma_start3A_634] : memref<10368x128xf32, #tpu.memory_space<vmem_shared>> -> memref<10368x128xf32, #tpu.memory_space<vmem_shared>>
        tpu.enqueue_indirect_dma source(%arg12 : memref<128x128xf32, #tpu.memory_space<vmem>>) target(%dma_start3A_635 : memref<10368x128xf32, #tpu.memory_space<vmem_shared>>) offsets(%arg10 : memref<128xi32, #tpu.memory_space<vmem>>) semaphore(%run_scoped3A : memref<!tpu.dma_semaphore, #tpu.memory_space<semaphore_mem>>) {add = true}
        %dma_wait3A_636 = arith.constant 0 : i32
        %dma_wait3A_637 = arith.constant 0 : i32
        %dma_wait3A_638 = tpu.memref_slice %arg13[%dma_wait3A_636, %dma_wait3A_637] : memref<10368x128xf32, #tpu.memory_space<vmem_shared>> -> memref<10368x128xf32, #tpu.memory_space<vmem_shared>>
        tpu.wait_indirect_dma semaphore(%run_scoped3A : memref<!tpu.dma_semaphore, #tpu.memory_space<semaphore_mem>>) src(%arg12 : memref<128x128xf32, #tpu.memory_space<vmem>>) dst(%dma_wait3A_638 : memref<10368x128xf32, #tpu.memory_space<vmem_shared>>)
        tpu.yield
      }) : () -> ()
      %add3A_482 = arith.constant 3 : i32
      %add3A_483 = arith.addi %mul3A_325, %add3A_482 : i32
      %min3A_484 = arith.constant 79 : i32
      %min3A_485 = arith.minsi %add3A_483, %min3A_484 : i32
      %get3A_486 = arith.index_cast %min3A_485 : i32 to index
      %get3A_487 = arith.constant 0 : index
      %get3A_488 = tpu.vector_load %arg6[%get3A_486, %get3A_487] {strides = array<i32>} : memref<80x128xi32, #tpu.memory_space<vmem>>, vector<1x16xi32>,
      %get3A_489 = vector.shape_cast %get3A_488 : vector<1x16xi32> to vector<16xi32>
      %and3A_490 = arith.constant 16383 : i32
      %and3A_491 = vector.broadcast %and3A_490 : i32 to vector<16xi32>
      %and3A_492 = arith.andi %get3A_489, %and3A_491 : vector<16xi32>
      %swap3A_493 = arith.constant 0 : index
      %swap3A_494 = tpu.vector_load %arg8[%swap3A_493] {strides = array<i32>} : memref<128xi32, #tpu.memory_space<vmem>>, vector<16xi32>,
      %swap3A_495 = vector.shape_cast %swap3A_494 : vector<16xi32> to vector<16xi32>
      %swap3A_496 = vector.shape_cast %and3A_492 : vector<16xi32> to vector<16xi32>
      tpu.vector_store %arg8[%swap3A_493], %swap3A_496 {strides = array<i32>} : memref<128xi32, #tpu.memory_space<vmem>>, vector<16xi32>,
      %shift_right_logical3A_497 = arith.constant 14 : i32
      %shift_right_logical3A_498 = vector.broadcast %shift_right_logical3A_497 : i32 to vector<16xi32>
      %shift_right_logical3A_499 = arith.shrui %get3A_489, %shift_right_logical3A_498 : vector<16xi32>
      %swap3A_500 = arith.constant 0 : index
      %swap3A_501 = tpu.vector_load %arg10[%swap3A_500] {strides = array<i32>} : memref<128xi32, #tpu.memory_space<vmem>>, vector<16xi32>,
      %swap3A_502 = vector.shape_cast %swap3A_501 : vector<16xi32> to vector<16xi32>
      %swap3A_503 = vector.shape_cast %shift_right_logical3A_499 : vector<16xi32> to vector<16xi32>
      tpu.vector_store %arg10[%swap3A_500], %swap3A_503 {strides = array<i32>} : memref<128xi32, #tpu.memory_space<vmem>>, vector<16xi32>,
      %get3A_504 = arith.index_cast %min3A_485 : i32 to index
      %get3A_505 = arith.constant 16 : index
      %get3A_506 = tpu.vector_load %arg6[%get3A_504, %get3A_505] {strides = array<i32>} : memref<80x128xi32, #tpu.memory_space<vmem>>, vector<1x16xi32>,
      %get3A_507 = vector.shape_cast %get3A_506 : vector<1x16xi32> to vector<16xi32>
      %and3A_508 = arith.constant 16383 : i32
      %and3A_509 = vector.broadcast %and3A_508 : i32 to vector<16xi32>
      %and3A_510 = arith.andi %get3A_507, %and3A_509 : vector<16xi32>
      %swap3A_511 = arith.constant 16 : index
      %swap3A_512 = tpu.vector_load %arg8[%swap3A_511] {strides = array<i32>} : memref<128xi32, #tpu.memory_space<vmem>>, vector<16xi32>,
      %swap3A_513 = vector.shape_cast %swap3A_512 : vector<16xi32> to vector<16xi32>
      %swap3A_514 = vector.shape_cast %and3A_510 : vector<16xi32> to vector<16xi32>
      tpu.vector_store %arg8[%swap3A_511], %swap3A_514 {strides = array<i32>} : memref<128xi32, #tpu.memory_space<vmem>>, vector<16xi32>,
      %shift_right_logical3A_515 = arith.constant 14 : i32
      %shift_right_logical3A_516 = vector.broadcast %shift_right_logical3A_515 : i32 to vector<16xi32>
      %shift_right_logical3A_517 = arith.shrui %get3A_507, %shift_right_logical3A_516 : vector<16xi32>
      %swap3A_518 = arith.constant 16 : index
      %swap3A_519 = tpu.vector_load %arg10[%swap3A_518] {strides = array<i32>} : memref<128xi32, #tpu.memory_space<vmem>>, vector<16xi32>,
      %swap3A_520 = vector.shape_cast %swap3A_519 : vector<16xi32> to vector<16xi32>
      %swap3A_521 = vector.shape_cast %shift_right_logical3A_517 : vector<16xi32> to vector<16xi32>
      tpu.vector_store %arg10[%swap3A_518], %swap3A_521 {strides = array<i32>} : memref<128xi32, #tpu.memory_space<vmem>>, vector<16xi32>,
      %get3A_522 = arith.index_cast %min3A_485 : i32 to index
      %get3A_523 = arith.constant 32 : index
      %get3A_524 = tpu.vector_load %arg6[%get3A_522, %get3A_523] {strides = array<i32>} : memref<80x128xi32, #tpu.memory_space<vmem>>, vector<1x16xi32>,
      %get3A_525 = vector.shape_cast %get3A_524 : vector<1x16xi32> to vector<16xi32>
      %and3A_526 = arith.constant 16383 : i32
      %and3A_527 = vector.broadcast %and3A_526 : i32 to vector<16xi32>
      %and3A_528 = arith.andi %get3A_525, %and3A_527 : vector<16xi32>
      %swap3A_529 = arith.constant 32 : index
      %swap3A_530 = tpu.vector_load %arg8[%swap3A_529] {strides = array<i32>} : memref<128xi32, #tpu.memory_space<vmem>>, vector<16xi32>,
      %swap3A_531 = vector.shape_cast %swap3A_530 : vector<16xi32> to vector<16xi32>
      %swap3A_532 = vector.shape_cast %and3A_528 : vector<16xi32> to vector<16xi32>
      tpu.vector_store %arg8[%swap3A_529], %swap3A_532 {strides = array<i32>} : memref<128xi32, #tpu.memory_space<vmem>>, vector<16xi32>,
      %shift_right_logical3A_533 = arith.constant 14 : i32
      %shift_right_logical3A_534 = vector.broadcast %shift_right_logical3A_533 : i32 to vector<16xi32>
      %shift_right_logical3A_535 = arith.shrui %get3A_525, %shift_right_logical3A_534 : vector<16xi32>
      %swap3A_536 = arith.constant 32 : index
      %swap3A_537 = tpu.vector_load %arg10[%swap3A_536] {strides = array<i32>} : memref<128xi32, #tpu.memory_space<vmem>>, vector<16xi32>,
      %swap3A_538 = vector.shape_cast %swap3A_537 : vector<16xi32> to vector<16xi32>
      %swap3A_539 = vector.shape_cast %shift_right_logical3A_535 : vector<16xi32> to vector<16xi32>
      tpu.vector_store %arg10[%swap3A_536], %swap3A_539 {strides = array<i32>} : memref<128xi32, #tpu.memory_space<vmem>>, vector<16xi32>,
      %get3A_540 = arith.index_cast %min3A_485 : i32 to index
      %get3A_541 = arith.constant 48 : index
      %get3A_542 = tpu.vector_load %arg6[%get3A_540, %get3A_541] {strides = array<i32>} : memref<80x128xi32, #tpu.memory_space<vmem>>, vector<1x16xi32>,
      %get3A_543 = vector.shape_cast %get3A_542 : vector<1x16xi32> to vector<16xi32>
      %and3A_544 = arith.constant 16383 : i32
      %and3A_545 = vector.broadcast %and3A_544 : i32 to vector<16xi32>
      %and3A_546 = arith.andi %get3A_543, %and3A_545 : vector<16xi32>
      %swap3A_547 = arith.constant 48 : index
      %swap3A_548 = tpu.vector_load %arg8[%swap3A_547] {strides = array<i32>} : memref<128xi32, #tpu.memory_space<vmem>>, vector<16xi32>,
      %swap3A_549 = vector.shape_cast %swap3A_548 : vector<16xi32> to vector<16xi32>
      %swap3A_550 = vector.shape_cast %and3A_546 : vector<16xi32> to vector<16xi32>
      tpu.vector_store %arg8[%swap3A_547], %swap3A_550 {strides = array<i32>} : memref<128xi32, #tpu.memory_space<vmem>>, vector<16xi32>,
      %shift_right_logical3A_551 = arith.constant 14 : i32
      %shift_right_logical3A_552 = vector.broadcast %shift_right_logical3A_551 : i32 to vector<16xi32>
      %shift_right_logical3A_553 = arith.shrui %get3A_543, %shift_right_logical3A_552 : vector<16xi32>
      %swap3A_554 = arith.constant 48 : index
      %swap3A_555 = tpu.vector_load %arg10[%swap3A_554] {strides = array<i32>} : memref<128xi32, #tpu.memory_space<vmem>>, vector<16xi32>,
      %swap3A_556 = vector.shape_cast %swap3A_555 : vector<16xi32> to vector<16xi32>
      %swap3A_557 = vector.shape_cast %shift_right_logical3A_553 : vector<16xi32> to vector<16xi32>
      tpu.vector_store %arg10[%swap3A_554], %swap3A_557 {strides = array<i32>} : memref<128xi32, #tpu.memory_space<vmem>>, vector<16xi32>,
      %get3A_558 = arith.index_cast %min3A_485 : i32 to index
      %get3A_559 = arith.constant 64 : index
      %get3A_560 = tpu.vector_load %arg6[%get3A_558, %get3A_559] {strides = array<i32>} : memref<80x128xi32, #tpu.memory_space<vmem>>, vector<1x16xi32>,
      %get3A_561 = vector.shape_cast %get3A_560 : vector<1x16xi32> to vector<16xi32>
      %and3A_562 = arith.constant 16383 : i32
      %and3A_563 = vector.broadcast %and3A_562 : i32 to vector<16xi32>
      %and3A_564 = arith.andi %get3A_561, %and3A_563 : vector<16xi32>
      %swap3A_565 = arith.constant 64 : index
      %swap3A_566 = tpu.vector_load %arg8[%swap3A_565] {strides = array<i32>} : memref<128xi32, #tpu.memory_space<vmem>>, vector<16xi32>,
      %swap3A_567 = vector.shape_cast %swap3A_566 : vector<16xi32> to vector<16xi32>
      %swap3A_568 = vector.shape_cast %and3A_564 : vector<16xi32> to vector<16xi32>
      tpu.vector_store %arg8[%swap3A_565], %swap3A_568 {strides = array<i32>} : memref<128xi32, #tpu.memory_space<vmem>>, vector<16xi32>,
      %shift_right_logical3A_569 = arith.constant 14 : i32
      %shift_right_logical3A_570 = vector.broadcast %shift_right_logical3A_569 : i32 to vector<16xi32>
      %shift_right_logical3A_571 = arith.shrui %get3A_561, %shift_right_logical3A_570 : vector<16xi32>
      %swap3A_572 = arith.constant 64 : index
      %swap3A_573 = tpu.vector_load %arg10[%swap3A_572] {strides = array<i32>} : memref<128xi32, #tpu.memory_space<vmem>>, vector<16xi32>,
      %swap3A_574 = vector.shape_cast %swap3A_573 : vector<16xi32> to vector<16xi32>
      %swap3A_575 = vector.shape_cast %shift_right_logical3A_571 : vector<16xi32> to vector<16xi32>
      tpu.vector_store %arg10[%swap3A_572], %swap3A_575 {strides = array<i32>} : memref<128xi32, #tpu.memory_space<vmem>>, vector<16xi32>,
      %get3A_576 = arith.index_cast %min3A_485 : i32 to index
      %get3A_577 = arith.constant 80 : index
      %get3A_578 = tpu.vector_load %arg6[%get3A_576, %get3A_577] {strides = array<i32>} : memref<80x128xi32, #tpu.memory_space<vmem>>, vector<1x16xi32>,
      %get3A_579 = vector.shape_cast %get3A_578 : vector<1x16xi32> to vector<16xi32>
      %and3A_580 = arith.constant 16383 : i32
      %and3A_581 = vector.broadcast %and3A_580 : i32 to vector<16xi32>
      %and3A_582 = arith.andi %get3A_579, %and3A_581 : vector<16xi32>
      %swap3A_583 = arith.constant 80 : index
      %swap3A_584 = tpu.vector_load %arg8[%swap3A_583] {strides = array<i32>} : memref<128xi32, #tpu.memory_space<vmem>>, vector<16xi32>,
      %swap3A_585 = vector.shape_cast %swap3A_584 : vector<16xi32> to vector<16xi32>
      %swap3A_586 = vector.shape_cast %and3A_582 : vector<16xi32> to vector<16xi32>
      tpu.vector_store %arg8[%swap3A_583], %swap3A_586 {strides = array<i32>} : memref<128xi32, #tpu.memory_space<vmem>>, vector<16xi32>,
      %shift_right_logical3A_587 = arith.constant 14 : i32
      %shift_right_logical3A_588 = vector.broadcast %shift_right_logical3A_587 : i32 to vector<16xi32>
      %shift_right_logical3A_589 = arith.shrui %get3A_579, %shift_right_logical3A_588 : vector<16xi32>
      %swap3A_590 = arith.constant 80 : index
      %swap3A_591 = tpu.vector_load %arg10[%swap3A_590] {strides = array<i32>} : memref<128xi32, #tpu.memory_space<vmem>>, vector<16xi32>,
      %swap3A_592 = vector.shape_cast %swap3A_591 : vector<16xi32> to vector<16xi32>
      %swap3A_593 = vector.shape_cast %shift_right_logical3A_589 : vector<16xi32> to vector<16xi32>
      tpu.vector_store %arg10[%swap3A_590], %swap3A_593 {strides = array<i32>} : memref<128xi32, #tpu.memory_space<vmem>>, vector<16xi32>,
      %get3A_594 = arith.index_cast %min3A_485 : i32 to index
      %get3A_595 = arith.constant 96 : index
      %get3A_596 = tpu.vector_load %arg6[%get3A_594, %get3A_595] {strides = array<i32>} : memref<80x128xi32, #tpu.memory_space<vmem>>, vector<1x16xi32>,
      %get3A_597 = vector.shape_cast %get3A_596 : vector<1x16xi32> to vector<16xi32>
      %and3A_598 = arith.constant 16383 : i32
      %and3A_599 = vector.broadcast %and3A_598 : i32 to vector<16xi32>
      %and3A_600 = arith.andi %get3A_597, %and3A_599 : vector<16xi32>
      %swap3A_601 = arith.constant 96 : index
      %swap3A_602 = tpu.vector_load %arg8[%swap3A_601] {strides = array<i32>} : memref<128xi32, #tpu.memory_space<vmem>>, vector<16xi32>,
      %swap3A_603 = vector.shape_cast %swap3A_602 : vector<16xi32> to vector<16xi32>
      %swap3A_604 = vector.shape_cast %and3A_600 : vector<16xi32> to vector<16xi32>
      tpu.vector_store %arg8[%swap3A_601], %swap3A_604 {strides = array<i32>} : memref<128xi32, #tpu.memory_space<vmem>>, vector<16xi32>,
      %shift_right_logical3A_605 = arith.constant 14 : i32
      %shift_right_logical3A_606 = vector.broadcast %shift_right_logical3A_605 : i32 to vector<16xi32>
      %shift_right_logical3A_607 = arith.shrui %get3A_597, %shift_right_logical3A_606 : vector<16xi32>
      %swap3A_608 = arith.constant 96 : index
      %swap3A_609 = tpu.vector_load %arg10[%swap3A_608] {strides = array<i32>} : memref<128xi32, #tpu.memory_space<vmem>>, vector<16xi32>,
      %swap3A_610 = vector.shape_cast %swap3A_609 : vector<16xi32> to vector<16xi32>
      %swap3A_611 = vector.shape_cast %shift_right_logical3A_607 : vector<16xi32> to vector<16xi32>
      tpu.vector_store %arg10[%swap3A_608], %swap3A_611 {strides = array<i32>} : memref<128xi32, #tpu.memory_space<vmem>>, vector<16xi32>,
      %get3A_612 = arith.index_cast %min3A_485 : i32 to index
      %get3A_613 = arith.constant 112 : index
      %get3A_614 = tpu.vector_load %arg6[%get3A_612, %get3A_613] {strides = array<i32>} : memref<80x128xi32, #tpu.memory_space<vmem>>, vector<1x16xi32>,
      %get3A_615 = vector.shape_cast %get3A_614 : vector<1x16xi32> to vector<16xi32>
      %and3A_616 = arith.constant 16383 : i32
      %and3A_617 = vector.broadcast %and3A_616 : i32 to vector<16xi32>
      %and3A_618 = arith.andi %get3A_615, %and3A_617 : vector<16xi32>
      %swap3A_619 = arith.constant 112 : index
      %swap3A_620 = tpu.vector_load %arg8[%swap3A_619] {strides = array<i32>} : memref<128xi32, #tpu.memory_space<vmem>>, vector<16xi32>,
      %swap3A_621 = vector.shape_cast %swap3A_620 : vector<16xi32> to vector<16xi32>
      %swap3A_622 = vector.shape_cast %and3A_618 : vector<16xi32> to vector<16xi32>
      tpu.vector_store %arg8[%swap3A_619], %swap3A_622 {strides = array<i32>} : memref<128xi32, #tpu.memory_space<vmem>>, vector<16xi32>,
      %shift_right_logical3A_623 = arith.constant 14 : i32
      %shift_right_logical3A_624 = vector.broadcast %shift_right_logical3A_623 : i32 to vector<16xi32>
      %shift_right_logical3A_625 = arith.shrui %get3A_615, %shift_right_logical3A_624 : vector<16xi32>
      %swap3A_626 = arith.constant 112 : index
      %swap3A_627 = tpu.vector_load %arg10[%swap3A_626] {strides = array<i32>} : memref<128xi32, #tpu.memory_space<vmem>>, vector<16xi32>,
      %swap3A_628 = vector.shape_cast %swap3A_627 : vector<16xi32> to vector<16xi32>
      %swap3A_629 = vector.shape_cast %shift_right_logical3A_625 : vector<16xi32> to vector<16xi32>
      tpu.vector_store %arg10[%swap3A_626], %swap3A_629 {strides = array<i32>} : memref<128xi32, #tpu.memory_space<vmem>>, vector<16xi32>,
      %dma_start3A_630 = arith.constant 0 : i32
      %dma_start3A_631 = arith.constant 0 : i32
      %dma_start3A_632 = tpu.memref_slice %arg2[%dma_start3A_630, %dma_start3A_631] : memref<10000x128xf32, #tpu.memory_space<hbm>> -> memref<10000x128xf32, #tpu.memory_space<hbm>>
      tpu.enqueue_indirect_dma source(%dma_start3A_632 : memref<10000x128xf32, #tpu.memory_space<hbm>>) target(%arg12 : memref<128x128xf32, #tpu.memory_space<vmem>>) offsets(%arg8 : memref<128xi32, #tpu.memory_space<vmem>>) semaphore(%arg15 : memref<!tpu.dma_semaphore, #tpu.memory_space<semaphore_mem>>)
    }
    %scan3A_312 = arith.constant 40 : i32
    %dma_wait3A = arith.constant 0 : i32
    %dma_wait3A_313 = arith.constant 0 : i32
    %dma_wait3A_314 = tpu.memref_slice %arg2[%dma_wait3A, %dma_wait3A_313] : memref<10000x128xf32, #tpu.memory_space<hbm>> -> memref<10000x128xf32, #tpu.memory_space<hbm>>
    tpu.wait_indirect_dma semaphore(%arg14 : memref<!tpu.dma_semaphore, #tpu.memory_space<semaphore_mem>>) src(%dma_wait3A_314 : memref<10000x128xf32, #tpu.memory_space<hbm>>) dst(%arg11 : memref<128x128xf32, #tpu.memory_space<vmem>>)
    %dma_wait3A_315 = arith.constant 0 : i32
    %dma_wait3A_316 = arith.constant 0 : i32
    %dma_wait3A_317 = tpu.memref_slice %arg2[%dma_wait3A_315, %dma_wait3A_316] : memref<10000x128xf32, #tpu.memory_space<hbm>> -> memref<10000x128xf32, #tpu.memory_space<hbm>>
    tpu.wait_indirect_dma semaphore(%arg15 : memref<!tpu.dma_semaphore, #tpu.memory_space<semaphore_mem>>) src(%dma_wait3A_317 : memref<10000x128xf32, #tpu.memory_space<hbm>>) dst(%arg12 : memref<128x128xf32, #tpu.memory_space<vmem>>)
    %barrier3A_318 = arith.constant 0 : index
    tpu.barrier barrier_id(%barrier3A_318)
    %mul3A_319 = arith.constant 648 : i32
    %mul3A_320 = arith.muli %arg1, %mul3A_319 : i32
    %mul3A_321 = arith.constant 648 : i32
    %mul3A_322 = arith.muli %arg1, %mul3A_321 : i32
    "tpu.region"() ({
      %run_scoped3A = tpu.sem_alloc : memref<!tpu.dma_semaphore, #tpu.memory_space<semaphore_mem>>
      %dma_start3A_323 = arith.constant 0 : i32
      %dma_start3A_324 = tpu.memref_slice %arg5[%arg0, %mul3A_322, %dma_start3A_323] : memref<2x10368x128xf32, #tpu.memory_space<hbm>> -> memref<1x648x128xf32, #tpu.memory_space<hbm>>
      %dma_start3A_325 = tpu.memref_squeeze %dma_start3A_324 : memref<1x648x128xf32, #tpu.memory_space<hbm>> -> memref<648x128xf32, #tpu.memory_space<hbm>>
      %dma_start3A_326 = arith.constant 0 : i32
      %dma_start3A_327 = tpu.memref_slice %arg13[%mul3A_320, %dma_start3A_326] : memref<10368x128xf32, #tpu.memory_space<vmem_shared>> -> memref<648x128xf32, #tpu.memory_space<vmem_shared>>
      tpu.enqueue_dma source(%dma_start3A_327 : memref<648x128xf32, #tpu.memory_space<vmem_shared>>) target(%dma_start3A_325 : memref<648x128xf32, #tpu.memory_space<hbm>>) target_semaphore(%run_scoped3A : memref<!tpu.dma_semaphore, #tpu.memory_space<semaphore_mem>>)
      %dma_wait3A_328 = arith.constant 0 : i32
      %dma_wait3A_329 = tpu.memref_slice %arg5[%arg0, %mul3A_322, %dma_wait3A_328] : memref<2x10368x128xf32, #tpu.memory_space<hbm>> -> memref<1x648x128xf32, #tpu.memory_space<hbm>>
      %dma_wait3A_330 = tpu.memref_squeeze %dma_wait3A_329 : memref<1x648x128xf32, #tpu.memory_space<hbm>> -> memref<648x128xf32, #tpu.memory_space<hbm>>
      %dma_wait3A_331 = arith.constant 0 : i32
      %dma_wait3A_332 = tpu.memref_slice %arg13[%mul3A_320, %dma_wait3A_331] : memref<10368x128xf32, #tpu.memory_space<vmem_shared>> -> memref<648x128xf32, #tpu.memory_space<vmem_shared>>
      tpu.wait_dma2 semaphore(%run_scoped3A : memref<!tpu.dma_semaphore, #tpu.memory_space<semaphore_mem>>) src(%dma_wait3A_332 : memref<648x128xf32, #tpu.memory_space<vmem_shared>>) dst(%dma_wait3A_330 : memref<648x128xf32, #tpu.memory_space<hbm>>)
      tpu.yield
    }) : () -> ()
    return
  }
}

#map = affine_map<(d0, d1) -> (0, 0)>
#map1 = affine_map<(d0, d1) -> (0, 0, 0)>
module attributes {stable_mosaic.version = 14 : i64} {
  func.func @segsum(%arg0: i32, %arg1: i32, %arg2: memref<10000x128xf32, #tpu.memory_space<hbm>>, %arg3: memref<32x80x128xi32, #tpu.memory_space<hbm>>, %arg4: memref<648x128xf32, #tpu.memory_space<hbm>>, %arg5: memref<2x10368x128xf32, #tpu.memory_space<hbm>>, %arg6: memref<80x128xi32, #tpu.memory_space<vmem>>, %arg7: memref<128xi32, #tpu.memory_space<vmem>>, %arg8: memref<128xi32, #tpu.memory_space<vmem>>, %arg9: memref<128xi32, #tpu.memory_space<vmem>>, %arg10: memref<128xi32, #tpu.memory_space<vmem>>, %arg11: memref<128x128xf32, #tpu.memory_space<vmem>>, %arg12: memref<128x128xf32, #tpu.memory_space<vmem>>, %arg13: memref<10368x128xf32, #tpu.memory_space<vmem_shared>>, %arg14: memref<!tpu.dma_semaphore, #tpu.memory_space<semaphore_mem>>, %arg15: memref<!tpu.dma_semaphore, #tpu.memory_space<semaphore_mem>>) attributes {dimension_semantics = [#tpu.dimension_semantics<core_parallel>, #tpu.dimension_semantics<subcore_parallel>], iteration_bounds = array<i64: 2, 16>, scalar_prefetch = 0 : i64, scratch_operands = 10 : i64, tpu.core_type = #tpu.core_type<sc_vector_subcore>, window_params = [{transform_indices = #map}, {transform_indices = #map1}, {transform_indices = #map}, {transform_indices = #map1}]} {
    %mul3A = arith.constant 2 : i32
    %mul3A_0 = arith.muli %arg1, %mul3A : i32
    %add3A = arith.addi %mul3A_0, %arg0 : i32
    "tpu.region"() ({
      %run_scoped3A = tpu.sem_alloc : memref<!tpu.dma_semaphore, #tpu.memory_space<semaphore_mem>>
      %dma_start3A_323 = arith.constant 0 : i32
      %dma_start3A_324 = arith.constant 0 : i32
      %dma_start3A_325 = tpu.memref_slice %arg3[%add3A, %dma_start3A_323, %dma_start3A_324] : memref<32x80x128xi32, #tpu.memory_space<hbm>> -> memref<1x80x128xi32, #tpu.memory_space<hbm>>
      %dma_start3A_326 = tpu.memref_squeeze %dma_start3A_325 : memref<1x80x128xi32, #tpu.memory_space<hbm>> -> memref<80x128xi32, #tpu.memory_space<hbm>>
      %dma_start3A_327 = arith.constant 0 : i32
      %dma_start3A_328 = arith.constant 0 : i32
      %dma_start3A_329 = tpu.memref_slice %arg3[%add3A, %dma_start3A_327, %dma_start3A_328] : memref<32x80x128xi32, #tpu.memory_space<hbm>> -> memref<1x80x128xi32, #tpu.memory_space<hbm>>
      %dma_start3A_330 = tpu.memref_squeeze %dma_start3A_329 : memref<1x80x128xi32, #tpu.memory_space<hbm>> -> memref<80x128xi32, #tpu.memory_space<hbm>>
      tpu.enqueue_dma source(%dma_start3A_330 : memref<80x128xi32, #tpu.memory_space<hbm>>) target(%arg6 : memref<80x128xi32, #tpu.memory_space<vmem>>) target_semaphore(%run_scoped3A : memref<!tpu.dma_semaphore, #tpu.memory_space<semaphore_mem>>)
      %dma_wait3A_331 = arith.constant 0 : i32
      %dma_wait3A_332 = arith.constant 0 : i32
      %dma_wait3A_333 = tpu.memref_slice %arg3[%add3A, %dma_wait3A_331, %dma_wait3A_332] : memref<32x80x128xi32, #tpu.memory_space<hbm>> -> memref<1x80x128xi32, #tpu.memory_space<hbm>>
      %dma_wait3A_334 = tpu.memref_squeeze %dma_wait3A_333 : memref<1x80x128xi32, #tpu.memory_space<hbm>> -> memref<80x128xi32, #tpu.memory_space<hbm>>
      %dma_wait3A_335 = arith.constant 0 : i32
      %dma_wait3A_336 = arith.constant 0 : i32
      %dma_wait3A_337 = tpu.memref_slice %arg3[%add3A, %dma_wait3A_335, %dma_wait3A_336] : memref<32x80x128xi32, #tpu.memory_space<hbm>> -> memref<1x80x128xi32, #tpu.memory_space<hbm>>
      %dma_wait3A_338 = tpu.memref_squeeze %dma_wait3A_337 : memref<1x80x128xi32, #tpu.memory_space<hbm>> -> memref<80x128xi32, #tpu.memory_space<hbm>>
      tpu.wait_dma2 semaphore(%run_scoped3A : memref<!tpu.dma_semaphore, #tpu.memory_space<semaphore_mem>>) src(%dma_wait3A_338 : memref<80x128xi32, #tpu.memory_space<hbm>>) dst(%arg6 : memref<80x128xi32, #tpu.memory_space<vmem>>)
      tpu.yield
    }) : () -> ()
    %mul3A_1 = arith.constant 648 : i32
    %mul3A_2 = arith.muli %arg1, %mul3A_1 : i32
    "tpu.region"() ({
      %run_scoped3A = tpu.sem_alloc : memref<!tpu.dma_semaphore, #tpu.memory_space<semaphore_mem>>
      %dma_start3A_323 = arith.constant 0 : i32
      %dma_start3A_324 = tpu.memref_slice %arg13[%mul3A_2, %dma_start3A_323] : memref<10368x128xf32, #tpu.memory_space<vmem_shared>> -> memref<648x128xf32, #tpu.memory_space<vmem_shared>>
      tpu.enqueue_dma source(%arg4 : memref<648x128xf32, #tpu.memory_space<hbm>>) target(%dma_start3A_324 : memref<648x128xf32, #tpu.memory_space<vmem_shared>>) target_semaphore(%run_scoped3A : memref<!tpu.dma_semaphore, #tpu.memory_space<semaphore_mem>>)
      %dma_wait3A_325 = arith.constant 0 : i32
      %dma_wait3A_326 = tpu.memref_slice %arg13[%mul3A_2, %dma_wait3A_325] : memref<10368x128xf32, #tpu.memory_space<vmem_shared>> -> memref<648x128xf32, #tpu.memory_space<vmem_shared>>
      tpu.wait_dma2 semaphore(%run_scoped3A : memref<!tpu.dma_semaphore, #tpu.memory_space<semaphore_mem>>) src(%arg4 : memref<648x128xf32, #tpu.memory_space<hbm>>) dst(%dma_wait3A_326 : memref<648x128xf32, #tpu.memory_space<vmem_shared>>)
      tpu.yield
    }) : () -> ()
    %barrier3A = arith.constant 0 : index
    tpu.barrier barrier_id(%barrier3A)
    %get3A = arith.constant 0 : i32
    %get3A_3 = arith.index_cast %get3A : i32 to index
    %get3A_4 = arith.constant 0 : index
    %get3A_5 = tpu.vector_load %arg6[%get3A_3, %get3A_4] {strides = array<i32>} : memref<80x128xi32, #tpu.memory_space<vmem>>, vector<1x16xi32>,
    %get3A_6 = vector.shape_cast %get3A_5 : vector<1x16xi32> to vector<16xi32>
    %and3A = arith.constant 16383 : i32
    %and3A_7 = vector.broadcast %and3A : i32 to vector<16xi32>
    %and3A_8 = arith.andi %get3A_6, %and3A_7 : vector<16xi32>
    %swap3A = arith.constant 0 : index
    %swap3A_9 = tpu.vector_load %arg7[%swap3A] {strides = array<i32>} : memref<128xi32, #tpu.memory_space<vmem>>, vector<16xi32>,
    %swap3A_10 = vector.shape_cast %swap3A_9 : vector<16xi32> to vector<16xi32>
    %swap3A_11 = vector.shape_cast %and3A_8 : vector<16xi32> to vector<16xi32>
    tpu.vector_store %arg7[%swap3A], %swap3A_11 {strides = array<i32>} : memref<128xi32, #tpu.memory_space<vmem>>, vector<16xi32>,
    %shift_right_logical3A = arith.constant 14 : i32
    %shift_right_logical3A_12 = vector.broadcast %shift_right_logical3A : i32 to vector<16xi32>
    %shift_right_logical3A_13 = arith.shrui %get3A_6, %shift_right_logical3A_12 : vector<16xi32>
    %swap3A_14 = arith.constant 0 : index
    %swap3A_15 = tpu.vector_load %arg9[%swap3A_14] {strides = array<i32>} : memref<128xi32, #tpu.memory_space<vmem>>, vector<16xi32>,
    %swap3A_16 = vector.shape_cast %swap3A_15 : vector<16xi32> to vector<16xi32>
    %swap3A_17 = vector.shape_cast %shift_right_logical3A_13 : vector<16xi32> to vector<16xi32>
    tpu.vector_store %arg9[%swap3A_14], %swap3A_17 {strides = array<i32>} : memref<128xi32, #tpu.memory_space<vmem>>, vector<16xi32>,
    %get3A_18 = arith.constant 0 : i32
    %get3A_19 = arith.index_cast %get3A_18 : i32 to index
    %get3A_20 = arith.constant 16 : index
    %get3A_21 = tpu.vector_load %arg6[%get3A_19, %get3A_20] {strides = array<i32>} : memref<80x128xi32, #tpu.memory_space<vmem>>, vector<1x16xi32>,
    %get3A_22 = vector.shape_cast %get3A_21 : vector<1x16xi32> to vector<16xi32>
    %and3A_23 = arith.constant 16383 : i32
    %and3A_24 = vector.broadcast %and3A_23 : i32 to vector<16xi32>
    %and3A_25 = arith.andi %get3A_22, %and3A_24 : vector<16xi32>
    %swap3A_26 = arith.constant 16 : index
    %swap3A_27 = tpu.vector_load %arg7[%swap3A_26] {strides = array<i32>} : memref<128xi32, #tpu.memory_space<vmem>>, vector<16xi32>,
    %swap3A_28 = vector.shape_cast %swap3A_27 : vector<16xi32> to vector<16xi32>
    %swap3A_29 = vector.shape_cast %and3A_25 : vector<16xi32> to vector<16xi32>
    tpu.vector_store %arg7[%swap3A_26], %swap3A_29 {strides = array<i32>} : memref<128xi32, #tpu.memory_space<vmem>>, vector<16xi32>,
    %shift_right_logical3A_30 = arith.constant 14 : i32
    %shift_right_logical3A_31 = vector.broadcast %shift_right_logical3A_30 : i32 to vector<16xi32>
    %shift_right_logical3A_32 = arith.shrui %get3A_22, %shift_right_logical3A_31 : vector<16xi32>
    %swap3A_33 = arith.constant 16 : index
    %swap3A_34 = tpu.vector_load %arg9[%swap3A_33] {strides = array<i32>} : memref<128xi32, #tpu.memory_space<vmem>>, vector<16xi32>,
    %swap3A_35 = vector.shape_cast %swap3A_34 : vector<16xi32> to vector<16xi32>
    %swap3A_36 = vector.shape_cast %shift_right_logical3A_32 : vector<16xi32> to vector<16xi32>
    tpu.vector_store %arg9[%swap3A_33], %swap3A_36 {strides = array<i32>} : memref<128xi32, #tpu.memory_space<vmem>>, vector<16xi32>,
    %get3A_37 = arith.constant 0 : i32
    %get3A_38 = arith.index_cast %get3A_37 : i32 to index
    %get3A_39 = arith.constant 32 : index
    %get3A_40 = tpu.vector_load %arg6[%get3A_38, %get3A_39] {strides = array<i32>} : memref<80x128xi32, #tpu.memory_space<vmem>>, vector<1x16xi32>,
    %get3A_41 = vector.shape_cast %get3A_40 : vector<1x16xi32> to vector<16xi32>
    %and3A_42 = arith.constant 16383 : i32
    %and3A_43 = vector.broadcast %and3A_42 : i32 to vector<16xi32>
    %and3A_44 = arith.andi %get3A_41, %and3A_43 : vector<16xi32>
    %swap3A_45 = arith.constant 32 : index
    %swap3A_46 = tpu.vector_load %arg7[%swap3A_45] {strides = array<i32>} : memref<128xi32, #tpu.memory_space<vmem>>, vector<16xi32>,
    %swap3A_47 = vector.shape_cast %swap3A_46 : vector<16xi32> to vector<16xi32>
    %swap3A_48 = vector.shape_cast %and3A_44 : vector<16xi32> to vector<16xi32>
    tpu.vector_store %arg7[%swap3A_45], %swap3A_48 {strides = array<i32>} : memref<128xi32, #tpu.memory_space<vmem>>, vector<16xi32>,
    %shift_right_logical3A_49 = arith.constant 14 : i32
    %shift_right_logical3A_50 = vector.broadcast %shift_right_logical3A_49 : i32 to vector<16xi32>
    %shift_right_logical3A_51 = arith.shrui %get3A_41, %shift_right_logical3A_50 : vector<16xi32>
    %swap3A_52 = arith.constant 32 : index
    %swap3A_53 = tpu.vector_load %arg9[%swap3A_52] {strides = array<i32>} : memref<128xi32, #tpu.memory_space<vmem>>, vector<16xi32>,
    %swap3A_54 = vector.shape_cast %swap3A_53 : vector<16xi32> to vector<16xi32>
    %swap3A_55 = vector.shape_cast %shift_right_logical3A_51 : vector<16xi32> to vector<16xi32>
    tpu.vector_store %arg9[%swap3A_52], %swap3A_55 {strides = array<i32>} : memref<128xi32, #tpu.memory_space<vmem>>, vector<16xi32>,
    %get3A_56 = arith.constant 0 : i32
    %get3A_57 = arith.index_cast %get3A_56 : i32 to index
    %get3A_58 = arith.constant 48 : index
    %get3A_59 = tpu.vector_load %arg6[%get3A_57, %get3A_58] {strides = array<i32>} : memref<80x128xi32, #tpu.memory_space<vmem>>, vector<1x16xi32>,
    %get3A_60 = vector.shape_cast %get3A_59 : vector<1x16xi32> to vector<16xi32>
    %and3A_61 = arith.constant 16383 : i32
    %and3A_62 = vector.broadcast %and3A_61 : i32 to vector<16xi32>
    %and3A_63 = arith.andi %get3A_60, %and3A_62 : vector<16xi32>
    %swap3A_64 = arith.constant 48 : index
    %swap3A_65 = tpu.vector_load %arg7[%swap3A_64] {strides = array<i32>} : memref<128xi32, #tpu.memory_space<vmem>>, vector<16xi32>,
    %swap3A_66 = vector.shape_cast %swap3A_65 : vector<16xi32> to vector<16xi32>
    %swap3A_67 = vector.shape_cast %and3A_63 : vector<16xi32> to vector<16xi32>
    tpu.vector_store %arg7[%swap3A_64], %swap3A_67 {strides = array<i32>} : memref<128xi32, #tpu.memory_space<vmem>>, vector<16xi32>,
    %shift_right_logical3A_68 = arith.constant 14 : i32
    %shift_right_logical3A_69 = vector.broadcast %shift_right_logical3A_68 : i32 to vector<16xi32>
    %shift_right_logical3A_70 = arith.shrui %get3A_60, %shift_right_logical3A_69 : vector<16xi32>
    %swap3A_71 = arith.constant 48 : index
    %swap3A_72 = tpu.vector_load %arg9[%swap3A_71] {strides = array<i32>} : memref<128xi32, #tpu.memory_space<vmem>>, vector<16xi32>,
    %swap3A_73 = vector.shape_cast %swap3A_72 : vector<16xi32> to vector<16xi32>
    %swap3A_74 = vector.shape_cast %shift_right_logical3A_70 : vector<16xi32> to vector<16xi32>
    tpu.vector_store %arg9[%swap3A_71], %swap3A_74 {strides = array<i32>} : memref<128xi32, #tpu.memory_space<vmem>>, vector<16xi32>,
    %get3A_75 = arith.constant 0 : i32
    %get3A_76 = arith.index_cast %get3A_75 : i32 to index
    %get3A_77 = arith.constant 64 : index
    %get3A_78 = tpu.vector_load %arg6[%get3A_76, %get3A_77] {strides = array<i32>} : memref<80x128xi32, #tpu.memory_space<vmem>>, vector<1x16xi32>,
    %get3A_79 = vector.shape_cast %get3A_78 : vector<1x16xi32> to vector<16xi32>
    %and3A_80 = arith.constant 16383 : i32
    %and3A_81 = vector.broadcast %and3A_80 : i32 to vector<16xi32>
    %and3A_82 = arith.andi %get3A_79, %and3A_81 : vector<16xi32>
    %swap3A_83 = arith.constant 64 : index
    %swap3A_84 = tpu.vector_load %arg7[%swap3A_83] {strides = array<i32>} : memref<128xi32, #tpu.memory_space<vmem>>, vector<16xi32>,
    %swap3A_85 = vector.shape_cast %swap3A_84 : vector<16xi32> to vector<16xi32>
    %swap3A_86 = vector.shape_cast %and3A_82 : vector<16xi32> to vector<16xi32>
    tpu.vector_store %arg7[%swap3A_83], %swap3A_86 {strides = array<i32>} : memref<128xi32, #tpu.memory_space<vmem>>, vector<16xi32>,
    %shift_right_logical3A_87 = arith.constant 14 : i32
    %shift_right_logical3A_88 = vector.broadcast %shift_right_logical3A_87 : i32 to vector<16xi32>
    %shift_right_logical3A_89 = arith.shrui %get3A_79, %shift_right_logical3A_88 : vector<16xi32>
    %swap3A_90 = arith.constant 64 : index
    %swap3A_91 = tpu.vector_load %arg9[%swap3A_90] {strides = array<i32>} : memref<128xi32, #tpu.memory_space<vmem>>, vector<16xi32>,
    %swap3A_92 = vector.shape_cast %swap3A_91 : vector<16xi32> to vector<16xi32>
    %swap3A_93 = vector.shape_cast %shift_right_logical3A_89 : vector<16xi32> to vector<16xi32>
    tpu.vector_store %arg9[%swap3A_90], %swap3A_93 {strides = array<i32>} : memref<128xi32, #tpu.memory_space<vmem>>, vector<16xi32>,
    %get3A_94 = arith.constant 0 : i32
    %get3A_95 = arith.index_cast %get3A_94 : i32 to index
    %get3A_96 = arith.constant 80 : index
    %get3A_97 = tpu.vector_load %arg6[%get3A_95, %get3A_96] {strides = array<i32>} : memref<80x128xi32, #tpu.memory_space<vmem>>, vector<1x16xi32>,
    %get3A_98 = vector.shape_cast %get3A_97 : vector<1x16xi32> to vector<16xi32>
    %and3A_99 = arith.constant 16383 : i32
    %and3A_100 = vector.broadcast %and3A_99 : i32 to vector<16xi32>
    %and3A_101 = arith.andi %get3A_98, %and3A_100 : vector<16xi32>
    %swap3A_102 = arith.constant 80 : index
    %swap3A_103 = tpu.vector_load %arg7[%swap3A_102] {strides = array<i32>} : memref<128xi32, #tpu.memory_space<vmem>>, vector<16xi32>,
    %swap3A_104 = vector.shape_cast %swap3A_103 : vector<16xi32> to vector<16xi32>
    %swap3A_105 = vector.shape_cast %and3A_101 : vector<16xi32> to vector<16xi32>
    tpu.vector_store %arg7[%swap3A_102], %swap3A_105 {strides = array<i32>} : memref<128xi32, #tpu.memory_space<vmem>>, vector<16xi32>,
    %shift_right_logical3A_106 = arith.constant 14 : i32
    %shift_right_logical3A_107 = vector.broadcast %shift_right_logical3A_106 : i32 to vector<16xi32>
    %shift_right_logical3A_108 = arith.shrui %get3A_98, %shift_right_logical3A_107 : vector<16xi32>
    %swap3A_109 = arith.constant 80 : index
    %swap3A_110 = tpu.vector_load %arg9[%swap3A_109] {strides = array<i32>} : memref<128xi32, #tpu.memory_space<vmem>>, vector<16xi32>,
    %swap3A_111 = vector.shape_cast %swap3A_110 : vector<16xi32> to vector<16xi32>
    %swap3A_112 = vector.shape_cast %shift_right_logical3A_108 : vector<16xi32> to vector<16xi32>
    tpu.vector_store %arg9[%swap3A_109], %swap3A_112 {strides = array<i32>} : memref<128xi32, #tpu.memory_space<vmem>>, vector<16xi32>,
    %get3A_113 = arith.constant 0 : i32
    %get3A_114 = arith.index_cast %get3A_113 : i32 to index
    %get3A_115 = arith.constant 96 : index
    %get3A_116 = tpu.vector_load %arg6[%get3A_114, %get3A_115] {strides = array<i32>} : memref<80x128xi32, #tpu.memory_space<vmem>>, vector<1x16xi32>,
    %get3A_117 = vector.shape_cast %get3A_116 : vector<1x16xi32> to vector<16xi32>
    %and3A_118 = arith.constant 16383 : i32
    %and3A_119 = vector.broadcast %and3A_118 : i32 to vector<16xi32>
    %and3A_120 = arith.andi %get3A_117, %and3A_119 : vector<16xi32>
    %swap3A_121 = arith.constant 96 : index
    %swap3A_122 = tpu.vector_load %arg7[%swap3A_121] {strides = array<i32>} : memref<128xi32, #tpu.memory_space<vmem>>, vector<16xi32>,
    %swap3A_123 = vector.shape_cast %swap3A_122 : vector<16xi32> to vector<16xi32>
    %swap3A_124 = vector.shape_cast %and3A_120 : vector<16xi32> to vector<16xi32>
    tpu.vector_store %arg7[%swap3A_121], %swap3A_124 {strides = array<i32>} : memref<128xi32, #tpu.memory_space<vmem>>, vector<16xi32>,
    %shift_right_logical3A_125 = arith.constant 14 : i32
    %shift_right_logical3A_126 = vector.broadcast %shift_right_logical3A_125 : i32 to vector<16xi32>
    %shift_right_logical3A_127 = arith.shrui %get3A_117, %shift_right_logical3A_126 : vector<16xi32>
    %swap3A_128 = arith.constant 96 : index
    %swap3A_129 = tpu.vector_load %arg9[%swap3A_128] {strides = array<i32>} : memref<128xi32, #tpu.memory_space<vmem>>, vector<16xi32>,
    %swap3A_130 = vector.shape_cast %swap3A_129 : vector<16xi32> to vector<16xi32>
    %swap3A_131 = vector.shape_cast %shift_right_logical3A_127 : vector<16xi32> to vector<16xi32>
    tpu.vector_store %arg9[%swap3A_128], %swap3A_131 {strides = array<i32>} : memref<128xi32, #tpu.memory_space<vmem>>, vector<16xi32>,
    %get3A_132 = arith.constant 0 : i32
    %get3A_133 = arith.index_cast %get3A_132 : i32 to index
    %get3A_134 = arith.constant 112 : index
    %get3A_135 = tpu.vector_load %arg6[%get3A_133, %get3A_134] {strides = array<i32>} : memref<80x128xi32, #tpu.memory_space<vmem>>, vector<1x16xi32>,
    %get3A_136 = vector.shape_cast %get3A_135 : vector<1x16xi32> to vector<16xi32>
    %and3A_137 = arith.constant 16383 : i32
    %and3A_138 = vector.broadcast %and3A_137 : i32 to vector<16xi32>
    %and3A_139 = arith.andi %get3A_136, %and3A_138 : vector<16xi32>
    %swap3A_140 = arith.constant 112 : index
    %swap3A_141 = tpu.vector_load %arg7[%swap3A_140] {strides = array<i32>} : memref<128xi32, #tpu.memory_space<vmem>>, vector<16xi32>,
    %swap3A_142 = vector.shape_cast %swap3A_141 : vector<16xi32> to vector<16xi32>
    %swap3A_143 = vector.shape_cast %and3A_139 : vector<16xi32> to vector<16xi32>
    tpu.vector_store %arg7[%swap3A_140], %swap3A_143 {strides = array<i32>} : memref<128xi32, #tpu.memory_space<vmem>>, vector<16xi32>,
    %shift_right_logical3A_144 = arith.constant 14 : i32
    %shift_right_logical3A_145 = vector.broadcast %shift_right_logical3A_144 : i32 to vector<16xi32>
    %shift_right_logical3A_146 = arith.shrui %get3A_136, %shift_right_logical3A_145 : vector<16xi32>
    %swap3A_147 = arith.constant 112 : index
    %swap3A_148 = tpu.vector_load %arg9[%swap3A_147] {strides = array<i32>} : memref<128xi32, #tpu.memory_space<vmem>>, vector<16xi32>,
    %swap3A_149 = vector.shape_cast %swap3A_148 : vector<16xi32> to vector<16xi32>
    %swap3A_150 = vector.shape_cast %shift_right_logical3A_146 : vector<16xi32> to vector<16xi32>
    tpu.vector_store %arg9[%swap3A_147], %swap3A_150 {strides = array<i32>} : memref<128xi32, #tpu.memory_space<vmem>>, vector<16xi32>,
    %dma_start3A = arith.constant 0 : i32
    %dma_start3A_151 = arith.constant 0 : i32
    %dma_start3A_152 = tpu.memref_slice %arg2[%dma_start3A, %dma_start3A_151] : memref<10000x128xf32, #tpu.memory_space<hbm>> -> memref<10000x128xf32, #tpu.memory_space<hbm>>
    tpu.enqueue_indirect_dma source(%dma_start3A_152 : memref<10000x128xf32, #tpu.memory_space<hbm>>) target(%arg11 : memref<128x128xf32, #tpu.memory_space<vmem>>) offsets(%arg7 : memref<128xi32, #tpu.memory_space<vmem>>) semaphore(%arg14 : memref<!tpu.dma_semaphore, #tpu.memory_space<semaphore_mem>>)
    %get3A_153 = arith.constant 1 : i32
    %get3A_154 = arith.index_cast %get3A_153 : i32 to index
    %get3A_155 = arith.constant 0 : index
    %get3A_156 = tpu.vector_load %arg6[%get3A_154, %get3A_155] {strides = array<i32>} : memref<80x128xi32, #tpu.memory_space<vmem>>, vector<1x16xi32>,
    %get3A_157 = vector.shape_cast %get3A_156 : vector<1x16xi32> to vector<16xi32>
    %and3A_158 = arith.constant 16383 : i32
    %and3A_159 = vector.broadcast %and3A_158 : i32 to vector<16xi32>
    %and3A_160 = arith.andi %get3A_157, %and3A_159 : vector<16xi32>
    %swap3A_161 = arith.constant 0 : index
    %swap3A_162 = tpu.vector_load %arg8[%swap3A_161] {strides = array<i32>} : memref<128xi32, #tpu.memory_space<vmem>>, vector<16xi32>,
    %swap3A_163 = vector.shape_cast %swap3A_162 : vector<16xi32> to vector<16xi32>
    %swap3A_164 = vector.shape_cast %and3A_160 : vector<16xi32> to vector<16xi32>
    tpu.vector_store %arg8[%swap3A_161], %swap3A_164 {strides = array<i32>} : memref<128xi32, #tpu.memory_space<vmem>>, vector<16xi32>,
    %shift_right_logical3A_165 = arith.constant 14 : i32
    %shift_right_logical3A_166 = vector.broadcast %shift_right_logical3A_165 : i32 to vector<16xi32>
    %shift_right_logical3A_167 = arith.shrui %get3A_157, %shift_right_logical3A_166 : vector<16xi32>
    %swap3A_168 = arith.constant 0 : index
    %swap3A_169 = tpu.vector_load %arg10[%swap3A_168] {strides = array<i32>} : memref<128xi32, #tpu.memory_space<vmem>>, vector<16xi32>,
    %swap3A_170 = vector.shape_cast %swap3A_169 : vector<16xi32> to vector<16xi32>
    %swap3A_171 = vector.shape_cast %shift_right_logical3A_167 : vector<16xi32> to vector<16xi32>
    tpu.vector_store %arg10[%swap3A_168], %swap3A_171 {strides = array<i32>} : memref<128xi32, #tpu.memory_space<vmem>>, vector<16xi32>,
    %get3A_172 = arith.constant 1 : i32
    %get3A_173 = arith.index_cast %get3A_172 : i32 to index
    %get3A_174 = arith.constant 16 : index
    %get3A_175 = tpu.vector_load %arg6[%get3A_173, %get3A_174] {strides = array<i32>} : memref<80x128xi32, #tpu.memory_space<vmem>>, vector<1x16xi32>,
    %get3A_176 = vector.shape_cast %get3A_175 : vector<1x16xi32> to vector<16xi32>
    %and3A_177 = arith.constant 16383 : i32
    %and3A_178 = vector.broadcast %and3A_177 : i32 to vector<16xi32>
    %and3A_179 = arith.andi %get3A_176, %and3A_178 : vector<16xi32>
    %swap3A_180 = arith.constant 16 : index
    %swap3A_181 = tpu.vector_load %arg8[%swap3A_180] {strides = array<i32>} : memref<128xi32, #tpu.memory_space<vmem>>, vector<16xi32>,
    %swap3A_182 = vector.shape_cast %swap3A_181 : vector<16xi32> to vector<16xi32>
    %swap3A_183 = vector.shape_cast %and3A_179 : vector<16xi32> to vector<16xi32>
    tpu.vector_store %arg8[%swap3A_180], %swap3A_183 {strides = array<i32>} : memref<128xi32, #tpu.memory_space<vmem>>, vector<16xi32>,
    %shift_right_logical3A_184 = arith.constant 14 : i32
    %shift_right_logical3A_185 = vector.broadcast %shift_right_logical3A_184 : i32 to vector<16xi32>
    %shift_right_logical3A_186 = arith.shrui %get3A_176, %shift_right_logical3A_185 : vector<16xi32>
    %swap3A_187 = arith.constant 16 : index
    %swap3A_188 = tpu.vector_load %arg10[%swap3A_187] {strides = array<i32>} : memref<128xi32, #tpu.memory_space<vmem>>, vector<16xi32>,
    %swap3A_189 = vector.shape_cast %swap3A_188 : vector<16xi32> to vector<16xi32>
    %swap3A_190 = vector.shape_cast %shift_right_logical3A_186 : vector<16xi32> to vector<16xi32>
    tpu.vector_store %arg10[%swap3A_187], %swap3A_190 {strides = array<i32>} : memref<128xi32, #tpu.memory_space<vmem>>, vector<16xi32>,
    %get3A_191 = arith.constant 1 : i32
    %get3A_192 = arith.index_cast %get3A_191 : i32 to index
    %get3A_193 = arith.constant 32 : index
    %get3A_194 = tpu.vector_load %arg6[%get3A_192, %get3A_193] {strides = array<i32>} : memref<80x128xi32, #tpu.memory_space<vmem>>, vector<1x16xi32>,
    %get3A_195 = vector.shape_cast %get3A_194 : vector<1x16xi32> to vector<16xi32>
    %and3A_196 = arith.constant 16383 : i32
    %and3A_197 = vector.broadcast %and3A_196 : i32 to vector<16xi32>
    %and3A_198 = arith.andi %get3A_195, %and3A_197 : vector<16xi32>
    %swap3A_199 = arith.constant 32 : index
    %swap3A_200 = tpu.vector_load %arg8[%swap3A_199] {strides = array<i32>} : memref<128xi32, #tpu.memory_space<vmem>>, vector<16xi32>,
    %swap3A_201 = vector.shape_cast %swap3A_200 : vector<16xi32> to vector<16xi32>
    %swap3A_202 = vector.shape_cast %and3A_198 : vector<16xi32> to vector<16xi32>
    tpu.vector_store %arg8[%swap3A_199], %swap3A_202 {strides = array<i32>} : memref<128xi32, #tpu.memory_space<vmem>>, vector<16xi32>,
    %shift_right_logical3A_203 = arith.constant 14 : i32
    %shift_right_logical3A_204 = vector.broadcast %shift_right_logical3A_203 : i32 to vector<16xi32>
    %shift_right_logical3A_205 = arith.shrui %get3A_195, %shift_right_logical3A_204 : vector<16xi32>
    %swap3A_206 = arith.constant 32 : index
    %swap3A_207 = tpu.vector_load %arg10[%swap3A_206] {strides = array<i32>} : memref<128xi32, #tpu.memory_space<vmem>>, vector<16xi32>,
    %swap3A_208 = vector.shape_cast %swap3A_207 : vector<16xi32> to vector<16xi32>
    %swap3A_209 = vector.shape_cast %shift_right_logical3A_205 : vector<16xi32> to vector<16xi32>
    tpu.vector_store %arg10[%swap3A_206], %swap3A_209 {strides = array<i32>} : memref<128xi32, #tpu.memory_space<vmem>>, vector<16xi32>,
    %get3A_210 = arith.constant 1 : i32
    %get3A_211 = arith.index_cast %get3A_210 : i32 to index
    %get3A_212 = arith.constant 48 : index
    %get3A_213 = tpu.vector_load %arg6[%get3A_211, %get3A_212] {strides = array<i32>} : memref<80x128xi32, #tpu.memory_space<vmem>>, vector<1x16xi32>,
    %get3A_214 = vector.shape_cast %get3A_213 : vector<1x16xi32> to vector<16xi32>
    %and3A_215 = arith.constant 16383 : i32
    %and3A_216 = vector.broadcast %and3A_215 : i32 to vector<16xi32>
    %and3A_217 = arith.andi %get3A_214, %and3A_216 : vector<16xi32>
    %swap3A_218 = arith.constant 48 : index
    %swap3A_219 = tpu.vector_load %arg8[%swap3A_218] {strides = array<i32>} : memref<128xi32, #tpu.memory_space<vmem>>, vector<16xi32>,
    %swap3A_220 = vector.shape_cast %swap3A_219 : vector<16xi32> to vector<16xi32>
    %swap3A_221 = vector.shape_cast %and3A_217 : vector<16xi32> to vector<16xi32>
    tpu.vector_store %arg8[%swap3A_218], %swap3A_221 {strides = array<i32>} : memref<128xi32, #tpu.memory_space<vmem>>, vector<16xi32>,
    %shift_right_logical3A_222 = arith.constant 14 : i32
    %shift_right_logical3A_223 = vector.broadcast %shift_right_logical3A_222 : i32 to vector<16xi32>
    %shift_right_logical3A_224 = arith.shrui %get3A_214, %shift_right_logical3A_223 : vector<16xi32>
    %swap3A_225 = arith.constant 48 : index
    %swap3A_226 = tpu.vector_load %arg10[%swap3A_225] {strides = array<i32>} : memref<128xi32, #tpu.memory_space<vmem>>, vector<16xi32>,
    %swap3A_227 = vector.shape_cast %swap3A_226 : vector<16xi32> to vector<16xi32>
    %swap3A_228 = vector.shape_cast %shift_right_logical3A_224 : vector<16xi32> to vector<16xi32>
    tpu.vector_store %arg10[%swap3A_225], %swap3A_228 {strides = array<i32>} : memref<128xi32, #tpu.memory_space<vmem>>, vector<16xi32>,
    %get3A_229 = arith.constant 1 : i32
    %get3A_230 = arith.index_cast %get3A_229 : i32 to index
    %get3A_231 = arith.constant 64 : index
    %get3A_232 = tpu.vector_load %arg6[%get3A_230, %get3A_231] {strides = array<i32>} : memref<80x128xi32, #tpu.memory_space<vmem>>, vector<1x16xi32>,
    %get3A_233 = vector.shape_cast %get3A_232 : vector<1x16xi32> to vector<16xi32>
    %and3A_234 = arith.constant 16383 : i32
    %and3A_235 = vector.broadcast %and3A_234 : i32 to vector<16xi32>
    %and3A_236 = arith.andi %get3A_233, %and3A_235 : vector<16xi32>
    %swap3A_237 = arith.constant 64 : index
    %swap3A_238 = tpu.vector_load %arg8[%swap3A_237] {strides = array<i32>} : memref<128xi32, #tpu.memory_space<vmem>>, vector<16xi32>,
    %swap3A_239 = vector.shape_cast %swap3A_238 : vector<16xi32> to vector<16xi32>
    %swap3A_240 = vector.shape_cast %and3A_236 : vector<16xi32> to vector<16xi32>
    tpu.vector_store %arg8[%swap3A_237], %swap3A_240 {strides = array<i32>} : memref<128xi32, #tpu.memory_space<vmem>>, vector<16xi32>,
    %shift_right_logical3A_241 = arith.constant 14 : i32
    %shift_right_logical3A_242 = vector.broadcast %shift_right_logical3A_241 : i32 to vector<16xi32>
    %shift_right_logical3A_243 = arith.shrui %get3A_233, %shift_right_logical3A_242 : vector<16xi32>
    %swap3A_244 = arith.constant 64 : index
    %swap3A_245 = tpu.vector_load %arg10[%swap3A_244] {strides = array<i32>} : memref<128xi32, #tpu.memory_space<vmem>>, vector<16xi32>,
    %swap3A_246 = vector.shape_cast %swap3A_245 : vector<16xi32> to vector<16xi32>
    %swap3A_247 = vector.shape_cast %shift_right_logical3A_243 : vector<16xi32> to vector<16xi32>
    tpu.vector_store %arg10[%swap3A_244], %swap3A_247 {strides = array<i32>} : memref<128xi32, #tpu.memory_space<vmem>>, vector<16xi32>,
    %get3A_248 = arith.constant 1 : i32
    %get3A_249 = arith.index_cast %get3A_248 : i32 to index
    %get3A_250 = arith.constant 80 : index
    %get3A_251 = tpu.vector_load %arg6[%get3A_249, %get3A_250] {strides = array<i32>} : memref<80x128xi32, #tpu.memory_space<vmem>>, vector<1x16xi32>,
    %get3A_252 = vector.shape_cast %get3A_251 : vector<1x16xi32> to vector<16xi32>
    %and3A_253 = arith.constant 16383 : i32
    %and3A_254 = vector.broadcast %and3A_253 : i32 to vector<16xi32>
    %and3A_255 = arith.andi %get3A_252, %and3A_254 : vector<16xi32>
    %swap3A_256 = arith.constant 80 : index
    %swap3A_257 = tpu.vector_load %arg8[%swap3A_256] {strides = array<i32>} : memref<128xi32, #tpu.memory_space<vmem>>, vector<16xi32>,
    %swap3A_258 = vector.shape_cast %swap3A_257 : vector<16xi32> to vector<16xi32>
    %swap3A_259 = vector.shape_cast %and3A_255 : vector<16xi32> to vector<16xi32>
    tpu.vector_store %arg8[%swap3A_256], %swap3A_259 {strides = array<i32>} : memref<128xi32, #tpu.memory_space<vmem>>, vector<16xi32>,
    %shift_right_logical3A_260 = arith.constant 14 : i32
    %shift_right_logical3A_261 = vector.broadcast %shift_right_logical3A_260 : i32 to vector<16xi32>
    %shift_right_logical3A_262 = arith.shrui %get3A_252, %shift_right_logical3A_261 : vector<16xi32>
    %swap3A_263 = arith.constant 80 : index
    %swap3A_264 = tpu.vector_load %arg10[%swap3A_263] {strides = array<i32>} : memref<128xi32, #tpu.memory_space<vmem>>, vector<16xi32>,
    %swap3A_265 = vector.shape_cast %swap3A_264 : vector<16xi32> to vector<16xi32>
    %swap3A_266 = vector.shape_cast %shift_right_logical3A_262 : vector<16xi32> to vector<16xi32>
    tpu.vector_store %arg10[%swap3A_263], %swap3A_266 {strides = array<i32>} : memref<128xi32, #tpu.memory_space<vmem>>, vector<16xi32>,
    %get3A_267 = arith.constant 1 : i32
    %get3A_268 = arith.index_cast %get3A_267 : i32 to index
    %get3A_269 = arith.constant 96 : index
    %get3A_270 = tpu.vector_load %arg6[%get3A_268, %get3A_269] {strides = array<i32>} : memref<80x128xi32, #tpu.memory_space<vmem>>, vector<1x16xi32>,
    %get3A_271 = vector.shape_cast %get3A_270 : vector<1x16xi32> to vector<16xi32>
    %and3A_272 = arith.constant 16383 : i32
    %and3A_273 = vector.broadcast %and3A_272 : i32 to vector<16xi32>
    %and3A_274 = arith.andi %get3A_271, %and3A_273 : vector<16xi32>
    %swap3A_275 = arith.constant 96 : index
    %swap3A_276 = tpu.vector_load %arg8[%swap3A_275] {strides = array<i32>} : memref<128xi32, #tpu.memory_space<vmem>>, vector<16xi32>,
    %swap3A_277 = vector.shape_cast %swap3A_276 : vector<16xi32> to vector<16xi32>
    %swap3A_278 = vector.shape_cast %and3A_274 : vector<16xi32> to vector<16xi32>
    tpu.vector_store %arg8[%swap3A_275], %swap3A_278 {strides = array<i32>} : memref<128xi32, #tpu.memory_space<vmem>>, vector<16xi32>,
    %shift_right_logical3A_279 = arith.constant 14 : i32
    %shift_right_logical3A_280 = vector.broadcast %shift_right_logical3A_279 : i32 to vector<16xi32>
    %shift_right_logical3A_281 = arith.shrui %get3A_271, %shift_right_logical3A_280 : vector<16xi32>
    %swap3A_282 = arith.constant 96 : index
    %swap3A_283 = tpu.vector_load %arg10[%swap3A_282] {strides = array<i32>} : memref<128xi32, #tpu.memory_space<vmem>>, vector<16xi32>,
    %swap3A_284 = vector.shape_cast %swap3A_283 : vector<16xi32> to vector<16xi32>
    %swap3A_285 = vector.shape_cast %shift_right_logical3A_281 : vector<16xi32> to vector<16xi32>
    tpu.vector_store %arg10[%swap3A_282], %swap3A_285 {strides = array<i32>} : memref<128xi32, #tpu.memory_space<vmem>>, vector<16xi32>,
    %get3A_286 = arith.constant 1 : i32
    %get3A_287 = arith.index_cast %get3A_286 : i32 to index
    %get3A_288 = arith.constant 112 : index
    %get3A_289 = tpu.vector_load %arg6[%get3A_287, %get3A_288] {strides = array<i32>} : memref<80x128xi32, #tpu.memory_space<vmem>>, vector<1x16xi32>,
    %get3A_290 = vector.shape_cast %get3A_289 : vector<1x16xi32> to vector<16xi32>
    %and3A_291 = arith.constant 16383 : i32
    %and3A_292 = vector.broadcast %and3A_291 : i32 to vector<16xi32>
    %and3A_293 = arith.andi %get3A_290, %and3A_292 : vector<16xi32>
    %swap3A_294 = arith.constant 112 : index
    %swap3A_295 = tpu.vector_load %arg8[%swap3A_294] {strides = array<i32>} : memref<128xi32, #tpu.memory_space<vmem>>, vector<16xi32>,
    %swap3A_296 = vector.shape_cast %swap3A_295 : vector<16xi32> to vector<16xi32>
    %swap3A_297 = vector.shape_cast %and3A_293 : vector<16xi32> to vector<16xi32>
    tpu.vector_store %arg8[%swap3A_294], %swap3A_297 {strides = array<i32>} : memref<128xi32, #tpu.memory_space<vmem>>, vector<16xi32>,
    %shift_right_logical3A_298 = arith.constant 14 : i32
    %shift_right_logical3A_299 = vector.broadcast %shift_right_logical3A_298 : i32 to vector<16xi32>
    %shift_right_logical3A_300 = arith.shrui %get3A_290, %shift_right_logical3A_299 : vector<16xi32>
    %swap3A_301 = arith.constant 112 : index
    %swap3A_302 = tpu.vector_load %arg10[%swap3A_301] {strides = array<i32>} : memref<128xi32, #tpu.memory_space<vmem>>, vector<16xi32>,
    %swap3A_303 = vector.shape_cast %swap3A_302 : vector<16xi32> to vector<16xi32>
    %swap3A_304 = vector.shape_cast %shift_right_logical3A_300 : vector<16xi32> to vector<16xi32>
    tpu.vector_store %arg10[%swap3A_301], %swap3A_304 {strides = array<i32>} : memref<128xi32, #tpu.memory_space<vmem>>, vector<16xi32>,
    %dma_start3A_305 = arith.constant 0 : i32
    %dma_start3A_306 = arith.constant 0 : i32
    %dma_start3A_307 = tpu.memref_slice %arg2[%dma_start3A_305, %dma_start3A_306] : memref<10000x128xf32, #tpu.memory_space<hbm>> -> memref<10000x128xf32, #tpu.memory_space<hbm>>
    tpu.enqueue_indirect_dma source(%dma_start3A_307 : memref<10000x128xf32, #tpu.memory_space<hbm>>) target(%arg12 : memref<128x128xf32, #tpu.memory_space<vmem>>) offsets(%arg8 : memref<128xi32, #tpu.memory_space<vmem>>) semaphore(%arg15 : memref<!tpu.dma_semaphore, #tpu.memory_space<semaphore_mem>>)
    %scan3A = arith.constant 0 : i32
    %scan3A_308 = arith.constant 0 : i32
    %scan3A_309 = arith.constant 40 : i32
    %scan3A_310 = arith.addi %scan3A_308, %scan3A_309 : i32
    %scan3A_311 = arith.constant 1 : i32
    scf.for %scan3A_323 = %scan3A_308 to %scan3A_310 step %scan3A_311  : i32 {
      %mul3A_324 = arith.constant 2 : i32
      %mul3A_325 = arith.muli %mul3A_324, %scan3A_323 : i32
      %dma_wait3A_326 = arith.constant 0 : i32
      %dma_wait3A_327 = arith.constant 0 : i32
      %dma_wait3A_328 = tpu.memref_slice %arg2[%dma_wait3A_326, %dma_wait3A_327] : memref<10000x128xf32, #tpu.memory_space<hbm>> -> memref<10000x128xf32, #tpu.memory_space<hbm>>
      tpu.wait_indirect_dma semaphore(%arg14 : memref<!tpu.dma_semaphore, #tpu.memory_space<semaphore_mem>>) src(%dma_wait3A_328 : memref<10000x128xf32, #tpu.memory_space<hbm>>) dst(%arg11 : memref<128x128xf32, #tpu.memory_space<vmem>>)
      "tpu.region"() ({
        %run_scoped3A = tpu.sem_alloc : memref<!tpu.dma_semaphore, #tpu.memory_space<semaphore_mem>>
        %dma_start3A_633 = arith.constant 0 : i32
        %dma_start3A_634 = arith.constant 0 : i32
        %dma_start3A_635 = tpu.memref_slice %arg13[%dma_start3A_633, %dma_start3A_634] : memref<10368x128xf32, #tpu.memory_space<vmem_shared>> -> memref<10368x128xf32, #tpu.memory_space<vmem_shared>>
        tpu.enqueue_indirect_dma source(%arg11 : memref<128x128xf32, #tpu.memory_space<vmem>>) target(%dma_start3A_635 : memref<10368x128xf32, #tpu.memory_space<vmem_shared>>) offsets(%arg9 : memref<128xi32, #tpu.memory_space<vmem>>) semaphore(%run_scoped3A : memref<!tpu.dma_semaphore, #tpu.memory_space<semaphore_mem>>) {add = true}
        %dma_wait3A_636 = arith.constant 0 : i32
        %dma_wait3A_637 = arith.constant 0 : i32
        %dma_wait3A_638 = tpu.memref_slice %arg13[%dma_wait3A_636, %dma_wait3A_637] : memref<10368x128xf32, #tpu.memory_space<vmem_shared>> -> memref<10368x128xf32, #tpu.memory_space<vmem_shared>>
        tpu.wait_indirect_dma semaphore(%run_scoped3A : memref<!tpu.dma_semaphore, #tpu.memory_space<semaphore_mem>>) src(%arg11 : memref<128x128xf32, #tpu.memory_space<vmem>>) dst(%dma_wait3A_638 : memref<10368x128xf32, #tpu.memory_space<vmem_shared>>)
        tpu.yield
      }) : () -> ()
      %add3A_329 = arith.constant 2 : i32
      %add3A_330 = arith.addi %mul3A_325, %add3A_329 : i32
      %min3A = arith.constant 79 : i32
      %min3A_331 = arith.minsi %add3A_330, %min3A : i32
      %get3A_332 = arith.index_cast %min3A_331 : i32 to index
      %get3A_333 = arith.constant 0 : index
      %get3A_334 = tpu.vector_load %arg6[%get3A_332, %get3A_333] {strides = array<i32>} : memref<80x128xi32, #tpu.memory_space<vmem>>, vector<1x16xi32>,
      %get3A_335 = vector.shape_cast %get3A_334 : vector<1x16xi32> to vector<16xi32>
      %and3A_336 = arith.constant 16383 : i32
      %and3A_337 = vector.broadcast %and3A_336 : i32 to vector<16xi32>
      %and3A_338 = arith.andi %get3A_335, %and3A_337 : vector<16xi32>
      %swap3A_339 = arith.constant 0 : index
      %swap3A_340 = tpu.vector_load %arg7[%swap3A_339] {strides = array<i32>} : memref<128xi32, #tpu.memory_space<vmem>>, vector<16xi32>,
      %swap3A_341 = vector.shape_cast %swap3A_340 : vector<16xi32> to vector<16xi32>
      %swap3A_342 = vector.shape_cast %and3A_338 : vector<16xi32> to vector<16xi32>
      tpu.vector_store %arg7[%swap3A_339], %swap3A_342 {strides = array<i32>} : memref<128xi32, #tpu.memory_space<vmem>>, vector<16xi32>,
      %shift_right_logical3A_343 = arith.constant 14 : i32
      %shift_right_logical3A_344 = vector.broadcast %shift_right_logical3A_343 : i32 to vector<16xi32>
      %shift_right_logical3A_345 = arith.shrui %get3A_335, %shift_right_logical3A_344 : vector<16xi32>
      %swap3A_346 = arith.constant 0 : index
      %swap3A_347 = tpu.vector_load %arg9[%swap3A_346] {strides = array<i32>} : memref<128xi32, #tpu.memory_space<vmem>>, vector<16xi32>,
      %swap3A_348 = vector.shape_cast %swap3A_347 : vector<16xi32> to vector<16xi32>
      %swap3A_349 = vector.shape_cast %shift_right_logical3A_345 : vector<16xi32> to vector<16xi32>
      tpu.vector_store %arg9[%swap3A_346], %swap3A_349 {strides = array<i32>} : memref<128xi32, #tpu.memory_space<vmem>>, vector<16xi32>,
      %get3A_350 = arith.index_cast %min3A_331 : i32 to index
      %get3A_351 = arith.constant 16 : index
      %get3A_352 = tpu.vector_load %arg6[%get3A_350, %get3A_351] {strides = array<i32>} : memref<80x128xi32, #tpu.memory_space<vmem>>, vector<1x16xi32>,
      %get3A_353 = vector.shape_cast %get3A_352 : vector<1x16xi32> to vector<16xi32>
      %and3A_354 = arith.constant 16383 : i32
      %and3A_355 = vector.broadcast %and3A_354 : i32 to vector<16xi32>
      %and3A_356 = arith.andi %get3A_353, %and3A_355 : vector<16xi32>
      %swap3A_357 = arith.constant 16 : index
      %swap3A_358 = tpu.vector_load %arg7[%swap3A_357] {strides = array<i32>} : memref<128xi32, #tpu.memory_space<vmem>>, vector<16xi32>,
      %swap3A_359 = vector.shape_cast %swap3A_358 : vector<16xi32> to vector<16xi32>
      %swap3A_360 = vector.shape_cast %and3A_356 : vector<16xi32> to vector<16xi32>
      tpu.vector_store %arg7[%swap3A_357], %swap3A_360 {strides = array<i32>} : memref<128xi32, #tpu.memory_space<vmem>>, vector<16xi32>,
      %shift_right_logical3A_361 = arith.constant 14 : i32
      %shift_right_logical3A_362 = vector.broadcast %shift_right_logical3A_361 : i32 to vector<16xi32>
      %shift_right_logical3A_363 = arith.shrui %get3A_353, %shift_right_logical3A_362 : vector<16xi32>
      %swap3A_364 = arith.constant 16 : index
      %swap3A_365 = tpu.vector_load %arg9[%swap3A_364] {strides = array<i32>} : memref<128xi32, #tpu.memory_space<vmem>>, vector<16xi32>,
      %swap3A_366 = vector.shape_cast %swap3A_365 : vector<16xi32> to vector<16xi32>
      %swap3A_367 = vector.shape_cast %shift_right_logical3A_363 : vector<16xi32> to vector<16xi32>
      tpu.vector_store %arg9[%swap3A_364], %swap3A_367 {strides = array<i32>} : memref<128xi32, #tpu.memory_space<vmem>>, vector<16xi32>,
      %get3A_368 = arith.index_cast %min3A_331 : i32 to index
      %get3A_369 = arith.constant 32 : index
      %get3A_370 = tpu.vector_load %arg6[%get3A_368, %get3A_369] {strides = array<i32>} : memref<80x128xi32, #tpu.memory_space<vmem>>, vector<1x16xi32>,
      %get3A_371 = vector.shape_cast %get3A_370 : vector<1x16xi32> to vector<16xi32>
      %and3A_372 = arith.constant 16383 : i32
      %and3A_373 = vector.broadcast %and3A_372 : i32 to vector<16xi32>
      %and3A_374 = arith.andi %get3A_371, %and3A_373 : vector<16xi32>
      %swap3A_375 = arith.constant 32 : index
      %swap3A_376 = tpu.vector_load %arg7[%swap3A_375] {strides = array<i32>} : memref<128xi32, #tpu.memory_space<vmem>>, vector<16xi32>,
      %swap3A_377 = vector.shape_cast %swap3A_376 : vector<16xi32> to vector<16xi32>
      %swap3A_378 = vector.shape_cast %and3A_374 : vector<16xi32> to vector<16xi32>
      tpu.vector_store %arg7[%swap3A_375], %swap3A_378 {strides = array<i32>} : memref<128xi32, #tpu.memory_space<vmem>>, vector<16xi32>,
      %shift_right_logical3A_379 = arith.constant 14 : i32
      %shift_right_logical3A_380 = vector.broadcast %shift_right_logical3A_379 : i32 to vector<16xi32>
      %shift_right_logical3A_381 = arith.shrui %get3A_371, %shift_right_logical3A_380 : vector<16xi32>
      %swap3A_382 = arith.constant 32 : index
      %swap3A_383 = tpu.vector_load %arg9[%swap3A_382] {strides = array<i32>} : memref<128xi32, #tpu.memory_space<vmem>>, vector<16xi32>,
      %swap3A_384 = vector.shape_cast %swap3A_383 : vector<16xi32> to vector<16xi32>
      %swap3A_385 = vector.shape_cast %shift_right_logical3A_381 : vector<16xi32> to vector<16xi32>
      tpu.vector_store %arg9[%swap3A_382], %swap3A_385 {strides = array<i32>} : memref<128xi32, #tpu.memory_space<vmem>>, vector<16xi32>,
      %get3A_386 = arith.index_cast %min3A_331 : i32 to index
      %get3A_387 = arith.constant 48 : index
      %get3A_388 = tpu.vector_load %arg6[%get3A_386, %get3A_387] {strides = array<i32>} : memref<80x128xi32, #tpu.memory_space<vmem>>, vector<1x16xi32>,
      %get3A_389 = vector.shape_cast %get3A_388 : vector<1x16xi32> to vector<16xi32>
      %and3A_390 = arith.constant 16383 : i32
      %and3A_391 = vector.broadcast %and3A_390 : i32 to vector<16xi32>
      %and3A_392 = arith.andi %get3A_389, %and3A_391 : vector<16xi32>
      %swap3A_393 = arith.constant 48 : index
      %swap3A_394 = tpu.vector_load %arg7[%swap3A_393] {strides = array<i32>} : memref<128xi32, #tpu.memory_space<vmem>>, vector<16xi32>,
      %swap3A_395 = vector.shape_cast %swap3A_394 : vector<16xi32> to vector<16xi32>
      %swap3A_396 = vector.shape_cast %and3A_392 : vector<16xi32> to vector<16xi32>
      tpu.vector_store %arg7[%swap3A_393], %swap3A_396 {strides = array<i32>} : memref<128xi32, #tpu.memory_space<vmem>>, vector<16xi32>,
      %shift_right_logical3A_397 = arith.constant 14 : i32
      %shift_right_logical3A_398 = vector.broadcast %shift_right_logical3A_397 : i32 to vector<16xi32>
      %shift_right_logical3A_399 = arith.shrui %get3A_389, %shift_right_logical3A_398 : vector<16xi32>
      %swap3A_400 = arith.constant 48 : index
      %swap3A_401 = tpu.vector_load %arg9[%swap3A_400] {strides = array<i32>} : memref<128xi32, #tpu.memory_space<vmem>>, vector<16xi32>,
      %swap3A_402 = vector.shape_cast %swap3A_401 : vector<16xi32> to vector<16xi32>
      %swap3A_403 = vector.shape_cast %shift_right_logical3A_399 : vector<16xi32> to vector<16xi32>
      tpu.vector_store %arg9[%swap3A_400], %swap3A_403 {strides = array<i32>} : memref<128xi32, #tpu.memory_space<vmem>>, vector<16xi32>,
      %get3A_404 = arith.index_cast %min3A_331 : i32 to index
      %get3A_405 = arith.constant 64 : index
      %get3A_406 = tpu.vector_load %arg6[%get3A_404, %get3A_405] {strides = array<i32>} : memref<80x128xi32, #tpu.memory_space<vmem>>, vector<1x16xi32>,
      %get3A_407 = vector.shape_cast %get3A_406 : vector<1x16xi32> to vector<16xi32>
      %and3A_408 = arith.constant 16383 : i32
      %and3A_409 = vector.broadcast %and3A_408 : i32 to vector<16xi32>
      %and3A_410 = arith.andi %get3A_407, %and3A_409 : vector<16xi32>
      %swap3A_411 = arith.constant 64 : index
      %swap3A_412 = tpu.vector_load %arg7[%swap3A_411] {strides = array<i32>} : memref<128xi32, #tpu.memory_space<vmem>>, vector<16xi32>,
      %swap3A_413 = vector.shape_cast %swap3A_412 : vector<16xi32> to vector<16xi32>
      %swap3A_414 = vector.shape_cast %and3A_410 : vector<16xi32> to vector<16xi32>
      tpu.vector_store %arg7[%swap3A_411], %swap3A_414 {strides = array<i32>} : memref<128xi32, #tpu.memory_space<vmem>>, vector<16xi32>,
      %shift_right_logical3A_415 = arith.constant 14 : i32
      %shift_right_logical3A_416 = vector.broadcast %shift_right_logical3A_415 : i32 to vector<16xi32>
      %shift_right_logical3A_417 = arith.shrui %get3A_407, %shift_right_logical3A_416 : vector<16xi32>
      %swap3A_418 = arith.constant 64 : index
      %swap3A_419 = tpu.vector_load %arg9[%swap3A_418] {strides = array<i32>} : memref<128xi32, #tpu.memory_space<vmem>>, vector<16xi32>,
      %swap3A_420 = vector.shape_cast %swap3A_419 : vector<16xi32> to vector<16xi32>
      %swap3A_421 = vector.shape_cast %shift_right_logical3A_417 : vector<16xi32> to vector<16xi32>
      tpu.vector_store %arg9[%swap3A_418], %swap3A_421 {strides = array<i32>} : memref<128xi32, #tpu.memory_space<vmem>>, vector<16xi32>,
      %get3A_422 = arith.index_cast %min3A_331 : i32 to index
      %get3A_423 = arith.constant 80 : index
      %get3A_424 = tpu.vector_load %arg6[%get3A_422, %get3A_423] {strides = array<i32>} : memref<80x128xi32, #tpu.memory_space<vmem>>, vector<1x16xi32>,
      %get3A_425 = vector.shape_cast %get3A_424 : vector<1x16xi32> to vector<16xi32>
      %and3A_426 = arith.constant 16383 : i32
      %and3A_427 = vector.broadcast %and3A_426 : i32 to vector<16xi32>
      %and3A_428 = arith.andi %get3A_425, %and3A_427 : vector<16xi32>
      %swap3A_429 = arith.constant 80 : index
      %swap3A_430 = tpu.vector_load %arg7[%swap3A_429] {strides = array<i32>} : memref<128xi32, #tpu.memory_space<vmem>>, vector<16xi32>,
      %swap3A_431 = vector.shape_cast %swap3A_430 : vector<16xi32> to vector<16xi32>
      %swap3A_432 = vector.shape_cast %and3A_428 : vector<16xi32> to vector<16xi32>
      tpu.vector_store %arg7[%swap3A_429], %swap3A_432 {strides = array<i32>} : memref<128xi32, #tpu.memory_space<vmem>>, vector<16xi32>,
      %shift_right_logical3A_433 = arith.constant 14 : i32
      %shift_right_logical3A_434 = vector.broadcast %shift_right_logical3A_433 : i32 to vector<16xi32>
      %shift_right_logical3A_435 = arith.shrui %get3A_425, %shift_right_logical3A_434 : vector<16xi32>
      %swap3A_436 = arith.constant 80 : index
      %swap3A_437 = tpu.vector_load %arg9[%swap3A_436] {strides = array<i32>} : memref<128xi32, #tpu.memory_space<vmem>>, vector<16xi32>,
      %swap3A_438 = vector.shape_cast %swap3A_437 : vector<16xi32> to vector<16xi32>
      %swap3A_439 = vector.shape_cast %shift_right_logical3A_435 : vector<16xi32> to vector<16xi32>
      tpu.vector_store %arg9[%swap3A_436], %swap3A_439 {strides = array<i32>} : memref<128xi32, #tpu.memory_space<vmem>>, vector<16xi32>,
      %get3A_440 = arith.index_cast %min3A_331 : i32 to index
      %get3A_441 = arith.constant 96 : index
      %get3A_442 = tpu.vector_load %arg6[%get3A_440, %get3A_441] {strides = array<i32>} : memref<80x128xi32, #tpu.memory_space<vmem>>, vector<1x16xi32>,
      %get3A_443 = vector.shape_cast %get3A_442 : vector<1x16xi32> to vector<16xi32>
      %and3A_444 = arith.constant 16383 : i32
      %and3A_445 = vector.broadcast %and3A_444 : i32 to vector<16xi32>
      %and3A_446 = arith.andi %get3A_443, %and3A_445 : vector<16xi32>
      %swap3A_447 = arith.constant 96 : index
      %swap3A_448 = tpu.vector_load %arg7[%swap3A_447] {strides = array<i32>} : memref<128xi32, #tpu.memory_space<vmem>>, vector<16xi32>,
      %swap3A_449 = vector.shape_cast %swap3A_448 : vector<16xi32> to vector<16xi32>
      %swap3A_450 = vector.shape_cast %and3A_446 : vector<16xi32> to vector<16xi32>
      tpu.vector_store %arg7[%swap3A_447], %swap3A_450 {strides = array<i32>} : memref<128xi32, #tpu.memory_space<vmem>>, vector<16xi32>,
      %shift_right_logical3A_451 = arith.constant 14 : i32
      %shift_right_logical3A_452 = vector.broadcast %shift_right_logical3A_451 : i32 to vector<16xi32>
      %shift_right_logical3A_453 = arith.shrui %get3A_443, %shift_right_logical3A_452 : vector<16xi32>
      %swap3A_454 = arith.constant 96 : index
      %swap3A_455 = tpu.vector_load %arg9[%swap3A_454] {strides = array<i32>} : memref<128xi32, #tpu.memory_space<vmem>>, vector<16xi32>,
      %swap3A_456 = vector.shape_cast %swap3A_455 : vector<16xi32> to vector<16xi32>
      %swap3A_457 = vector.shape_cast %shift_right_logical3A_453 : vector<16xi32> to vector<16xi32>
      tpu.vector_store %arg9[%swap3A_454], %swap3A_457 {strides = array<i32>} : memref<128xi32, #tpu.memory_space<vmem>>, vector<16xi32>,
      %get3A_458 = arith.index_cast %min3A_331 : i32 to index
      %get3A_459 = arith.constant 112 : index
      %get3A_460 = tpu.vector_load %arg6[%get3A_458, %get3A_459] {strides = array<i32>} : memref<80x128xi32, #tpu.memory_space<vmem>>, vector<1x16xi32>,
      %get3A_461 = vector.shape_cast %get3A_460 : vector<1x16xi32> to vector<16xi32>
      %and3A_462 = arith.constant 16383 : i32
      %and3A_463 = vector.broadcast %and3A_462 : i32 to vector<16xi32>
      %and3A_464 = arith.andi %get3A_461, %and3A_463 : vector<16xi32>
      %swap3A_465 = arith.constant 112 : index
      %swap3A_466 = tpu.vector_load %arg7[%swap3A_465] {strides = array<i32>} : memref<128xi32, #tpu.memory_space<vmem>>, vector<16xi32>,
      %swap3A_467 = vector.shape_cast %swap3A_466 : vector<16xi32> to vector<16xi32>
      %swap3A_468 = vector.shape_cast %and3A_464 : vector<16xi32> to vector<16xi32>
      tpu.vector_store %arg7[%swap3A_465], %swap3A_468 {strides = array<i32>} : memref<128xi32, #tpu.memory_space<vmem>>, vector<16xi32>,
      %shift_right_logical3A_469 = arith.constant 14 : i32
      %shift_right_logical3A_470 = vector.broadcast %shift_right_logical3A_469 : i32 to vector<16xi32>
      %shift_right_logical3A_471 = arith.shrui %get3A_461, %shift_right_logical3A_470 : vector<16xi32>
      %swap3A_472 = arith.constant 112 : index
      %swap3A_473 = tpu.vector_load %arg9[%swap3A_472] {strides = array<i32>} : memref<128xi32, #tpu.memory_space<vmem>>, vector<16xi32>,
      %swap3A_474 = vector.shape_cast %swap3A_473 : vector<16xi32> to vector<16xi32>
      %swap3A_475 = vector.shape_cast %shift_right_logical3A_471 : vector<16xi32> to vector<16xi32>
      tpu.vector_store %arg9[%swap3A_472], %swap3A_475 {strides = array<i32>} : memref<128xi32, #tpu.memory_space<vmem>>, vector<16xi32>,
      %dma_start3A_476 = arith.constant 0 : i32
      %dma_start3A_477 = arith.constant 0 : i32
      %dma_start3A_478 = tpu.memref_slice %arg2[%dma_start3A_476, %dma_start3A_477] : memref<10000x128xf32, #tpu.memory_space<hbm>> -> memref<10000x128xf32, #tpu.memory_space<hbm>>
      tpu.enqueue_indirect_dma source(%dma_start3A_478 : memref<10000x128xf32, #tpu.memory_space<hbm>>) target(%arg11 : memref<128x128xf32, #tpu.memory_space<vmem>>) offsets(%arg7 : memref<128xi32, #tpu.memory_space<vmem>>) semaphore(%arg14 : memref<!tpu.dma_semaphore, #tpu.memory_space<semaphore_mem>>)
      %dma_wait3A_479 = arith.constant 0 : i32
      %dma_wait3A_480 = arith.constant 0 : i32
      %dma_wait3A_481 = tpu.memref_slice %arg2[%dma_wait3A_479, %dma_wait3A_480] : memref<10000x128xf32, #tpu.memory_space<hbm>> -> memref<10000x128xf32, #tpu.memory_space<hbm>>
      tpu.wait_indirect_dma semaphore(%arg15 : memref<!tpu.dma_semaphore, #tpu.memory_space<semaphore_mem>>) src(%dma_wait3A_481 : memref<10000x128xf32, #tpu.memory_space<hbm>>) dst(%arg12 : memref<128x128xf32, #tpu.memory_space<vmem>>)
      "tpu.region"() ({
        %run_scoped3A = tpu.sem_alloc : memref<!tpu.dma_semaphore, #tpu.memory_space<semaphore_mem>>
        %dma_start3A_633 = arith.constant 0 : i32
        %dma_start3A_634 = arith.constant 0 : i32
        %dma_start3A_635 = tpu.memref_slice %arg13[%dma_start3A_633, %dma_start3A_634] : memref<10368x128xf32, #tpu.memory_space<vmem_shared>> -> memref<10368x128xf32, #tpu.memory_space<vmem_shared>>
        tpu.enqueue_indirect_dma source(%arg12 : memref<128x128xf32, #tpu.memory_space<vmem>>) target(%dma_start3A_635 : memref<10368x128xf32, #tpu.memory_space<vmem_shared>>) offsets(%arg10 : memref<128xi32, #tpu.memory_space<vmem>>) semaphore(%run_scoped3A : memref<!tpu.dma_semaphore, #tpu.memory_space<semaphore_mem>>) {add = true}
        %dma_wait3A_636 = arith.constant 0 : i32
        %dma_wait3A_637 = arith.constant 0 : i32
        %dma_wait3A_638 = tpu.memref_slice %arg13[%dma_wait3A_636, %dma_wait3A_637] : memref<10368x128xf32, #tpu.memory_space<vmem_shared>> -> memref<10368x128xf32, #tpu.memory_space<vmem_shared>>
        tpu.wait_indirect_dma semaphore(%run_scoped3A : memref<!tpu.dma_semaphore, #tpu.memory_space<semaphore_mem>>) src(%arg12 : memref<128x128xf32, #tpu.memory_space<vmem>>) dst(%dma_wait3A_638 : memref<10368x128xf32, #tpu.memory_space<vmem_shared>>)
        tpu.yield
      }) : () -> ()
      %add3A_482 = arith.constant 3 : i32
      %add3A_483 = arith.addi %mul3A_325, %add3A_482 : i32
      %min3A_484 = arith.constant 79 : i32
      %min3A_485 = arith.minsi %add3A_483, %min3A_484 : i32
      %get3A_486 = arith.index_cast %min3A_485 : i32 to index
      %get3A_487 = arith.constant 0 : index
      %get3A_488 = tpu.vector_load %arg6[%get3A_486, %get3A_487] {strides = array<i32>} : memref<80x128xi32, #tpu.memory_space<vmem>>, vector<1x16xi32>,
      %get3A_489 = vector.shape_cast %get3A_488 : vector<1x16xi32> to vector<16xi32>
      %and3A_490 = arith.constant 16383 : i32
      %and3A_491 = vector.broadcast %and3A_490 : i32 to vector<16xi32>
      %and3A_492 = arith.andi %get3A_489, %and3A_491 : vector<16xi32>
      %swap3A_493 = arith.constant 0 : index
      %swap3A_494 = tpu.vector_load %arg8[%swap3A_493] {strides = array<i32>} : memref<128xi32, #tpu.memory_space<vmem>>, vector<16xi32>,
      %swap3A_495 = vector.shape_cast %swap3A_494 : vector<16xi32> to vector<16xi32>
      %swap3A_496 = vector.shape_cast %and3A_492 : vector<16xi32> to vector<16xi32>
      tpu.vector_store %arg8[%swap3A_493], %swap3A_496 {strides = array<i32>} : memref<128xi32, #tpu.memory_space<vmem>>, vector<16xi32>,
      %shift_right_logical3A_497 = arith.constant 14 : i32
      %shift_right_logical3A_498 = vector.broadcast %shift_right_logical3A_497 : i32 to vector<16xi32>
      %shift_right_logical3A_499 = arith.shrui %get3A_489, %shift_right_logical3A_498 : vector<16xi32>
      %swap3A_500 = arith.constant 0 : index
      %swap3A_501 = tpu.vector_load %arg10[%swap3A_500] {strides = array<i32>} : memref<128xi32, #tpu.memory_space<vmem>>, vector<16xi32>,
      %swap3A_502 = vector.shape_cast %swap3A_501 : vector<16xi32> to vector<16xi32>
      %swap3A_503 = vector.shape_cast %shift_right_logical3A_499 : vector<16xi32> to vector<16xi32>
      tpu.vector_store %arg10[%swap3A_500], %swap3A_503 {strides = array<i32>} : memref<128xi32, #tpu.memory_space<vmem>>, vector<16xi32>,
      %get3A_504 = arith.index_cast %min3A_485 : i32 to index
      %get3A_505 = arith.constant 16 : index
      %get3A_506 = tpu.vector_load %arg6[%get3A_504, %get3A_505] {strides = array<i32>} : memref<80x128xi32, #tpu.memory_space<vmem>>, vector<1x16xi32>,
      %get3A_507 = vector.shape_cast %get3A_506 : vector<1x16xi32> to vector<16xi32>
      %and3A_508 = arith.constant 16383 : i32
      %and3A_509 = vector.broadcast %and3A_508 : i32 to vector<16xi32>
      %and3A_510 = arith.andi %get3A_507, %and3A_509 : vector<16xi32>
      %swap3A_511 = arith.constant 16 : index
      %swap3A_512 = tpu.vector_load %arg8[%swap3A_511] {strides = array<i32>} : memref<128xi32, #tpu.memory_space<vmem>>, vector<16xi32>,
      %swap3A_513 = vector.shape_cast %swap3A_512 : vector<16xi32> to vector<16xi32>
      %swap3A_514 = vector.shape_cast %and3A_510 : vector<16xi32> to vector<16xi32>
      tpu.vector_store %arg8[%swap3A_511], %swap3A_514 {strides = array<i32>} : memref<128xi32, #tpu.memory_space<vmem>>, vector<16xi32>,
      %shift_right_logical3A_515 = arith.constant 14 : i32
      %shift_right_logical3A_516 = vector.broadcast %shift_right_logical3A_515 : i32 to vector<16xi32>
      %shift_right_logical3A_517 = arith.shrui %get3A_507, %shift_right_logical3A_516 : vector<16xi32>
      %swap3A_518 = arith.constant 16 : index
      %swap3A_519 = tpu.vector_load %arg10[%swap3A_518] {strides = array<i32>} : memref<128xi32, #tpu.memory_space<vmem>>, vector<16xi32>,
      %swap3A_520 = vector.shape_cast %swap3A_519 : vector<16xi32> to vector<16xi32>
      %swap3A_521 = vector.shape_cast %shift_right_logical3A_517 : vector<16xi32> to vector<16xi32>
      tpu.vector_store %arg10[%swap3A_518], %swap3A_521 {strides = array<i32>} : memref<128xi32, #tpu.memory_space<vmem>>, vector<16xi32>,
      %get3A_522 = arith.index_cast %min3A_485 : i32 to index
      %get3A_523 = arith.constant 32 : index
      %get3A_524 = tpu.vector_load %arg6[%get3A_522, %get3A_523] {strides = array<i32>} : memref<80x128xi32, #tpu.memory_space<vmem>>, vector<1x16xi32>,
      %get3A_525 = vector.shape_cast %get3A_524 : vector<1x16xi32> to vector<16xi32>
      %and3A_526 = arith.constant 16383 : i32
      %and3A_527 = vector.broadcast %and3A_526 : i32 to vector<16xi32>
      %and3A_528 = arith.andi %get3A_525, %and3A_527 : vector<16xi32>
      %swap3A_529 = arith.constant 32 : index
      %swap3A_530 = tpu.vector_load %arg8[%swap3A_529] {strides = array<i32>} : memref<128xi32, #tpu.memory_space<vmem>>, vector<16xi32>,
      %swap3A_531 = vector.shape_cast %swap3A_530 : vector<16xi32> to vector<16xi32>
      %swap3A_532 = vector.shape_cast %and3A_528 : vector<16xi32> to vector<16xi32>
      tpu.vector_store %arg8[%swap3A_529], %swap3A_532 {strides = array<i32>} : memref<128xi32, #tpu.memory_space<vmem>>, vector<16xi32>,
      %shift_right_logical3A_533 = arith.constant 14 : i32
      %shift_right_logical3A_534 = vector.broadcast %shift_right_logical3A_533 : i32 to vector<16xi32>
      %shift_right_logical3A_535 = arith.shrui %get3A_525, %shift_right_logical3A_534 : vector<16xi32>
      %swap3A_536 = arith.constant 32 : index
      %swap3A_537 = tpu.vector_load %arg10[%swap3A_536] {strides = array<i32>} : memref<128xi32, #tpu.memory_space<vmem>>, vector<16xi32>,
      %swap3A_538 = vector.shape_cast %swap3A_537 : vector<16xi32> to vector<16xi32>
      %swap3A_539 = vector.shape_cast %shift_right_logical3A_535 : vector<16xi32> to vector<16xi32>
      tpu.vector_store %arg10[%swap3A_536], %swap3A_539 {strides = array<i32>} : memref<128xi32, #tpu.memory_space<vmem>>, vector<16xi32>,
      %get3A_540 = arith.index_cast %min3A_485 : i32 to index
      %get3A_541 = arith.constant 48 : index
      %get3A_542 = tpu.vector_load %arg6[%get3A_540, %get3A_541] {strides = array<i32>} : memref<80x128xi32, #tpu.memory_space<vmem>>, vector<1x16xi32>,
      %get3A_543 = vector.shape_cast %get3A_542 : vector<1x16xi32> to vector<16xi32>
      %and3A_544 = arith.constant 16383 : i32
      %and3A_545 = vector.broadcast %and3A_544 : i32 to vector<16xi32>
      %and3A_546 = arith.andi %get3A_543, %and3A_545 : vector<16xi32>
      %swap3A_547 = arith.constant 48 : index
      %swap3A_548 = tpu.vector_load %arg8[%swap3A_547] {strides = array<i32>} : memref<128xi32, #tpu.memory_space<vmem>>, vector<16xi32>,
      %swap3A_549 = vector.shape_cast %swap3A_548 : vector<16xi32> to vector<16xi32>
      %swap3A_550 = vector.shape_cast %and3A_546 : vector<16xi32> to vector<16xi32>
      tpu.vector_store %arg8[%swap3A_547], %swap3A_550 {strides = array<i32>} : memref<128xi32, #tpu.memory_space<vmem>>, vector<16xi32>,
      %shift_right_logical3A_551 = arith.constant 14 : i32
      %shift_right_logical3A_552 = vector.broadcast %shift_right_logical3A_551 : i32 to vector<16xi32>
      %shift_right_logical3A_553 = arith.shrui %get3A_543, %shift_right_logical3A_552 : vector<16xi32>
      %swap3A_554 = arith.constant 48 : index
      %swap3A_555 = tpu.vector_load %arg10[%swap3A_554] {strides = array<i32>} : memref<128xi32, #tpu.memory_space<vmem>>, vector<16xi32>,
      %swap3A_556 = vector.shape_cast %swap3A_555 : vector<16xi32> to vector<16xi32>
      %swap3A_557 = vector.shape_cast %shift_right_logical3A_553 : vector<16xi32> to vector<16xi32>
      tpu.vector_store %arg10[%swap3A_554], %swap3A_557 {strides = array<i32>} : memref<128xi32, #tpu.memory_space<vmem>>, vector<16xi32>,
      %get3A_558 = arith.index_cast %min3A_485 : i32 to index
      %get3A_559 = arith.constant 64 : index
      %get3A_560 = tpu.vector_load %arg6[%get3A_558, %get3A_559] {strides = array<i32>} : memref<80x128xi32, #tpu.memory_space<vmem>>, vector<1x16xi32>,
      %get3A_561 = vector.shape_cast %get3A_560 : vector<1x16xi32> to vector<16xi32>
      %and3A_562 = arith.constant 16383 : i32
      %and3A_563 = vector.broadcast %and3A_562 : i32 to vector<16xi32>
      %and3A_564 = arith.andi %get3A_561, %and3A_563 : vector<16xi32>
      %swap3A_565 = arith.constant 64 : index
      %swap3A_566 = tpu.vector_load %arg8[%swap3A_565] {strides = array<i32>} : memref<128xi32, #tpu.memory_space<vmem>>, vector<16xi32>,
      %swap3A_567 = vector.shape_cast %swap3A_566 : vector<16xi32> to vector<16xi32>
      %swap3A_568 = vector.shape_cast %and3A_564 : vector<16xi32> to vector<16xi32>
      tpu.vector_store %arg8[%swap3A_565], %swap3A_568 {strides = array<i32>} : memref<128xi32, #tpu.memory_space<vmem>>, vector<16xi32>,
      %shift_right_logical3A_569 = arith.constant 14 : i32
      %shift_right_logical3A_570 = vector.broadcast %shift_right_logical3A_569 : i32 to vector<16xi32>
      %shift_right_logical3A_571 = arith.shrui %get3A_561, %shift_right_logical3A_570 : vector<16xi32>
      %swap3A_572 = arith.constant 64 : index
      %swap3A_573 = tpu.vector_load %arg10[%swap3A_572] {strides = array<i32>} : memref<128xi32, #tpu.memory_space<vmem>>, vector<16xi32>,
      %swap3A_574 = vector.shape_cast %swap3A_573 : vector<16xi32> to vector<16xi32>
      %swap3A_575 = vector.shape_cast %shift_right_logical3A_571 : vector<16xi32> to vector<16xi32>
      tpu.vector_store %arg10[%swap3A_572], %swap3A_575 {strides = array<i32>} : memref<128xi32, #tpu.memory_space<vmem>>, vector<16xi32>,
      %get3A_576 = arith.index_cast %min3A_485 : i32 to index
      %get3A_577 = arith.constant 80 : index
      %get3A_578 = tpu.vector_load %arg6[%get3A_576, %get3A_577] {strides = array<i32>} : memref<80x128xi32, #tpu.memory_space<vmem>>, vector<1x16xi32>,
      %get3A_579 = vector.shape_cast %get3A_578 : vector<1x16xi32> to vector<16xi32>
      %and3A_580 = arith.constant 16383 : i32
      %and3A_581 = vector.broadcast %and3A_580 : i32 to vector<16xi32>
      %and3A_582 = arith.andi %get3A_579, %and3A_581 : vector<16xi32>
      %swap3A_583 = arith.constant 80 : index
      %swap3A_584 = tpu.vector_load %arg8[%swap3A_583] {strides = array<i32>} : memref<128xi32, #tpu.memory_space<vmem>>, vector<16xi32>,
      %swap3A_585 = vector.shape_cast %swap3A_584 : vector<16xi32> to vector<16xi32>
      %swap3A_586 = vector.shape_cast %and3A_582 : vector<16xi32> to vector<16xi32>
      tpu.vector_store %arg8[%swap3A_583], %swap3A_586 {strides = array<i32>} : memref<128xi32, #tpu.memory_space<vmem>>, vector<16xi32>,
      %shift_right_logical3A_587 = arith.constant 14 : i32
      %shift_right_logical3A_588 = vector.broadcast %shift_right_logical3A_587 : i32 to vector<16xi32>
      %shift_right_logical3A_589 = arith.shrui %get3A_579, %shift_right_logical3A_588 : vector<16xi32>
      %swap3A_590 = arith.constant 80 : index
      %swap3A_591 = tpu.vector_load %arg10[%swap3A_590] {strides = array<i32>} : memref<128xi32, #tpu.memory_space<vmem>>, vector<16xi32>,
      %swap3A_592 = vector.shape_cast %swap3A_591 : vector<16xi32> to vector<16xi32>
      %swap3A_593 = vector.shape_cast %shift_right_logical3A_589 : vector<16xi32> to vector<16xi32>
      tpu.vector_store %arg10[%swap3A_590], %swap3A_593 {strides = array<i32>} : memref<128xi32, #tpu.memory_space<vmem>>, vector<16xi32>,
      %get3A_594 = arith.index_cast %min3A_485 : i32 to index
      %get3A_595 = arith.constant 96 : index
      %get3A_596 = tpu.vector_load %arg6[%get3A_594, %get3A_595] {strides = array<i32>} : memref<80x128xi32, #tpu.memory_space<vmem>>, vector<1x16xi32>,
      %get3A_597 = vector.shape_cast %get3A_596 : vector<1x16xi32> to vector<16xi32>
      %and3A_598 = arith.constant 16383 : i32
      %and3A_599 = vector.broadcast %and3A_598 : i32 to vector<16xi32>
      %and3A_600 = arith.andi %get3A_597, %and3A_599 : vector<16xi32>
      %swap3A_601 = arith.constant 96 : index
      %swap3A_602 = tpu.vector_load %arg8[%swap3A_601] {strides = array<i32>} : memref<128xi32, #tpu.memory_space<vmem>>, vector<16xi32>,
      %swap3A_603 = vector.shape_cast %swap3A_602 : vector<16xi32> to vector<16xi32>
      %swap3A_604 = vector.shape_cast %and3A_600 : vector<16xi32> to vector<16xi32>
      tpu.vector_store %arg8[%swap3A_601], %swap3A_604 {strides = array<i32>} : memref<128xi32, #tpu.memory_space<vmem>>, vector<16xi32>,
      %shift_right_logical3A_605 = arith.constant 14 : i32
      %shift_right_logical3A_606 = vector.broadcast %shift_right_logical3A_605 : i32 to vector<16xi32>
      %shift_right_logical3A_607 = arith.shrui %get3A_597, %shift_right_logical3A_606 : vector<16xi32>
      %swap3A_608 = arith.constant 96 : index
      %swap3A_609 = tpu.vector_load %arg10[%swap3A_608] {strides = array<i32>} : memref<128xi32, #tpu.memory_space<vmem>>, vector<16xi32>,
      %swap3A_610 = vector.shape_cast %swap3A_609 : vector<16xi32> to vector<16xi32>
      %swap3A_611 = vector.shape_cast %shift_right_logical3A_607 : vector<16xi32> to vector<16xi32>
      tpu.vector_store %arg10[%swap3A_608], %swap3A_611 {strides = array<i32>} : memref<128xi32, #tpu.memory_space<vmem>>, vector<16xi32>,
      %get3A_612 = arith.index_cast %min3A_485 : i32 to index
      %get3A_613 = arith.constant 112 : index
      %get3A_614 = tpu.vector_load %arg6[%get3A_612, %get3A_613] {strides = array<i32>} : memref<80x128xi32, #tpu.memory_space<vmem>>, vector<1x16xi32>,
      %get3A_615 = vector.shape_cast %get3A_614 : vector<1x16xi32> to vector<16xi32>
      %and3A_616 = arith.constant 16383 : i32
      %and3A_617 = vector.broadcast %and3A_616 : i32 to vector<16xi32>
      %and3A_618 = arith.andi %get3A_615, %and3A_617 : vector<16xi32>
      %swap3A_619 = arith.constant 112 : index
      %swap3A_620 = tpu.vector_load %arg8[%swap3A_619] {strides = array<i32>} : memref<128xi32, #tpu.memory_space<vmem>>, vector<16xi32>,
      %swap3A_621 = vector.shape_cast %swap3A_620 : vector<16xi32> to vector<16xi32>
      %swap3A_622 = vector.shape_cast %and3A_618 : vector<16xi32> to vector<16xi32>
      tpu.vector_store %arg8[%swap3A_619], %swap3A_622 {strides = array<i32>} : memref<128xi32, #tpu.memory_space<vmem>>, vector<16xi32>,
      %shift_right_logical3A_623 = arith.constant 14 : i32
      %shift_right_logical3A_624 = vector.broadcast %shift_right_logical3A_623 : i32 to vector<16xi32>
      %shift_right_logical3A_625 = arith.shrui %get3A_615, %shift_right_logical3A_624 : vector<16xi32>
      %swap3A_626 = arith.constant 112 : index
      %swap3A_627 = tpu.vector_load %arg10[%swap3A_626] {strides = array<i32>} : memref<128xi32, #tpu.memory_space<vmem>>, vector<16xi32>,
      %swap3A_628 = vector.shape_cast %swap3A_627 : vector<16xi32> to vector<16xi32>
      %swap3A_629 = vector.shape_cast %shift_right_logical3A_625 : vector<16xi32> to vector<16xi32>
      tpu.vector_store %arg10[%swap3A_626], %swap3A_629 {strides = array<i32>} : memref<128xi32, #tpu.memory_space<vmem>>, vector<16xi32>,
      %dma_start3A_630 = arith.constant 0 : i32
      %dma_start3A_631 = arith.constant 0 : i32
      %dma_start3A_632 = tpu.memref_slice %arg2[%dma_start3A_630, %dma_start3A_631] : memref<10000x128xf32, #tpu.memory_space<hbm>> -> memref<10000x128xf32, #tpu.memory_space<hbm>>
      tpu.enqueue_indirect_dma source(%dma_start3A_632 : memref<10000x128xf32, #tpu.memory_space<hbm>>) target(%arg12 : memref<128x128xf32, #tpu.memory_space<vmem>>) offsets(%arg8 : memref<128xi32, #tpu.memory_space<vmem>>) semaphore(%arg15 : memref<!tpu.dma_semaphore, #tpu.memory_space<semaphore_mem>>)
    }
    %scan3A_312 = arith.constant 40 : i32
    %dma_wait3A = arith.constant 0 : i32
    %dma_wait3A_313 = arith.constant 0 : i32
    %dma_wait3A_314 = tpu.memref_slice %arg2[%dma_wait3A, %dma_wait3A_313] : memref<10000x128xf32, #tpu.memory_space<hbm>> -> memref<10000x128xf32, #tpu.memory_space<hbm>>
    tpu.wait_indirect_dma semaphore(%arg14 : memref<!tpu.dma_semaphore, #tpu.memory_space<semaphore_mem>>) src(%dma_wait3A_314 : memref<10000x128xf32, #tpu.memory_space<hbm>>) dst(%arg11 : memref<128x128xf32, #tpu.memory_space<vmem>>)
    %dma_wait3A_315 = arith.constant 0 : i32
    %dma_wait3A_316 = arith.constant 0 : i32
    %dma_wait3A_317 = tpu.memref_slice %arg2[%dma_wait3A_315, %dma_wait3A_316] : memref<10000x128xf32, #tpu.memory_space<hbm>> -> memref<10000x128xf32, #tpu.memory_space<hbm>>
    tpu.wait_indirect_dma semaphore(%arg15 : memref<!tpu.dma_semaphore, #tpu.memory_space<semaphore_mem>>) src(%dma_wait3A_317 : memref<10000x128xf32, #tpu.memory_space<hbm>>) dst(%arg12 : memref<128x128xf32, #tpu.memory_space<vmem>>)
    %barrier3A_318 = arith.constant 0 : index
    tpu.barrier barrier_id(%barrier3A_318)
    %mul3A_319 = arith.constant 648 : i32
    %mul3A_320 = arith.muli %arg1, %mul3A_319 : i32
    %mul3A_321 = arith.constant 648 : i32
    %mul3A_322 = arith.muli %arg1, %mul3A_321 : i32
    "tpu.region"() ({
      %run_scoped3A = tpu.sem_alloc : memref<!tpu.dma_semaphore, #tpu.memory_space<semaphore_mem>>
      %dma_start3A_323 = arith.constant 0 : i32
      %dma_start3A_324 = tpu.memref_slice %arg5[%arg0, %mul3A_322, %dma_start3A_323] : memref<2x10368x128xf32, #tpu.memory_space<hbm>> -> memref<1x648x128xf32, #tpu.memory_space<hbm>>
      %dma_start3A_325 = tpu.memref_squeeze %dma_start3A_324 : memref<1x648x128xf32, #tpu.memory_space<hbm>> -> memref<648x128xf32, #tpu.memory_space<hbm>>
      %dma_start3A_326 = arith.constant 0 : i32
      %dma_start3A_327 = tpu.memref_slice %arg13[%mul3A_320, %dma_start3A_326] : memref<10368x128xf32, #tpu.memory_space<vmem_shared>> -> memref<648x128xf32, #tpu.memory_space<vmem_shared>>
      tpu.enqueue_dma source(%dma_start3A_327 : memref<648x128xf32, #tpu.memory_space<vmem_shared>>) target(%dma_start3A_325 : memref<648x128xf32, #tpu.memory_space<hbm>>) target_semaphore(%run_scoped3A : memref<!tpu.dma_semaphore, #tpu.memory_space<semaphore_mem>>)
      %dma_wait3A_328 = arith.constant 0 : i32
      %dma_wait3A_329 = tpu.memref_slice %arg5[%arg0, %mul3A_322, %dma_wait3A_328] : memref<2x10368x128xf32, #tpu.memory_space<hbm>> -> memref<1x648x128xf32, #tpu.memory_space<hbm>>
      %dma_wait3A_330 = tpu.memref_squeeze %dma_wait3A_329 : memref<1x648x128xf32, #tpu.memory_space<hbm>> -> memref<648x128xf32, #tpu.memory_space<hbm>>
      %dma_wait3A_331 = arith.constant 0 : i32
      %dma_wait3A_332 = tpu.memref_slice %arg13[%mul3A_320, %dma_wait3A_331] : memref<10368x128xf32, #tpu.memory_space<vmem_shared>> -> memref<648x128xf32, #tpu.memory_space<vmem_shared>>
      tpu.wait_dma2 semaphore(%run_scoped3A : memref<!tpu.dma_semaphore, #tpu.memory_space<semaphore_mem>>) src(%dma_wait3A_332 : memref<648x128xf32, #tpu.memory_space<vmem_shared>>) dst(%dma_wait3A_330 : memref<648x128xf32, #tpu.memory_space<hbm>>)
      tpu.yield
    }) : () -> ()
    return
  }
}

#map = affine_map<(d0, d1) -> (0, 0)>
#map1 = affine_map<(d0, d1) -> (0, 0, 0)>
module attributes {stable_mosaic.version = 14 : i64} {
  func.func @segsum(%arg0: i32, %arg1: i32, %arg2: memref<10000x128xf32, #tpu.memory_space<hbm>>, %arg3: memref<32x80x128xi32, #tpu.memory_space<hbm>>, %arg4: memref<648x128xf32, #tpu.memory_space<hbm>>, %arg5: memref<2x10368x128xf32, #tpu.memory_space<hbm>>, %arg6: memref<80x128xi32, #tpu.memory_space<vmem>>, %arg7: memref<128xi32, #tpu.memory_space<vmem>>, %arg8: memref<128xi32, #tpu.memory_space<vmem>>, %arg9: memref<128xi32, #tpu.memory_space<vmem>>, %arg10: memref<128xi32, #tpu.memory_space<vmem>>, %arg11: memref<128x128xf32, #tpu.memory_space<vmem>>, %arg12: memref<128x128xf32, #tpu.memory_space<vmem>>, %arg13: memref<10368x128xf32, #tpu.memory_space<vmem_shared>>, %arg14: memref<!tpu.dma_semaphore, #tpu.memory_space<semaphore_mem>>, %arg15: memref<!tpu.dma_semaphore, #tpu.memory_space<semaphore_mem>>) attributes {dimension_semantics = [#tpu.dimension_semantics<core_parallel>, #tpu.dimension_semantics<subcore_parallel>], iteration_bounds = array<i64: 2, 16>, scalar_prefetch = 0 : i64, scratch_operands = 10 : i64, tpu.core_type = #tpu.core_type<sc_vector_subcore>, window_params = [{transform_indices = #map}, {transform_indices = #map1}, {transform_indices = #map}, {transform_indices = #map1}]} {
    %mul3A = arith.constant 2 : i32
    %mul3A_0 = arith.muli %arg1, %mul3A : i32
    %add3A = arith.addi %mul3A_0, %arg0 : i32
    "tpu.region"() ({
      %run_scoped3A = tpu.sem_alloc : memref<!tpu.dma_semaphore, #tpu.memory_space<semaphore_mem>>
      %dma_start3A_323 = arith.constant 0 : i32
      %dma_start3A_324 = arith.constant 0 : i32
      %dma_start3A_325 = tpu.memref_slice %arg3[%add3A, %dma_start3A_323, %dma_start3A_324] : memref<32x80x128xi32, #tpu.memory_space<hbm>> -> memref<1x80x128xi32, #tpu.memory_space<hbm>>
      %dma_start3A_326 = tpu.memref_squeeze %dma_start3A_325 : memref<1x80x128xi32, #tpu.memory_space<hbm>> -> memref<80x128xi32, #tpu.memory_space<hbm>>
      %dma_start3A_327 = arith.constant 0 : i32
      %dma_start3A_328 = arith.constant 0 : i32
      %dma_start3A_329 = tpu.memref_slice %arg3[%add3A, %dma_start3A_327, %dma_start3A_328] : memref<32x80x128xi32, #tpu.memory_space<hbm>> -> memref<1x80x128xi32, #tpu.memory_space<hbm>>
      %dma_start3A_330 = tpu.memref_squeeze %dma_start3A_329 : memref<1x80x128xi32, #tpu.memory_space<hbm>> -> memref<80x128xi32, #tpu.memory_space<hbm>>
      tpu.enqueue_dma source(%dma_start3A_330 : memref<80x128xi32, #tpu.memory_space<hbm>>) target(%arg6 : memref<80x128xi32, #tpu.memory_space<vmem>>) target_semaphore(%run_scoped3A : memref<!tpu.dma_semaphore, #tpu.memory_space<semaphore_mem>>)
      %dma_wait3A_331 = arith.constant 0 : i32
      %dma_wait3A_332 = arith.constant 0 : i32
      %dma_wait3A_333 = tpu.memref_slice %arg3[%add3A, %dma_wait3A_331, %dma_wait3A_332] : memref<32x80x128xi32, #tpu.memory_space<hbm>> -> memref<1x80x128xi32, #tpu.memory_space<hbm>>
      %dma_wait3A_334 = tpu.memref_squeeze %dma_wait3A_333 : memref<1x80x128xi32, #tpu.memory_space<hbm>> -> memref<80x128xi32, #tpu.memory_space<hbm>>
      %dma_wait3A_335 = arith.constant 0 : i32
      %dma_wait3A_336 = arith.constant 0 : i32
      %dma_wait3A_337 = tpu.memref_slice %arg3[%add3A, %dma_wait3A_335, %dma_wait3A_336] : memref<32x80x128xi32, #tpu.memory_space<hbm>> -> memref<1x80x128xi32, #tpu.memory_space<hbm>>
      %dma_wait3A_338 = tpu.memref_squeeze %dma_wait3A_337 : memref<1x80x128xi32, #tpu.memory_space<hbm>> -> memref<80x128xi32, #tpu.memory_space<hbm>>
      tpu.wait_dma2 semaphore(%run_scoped3A : memref<!tpu.dma_semaphore, #tpu.memory_space<semaphore_mem>>) src(%dma_wait3A_338 : memref<80x128xi32, #tpu.memory_space<hbm>>) dst(%arg6 : memref<80x128xi32, #tpu.memory_space<vmem>>)
      tpu.yield
    }) : () -> ()
    %mul3A_1 = arith.constant 648 : i32
    %mul3A_2 = arith.muli %arg1, %mul3A_1 : i32
    "tpu.region"() ({
      %run_scoped3A = tpu.sem_alloc : memref<!tpu.dma_semaphore, #tpu.memory_space<semaphore_mem>>
      %dma_start3A_323 = arith.constant 0 : i32
      %dma_start3A_324 = tpu.memref_slice %arg13[%mul3A_2, %dma_start3A_323] : memref<10368x128xf32, #tpu.memory_space<vmem_shared>> -> memref<648x128xf32, #tpu.memory_space<vmem_shared>>
      tpu.enqueue_dma source(%arg4 : memref<648x128xf32, #tpu.memory_space<hbm>>) target(%dma_start3A_324 : memref<648x128xf32, #tpu.memory_space<vmem_shared>>) target_semaphore(%run_scoped3A : memref<!tpu.dma_semaphore, #tpu.memory_space<semaphore_mem>>)
      %dma_wait3A_325 = arith.constant 0 : i32
      %dma_wait3A_326 = tpu.memref_slice %arg13[%mul3A_2, %dma_wait3A_325] : memref<10368x128xf32, #tpu.memory_space<vmem_shared>> -> memref<648x128xf32, #tpu.memory_space<vmem_shared>>
      tpu.wait_dma2 semaphore(%run_scoped3A : memref<!tpu.dma_semaphore, #tpu.memory_space<semaphore_mem>>) src(%arg4 : memref<648x128xf32, #tpu.memory_space<hbm>>) dst(%dma_wait3A_326 : memref<648x128xf32, #tpu.memory_space<vmem_shared>>)
      tpu.yield
    }) : () -> ()
    %barrier3A = arith.constant 0 : index
    tpu.barrier barrier_id(%barrier3A)
    %get3A = arith.constant 0 : i32
    %get3A_3 = arith.index_cast %get3A : i32 to index
    %get3A_4 = arith.constant 0 : index
    %get3A_5 = tpu.vector_load %arg6[%get3A_3, %get3A_4] {strides = array<i32>} : memref<80x128xi32, #tpu.memory_space<vmem>>, vector<1x16xi32>,
    %get3A_6 = vector.shape_cast %get3A_5 : vector<1x16xi32> to vector<16xi32>
    %and3A = arith.constant 16383 : i32
    %and3A_7 = vector.broadcast %and3A : i32 to vector<16xi32>
    %and3A_8 = arith.andi %get3A_6, %and3A_7 : vector<16xi32>
    %swap3A = arith.constant 0 : index
    %swap3A_9 = tpu.vector_load %arg7[%swap3A] {strides = array<i32>} : memref<128xi32, #tpu.memory_space<vmem>>, vector<16xi32>,
    %swap3A_10 = vector.shape_cast %swap3A_9 : vector<16xi32> to vector<16xi32>
    %swap3A_11 = vector.shape_cast %and3A_8 : vector<16xi32> to vector<16xi32>
    tpu.vector_store %arg7[%swap3A], %swap3A_11 {strides = array<i32>} : memref<128xi32, #tpu.memory_space<vmem>>, vector<16xi32>,
    %shift_right_logical3A = arith.constant 14 : i32
    %shift_right_logical3A_12 = vector.broadcast %shift_right_logical3A : i32 to vector<16xi32>
    %shift_right_logical3A_13 = arith.shrui %get3A_6, %shift_right_logical3A_12 : vector<16xi32>
    %swap3A_14 = arith.constant 0 : index
    %swap3A_15 = tpu.vector_load %arg9[%swap3A_14] {strides = array<i32>} : memref<128xi32, #tpu.memory_space<vmem>>, vector<16xi32>,
    %swap3A_16 = vector.shape_cast %swap3A_15 : vector<16xi32> to vector<16xi32>
    %swap3A_17 = vector.shape_cast %shift_right_logical3A_13 : vector<16xi32> to vector<16xi32>
    tpu.vector_store %arg9[%swap3A_14], %swap3A_17 {strides = array<i32>} : memref<128xi32, #tpu.memory_space<vmem>>, vector<16xi32>,
    %get3A_18 = arith.constant 0 : i32
    %get3A_19 = arith.index_cast %get3A_18 : i32 to index
    %get3A_20 = arith.constant 16 : index
    %get3A_21 = tpu.vector_load %arg6[%get3A_19, %get3A_20] {strides = array<i32>} : memref<80x128xi32, #tpu.memory_space<vmem>>, vector<1x16xi32>,
    %get3A_22 = vector.shape_cast %get3A_21 : vector<1x16xi32> to vector<16xi32>
    %and3A_23 = arith.constant 16383 : i32
    %and3A_24 = vector.broadcast %and3A_23 : i32 to vector<16xi32>
    %and3A_25 = arith.andi %get3A_22, %and3A_24 : vector<16xi32>
    %swap3A_26 = arith.constant 16 : index
    %swap3A_27 = tpu.vector_load %arg7[%swap3A_26] {strides = array<i32>} : memref<128xi32, #tpu.memory_space<vmem>>, vector<16xi32>,
    %swap3A_28 = vector.shape_cast %swap3A_27 : vector<16xi32> to vector<16xi32>
    %swap3A_29 = vector.shape_cast %and3A_25 : vector<16xi32> to vector<16xi32>
    tpu.vector_store %arg7[%swap3A_26], %swap3A_29 {strides = array<i32>} : memref<128xi32, #tpu.memory_space<vmem>>, vector<16xi32>,
    %shift_right_logical3A_30 = arith.constant 14 : i32
    %shift_right_logical3A_31 = vector.broadcast %shift_right_logical3A_30 : i32 to vector<16xi32>
    %shift_right_logical3A_32 = arith.shrui %get3A_22, %shift_right_logical3A_31 : vector<16xi32>
    %swap3A_33 = arith.constant 16 : index
    %swap3A_34 = tpu.vector_load %arg9[%swap3A_33] {strides = array<i32>} : memref<128xi32, #tpu.memory_space<vmem>>, vector<16xi32>,
    %swap3A_35 = vector.shape_cast %swap3A_34 : vector<16xi32> to vector<16xi32>
    %swap3A_36 = vector.shape_cast %shift_right_logical3A_32 : vector<16xi32> to vector<16xi32>
    tpu.vector_store %arg9[%swap3A_33], %swap3A_36 {strides = array<i32>} : memref<128xi32, #tpu.memory_space<vmem>>, vector<16xi32>,
    %get3A_37 = arith.constant 0 : i32
    %get3A_38 = arith.index_cast %get3A_37 : i32 to index
    %get3A_39 = arith.constant 32 : index
    %get3A_40 = tpu.vector_load %arg6[%get3A_38, %get3A_39] {strides = array<i32>} : memref<80x128xi32, #tpu.memory_space<vmem>>, vector<1x16xi32>,
    %get3A_41 = vector.shape_cast %get3A_40 : vector<1x16xi32> to vector<16xi32>
    %and3A_42 = arith.constant 16383 : i32
    %and3A_43 = vector.broadcast %and3A_42 : i32 to vector<16xi32>
    %and3A_44 = arith.andi %get3A_41, %and3A_43 : vector<16xi32>
    %swap3A_45 = arith.constant 32 : index
    %swap3A_46 = tpu.vector_load %arg7[%swap3A_45] {strides = array<i32>} : memref<128xi32, #tpu.memory_space<vmem>>, vector<16xi32>,
    %swap3A_47 = vector.shape_cast %swap3A_46 : vector<16xi32> to vector<16xi32>
    %swap3A_48 = vector.shape_cast %and3A_44 : vector<16xi32> to vector<16xi32>
    tpu.vector_store %arg7[%swap3A_45], %swap3A_48 {strides = array<i32>} : memref<128xi32, #tpu.memory_space<vmem>>, vector<16xi32>,
    %shift_right_logical3A_49 = arith.constant 14 : i32
    %shift_right_logical3A_50 = vector.broadcast %shift_right_logical3A_49 : i32 to vector<16xi32>
    %shift_right_logical3A_51 = arith.shrui %get3A_41, %shift_right_logical3A_50 : vector<16xi32>
    %swap3A_52 = arith.constant 32 : index
    %swap3A_53 = tpu.vector_load %arg9[%swap3A_52] {strides = array<i32>} : memref<128xi32, #tpu.memory_space<vmem>>, vector<16xi32>,
    %swap3A_54 = vector.shape_cast %swap3A_53 : vector<16xi32> to vector<16xi32>
    %swap3A_55 = vector.shape_cast %shift_right_logical3A_51 : vector<16xi32> to vector<16xi32>
    tpu.vector_store %arg9[%swap3A_52], %swap3A_55 {strides = array<i32>} : memref<128xi32, #tpu.memory_space<vmem>>, vector<16xi32>,
    %get3A_56 = arith.constant 0 : i32
    %get3A_57 = arith.index_cast %get3A_56 : i32 to index
    %get3A_58 = arith.constant 48 : index
    %get3A_59 = tpu.vector_load %arg6[%get3A_57, %get3A_58] {strides = array<i32>} : memref<80x128xi32, #tpu.memory_space<vmem>>, vector<1x16xi32>,
    %get3A_60 = vector.shape_cast %get3A_59 : vector<1x16xi32> to vector<16xi32>
    %and3A_61 = arith.constant 16383 : i32
    %and3A_62 = vector.broadcast %and3A_61 : i32 to vector<16xi32>
    %and3A_63 = arith.andi %get3A_60, %and3A_62 : vector<16xi32>
    %swap3A_64 = arith.constant 48 : index
    %swap3A_65 = tpu.vector_load %arg7[%swap3A_64] {strides = array<i32>} : memref<128xi32, #tpu.memory_space<vmem>>, vector<16xi32>,
    %swap3A_66 = vector.shape_cast %swap3A_65 : vector<16xi32> to vector<16xi32>
    %swap3A_67 = vector.shape_cast %and3A_63 : vector<16xi32> to vector<16xi32>
    tpu.vector_store %arg7[%swap3A_64], %swap3A_67 {strides = array<i32>} : memref<128xi32, #tpu.memory_space<vmem>>, vector<16xi32>,
    %shift_right_logical3A_68 = arith.constant 14 : i32
    %shift_right_logical3A_69 = vector.broadcast %shift_right_logical3A_68 : i32 to vector<16xi32>
    %shift_right_logical3A_70 = arith.shrui %get3A_60, %shift_right_logical3A_69 : vector<16xi32>
    %swap3A_71 = arith.constant 48 : index
    %swap3A_72 = tpu.vector_load %arg9[%swap3A_71] {strides = array<i32>} : memref<128xi32, #tpu.memory_space<vmem>>, vector<16xi32>,
    %swap3A_73 = vector.shape_cast %swap3A_72 : vector<16xi32> to vector<16xi32>
    %swap3A_74 = vector.shape_cast %shift_right_logical3A_70 : vector<16xi32> to vector<16xi32>
    tpu.vector_store %arg9[%swap3A_71], %swap3A_74 {strides = array<i32>} : memref<128xi32, #tpu.memory_space<vmem>>, vector<16xi32>,
    %get3A_75 = arith.constant 0 : i32
    %get3A_76 = arith.index_cast %get3A_75 : i32 to index
    %get3A_77 = arith.constant 64 : index
    %get3A_78 = tpu.vector_load %arg6[%get3A_76, %get3A_77] {strides = array<i32>} : memref<80x128xi32, #tpu.memory_space<vmem>>, vector<1x16xi32>,
    %get3A_79 = vector.shape_cast %get3A_78 : vector<1x16xi32> to vector<16xi32>
    %and3A_80 = arith.constant 16383 : i32
    %and3A_81 = vector.broadcast %and3A_80 : i32 to vector<16xi32>
    %and3A_82 = arith.andi %get3A_79, %and3A_81 : vector<16xi32>
    %swap3A_83 = arith.constant 64 : index
    %swap3A_84 = tpu.vector_load %arg7[%swap3A_83] {strides = array<i32>} : memref<128xi32, #tpu.memory_space<vmem>>, vector<16xi32>,
    %swap3A_85 = vector.shape_cast %swap3A_84 : vector<16xi32> to vector<16xi32>
    %swap3A_86 = vector.shape_cast %and3A_82 : vector<16xi32> to vector<16xi32>
    tpu.vector_store %arg7[%swap3A_83], %swap3A_86 {strides = array<i32>} : memref<128xi32, #tpu.memory_space<vmem>>, vector<16xi32>,
    %shift_right_logical3A_87 = arith.constant 14 : i32
    %shift_right_logical3A_88 = vector.broadcast %shift_right_logical3A_87 : i32 to vector<16xi32>
    %shift_right_logical3A_89 = arith.shrui %get3A_79, %shift_right_logical3A_88 : vector<16xi32>
    %swap3A_90 = arith.constant 64 : index
    %swap3A_91 = tpu.vector_load %arg9[%swap3A_90] {strides = array<i32>} : memref<128xi32, #tpu.memory_space<vmem>>, vector<16xi32>,
    %swap3A_92 = vector.shape_cast %swap3A_91 : vector<16xi32> to vector<16xi32>
    %swap3A_93 = vector.shape_cast %shift_right_logical3A_89 : vector<16xi32> to vector<16xi32>
    tpu.vector_store %arg9[%swap3A_90], %swap3A_93 {strides = array<i32>} : memref<128xi32, #tpu.memory_space<vmem>>, vector<16xi32>,
    %get3A_94 = arith.constant 0 : i32
    %get3A_95 = arith.index_cast %get3A_94 : i32 to index
    %get3A_96 = arith.constant 80 : index
    %get3A_97 = tpu.vector_load %arg6[%get3A_95, %get3A_96] {strides = array<i32>} : memref<80x128xi32, #tpu.memory_space<vmem>>, vector<1x16xi32>,
    %get3A_98 = vector.shape_cast %get3A_97 : vector<1x16xi32> to vector<16xi32>
    %and3A_99 = arith.constant 16383 : i32
    %and3A_100 = vector.broadcast %and3A_99 : i32 to vector<16xi32>
    %and3A_101 = arith.andi %get3A_98, %and3A_100 : vector<16xi32>
    %swap3A_102 = arith.constant 80 : index
    %swap3A_103 = tpu.vector_load %arg7[%swap3A_102] {strides = array<i32>} : memref<128xi32, #tpu.memory_space<vmem>>, vector<16xi32>,
    %swap3A_104 = vector.shape_cast %swap3A_103 : vector<16xi32> to vector<16xi32>
    %swap3A_105 = vector.shape_cast %and3A_101 : vector<16xi32> to vector<16xi32>
    tpu.vector_store %arg7[%swap3A_102], %swap3A_105 {strides = array<i32>} : memref<128xi32, #tpu.memory_space<vmem>>, vector<16xi32>,
    %shift_right_logical3A_106 = arith.constant 14 : i32
    %shift_right_logical3A_107 = vector.broadcast %shift_right_logical3A_106 : i32 to vector<16xi32>
    %shift_right_logical3A_108 = arith.shrui %get3A_98, %shift_right_logical3A_107 : vector<16xi32>
    %swap3A_109 = arith.constant 80 : index
    %swap3A_110 = tpu.vector_load %arg9[%swap3A_109] {strides = array<i32>} : memref<128xi32, #tpu.memory_space<vmem>>, vector<16xi32>,
    %swap3A_111 = vector.shape_cast %swap3A_110 : vector<16xi32> to vector<16xi32>
    %swap3A_112 = vector.shape_cast %shift_right_logical3A_108 : vector<16xi32> to vector<16xi32>
    tpu.vector_store %arg9[%swap3A_109], %swap3A_112 {strides = array<i32>} : memref<128xi32, #tpu.memory_space<vmem>>, vector<16xi32>,
    %get3A_113 = arith.constant 0 : i32
    %get3A_114 = arith.index_cast %get3A_113 : i32 to index
    %get3A_115 = arith.constant 96 : index
    %get3A_116 = tpu.vector_load %arg6[%get3A_114, %get3A_115] {strides = array<i32>} : memref<80x128xi32, #tpu.memory_space<vmem>>, vector<1x16xi32>,
    %get3A_117 = vector.shape_cast %get3A_116 : vector<1x16xi32> to vector<16xi32>
    %and3A_118 = arith.constant 16383 : i32
    %and3A_119 = vector.broadcast %and3A_118 : i32 to vector<16xi32>
    %and3A_120 = arith.andi %get3A_117, %and3A_119 : vector<16xi32>
    %swap3A_121 = arith.constant 96 : index
    %swap3A_122 = tpu.vector_load %arg7[%swap3A_121] {strides = array<i32>} : memref<128xi32, #tpu.memory_space<vmem>>, vector<16xi32>,
    %swap3A_123 = vector.shape_cast %swap3A_122 : vector<16xi32> to vector<16xi32>
    %swap3A_124 = vector.shape_cast %and3A_120 : vector<16xi32> to vector<16xi32>
    tpu.vector_store %arg7[%swap3A_121], %swap3A_124 {strides = array<i32>} : memref<128xi32, #tpu.memory_space<vmem>>, vector<16xi32>,
    %shift_right_logical3A_125 = arith.constant 14 : i32
    %shift_right_logical3A_126 = vector.broadcast %shift_right_logical3A_125 : i32 to vector<16xi32>
    %shift_right_logical3A_127 = arith.shrui %get3A_117, %shift_right_logical3A_126 : vector<16xi32>
    %swap3A_128 = arith.constant 96 : index
    %swap3A_129 = tpu.vector_load %arg9[%swap3A_128] {strides = array<i32>} : memref<128xi32, #tpu.memory_space<vmem>>, vector<16xi32>,
    %swap3A_130 = vector.shape_cast %swap3A_129 : vector<16xi32> to vector<16xi32>
    %swap3A_131 = vector.shape_cast %shift_right_logical3A_127 : vector<16xi32> to vector<16xi32>
    tpu.vector_store %arg9[%swap3A_128], %swap3A_131 {strides = array<i32>} : memref<128xi32, #tpu.memory_space<vmem>>, vector<16xi32>,
    %get3A_132 = arith.constant 0 : i32
    %get3A_133 = arith.index_cast %get3A_132 : i32 to index
    %get3A_134 = arith.constant 112 : index
    %get3A_135 = tpu.vector_load %arg6[%get3A_133, %get3A_134] {strides = array<i32>} : memref<80x128xi32, #tpu.memory_space<vmem>>, vector<1x16xi32>,
    %get3A_136 = vector.shape_cast %get3A_135 : vector<1x16xi32> to vector<16xi32>
    %and3A_137 = arith.constant 16383 : i32
    %and3A_138 = vector.broadcast %and3A_137 : i32 to vector<16xi32>
    %and3A_139 = arith.andi %get3A_136, %and3A_138 : vector<16xi32>
    %swap3A_140 = arith.constant 112 : index
    %swap3A_141 = tpu.vector_load %arg7[%swap3A_140] {strides = array<i32>} : memref<128xi32, #tpu.memory_space<vmem>>, vector<16xi32>,
    %swap3A_142 = vector.shape_cast %swap3A_141 : vector<16xi32> to vector<16xi32>
    %swap3A_143 = vector.shape_cast %and3A_139 : vector<16xi32> to vector<16xi32>
    tpu.vector_store %arg7[%swap3A_140], %swap3A_143 {strides = array<i32>} : memref<128xi32, #tpu.memory_space<vmem>>, vector<16xi32>,
    %shift_right_logical3A_144 = arith.constant 14 : i32
    %shift_right_logical3A_145 = vector.broadcast %shift_right_logical3A_144 : i32 to vector<16xi32>
    %shift_right_logical3A_146 = arith.shrui %get3A_136, %shift_right_logical3A_145 : vector<16xi32>
    %swap3A_147 = arith.constant 112 : index
    %swap3A_148 = tpu.vector_load %arg9[%swap3A_147] {strides = array<i32>} : memref<128xi32, #tpu.memory_space<vmem>>, vector<16xi32>,
    %swap3A_149 = vector.shape_cast %swap3A_148 : vector<16xi32> to vector<16xi32>
    %swap3A_150 = vector.shape_cast %shift_right_logical3A_146 : vector<16xi32> to vector<16xi32>
    tpu.vector_store %arg9[%swap3A_147], %swap3A_150 {strides = array<i32>} : memref<128xi32, #tpu.memory_space<vmem>>, vector<16xi32>,
    %dma_start3A = arith.constant 0 : i32
    %dma_start3A_151 = arith.constant 0 : i32
    %dma_start3A_152 = tpu.memref_slice %arg2[%dma_start3A, %dma_start3A_151] : memref<10000x128xf32, #tpu.memory_space<hbm>> -> memref<10000x128xf32, #tpu.memory_space<hbm>>
    tpu.enqueue_indirect_dma source(%dma_start3A_152 : memref<10000x128xf32, #tpu.memory_space<hbm>>) target(%arg11 : memref<128x128xf32, #tpu.memory_space<vmem>>) offsets(%arg7 : memref<128xi32, #tpu.memory_space<vmem>>) semaphore(%arg14 : memref<!tpu.dma_semaphore, #tpu.memory_space<semaphore_mem>>)
    %get3A_153 = arith.constant 1 : i32
    %get3A_154 = arith.index_cast %get3A_153 : i32 to index
    %get3A_155 = arith.constant 0 : index
    %get3A_156 = tpu.vector_load %arg6[%get3A_154, %get3A_155] {strides = array<i32>} : memref<80x128xi32, #tpu.memory_space<vmem>>, vector<1x16xi32>,
    %get3A_157 = vector.shape_cast %get3A_156 : vector<1x16xi32> to vector<16xi32>
    %and3A_158 = arith.constant 16383 : i32
    %and3A_159 = vector.broadcast %and3A_158 : i32 to vector<16xi32>
    %and3A_160 = arith.andi %get3A_157, %and3A_159 : vector<16xi32>
    %swap3A_161 = arith.constant 0 : index
    %swap3A_162 = tpu.vector_load %arg8[%swap3A_161] {strides = array<i32>} : memref<128xi32, #tpu.memory_space<vmem>>, vector<16xi32>,
    %swap3A_163 = vector.shape_cast %swap3A_162 : vector<16xi32> to vector<16xi32>
    %swap3A_164 = vector.shape_cast %and3A_160 : vector<16xi32> to vector<16xi32>
    tpu.vector_store %arg8[%swap3A_161], %swap3A_164 {strides = array<i32>} : memref<128xi32, #tpu.memory_space<vmem>>, vector<16xi32>,
    %shift_right_logical3A_165 = arith.constant 14 : i32
    %shift_right_logical3A_166 = vector.broadcast %shift_right_logical3A_165 : i32 to vector<16xi32>
    %shift_right_logical3A_167 = arith.shrui %get3A_157, %shift_right_logical3A_166 : vector<16xi32>
    %swap3A_168 = arith.constant 0 : index
    %swap3A_169 = tpu.vector_load %arg10[%swap3A_168] {strides = array<i32>} : memref<128xi32, #tpu.memory_space<vmem>>, vector<16xi32>,
    %swap3A_170 = vector.shape_cast %swap3A_169 : vector<16xi32> to vector<16xi32>
    %swap3A_171 = vector.shape_cast %shift_right_logical3A_167 : vector<16xi32> to vector<16xi32>
    tpu.vector_store %arg10[%swap3A_168], %swap3A_171 {strides = array<i32>} : memref<128xi32, #tpu.memory_space<vmem>>, vector<16xi32>,
    %get3A_172 = arith.constant 1 : i32
    %get3A_173 = arith.index_cast %get3A_172 : i32 to index
    %get3A_174 = arith.constant 16 : index
    %get3A_175 = tpu.vector_load %arg6[%get3A_173, %get3A_174] {strides = array<i32>} : memref<80x128xi32, #tpu.memory_space<vmem>>, vector<1x16xi32>,
    %get3A_176 = vector.shape_cast %get3A_175 : vector<1x16xi32> to vector<16xi32>
    %and3A_177 = arith.constant 16383 : i32
    %and3A_178 = vector.broadcast %and3A_177 : i32 to vector<16xi32>
    %and3A_179 = arith.andi %get3A_176, %and3A_178 : vector<16xi32>
    %swap3A_180 = arith.constant 16 : index
    %swap3A_181 = tpu.vector_load %arg8[%swap3A_180] {strides = array<i32>} : memref<128xi32, #tpu.memory_space<vmem>>, vector<16xi32>,
    %swap3A_182 = vector.shape_cast %swap3A_181 : vector<16xi32> to vector<16xi32>
    %swap3A_183 = vector.shape_cast %and3A_179 : vector<16xi32> to vector<16xi32>
    tpu.vector_store %arg8[%swap3A_180], %swap3A_183 {strides = array<i32>} : memref<128xi32, #tpu.memory_space<vmem>>, vector<16xi32>,
    %shift_right_logical3A_184 = arith.constant 14 : i32
    %shift_right_logical3A_185 = vector.broadcast %shift_right_logical3A_184 : i32 to vector<16xi32>
    %shift_right_logical3A_186 = arith.shrui %get3A_176, %shift_right_logical3A_185 : vector<16xi32>
    %swap3A_187 = arith.constant 16 : index
    %swap3A_188 = tpu.vector_load %arg10[%swap3A_187] {strides = array<i32>} : memref<128xi32, #tpu.memory_space<vmem>>, vector<16xi32>,
    %swap3A_189 = vector.shape_cast %swap3A_188 : vector<16xi32> to vector<16xi32>
    %swap3A_190 = vector.shape_cast %shift_right_logical3A_186 : vector<16xi32> to vector<16xi32>
    tpu.vector_store %arg10[%swap3A_187], %swap3A_190 {strides = array<i32>} : memref<128xi32, #tpu.memory_space<vmem>>, vector<16xi32>,
    %get3A_191 = arith.constant 1 : i32
    %get3A_192 = arith.index_cast %get3A_191 : i32 to index
    %get3A_193 = arith.constant 32 : index
    %get3A_194 = tpu.vector_load %arg6[%get3A_192, %get3A_193] {strides = array<i32>} : memref<80x128xi32, #tpu.memory_space<vmem>>, vector<1x16xi32>,
    %get3A_195 = vector.shape_cast %get3A_194 : vector<1x16xi32> to vector<16xi32>
    %and3A_196 = arith.constant 16383 : i32
    %and3A_197 = vector.broadcast %and3A_196 : i32 to vector<16xi32>
    %and3A_198 = arith.andi %get3A_195, %and3A_197 : vector<16xi32>
    %swap3A_199 = arith.constant 32 : index
    %swap3A_200 = tpu.vector_load %arg8[%swap3A_199] {strides = array<i32>} : memref<128xi32, #tpu.memory_space<vmem>>, vector<16xi32>,
    %swap3A_201 = vector.shape_cast %swap3A_200 : vector<16xi32> to vector<16xi32>
    %swap3A_202 = vector.shape_cast %and3A_198 : vector<16xi32> to vector<16xi32>
    tpu.vector_store %arg8[%swap3A_199], %swap3A_202 {strides = array<i32>} : memref<128xi32, #tpu.memory_space<vmem>>, vector<16xi32>,
    %shift_right_logical3A_203 = arith.constant 14 : i32
    %shift_right_logical3A_204 = vector.broadcast %shift_right_logical3A_203 : i32 to vector<16xi32>
    %shift_right_logical3A_205 = arith.shrui %get3A_195, %shift_right_logical3A_204 : vector<16xi32>
    %swap3A_206 = arith.constant 32 : index
    %swap3A_207 = tpu.vector_load %arg10[%swap3A_206] {strides = array<i32>} : memref<128xi32, #tpu.memory_space<vmem>>, vector<16xi32>,
    %swap3A_208 = vector.shape_cast %swap3A_207 : vector<16xi32> to vector<16xi32>
    %swap3A_209 = vector.shape_cast %shift_right_logical3A_205 : vector<16xi32> to vector<16xi32>
    tpu.vector_store %arg10[%swap3A_206], %swap3A_209 {strides = array<i32>} : memref<128xi32, #tpu.memory_space<vmem>>, vector<16xi32>,
    %get3A_210 = arith.constant 1 : i32
    %get3A_211 = arith.index_cast %get3A_210 : i32 to index
    %get3A_212 = arith.constant 48 : index
    %get3A_213 = tpu.vector_load %arg6[%get3A_211, %get3A_212] {strides = array<i32>} : memref<80x128xi32, #tpu.memory_space<vmem>>, vector<1x16xi32>,
    %get3A_214 = vector.shape_cast %get3A_213 : vector<1x16xi32> to vector<16xi32>
    %and3A_215 = arith.constant 16383 : i32
    %and3A_216 = vector.broadcast %and3A_215 : i32 to vector<16xi32>
    %and3A_217 = arith.andi %get3A_214, %and3A_216 : vector<16xi32>
    %swap3A_218 = arith.constant 48 : index
    %swap3A_219 = tpu.vector_load %arg8[%swap3A_218] {strides = array<i32>} : memref<128xi32, #tpu.memory_space<vmem>>, vector<16xi32>,
    %swap3A_220 = vector.shape_cast %swap3A_219 : vector<16xi32> to vector<16xi32>
    %swap3A_221 = vector.shape_cast %and3A_217 : vector<16xi32> to vector<16xi32>
    tpu.vector_store %arg8[%swap3A_218], %swap3A_221 {strides = array<i32>} : memref<128xi32, #tpu.memory_space<vmem>>, vector<16xi32>,
    %shift_right_logical3A_222 = arith.constant 14 : i32
    %shift_right_logical3A_223 = vector.broadcast %shift_right_logical3A_222 : i32 to vector<16xi32>
    %shift_right_logical3A_224 = arith.shrui %get3A_214, %shift_right_logical3A_223 : vector<16xi32>
    %swap3A_225 = arith.constant 48 : index
    %swap3A_226 = tpu.vector_load %arg10[%swap3A_225] {strides = array<i32>} : memref<128xi32, #tpu.memory_space<vmem>>, vector<16xi32>,
    %swap3A_227 = vector.shape_cast %swap3A_226 : vector<16xi32> to vector<16xi32>
    %swap3A_228 = vector.shape_cast %shift_right_logical3A_224 : vector<16xi32> to vector<16xi32>
    tpu.vector_store %arg10[%swap3A_225], %swap3A_228 {strides = array<i32>} : memref<128xi32, #tpu.memory_space<vmem>>, vector<16xi32>,
    %get3A_229 = arith.constant 1 : i32
    %get3A_230 = arith.index_cast %get3A_229 : i32 to index
    %get3A_231 = arith.constant 64 : index
    %get3A_232 = tpu.vector_load %arg6[%get3A_230, %get3A_231] {strides = array<i32>} : memref<80x128xi32, #tpu.memory_space<vmem>>, vector<1x16xi32>,
    %get3A_233 = vector.shape_cast %get3A_232 : vector<1x16xi32> to vector<16xi32>
    %and3A_234 = arith.constant 16383 : i32
    %and3A_235 = vector.broadcast %and3A_234 : i32 to vector<16xi32>
    %and3A_236 = arith.andi %get3A_233, %and3A_235 : vector<16xi32>
    %swap3A_237 = arith.constant 64 : index
    %swap3A_238 = tpu.vector_load %arg8[%swap3A_237] {strides = array<i32>} : memref<128xi32, #tpu.memory_space<vmem>>, vector<16xi32>,
    %swap3A_239 = vector.shape_cast %swap3A_238 : vector<16xi32> to vector<16xi32>
    %swap3A_240 = vector.shape_cast %and3A_236 : vector<16xi32> to vector<16xi32>
    tpu.vector_store %arg8[%swap3A_237], %swap3A_240 {strides = array<i32>} : memref<128xi32, #tpu.memory_space<vmem>>, vector<16xi32>,
    %shift_right_logical3A_241 = arith.constant 14 : i32
    %shift_right_logical3A_242 = vector.broadcast %shift_right_logical3A_241 : i32 to vector<16xi32>
    %shift_right_logical3A_243 = arith.shrui %get3A_233, %shift_right_logical3A_242 : vector<16xi32>
    %swap3A_244 = arith.constant 64 : index
    %swap3A_245 = tpu.vector_load %arg10[%swap3A_244] {strides = array<i32>} : memref<128xi32, #tpu.memory_space<vmem>>, vector<16xi32>,
    %swap3A_246 = vector.shape_cast %swap3A_245 : vector<16xi32> to vector<16xi32>
    %swap3A_247 = vector.shape_cast %shift_right_logical3A_243 : vector<16xi32> to vector<16xi32>
    tpu.vector_store %arg10[%swap3A_244], %swap3A_247 {strides = array<i32>} : memref<128xi32, #tpu.memory_space<vmem>>, vector<16xi32>,
    %get3A_248 = arith.constant 1 : i32
    %get3A_249 = arith.index_cast %get3A_248 : i32 to index
    %get3A_250 = arith.constant 80 : index
    %get3A_251 = tpu.vector_load %arg6[%get3A_249, %get3A_250] {strides = array<i32>} : memref<80x128xi32, #tpu.memory_space<vmem>>, vector<1x16xi32>,
    %get3A_252 = vector.shape_cast %get3A_251 : vector<1x16xi32> to vector<16xi32>
    %and3A_253 = arith.constant 16383 : i32
    %and3A_254 = vector.broadcast %and3A_253 : i32 to vector<16xi32>
    %and3A_255 = arith.andi %get3A_252, %and3A_254 : vector<16xi32>
    %swap3A_256 = arith.constant 80 : index
    %swap3A_257 = tpu.vector_load %arg8[%swap3A_256] {strides = array<i32>} : memref<128xi32, #tpu.memory_space<vmem>>, vector<16xi32>,
    %swap3A_258 = vector.shape_cast %swap3A_257 : vector<16xi32> to vector<16xi32>
    %swap3A_259 = vector.shape_cast %and3A_255 : vector<16xi32> to vector<16xi32>
    tpu.vector_store %arg8[%swap3A_256], %swap3A_259 {strides = array<i32>} : memref<128xi32, #tpu.memory_space<vmem>>, vector<16xi32>,
    %shift_right_logical3A_260 = arith.constant 14 : i32
    %shift_right_logical3A_261 = vector.broadcast %shift_right_logical3A_260 : i32 to vector<16xi32>
    %shift_right_logical3A_262 = arith.shrui %get3A_252, %shift_right_logical3A_261 : vector<16xi32>
    %swap3A_263 = arith.constant 80 : index
    %swap3A_264 = tpu.vector_load %arg10[%swap3A_263] {strides = array<i32>} : memref<128xi32, #tpu.memory_space<vmem>>, vector<16xi32>,
    %swap3A_265 = vector.shape_cast %swap3A_264 : vector<16xi32> to vector<16xi32>
    %swap3A_266 = vector.shape_cast %shift_right_logical3A_262 : vector<16xi32> to vector<16xi32>
    tpu.vector_store %arg10[%swap3A_263], %swap3A_266 {strides = array<i32>} : memref<128xi32, #tpu.memory_space<vmem>>, vector<16xi32>,
    %get3A_267 = arith.constant 1 : i32
    %get3A_268 = arith.index_cast %get3A_267 : i32 to index
    %get3A_269 = arith.constant 96 : index
    %get3A_270 = tpu.vector_load %arg6[%get3A_268, %get3A_269] {strides = array<i32>} : memref<80x128xi32, #tpu.memory_space<vmem>>, vector<1x16xi32>,
    %get3A_271 = vector.shape_cast %get3A_270 : vector<1x16xi32> to vector<16xi32>
    %and3A_272 = arith.constant 16383 : i32
    %and3A_273 = vector.broadcast %and3A_272 : i32 to vector<16xi32>
    %and3A_274 = arith.andi %get3A_271, %and3A_273 : vector<16xi32>
    %swap3A_275 = arith.constant 96 : index
    %swap3A_276 = tpu.vector_load %arg8[%swap3A_275] {strides = array<i32>} : memref<128xi32, #tpu.memory_space<vmem>>, vector<16xi32>,
    %swap3A_277 = vector.shape_cast %swap3A_276 : vector<16xi32> to vector<16xi32>
    %swap3A_278 = vector.shape_cast %and3A_274 : vector<16xi32> to vector<16xi32>
    tpu.vector_store %arg8[%swap3A_275], %swap3A_278 {strides = array<i32>} : memref<128xi32, #tpu.memory_space<vmem>>, vector<16xi32>,
    %shift_right_logical3A_279 = arith.constant 14 : i32
    %shift_right_logical3A_280 = vector.broadcast %shift_right_logical3A_279 : i32 to vector<16xi32>
    %shift_right_logical3A_281 = arith.shrui %get3A_271, %shift_right_logical3A_280 : vector<16xi32>
    %swap3A_282 = arith.constant 96 : index
    %swap3A_283 = tpu.vector_load %arg10[%swap3A_282] {strides = array<i32>} : memref<128xi32, #tpu.memory_space<vmem>>, vector<16xi32>,
    %swap3A_284 = vector.shape_cast %swap3A_283 : vector<16xi32> to vector<16xi32>
    %swap3A_285 = vector.shape_cast %shift_right_logical3A_281 : vector<16xi32> to vector<16xi32>
    tpu.vector_store %arg10[%swap3A_282], %swap3A_285 {strides = array<i32>} : memref<128xi32, #tpu.memory_space<vmem>>, vector<16xi32>,
    %get3A_286 = arith.constant 1 : i32
    %get3A_287 = arith.index_cast %get3A_286 : i32 to index
    %get3A_288 = arith.constant 112 : index
    %get3A_289 = tpu.vector_load %arg6[%get3A_287, %get3A_288] {strides = array<i32>} : memref<80x128xi32, #tpu.memory_space<vmem>>, vector<1x16xi32>,
    %get3A_290 = vector.shape_cast %get3A_289 : vector<1x16xi32> to vector<16xi32>
    %and3A_291 = arith.constant 16383 : i32
    %and3A_292 = vector.broadcast %and3A_291 : i32 to vector<16xi32>
    %and3A_293 = arith.andi %get3A_290, %and3A_292 : vector<16xi32>
    %swap3A_294 = arith.constant 112 : index
    %swap3A_295 = tpu.vector_load %arg8[%swap3A_294] {strides = array<i32>} : memref<128xi32, #tpu.memory_space<vmem>>, vector<16xi32>,
    %swap3A_296 = vector.shape_cast %swap3A_295 : vector<16xi32> to vector<16xi32>
    %swap3A_297 = vector.shape_cast %and3A_293 : vector<16xi32> to vector<16xi32>
    tpu.vector_store %arg8[%swap3A_294], %swap3A_297 {strides = array<i32>} : memref<128xi32, #tpu.memory_space<vmem>>, vector<16xi32>,
    %shift_right_logical3A_298 = arith.constant 14 : i32
    %shift_right_logical3A_299 = vector.broadcast %shift_right_logical3A_298 : i32 to vector<16xi32>
    %shift_right_logical3A_300 = arith.shrui %get3A_290, %shift_right_logical3A_299 : vector<16xi32>
    %swap3A_301 = arith.constant 112 : index
    %swap3A_302 = tpu.vector_load %arg10[%swap3A_301] {strides = array<i32>} : memref<128xi32, #tpu.memory_space<vmem>>, vector<16xi32>,
    %swap3A_303 = vector.shape_cast %swap3A_302 : vector<16xi32> to vector<16xi32>
    %swap3A_304 = vector.shape_cast %shift_right_logical3A_300 : vector<16xi32> to vector<16xi32>
    tpu.vector_store %arg10[%swap3A_301], %swap3A_304 {strides = array<i32>} : memref<128xi32, #tpu.memory_space<vmem>>, vector<16xi32>,
    %dma_start3A_305 = arith.constant 0 : i32
    %dma_start3A_306 = arith.constant 0 : i32
    %dma_start3A_307 = tpu.memref_slice %arg2[%dma_start3A_305, %dma_start3A_306] : memref<10000x128xf32, #tpu.memory_space<hbm>> -> memref<10000x128xf32, #tpu.memory_space<hbm>>
    tpu.enqueue_indirect_dma source(%dma_start3A_307 : memref<10000x128xf32, #tpu.memory_space<hbm>>) target(%arg12 : memref<128x128xf32, #tpu.memory_space<vmem>>) offsets(%arg8 : memref<128xi32, #tpu.memory_space<vmem>>) semaphore(%arg15 : memref<!tpu.dma_semaphore, #tpu.memory_space<semaphore_mem>>)
    %scan3A = arith.constant 0 : i32
    %scan3A_308 = arith.constant 0 : i32
    %scan3A_309 = arith.constant 40 : i32
    %scan3A_310 = arith.addi %scan3A_308, %scan3A_309 : i32
    %scan3A_311 = arith.constant 1 : i32
    scf.for %scan3A_323 = %scan3A_308 to %scan3A_310 step %scan3A_311  : i32 {
      %mul3A_324 = arith.constant 2 : i32
      %mul3A_325 = arith.muli %mul3A_324, %scan3A_323 : i32
      %dma_wait3A_326 = arith.constant 0 : i32
      %dma_wait3A_327 = arith.constant 0 : i32
      %dma_wait3A_328 = tpu.memref_slice %arg2[%dma_wait3A_326, %dma_wait3A_327] : memref<10000x128xf32, #tpu.memory_space<hbm>> -> memref<10000x128xf32, #tpu.memory_space<hbm>>
      tpu.wait_indirect_dma semaphore(%arg14 : memref<!tpu.dma_semaphore, #tpu.memory_space<semaphore_mem>>) src(%dma_wait3A_328 : memref<10000x128xf32, #tpu.memory_space<hbm>>) dst(%arg11 : memref<128x128xf32, #tpu.memory_space<vmem>>)
      "tpu.region"() ({
        %run_scoped3A = tpu.sem_alloc : memref<!tpu.dma_semaphore, #tpu.memory_space<semaphore_mem>>
        %dma_start3A_633 = arith.constant 0 : i32
        %dma_start3A_634 = arith.constant 0 : i32
        %dma_start3A_635 = tpu.memref_slice %arg13[%dma_start3A_633, %dma_start3A_634] : memref<10368x128xf32, #tpu.memory_space<vmem_shared>> -> memref<10368x128xf32, #tpu.memory_space<vmem_shared>>
        tpu.enqueue_indirect_dma source(%arg11 : memref<128x128xf32, #tpu.memory_space<vmem>>) target(%dma_start3A_635 : memref<10368x128xf32, #tpu.memory_space<vmem_shared>>) offsets(%arg9 : memref<128xi32, #tpu.memory_space<vmem>>) semaphore(%run_scoped3A : memref<!tpu.dma_semaphore, #tpu.memory_space<semaphore_mem>>) {add = true}
        %dma_wait3A_636 = arith.constant 0 : i32
        %dma_wait3A_637 = arith.constant 0 : i32
        %dma_wait3A_638 = tpu.memref_slice %arg13[%dma_wait3A_636, %dma_wait3A_637] : memref<10368x128xf32, #tpu.memory_space<vmem_shared>> -> memref<10368x128xf32, #tpu.memory_space<vmem_shared>>
        tpu.wait_indirect_dma semaphore(%run_scoped3A : memref<!tpu.dma_semaphore, #tpu.memory_space<semaphore_mem>>) src(%arg11 : memref<128x128xf32, #tpu.memory_space<vmem>>) dst(%dma_wait3A_638 : memref<10368x128xf32, #tpu.memory_space<vmem_shared>>)
        tpu.yield
      }) : () -> ()
      %add3A_329 = arith.constant 2 : i32
      %add3A_330 = arith.addi %mul3A_325, %add3A_329 : i32
      %min3A = arith.constant 79 : i32
      %min3A_331 = arith.minsi %add3A_330, %min3A : i32
      %get3A_332 = arith.index_cast %min3A_331 : i32 to index
      %get3A_333 = arith.constant 0 : index
      %get3A_334 = tpu.vector_load %arg6[%get3A_332, %get3A_333] {strides = array<i32>} : memref<80x128xi32, #tpu.memory_space<vmem>>, vector<1x16xi32>,
      %get3A_335 = vector.shape_cast %get3A_334 : vector<1x16xi32> to vector<16xi32>
      %and3A_336 = arith.constant 16383 : i32
      %and3A_337 = vector.broadcast %and3A_336 : i32 to vector<16xi32>
      %and3A_338 = arith.andi %get3A_335, %and3A_337 : vector<16xi32>
      %swap3A_339 = arith.constant 0 : index
      %swap3A_340 = tpu.vector_load %arg7[%swap3A_339] {strides = array<i32>} : memref<128xi32, #tpu.memory_space<vmem>>, vector<16xi32>,
      %swap3A_341 = vector.shape_cast %swap3A_340 : vector<16xi32> to vector<16xi32>
      %swap3A_342 = vector.shape_cast %and3A_338 : vector<16xi32> to vector<16xi32>
      tpu.vector_store %arg7[%swap3A_339], %swap3A_342 {strides = array<i32>} : memref<128xi32, #tpu.memory_space<vmem>>, vector<16xi32>,
      %shift_right_logical3A_343 = arith.constant 14 : i32
      %shift_right_logical3A_344 = vector.broadcast %shift_right_logical3A_343 : i32 to vector<16xi32>
      %shift_right_logical3A_345 = arith.shrui %get3A_335, %shift_right_logical3A_344 : vector<16xi32>
      %swap3A_346 = arith.constant 0 : index
      %swap3A_347 = tpu.vector_load %arg9[%swap3A_346] {strides = array<i32>} : memref<128xi32, #tpu.memory_space<vmem>>, vector<16xi32>,
      %swap3A_348 = vector.shape_cast %swap3A_347 : vector<16xi32> to vector<16xi32>
      %swap3A_349 = vector.shape_cast %shift_right_logical3A_345 : vector<16xi32> to vector<16xi32>
      tpu.vector_store %arg9[%swap3A_346], %swap3A_349 {strides = array<i32>} : memref<128xi32, #tpu.memory_space<vmem>>, vector<16xi32>,
      %get3A_350 = arith.index_cast %min3A_331 : i32 to index
      %get3A_351 = arith.constant 16 : index
      %get3A_352 = tpu.vector_load %arg6[%get3A_350, %get3A_351] {strides = array<i32>} : memref<80x128xi32, #tpu.memory_space<vmem>>, vector<1x16xi32>,
      %get3A_353 = vector.shape_cast %get3A_352 : vector<1x16xi32> to vector<16xi32>
      %and3A_354 = arith.constant 16383 : i32
      %and3A_355 = vector.broadcast %and3A_354 : i32 to vector<16xi32>
      %and3A_356 = arith.andi %get3A_353, %and3A_355 : vector<16xi32>
      %swap3A_357 = arith.constant 16 : index
      %swap3A_358 = tpu.vector_load %arg7[%swap3A_357] {strides = array<i32>} : memref<128xi32, #tpu.memory_space<vmem>>, vector<16xi32>,
      %swap3A_359 = vector.shape_cast %swap3A_358 : vector<16xi32> to vector<16xi32>
      %swap3A_360 = vector.shape_cast %and3A_356 : vector<16xi32> to vector<16xi32>
      tpu.vector_store %arg7[%swap3A_357], %swap3A_360 {strides = array<i32>} : memref<128xi32, #tpu.memory_space<vmem>>, vector<16xi32>,
      %shift_right_logical3A_361 = arith.constant 14 : i32
      %shift_right_logical3A_362 = vector.broadcast %shift_right_logical3A_361 : i32 to vector<16xi32>
      %shift_right_logical3A_363 = arith.shrui %get3A_353, %shift_right_logical3A_362 : vector<16xi32>
      %swap3A_364 = arith.constant 16 : index
      %swap3A_365 = tpu.vector_load %arg9[%swap3A_364] {strides = array<i32>} : memref<128xi32, #tpu.memory_space<vmem>>, vector<16xi32>,
      %swap3A_366 = vector.shape_cast %swap3A_365 : vector<16xi32> to vector<16xi32>
      %swap3A_367 = vector.shape_cast %shift_right_logical3A_363 : vector<16xi32> to vector<16xi32>
      tpu.vector_store %arg9[%swap3A_364], %swap3A_367 {strides = array<i32>} : memref<128xi32, #tpu.memory_space<vmem>>, vector<16xi32>,
      %get3A_368 = arith.index_cast %min3A_331 : i32 to index
      %get3A_369 = arith.constant 32 : index
      %get3A_370 = tpu.vector_load %arg6[%get3A_368, %get3A_369] {strides = array<i32>} : memref<80x128xi32, #tpu.memory_space<vmem>>, vector<1x16xi32>,
      %get3A_371 = vector.shape_cast %get3A_370 : vector<1x16xi32> to vector<16xi32>
      %and3A_372 = arith.constant 16383 : i32
      %and3A_373 = vector.broadcast %and3A_372 : i32 to vector<16xi32>
      %and3A_374 = arith.andi %get3A_371, %and3A_373 : vector<16xi32>
      %swap3A_375 = arith.constant 32 : index
      %swap3A_376 = tpu.vector_load %arg7[%swap3A_375] {strides = array<i32>} : memref<128xi32, #tpu.memory_space<vmem>>, vector<16xi32>,
      %swap3A_377 = vector.shape_cast %swap3A_376 : vector<16xi32> to vector<16xi32>
      %swap3A_378 = vector.shape_cast %and3A_374 : vector<16xi32> to vector<16xi32>
      tpu.vector_store %arg7[%swap3A_375], %swap3A_378 {strides = array<i32>} : memref<128xi32, #tpu.memory_space<vmem>>, vector<16xi32>,
      %shift_right_logical3A_379 = arith.constant 14 : i32
      %shift_right_logical3A_380 = vector.broadcast %shift_right_logical3A_379 : i32 to vector<16xi32>
      %shift_right_logical3A_381 = arith.shrui %get3A_371, %shift_right_logical3A_380 : vector<16xi32>
      %swap3A_382 = arith.constant 32 : index
      %swap3A_383 = tpu.vector_load %arg9[%swap3A_382] {strides = array<i32>} : memref<128xi32, #tpu.memory_space<vmem>>, vector<16xi32>,
      %swap3A_384 = vector.shape_cast %swap3A_383 : vector<16xi32> to vector<16xi32>
      %swap3A_385 = vector.shape_cast %shift_right_logical3A_381 : vector<16xi32> to vector<16xi32>
      tpu.vector_store %arg9[%swap3A_382], %swap3A_385 {strides = array<i32>} : memref<128xi32, #tpu.memory_space<vmem>>, vector<16xi32>,
      %get3A_386 = arith.index_cast %min3A_331 : i32 to index
      %get3A_387 = arith.constant 48 : index
      %get3A_388 = tpu.vector_load %arg6[%get3A_386, %get3A_387] {strides = array<i32>} : memref<80x128xi32, #tpu.memory_space<vmem>>, vector<1x16xi32>,
      %get3A_389 = vector.shape_cast %get3A_388 : vector<1x16xi32> to vector<16xi32>
      %and3A_390 = arith.constant 16383 : i32
      %and3A_391 = vector.broadcast %and3A_390 : i32 to vector<16xi32>
      %and3A_392 = arith.andi %get3A_389, %and3A_391 : vector<16xi32>
      %swap3A_393 = arith.constant 48 : index
      %swap3A_394 = tpu.vector_load %arg7[%swap3A_393] {strides = array<i32>} : memref<128xi32, #tpu.memory_space<vmem>>, vector<16xi32>,
      %swap3A_395 = vector.shape_cast %swap3A_394 : vector<16xi32> to vector<16xi32>
      %swap3A_396 = vector.shape_cast %and3A_392 : vector<16xi32> to vector<16xi32>
      tpu.vector_store %arg7[%swap3A_393], %swap3A_396 {strides = array<i32>} : memref<128xi32, #tpu.memory_space<vmem>>, vector<16xi32>,
      %shift_right_logical3A_397 = arith.constant 14 : i32
      %shift_right_logical3A_398 = vector.broadcast %shift_right_logical3A_397 : i32 to vector<16xi32>
      %shift_right_logical3A_399 = arith.shrui %get3A_389, %shift_right_logical3A_398 : vector<16xi32>
      %swap3A_400 = arith.constant 48 : index
      %swap3A_401 = tpu.vector_load %arg9[%swap3A_400] {strides = array<i32>} : memref<128xi32, #tpu.memory_space<vmem>>, vector<16xi32>,
      %swap3A_402 = vector.shape_cast %swap3A_401 : vector<16xi32> to vector<16xi32>
      %swap3A_403 = vector.shape_cast %shift_right_logical3A_399 : vector<16xi32> to vector<16xi32>
      tpu.vector_store %arg9[%swap3A_400], %swap3A_403 {strides = array<i32>} : memref<128xi32, #tpu.memory_space<vmem>>, vector<16xi32>,
      %get3A_404 = arith.index_cast %min3A_331 : i32 to index
      %get3A_405 = arith.constant 64 : index
      %get3A_406 = tpu.vector_load %arg6[%get3A_404, %get3A_405] {strides = array<i32>} : memref<80x128xi32, #tpu.memory_space<vmem>>, vector<1x16xi32>,
      %get3A_407 = vector.shape_cast %get3A_406 : vector<1x16xi32> to vector<16xi32>
      %and3A_408 = arith.constant 16383 : i32
      %and3A_409 = vector.broadcast %and3A_408 : i32 to vector<16xi32>
      %and3A_410 = arith.andi %get3A_407, %and3A_409 : vector<16xi32>
      %swap3A_411 = arith.constant 64 : index
      %swap3A_412 = tpu.vector_load %arg7[%swap3A_411] {strides = array<i32>} : memref<128xi32, #tpu.memory_space<vmem>>, vector<16xi32>,
      %swap3A_413 = vector.shape_cast %swap3A_412 : vector<16xi32> to vector<16xi32>
      %swap3A_414 = vector.shape_cast %and3A_410 : vector<16xi32> to vector<16xi32>
      tpu.vector_store %arg7[%swap3A_411], %swap3A_414 {strides = array<i32>} : memref<128xi32, #tpu.memory_space<vmem>>, vector<16xi32>,
      %shift_right_logical3A_415 = arith.constant 14 : i32
      %shift_right_logical3A_416 = vector.broadcast %shift_right_logical3A_415 : i32 to vector<16xi32>
      %shift_right_logical3A_417 = arith.shrui %get3A_407, %shift_right_logical3A_416 : vector<16xi32>
      %swap3A_418 = arith.constant 64 : index
      %swap3A_419 = tpu.vector_load %arg9[%swap3A_418] {strides = array<i32>} : memref<128xi32, #tpu.memory_space<vmem>>, vector<16xi32>,
      %swap3A_420 = vector.shape_cast %swap3A_419 : vector<16xi32> to vector<16xi32>
      %swap3A_421 = vector.shape_cast %shift_right_logical3A_417 : vector<16xi32> to vector<16xi32>
      tpu.vector_store %arg9[%swap3A_418], %swap3A_421 {strides = array<i32>} : memref<128xi32, #tpu.memory_space<vmem>>, vector<16xi32>,
      %get3A_422 = arith.index_cast %min3A_331 : i32 to index
      %get3A_423 = arith.constant 80 : index
      %get3A_424 = tpu.vector_load %arg6[%get3A_422, %get3A_423] {strides = array<i32>} : memref<80x128xi32, #tpu.memory_space<vmem>>, vector<1x16xi32>,
      %get3A_425 = vector.shape_cast %get3A_424 : vector<1x16xi32> to vector<16xi32>
      %and3A_426 = arith.constant 16383 : i32
      %and3A_427 = vector.broadcast %and3A_426 : i32 to vector<16xi32>
      %and3A_428 = arith.andi %get3A_425, %and3A_427 : vector<16xi32>
      %swap3A_429 = arith.constant 80 : index
      %swap3A_430 = tpu.vector_load %arg7[%swap3A_429] {strides = array<i32>} : memref<128xi32, #tpu.memory_space<vmem>>, vector<16xi32>,
      %swap3A_431 = vector.shape_cast %swap3A_430 : vector<16xi32> to vector<16xi32>
      %swap3A_432 = vector.shape_cast %and3A_428 : vector<16xi32> to vector<16xi32>
      tpu.vector_store %arg7[%swap3A_429], %swap3A_432 {strides = array<i32>} : memref<128xi32, #tpu.memory_space<vmem>>, vector<16xi32>,
      %shift_right_logical3A_433 = arith.constant 14 : i32
      %shift_right_logical3A_434 = vector.broadcast %shift_right_logical3A_433 : i32 to vector<16xi32>
      %shift_right_logical3A_435 = arith.shrui %get3A_425, %shift_right_logical3A_434 : vector<16xi32>
      %swap3A_436 = arith.constant 80 : index
      %swap3A_437 = tpu.vector_load %arg9[%swap3A_436] {strides = array<i32>} : memref<128xi32, #tpu.memory_space<vmem>>, vector<16xi32>,
      %swap3A_438 = vector.shape_cast %swap3A_437 : vector<16xi32> to vector<16xi32>
      %swap3A_439 = vector.shape_cast %shift_right_logical3A_435 : vector<16xi32> to vector<16xi32>
      tpu.vector_store %arg9[%swap3A_436], %swap3A_439 {strides = array<i32>} : memref<128xi32, #tpu.memory_space<vmem>>, vector<16xi32>,
      %get3A_440 = arith.index_cast %min3A_331 : i32 to index
      %get3A_441 = arith.constant 96 : index
      %get3A_442 = tpu.vector_load %arg6[%get3A_440, %get3A_441] {strides = array<i32>} : memref<80x128xi32, #tpu.memory_space<vmem>>, vector<1x16xi32>,
      %get3A_443 = vector.shape_cast %get3A_442 : vector<1x16xi32> to vector<16xi32>
      %and3A_444 = arith.constant 16383 : i32
      %and3A_445 = vector.broadcast %and3A_444 : i32 to vector<16xi32>
      %and3A_446 = arith.andi %get3A_443, %and3A_445 : vector<16xi32>
      %swap3A_447 = arith.constant 96 : index
      %swap3A_448 = tpu.vector_load %arg7[%swap3A_447] {strides = array<i32>} : memref<128xi32, #tpu.memory_space<vmem>>, vector<16xi32>,
      %swap3A_449 = vector.shape_cast %swap3A_448 : vector<16xi32> to vector<16xi32>
      %swap3A_450 = vector.shape_cast %and3A_446 : vector<16xi32> to vector<16xi32>
      tpu.vector_store %arg7[%swap3A_447], %swap3A_450 {strides = array<i32>} : memref<128xi32, #tpu.memory_space<vmem>>, vector<16xi32>,
      %shift_right_logical3A_451 = arith.constant 14 : i32
      %shift_right_logical3A_452 = vector.broadcast %shift_right_logical3A_451 : i32 to vector<16xi32>
      %shift_right_logical3A_453 = arith.shrui %get3A_443, %shift_right_logical3A_452 : vector<16xi32>
      %swap3A_454 = arith.constant 96 : index
      %swap3A_455 = tpu.vector_load %arg9[%swap3A_454] {strides = array<i32>} : memref<128xi32, #tpu.memory_space<vmem>>, vector<16xi32>,
      %swap3A_456 = vector.shape_cast %swap3A_455 : vector<16xi32> to vector<16xi32>
      %swap3A_457 = vector.shape_cast %shift_right_logical3A_453 : vector<16xi32> to vector<16xi32>
      tpu.vector_store %arg9[%swap3A_454], %swap3A_457 {strides = array<i32>} : memref<128xi32, #tpu.memory_space<vmem>>, vector<16xi32>,
      %get3A_458 = arith.index_cast %min3A_331 : i32 to index
      %get3A_459 = arith.constant 112 : index
      %get3A_460 = tpu.vector_load %arg6[%get3A_458, %get3A_459] {strides = array<i32>} : memref<80x128xi32, #tpu.memory_space<vmem>>, vector<1x16xi32>,
      %get3A_461 = vector.shape_cast %get3A_460 : vector<1x16xi32> to vector<16xi32>
      %and3A_462 = arith.constant 16383 : i32
      %and3A_463 = vector.broadcast %and3A_462 : i32 to vector<16xi32>
      %and3A_464 = arith.andi %get3A_461, %and3A_463 : vector<16xi32>
      %swap3A_465 = arith.constant 112 : index
      %swap3A_466 = tpu.vector_load %arg7[%swap3A_465] {strides = array<i32>} : memref<128xi32, #tpu.memory_space<vmem>>, vector<16xi32>,
      %swap3A_467 = vector.shape_cast %swap3A_466 : vector<16xi32> to vector<16xi32>
      %swap3A_468 = vector.shape_cast %and3A_464 : vector<16xi32> to vector<16xi32>
      tpu.vector_store %arg7[%swap3A_465], %swap3A_468 {strides = array<i32>} : memref<128xi32, #tpu.memory_space<vmem>>, vector<16xi32>,
      %shift_right_logical3A_469 = arith.constant 14 : i32
      %shift_right_logical3A_470 = vector.broadcast %shift_right_logical3A_469 : i32 to vector<16xi32>
      %shift_right_logical3A_471 = arith.shrui %get3A_461, %shift_right_logical3A_470 : vector<16xi32>
      %swap3A_472 = arith.constant 112 : index
      %swap3A_473 = tpu.vector_load %arg9[%swap3A_472] {strides = array<i32>} : memref<128xi32, #tpu.memory_space<vmem>>, vector<16xi32>,
      %swap3A_474 = vector.shape_cast %swap3A_473 : vector<16xi32> to vector<16xi32>
      %swap3A_475 = vector.shape_cast %shift_right_logical3A_471 : vector<16xi32> to vector<16xi32>
      tpu.vector_store %arg9[%swap3A_472], %swap3A_475 {strides = array<i32>} : memref<128xi32, #tpu.memory_space<vmem>>, vector<16xi32>,
      %dma_start3A_476 = arith.constant 0 : i32
      %dma_start3A_477 = arith.constant 0 : i32
      %dma_start3A_478 = tpu.memref_slice %arg2[%dma_start3A_476, %dma_start3A_477] : memref<10000x128xf32, #tpu.memory_space<hbm>> -> memref<10000x128xf32, #tpu.memory_space<hbm>>
      tpu.enqueue_indirect_dma source(%dma_start3A_478 : memref<10000x128xf32, #tpu.memory_space<hbm>>) target(%arg11 : memref<128x128xf32, #tpu.memory_space<vmem>>) offsets(%arg7 : memref<128xi32, #tpu.memory_space<vmem>>) semaphore(%arg14 : memref<!tpu.dma_semaphore, #tpu.memory_space<semaphore_mem>>)
      %dma_wait3A_479 = arith.constant 0 : i32
      %dma_wait3A_480 = arith.constant 0 : i32
      %dma_wait3A_481 = tpu.memref_slice %arg2[%dma_wait3A_479, %dma_wait3A_480] : memref<10000x128xf32, #tpu.memory_space<hbm>> -> memref<10000x128xf32, #tpu.memory_space<hbm>>
      tpu.wait_indirect_dma semaphore(%arg15 : memref<!tpu.dma_semaphore, #tpu.memory_space<semaphore_mem>>) src(%dma_wait3A_481 : memref<10000x128xf32, #tpu.memory_space<hbm>>) dst(%arg12 : memref<128x128xf32, #tpu.memory_space<vmem>>)
      "tpu.region"() ({
        %run_scoped3A = tpu.sem_alloc : memref<!tpu.dma_semaphore, #tpu.memory_space<semaphore_mem>>
        %dma_start3A_633 = arith.constant 0 : i32
        %dma_start3A_634 = arith.constant 0 : i32
        %dma_start3A_635 = tpu.memref_slice %arg13[%dma_start3A_633, %dma_start3A_634] : memref<10368x128xf32, #tpu.memory_space<vmem_shared>> -> memref<10368x128xf32, #tpu.memory_space<vmem_shared>>
        tpu.enqueue_indirect_dma source(%arg12 : memref<128x128xf32, #tpu.memory_space<vmem>>) target(%dma_start3A_635 : memref<10368x128xf32, #tpu.memory_space<vmem_shared>>) offsets(%arg10 : memref<128xi32, #tpu.memory_space<vmem>>) semaphore(%run_scoped3A : memref<!tpu.dma_semaphore, #tpu.memory_space<semaphore_mem>>) {add = true}
        %dma_wait3A_636 = arith.constant 0 : i32
        %dma_wait3A_637 = arith.constant 0 : i32
        %dma_wait3A_638 = tpu.memref_slice %arg13[%dma_wait3A_636, %dma_wait3A_637] : memref<10368x128xf32, #tpu.memory_space<vmem_shared>> -> memref<10368x128xf32, #tpu.memory_space<vmem_shared>>
        tpu.wait_indirect_dma semaphore(%run_scoped3A : memref<!tpu.dma_semaphore, #tpu.memory_space<semaphore_mem>>) src(%arg12 : memref<128x128xf32, #tpu.memory_space<vmem>>) dst(%dma_wait3A_638 : memref<10368x128xf32, #tpu.memory_space<vmem_shared>>)
        tpu.yield
      }) : () -> ()
      %add3A_482 = arith.constant 3 : i32
      %add3A_483 = arith.addi %mul3A_325, %add3A_482 : i32
      %min3A_484 = arith.constant 79 : i32
      %min3A_485 = arith.minsi %add3A_483, %min3A_484 : i32
      %get3A_486 = arith.index_cast %min3A_485 : i32 to index
      %get3A_487 = arith.constant 0 : index
      %get3A_488 = tpu.vector_load %arg6[%get3A_486, %get3A_487] {strides = array<i32>} : memref<80x128xi32, #tpu.memory_space<vmem>>, vector<1x16xi32>,
      %get3A_489 = vector.shape_cast %get3A_488 : vector<1x16xi32> to vector<16xi32>
      %and3A_490 = arith.constant 16383 : i32
      %and3A_491 = vector.broadcast %and3A_490 : i32 to vector<16xi32>
      %and3A_492 = arith.andi %get3A_489, %and3A_491 : vector<16xi32>
      %swap3A_493 = arith.constant 0 : index
      %swap3A_494 = tpu.vector_load %arg8[%swap3A_493] {strides = array<i32>} : memref<128xi32, #tpu.memory_space<vmem>>, vector<16xi32>,
      %swap3A_495 = vector.shape_cast %swap3A_494 : vector<16xi32> to vector<16xi32>
      %swap3A_496 = vector.shape_cast %and3A_492 : vector<16xi32> to vector<16xi32>
      tpu.vector_store %arg8[%swap3A_493], %swap3A_496 {strides = array<i32>} : memref<128xi32, #tpu.memory_space<vmem>>, vector<16xi32>,
      %shift_right_logical3A_497 = arith.constant 14 : i32
      %shift_right_logical3A_498 = vector.broadcast %shift_right_logical3A_497 : i32 to vector<16xi32>
      %shift_right_logical3A_499 = arith.shrui %get3A_489, %shift_right_logical3A_498 : vector<16xi32>
      %swap3A_500 = arith.constant 0 : index
      %swap3A_501 = tpu.vector_load %arg10[%swap3A_500] {strides = array<i32>} : memref<128xi32, #tpu.memory_space<vmem>>, vector<16xi32>,
      %swap3A_502 = vector.shape_cast %swap3A_501 : vector<16xi32> to vector<16xi32>
      %swap3A_503 = vector.shape_cast %shift_right_logical3A_499 : vector<16xi32> to vector<16xi32>
      tpu.vector_store %arg10[%swap3A_500], %swap3A_503 {strides = array<i32>} : memref<128xi32, #tpu.memory_space<vmem>>, vector<16xi32>,
      %get3A_504 = arith.index_cast %min3A_485 : i32 to index
      %get3A_505 = arith.constant 16 : index
      %get3A_506 = tpu.vector_load %arg6[%get3A_504, %get3A_505] {strides = array<i32>} : memref<80x128xi32, #tpu.memory_space<vmem>>, vector<1x16xi32>,
      %get3A_507 = vector.shape_cast %get3A_506 : vector<1x16xi32> to vector<16xi32>
      %and3A_508 = arith.constant 16383 : i32
      %and3A_509 = vector.broadcast %and3A_508 : i32 to vector<16xi32>
      %and3A_510 = arith.andi %get3A_507, %and3A_509 : vector<16xi32>
      %swap3A_511 = arith.constant 16 : index
      %swap3A_512 = tpu.vector_load %arg8[%swap3A_511] {strides = array<i32>} : memref<128xi32, #tpu.memory_space<vmem>>, vector<16xi32>,
      %swap3A_513 = vector.shape_cast %swap3A_512 : vector<16xi32> to vector<16xi32>
      %swap3A_514 = vector.shape_cast %and3A_510 : vector<16xi32> to vector<16xi32>
      tpu.vector_store %arg8[%swap3A_511], %swap3A_514 {strides = array<i32>} : memref<128xi32, #tpu.memory_space<vmem>>, vector<16xi32>,
      %shift_right_logical3A_515 = arith.constant 14 : i32
      %shift_right_logical3A_516 = vector.broadcast %shift_right_logical3A_515 : i32 to vector<16xi32>
      %shift_right_logical3A_517 = arith.shrui %get3A_507, %shift_right_logical3A_516 : vector<16xi32>
      %swap3A_518 = arith.constant 16 : index
      %swap3A_519 = tpu.vector_load %arg10[%swap3A_518] {strides = array<i32>} : memref<128xi32, #tpu.memory_space<vmem>>, vector<16xi32>,
      %swap3A_520 = vector.shape_cast %swap3A_519 : vector<16xi32> to vector<16xi32>
      %swap3A_521 = vector.shape_cast %shift_right_logical3A_517 : vector<16xi32> to vector<16xi32>
      tpu.vector_store %arg10[%swap3A_518], %swap3A_521 {strides = array<i32>} : memref<128xi32, #tpu.memory_space<vmem>>, vector<16xi32>,
      %get3A_522 = arith.index_cast %min3A_485 : i32 to index
      %get3A_523 = arith.constant 32 : index
      %get3A_524 = tpu.vector_load %arg6[%get3A_522, %get3A_523] {strides = array<i32>} : memref<80x128xi32, #tpu.memory_space<vmem>>, vector<1x16xi32>,
      %get3A_525 = vector.shape_cast %get3A_524 : vector<1x16xi32> to vector<16xi32>
      %and3A_526 = arith.constant 16383 : i32
      %and3A_527 = vector.broadcast %and3A_526 : i32 to vector<16xi32>
      %and3A_528 = arith.andi %get3A_525, %and3A_527 : vector<16xi32>
      %swap3A_529 = arith.constant 32 : index
      %swap3A_530 = tpu.vector_load %arg8[%swap3A_529] {strides = array<i32>} : memref<128xi32, #tpu.memory_space<vmem>>, vector<16xi32>,
      %swap3A_531 = vector.shape_cast %swap3A_530 : vector<16xi32> to vector<16xi32>
      %swap3A_532 = vector.shape_cast %and3A_528 : vector<16xi32> to vector<16xi32>
      tpu.vector_store %arg8[%swap3A_529], %swap3A_532 {strides = array<i32>} : memref<128xi32, #tpu.memory_space<vmem>>, vector<16xi32>,
      %shift_right_logical3A_533 = arith.constant 14 : i32
      %shift_right_logical3A_534 = vector.broadcast %shift_right_logical3A_533 : i32 to vector<16xi32>
      %shift_right_logical3A_535 = arith.shrui %get3A_525, %shift_right_logical3A_534 : vector<16xi32>
      %swap3A_536 = arith.constant 32 : index
      %swap3A_537 = tpu.vector_load %arg10[%swap3A_536] {strides = array<i32>} : memref<128xi32, #tpu.memory_space<vmem>>, vector<16xi32>,
      %swap3A_538 = vector.shape_cast %swap3A_537 : vector<16xi32> to vector<16xi32>
      %swap3A_539 = vector.shape_cast %shift_right_logical3A_535 : vector<16xi32> to vector<16xi32>
      tpu.vector_store %arg10[%swap3A_536], %swap3A_539 {strides = array<i32>} : memref<128xi32, #tpu.memory_space<vmem>>, vector<16xi32>,
      %get3A_540 = arith.index_cast %min3A_485 : i32 to index
      %get3A_541 = arith.constant 48 : index
      %get3A_542 = tpu.vector_load %arg6[%get3A_540, %get3A_541] {strides = array<i32>} : memref<80x128xi32, #tpu.memory_space<vmem>>, vector<1x16xi32>,
      %get3A_543 = vector.shape_cast %get3A_542 : vector<1x16xi32> to vector<16xi32>
      %and3A_544 = arith.constant 16383 : i32
      %and3A_545 = vector.broadcast %and3A_544 : i32 to vector<16xi32>
      %and3A_546 = arith.andi %get3A_543, %and3A_545 : vector<16xi32>
      %swap3A_547 = arith.constant 48 : index
      %swap3A_548 = tpu.vector_load %arg8[%swap3A_547] {strides = array<i32>} : memref<128xi32, #tpu.memory_space<vmem>>, vector<16xi32>,
      %swap3A_549 = vector.shape_cast %swap3A_548 : vector<16xi32> to vector<16xi32>
      %swap3A_550 = vector.shape_cast %and3A_546 : vector<16xi32> to vector<16xi32>
      tpu.vector_store %arg8[%swap3A_547], %swap3A_550 {strides = array<i32>} : memref<128xi32, #tpu.memory_space<vmem>>, vector<16xi32>,
      %shift_right_logical3A_551 = arith.constant 14 : i32
      %shift_right_logical3A_552 = vector.broadcast %shift_right_logical3A_551 : i32 to vector<16xi32>
      %shift_right_logical3A_553 = arith.shrui %get3A_543, %shift_right_logical3A_552 : vector<16xi32>
      %swap3A_554 = arith.constant 48 : index
      %swap3A_555 = tpu.vector_load %arg10[%swap3A_554] {strides = array<i32>} : memref<128xi32, #tpu.memory_space<vmem>>, vector<16xi32>,
      %swap3A_556 = vector.shape_cast %swap3A_555 : vector<16xi32> to vector<16xi32>
      %swap3A_557 = vector.shape_cast %shift_right_logical3A_553 : vector<16xi32> to vector<16xi32>
      tpu.vector_store %arg10[%swap3A_554], %swap3A_557 {strides = array<i32>} : memref<128xi32, #tpu.memory_space<vmem>>, vector<16xi32>,
      %get3A_558 = arith.index_cast %min3A_485 : i32 to index
      %get3A_559 = arith.constant 64 : index
      %get3A_560 = tpu.vector_load %arg6[%get3A_558, %get3A_559] {strides = array<i32>} : memref<80x128xi32, #tpu.memory_space<vmem>>, vector<1x16xi32>,
      %get3A_561 = vector.shape_cast %get3A_560 : vector<1x16xi32> to vector<16xi32>
      %and3A_562 = arith.constant 16383 : i32
      %and3A_563 = vector.broadcast %and3A_562 : i32 to vector<16xi32>
      %and3A_564 = arith.andi %get3A_561, %and3A_563 : vector<16xi32>
      %swap3A_565 = arith.constant 64 : index
      %swap3A_566 = tpu.vector_load %arg8[%swap3A_565] {strides = array<i32>} : memref<128xi32, #tpu.memory_space<vmem>>, vector<16xi32>,
      %swap3A_567 = vector.shape_cast %swap3A_566 : vector<16xi32> to vector<16xi32>
      %swap3A_568 = vector.shape_cast %and3A_564 : vector<16xi32> to vector<16xi32>
      tpu.vector_store %arg8[%swap3A_565], %swap3A_568 {strides = array<i32>} : memref<128xi32, #tpu.memory_space<vmem>>, vector<16xi32>,
      %shift_right_logical3A_569 = arith.constant 14 : i32
      %shift_right_logical3A_570 = vector.broadcast %shift_right_logical3A_569 : i32 to vector<16xi32>
      %shift_right_logical3A_571 = arith.shrui %get3A_561, %shift_right_logical3A_570 : vector<16xi32>
      %swap3A_572 = arith.constant 64 : index
      %swap3A_573 = tpu.vector_load %arg10[%swap3A_572] {strides = array<i32>} : memref<128xi32, #tpu.memory_space<vmem>>, vector<16xi32>,
      %swap3A_574 = vector.shape_cast %swap3A_573 : vector<16xi32> to vector<16xi32>
      %swap3A_575 = vector.shape_cast %shift_right_logical3A_571 : vector<16xi32> to vector<16xi32>
      tpu.vector_store %arg10[%swap3A_572], %swap3A_575 {strides = array<i32>} : memref<128xi32, #tpu.memory_space<vmem>>, vector<16xi32>,
      %get3A_576 = arith.index_cast %min3A_485 : i32 to index
      %get3A_577 = arith.constant 80 : index
      %get3A_578 = tpu.vector_load %arg6[%get3A_576, %get3A_577] {strides = array<i32>} : memref<80x128xi32, #tpu.memory_space<vmem>>, vector<1x16xi32>,
      %get3A_579 = vector.shape_cast %get3A_578 : vector<1x16xi32> to vector<16xi32>
      %and3A_580 = arith.constant 16383 : i32
      %and3A_581 = vector.broadcast %and3A_580 : i32 to vector<16xi32>
      %and3A_582 = arith.andi %get3A_579, %and3A_581 : vector<16xi32>
      %swap3A_583 = arith.constant 80 : index
      %swap3A_584 = tpu.vector_load %arg8[%swap3A_583] {strides = array<i32>} : memref<128xi32, #tpu.memory_space<vmem>>, vector<16xi32>,
      %swap3A_585 = vector.shape_cast %swap3A_584 : vector<16xi32> to vector<16xi32>
      %swap3A_586 = vector.shape_cast %and3A_582 : vector<16xi32> to vector<16xi32>
      tpu.vector_store %arg8[%swap3A_583], %swap3A_586 {strides = array<i32>} : memref<128xi32, #tpu.memory_space<vmem>>, vector<16xi32>,
      %shift_right_logical3A_587 = arith.constant 14 : i32
      %shift_right_logical3A_588 = vector.broadcast %shift_right_logical3A_587 : i32 to vector<16xi32>
      %shift_right_logical3A_589 = arith.shrui %get3A_579, %shift_right_logical3A_588 : vector<16xi32>
      %swap3A_590 = arith.constant 80 : index
      %swap3A_591 = tpu.vector_load %arg10[%swap3A_590] {strides = array<i32>} : memref<128xi32, #tpu.memory_space<vmem>>, vector<16xi32>,
      %swap3A_592 = vector.shape_cast %swap3A_591 : vector<16xi32> to vector<16xi32>
      %swap3A_593 = vector.shape_cast %shift_right_logical3A_589 : vector<16xi32> to vector<16xi32>
      tpu.vector_store %arg10[%swap3A_590], %swap3A_593 {strides = array<i32>} : memref<128xi32, #tpu.memory_space<vmem>>, vector<16xi32>,
      %get3A_594 = arith.index_cast %min3A_485 : i32 to index
      %get3A_595 = arith.constant 96 : index
      %get3A_596 = tpu.vector_load %arg6[%get3A_594, %get3A_595] {strides = array<i32>} : memref<80x128xi32, #tpu.memory_space<vmem>>, vector<1x16xi32>,
      %get3A_597 = vector.shape_cast %get3A_596 : vector<1x16xi32> to vector<16xi32>
      %and3A_598 = arith.constant 16383 : i32
      %and3A_599 = vector.broadcast %and3A_598 : i32 to vector<16xi32>
      %and3A_600 = arith.andi %get3A_597, %and3A_599 : vector<16xi32>
      %swap3A_601 = arith.constant 96 : index
      %swap3A_602 = tpu.vector_load %arg8[%swap3A_601] {strides = array<i32>} : memref<128xi32, #tpu.memory_space<vmem>>, vector<16xi32>,
      %swap3A_603 = vector.shape_cast %swap3A_602 : vector<16xi32> to vector<16xi32>
      %swap3A_604 = vector.shape_cast %and3A_600 : vector<16xi32> to vector<16xi32>
      tpu.vector_store %arg8[%swap3A_601], %swap3A_604 {strides = array<i32>} : memref<128xi32, #tpu.memory_space<vmem>>, vector<16xi32>,
      %shift_right_logical3A_605 = arith.constant 14 : i32
      %shift_right_logical3A_606 = vector.broadcast %shift_right_logical3A_605 : i32 to vector<16xi32>
      %shift_right_logical3A_607 = arith.shrui %get3A_597, %shift_right_logical3A_606 : vector<16xi32>
      %swap3A_608 = arith.constant 96 : index
      %swap3A_609 = tpu.vector_load %arg10[%swap3A_608] {strides = array<i32>} : memref<128xi32, #tpu.memory_space<vmem>>, vector<16xi32>,
      %swap3A_610 = vector.shape_cast %swap3A_609 : vector<16xi32> to vector<16xi32>
      %swap3A_611 = vector.shape_cast %shift_right_logical3A_607 : vector<16xi32> to vector<16xi32>
      tpu.vector_store %arg10[%swap3A_608], %swap3A_611 {strides = array<i32>} : memref<128xi32, #tpu.memory_space<vmem>>, vector<16xi32>,
      %get3A_612 = arith.index_cast %min3A_485 : i32 to index
      %get3A_613 = arith.constant 112 : index
      %get3A_614 = tpu.vector_load %arg6[%get3A_612, %get3A_613] {strides = array<i32>} : memref<80x128xi32, #tpu.memory_space<vmem>>, vector<1x16xi32>,
      %get3A_615 = vector.shape_cast %get3A_614 : vector<1x16xi32> to vector<16xi32>
      %and3A_616 = arith.constant 16383 : i32
      %and3A_617 = vector.broadcast %and3A_616 : i32 to vector<16xi32>
      %and3A_618 = arith.andi %get3A_615, %and3A_617 : vector<16xi32>
      %swap3A_619 = arith.constant 112 : index
      %swap3A_620 = tpu.vector_load %arg8[%swap3A_619] {strides = array<i32>} : memref<128xi32, #tpu.memory_space<vmem>>, vector<16xi32>,
      %swap3A_621 = vector.shape_cast %swap3A_620 : vector<16xi32> to vector<16xi32>
      %swap3A_622 = vector.shape_cast %and3A_618 : vector<16xi32> to vector<16xi32>
      tpu.vector_store %arg8[%swap3A_619], %swap3A_622 {strides = array<i32>} : memref<128xi32, #tpu.memory_space<vmem>>, vector<16xi32>,
      %shift_right_logical3A_623 = arith.constant 14 : i32
      %shift_right_logical3A_624 = vector.broadcast %shift_right_logical3A_623 : i32 to vector<16xi32>
      %shift_right_logical3A_625 = arith.shrui %get3A_615, %shift_right_logical3A_624 : vector<16xi32>
      %swap3A_626 = arith.constant 112 : index
      %swap3A_627 = tpu.vector_load %arg10[%swap3A_626] {strides = array<i32>} : memref<128xi32, #tpu.memory_space<vmem>>, vector<16xi32>,
      %swap3A_628 = vector.shape_cast %swap3A_627 : vector<16xi32> to vector<16xi32>
      %swap3A_629 = vector.shape_cast %shift_right_logical3A_625 : vector<16xi32> to vector<16xi32>
      tpu.vector_store %arg10[%swap3A_626], %swap3A_629 {strides = array<i32>} : memref<128xi32, #tpu.memory_space<vmem>>, vector<16xi32>,
      %dma_start3A_630 = arith.constant 0 : i32
      %dma_start3A_631 = arith.constant 0 : i32
      %dma_start3A_632 = tpu.memref_slice %arg2[%dma_start3A_630, %dma_start3A_631] : memref<10000x128xf32, #tpu.memory_space<hbm>> -> memref<10000x128xf32, #tpu.memory_space<hbm>>
      tpu.enqueue_indirect_dma source(%dma_start3A_632 : memref<10000x128xf32, #tpu.memory_space<hbm>>) target(%arg12 : memref<128x128xf32, #tpu.memory_space<vmem>>) offsets(%arg8 : memref<128xi32, #tpu.memory_space<vmem>>) semaphore(%arg15 : memref<!tpu.dma_semaphore, #tpu.memory_space<semaphore_mem>>)
    }
    %scan3A_312 = arith.constant 40 : i32
    %dma_wait3A = arith.constant 0 : i32
    %dma_wait3A_313 = arith.constant 0 : i32
    %dma_wait3A_314 = tpu.memref_slice %arg2[%dma_wait3A, %dma_wait3A_313] : memref<10000x128xf32, #tpu.memory_space<hbm>> -> memref<10000x128xf32, #tpu.memory_space<hbm>>
    tpu.wait_indirect_dma semaphore(%arg14 : memref<!tpu.dma_semaphore, #tpu.memory_space<semaphore_mem>>) src(%dma_wait3A_314 : memref<10000x128xf32, #tpu.memory_space<hbm>>) dst(%arg11 : memref<128x128xf32, #tpu.memory_space<vmem>>)
    %dma_wait3A_315 = arith.constant 0 : i32
    %dma_wait3A_316 = arith.constant 0 : i32
    %dma_wait3A_317 = tpu.memref_slice %arg2[%dma_wait3A_315, %dma_wait3A_316] : memref<10000x128xf32, #tpu.memory_space<hbm>> -> memref<10000x128xf32, #tpu.memory_space<hbm>>
    tpu.wait_indirect_dma semaphore(%arg15 : memref<!tpu.dma_semaphore, #tpu.memory_space<semaphore_mem>>) src(%dma_wait3A_317 : memref<10000x128xf32, #tpu.memory_space<hbm>>) dst(%arg12 : memref<128x128xf32, #tpu.memory_space<vmem>>)
    %barrier3A_318 = arith.constant 0 : index
    tpu.barrier barrier_id(%barrier3A_318)
    %mul3A_319 = arith.constant 648 : i32
    %mul3A_320 = arith.muli %arg1, %mul3A_319 : i32
    %mul3A_321 = arith.constant 648 : i32
    %mul3A_322 = arith.muli %arg1, %mul3A_321 : i32
    "tpu.region"() ({
      %run_scoped3A = tpu.sem_alloc : memref<!tpu.dma_semaphore, #tpu.memory_space<semaphore_mem>>
      %dma_start3A_323 = arith.constant 0 : i32
      %dma_start3A_324 = tpu.memref_slice %arg5[%arg0, %mul3A_322, %dma_start3A_323] : memref<2x10368x128xf32, #tpu.memory_space<hbm>> -> memref<1x648x128xf32, #tpu.memory_space<hbm>>
      %dma_start3A_325 = tpu.memref_squeeze %dma_start3A_324 : memref<1x648x128xf32, #tpu.memory_space<hbm>> -> memref<648x128xf32, #tpu.memory_space<hbm>>
      %dma_start3A_326 = arith.constant 0 : i32
      %dma_start3A_327 = tpu.memref_slice %arg13[%mul3A_320, %dma_start3A_326] : memref<10368x128xf32, #tpu.memory_space<vmem_shared>> -> memref<648x128xf32, #tpu.memory_space<vmem_shared>>
      tpu.enqueue_dma source(%dma_start3A_327 : memref<648x128xf32, #tpu.memory_space<vmem_shared>>) target(%dma_start3A_325 : memref<648x128xf32, #tpu.memory_space<hbm>>) target_semaphore(%run_scoped3A : memref<!tpu.dma_semaphore, #tpu.memory_space<semaphore_mem>>)
      %dma_wait3A_328 = arith.constant 0 : i32
      %dma_wait3A_329 = tpu.memref_slice %arg5[%arg0, %mul3A_322, %dma_wait3A_328] : memref<2x10368x128xf32, #tpu.memory_space<hbm>> -> memref<1x648x128xf32, #tpu.memory_space<hbm>>
      %dma_wait3A_330 = tpu.memref_squeeze %dma_wait3A_329 : memref<1x648x128xf32, #tpu.memory_space<hbm>> -> memref<648x128xf32, #tpu.memory_space<hbm>>
      %dma_wait3A_331 = arith.constant 0 : i32
      %dma_wait3A_332 = tpu.memref_slice %arg13[%mul3A_320, %dma_wait3A_331] : memref<10368x128xf32, #tpu.memory_space<vmem_shared>> -> memref<648x128xf32, #tpu.memory_space<vmem_shared>>
      tpu.wait_dma2 semaphore(%run_scoped3A : memref<!tpu.dma_semaphore, #tpu.memory_space<semaphore_mem>>) src(%dma_wait3A_332 : memref<648x128xf32, #tpu.memory_space<vmem_shared>>) dst(%dma_wait3A_330 : memref<648x128xf32, #tpu.memory_space<hbm>>)
      tpu.yield
    }) : () -> ()
    return
  }
}

#map = affine_map<(d0, d1) -> (0, 0, 0)>
#map1 = affine_map<(d0, d1) -> (0, 0)>
module attributes {stable_mosaic.version = 14 : i64} {
  func.func @_sc_degree(%arg0: i32, %arg1: i32, %arg2: memref<32x80x128xi32, #tpu.memory_space<hbm>>, %arg3: memref<128x128xf32, #tpu.memory_space<hbm>>, %arg4: memref<648x128xf32, #tpu.memory_space<hbm>>, %arg5: memref<2x10368x128xf32, #tpu.memory_space<hbm>>, %arg6: memref<80x128xi32, #tpu.memory_space<vmem>>, %arg7: memref<128xi32, #tpu.memory_space<vmem>>, %arg8: memref<128xi32, #tpu.memory_space<vmem>>, %arg9: memref<128x128xf32, #tpu.memory_space<vmem>>, %arg10: memref<10368x128xf32, #tpu.memory_space<vmem_shared>>) attributes {dimension_semantics = [#tpu.dimension_semantics<core_parallel>, #tpu.dimension_semantics<subcore_parallel>], iteration_bounds = array<i64: 2, 16>, scalar_prefetch = 0 : i64, scratch_operands = 5 : i64, tpu.core_type = #tpu.core_type<sc_vector_subcore>, window_params = [{transform_indices = #map}, {transform_indices = #map1}, {transform_indices = #map1}, {transform_indices = #map}]} {
    %mul3A = arith.constant 2 : i32
    %mul3A_0 = arith.muli %arg1, %mul3A : i32
    %add3A = arith.addi %mul3A_0, %arg0 : i32
    "tpu.region"() ({
      %run_scoped3A = tpu.sem_alloc : memref<!tpu.dma_semaphore, #tpu.memory_space<semaphore_mem>>
      %dma_start3A = arith.constant 0 : i32
      %dma_start3A_13 = arith.constant 0 : i32
      %dma_start3A_14 = tpu.memref_slice %arg2[%add3A, %dma_start3A, %dma_start3A_13] : memref<32x80x128xi32, #tpu.memory_space<hbm>> -> memref<1x80x128xi32, #tpu.memory_space<hbm>>
      %dma_start3A_15 = tpu.memref_squeeze %dma_start3A_14 : memref<1x80x128xi32, #tpu.memory_space<hbm>> -> memref<80x128xi32, #tpu.memory_space<hbm>>
      %dma_start3A_16 = arith.constant 0 : i32
      %dma_start3A_17 = arith.constant 0 : i32
      %dma_start3A_18 = tpu.memref_slice %arg2[%add3A, %dma_start3A_16, %dma_start3A_17] : memref<32x80x128xi32, #tpu.memory_space<hbm>> -> memref<1x80x128xi32, #tpu.memory_space<hbm>>
      %dma_start3A_19 = tpu.memref_squeeze %dma_start3A_18 : memref<1x80x128xi32, #tpu.memory_space<hbm>> -> memref<80x128xi32, #tpu.memory_space<hbm>>
      tpu.enqueue_dma source(%dma_start3A_19 : memref<80x128xi32, #tpu.memory_space<hbm>>) target(%arg6 : memref<80x128xi32, #tpu.memory_space<vmem>>) target_semaphore(%run_scoped3A : memref<!tpu.dma_semaphore, #tpu.memory_space<semaphore_mem>>)
      %dma_wait3A = arith.constant 0 : i32
      %dma_wait3A_20 = arith.constant 0 : i32
      %dma_wait3A_21 = tpu.memref_slice %arg2[%add3A, %dma_wait3A, %dma_wait3A_20] : memref<32x80x128xi32, #tpu.memory_space<hbm>> -> memref<1x80x128xi32, #tpu.memory_space<hbm>>
      %dma_wait3A_22 = tpu.memref_squeeze %dma_wait3A_21 : memref<1x80x128xi32, #tpu.memory_space<hbm>> -> memref<80x128xi32, #tpu.memory_space<hbm>>
      %dma_wait3A_23 = arith.constant 0 : i32
      %dma_wait3A_24 = arith.constant 0 : i32
      %dma_wait3A_25 = tpu.memref_slice %arg2[%add3A, %dma_wait3A_23, %dma_wait3A_24] : memref<32x80x128xi32, #tpu.memory_space<hbm>> -> memref<1x80x128xi32, #tpu.memory_space<hbm>>
      %dma_wait3A_26 = tpu.memref_squeeze %dma_wait3A_25 : memref<1x80x128xi32, #tpu.memory_space<hbm>> -> memref<80x128xi32, #tpu.memory_space<hbm>>
      tpu.wait_dma2 semaphore(%run_scoped3A : memref<!tpu.dma_semaphore, #tpu.memory_space<semaphore_mem>>) src(%dma_wait3A_26 : memref<80x128xi32, #tpu.memory_space<hbm>>) dst(%arg6 : memref<80x128xi32, #tpu.memory_space<vmem>>)
      tpu.yield
    }) : () -> ()
    "tpu.region"() ({
      %run_scoped3A = tpu.sem_alloc : memref<!tpu.dma_semaphore, #tpu.memory_space<semaphore_mem>>
      tpu.enqueue_dma source(%arg3 : memref<128x128xf32, #tpu.memory_space<hbm>>) target(%arg9 : memref<128x128xf32, #tpu.memory_space<vmem>>) target_semaphore(%run_scoped3A : memref<!tpu.dma_semaphore, #tpu.memory_space<semaphore_mem>>)
      tpu.wait_dma2 semaphore(%run_scoped3A : memref<!tpu.dma_semaphore, #tpu.memory_space<semaphore_mem>>) src(%arg3 : memref<128x128xf32, #tpu.memory_space<hbm>>) dst(%arg9 : memref<128x128xf32, #tpu.memory_space<vmem>>)
      tpu.yield
    }) : () -> ()
    %mul3A_1 = arith.constant 648 : i32
    %mul3A_2 = arith.muli %arg1, %mul3A_1 : i32
    "tpu.region"() ({
      %run_scoped3A = tpu.sem_alloc : memref<!tpu.dma_semaphore, #tpu.memory_space<semaphore_mem>>
      %dma_start3A = arith.constant 0 : i32
      %dma_start3A_13 = tpu.memref_slice %arg10[%mul3A_2, %dma_start3A] : memref<10368x128xf32, #tpu.memory_space<vmem_shared>> -> memref<648x128xf32, #tpu.memory_space<vmem_shared>>
      tpu.enqueue_dma source(%arg4 : memref<648x128xf32, #tpu.memory_space<hbm>>) target(%dma_start3A_13 : memref<648x128xf32, #tpu.memory_space<vmem_shared>>) target_semaphore(%run_scoped3A : memref<!tpu.dma_semaphore, #tpu.memory_space<semaphore_mem>>)
      %dma_wait3A = arith.constant 0 : i32
      %dma_wait3A_14 = tpu.memref_slice %arg10[%mul3A_2, %dma_wait3A] : memref<10368x128xf32, #tpu.memory_space<vmem_shared>> -> memref<648x128xf32, #tpu.memory_space<vmem_shared>>
      tpu.wait_dma2 semaphore(%run_scoped3A : memref<!tpu.dma_semaphore, #tpu.memory_space<semaphore_mem>>) src(%arg4 : memref<648x128xf32, #tpu.memory_space<hbm>>) dst(%dma_wait3A_14 : memref<648x128xf32, #tpu.memory_space<vmem_shared>>)
      tpu.yield
    }) : () -> ()
    %barrier3A = arith.constant 0 : index
    tpu.barrier barrier_id(%barrier3A)
    %scan3A = arith.constant 0 : i32
    %scan3A_3 = arith.constant 0 : i32
    %scan3A_4 = arith.constant 80 : i32
    %scan3A_5 = arith.addi %scan3A_3, %scan3A_4 : i32
    %scan3A_6 = arith.constant 1 : i32
    scf.for %scan3A_13 = %scan3A_3 to %scan3A_5 step %scan3A_6  : i32 {
      %get3A = arith.index_cast %scan3A_13 : i32 to index
      %get3A_14 = arith.constant 0 : index
      %get3A_15 = tpu.vector_load %arg6[%get3A, %get3A_14] {strides = array<i32>} : memref<80x128xi32, #tpu.memory_space<vmem>>, vector<1x16xi32>,
      %get3A_16 = vector.shape_cast %get3A_15 : vector<1x16xi32> to vector<16xi32>
      %and3A = arith.constant 16383 : i32
      %and3A_17 = vector.broadcast %and3A : i32 to vector<16xi32>
      %and3A_18 = arith.andi %get3A_16, %and3A_17 : vector<16xi32>
      %swap3A = arith.constant 0 : index
      %swap3A_19 = tpu.vector_load %arg7[%swap3A] {strides = array<i32>} : memref<128xi32, #tpu.memory_space<vmem>>, vector<16xi32>,
      %swap3A_20 = vector.shape_cast %swap3A_19 : vector<16xi32> to vector<16xi32>
      %swap3A_21 = vector.shape_cast %and3A_18 : vector<16xi32> to vector<16xi32>
      tpu.vector_store %arg7[%swap3A], %swap3A_21 {strides = array<i32>} : memref<128xi32, #tpu.memory_space<vmem>>, vector<16xi32>,
      %shift_right_logical3A = arith.constant 14 : i32
      %shift_right_logical3A_22 = vector.broadcast %shift_right_logical3A : i32 to vector<16xi32>
      %shift_right_logical3A_23 = arith.shrui %get3A_16, %shift_right_logical3A_22 : vector<16xi32>
      %swap3A_24 = arith.constant 0 : index
      %swap3A_25 = tpu.vector_load %arg8[%swap3A_24] {strides = array<i32>} : memref<128xi32, #tpu.memory_space<vmem>>, vector<16xi32>,
      %swap3A_26 = vector.shape_cast %swap3A_25 : vector<16xi32> to vector<16xi32>
      %swap3A_27 = vector.shape_cast %shift_right_logical3A_23 : vector<16xi32> to vector<16xi32>
      tpu.vector_store %arg8[%swap3A_24], %swap3A_27 {strides = array<i32>} : memref<128xi32, #tpu.memory_space<vmem>>, vector<16xi32>,
      %get3A_28 = arith.index_cast %scan3A_13 : i32 to index
      %get3A_29 = arith.constant 16 : index
      %get3A_30 = tpu.vector_load %arg6[%get3A_28, %get3A_29] {strides = array<i32>} : memref<80x128xi32, #tpu.memory_space<vmem>>, vector<1x16xi32>,
      %get3A_31 = vector.shape_cast %get3A_30 : vector<1x16xi32> to vector<16xi32>
      %and3A_32 = arith.constant 16383 : i32
      %and3A_33 = vector.broadcast %and3A_32 : i32 to vector<16xi32>
      %and3A_34 = arith.andi %get3A_31, %and3A_33 : vector<16xi32>
      %swap3A_35 = arith.constant 16 : index
      %swap3A_36 = tpu.vector_load %arg7[%swap3A_35] {strides = array<i32>} : memref<128xi32, #tpu.memory_space<vmem>>, vector<16xi32>,
      %swap3A_37 = vector.shape_cast %swap3A_36 : vector<16xi32> to vector<16xi32>
      %swap3A_38 = vector.shape_cast %and3A_34 : vector<16xi32> to vector<16xi32>
      tpu.vector_store %arg7[%swap3A_35], %swap3A_38 {strides = array<i32>} : memref<128xi32, #tpu.memory_space<vmem>>, vector<16xi32>,
      %shift_right_logical3A_39 = arith.constant 14 : i32
      %shift_right_logical3A_40 = vector.broadcast %shift_right_logical3A_39 : i32 to vector<16xi32>
      %shift_right_logical3A_41 = arith.shrui %get3A_31, %shift_right_logical3A_40 : vector<16xi32>
      %swap3A_42 = arith.constant 16 : index
      %swap3A_43 = tpu.vector_load %arg8[%swap3A_42] {strides = array<i32>} : memref<128xi32, #tpu.memory_space<vmem>>, vector<16xi32>,
      %swap3A_44 = vector.shape_cast %swap3A_43 : vector<16xi32> to vector<16xi32>
      %swap3A_45 = vector.shape_cast %shift_right_logical3A_41 : vector<16xi32> to vector<16xi32>
      tpu.vector_store %arg8[%swap3A_42], %swap3A_45 {strides = array<i32>} : memref<128xi32, #tpu.memory_space<vmem>>, vector<16xi32>,
      %get3A_46 = arith.index_cast %scan3A_13 : i32 to index
      %get3A_47 = arith.constant 32 : index
      %get3A_48 = tpu.vector_load %arg6[%get3A_46, %get3A_47] {strides = array<i32>} : memref<80x128xi32, #tpu.memory_space<vmem>>, vector<1x16xi32>,
      %get3A_49 = vector.shape_cast %get3A_48 : vector<1x16xi32> to vector<16xi32>
      %and3A_50 = arith.constant 16383 : i32
      %and3A_51 = vector.broadcast %and3A_50 : i32 to vector<16xi32>
      %and3A_52 = arith.andi %get3A_49, %and3A_51 : vector<16xi32>
      %swap3A_53 = arith.constant 32 : index
      %swap3A_54 = tpu.vector_load %arg7[%swap3A_53] {strides = array<i32>} : memref<128xi32, #tpu.memory_space<vmem>>, vector<16xi32>,
      %swap3A_55 = vector.shape_cast %swap3A_54 : vector<16xi32> to vector<16xi32>
      %swap3A_56 = vector.shape_cast %and3A_52 : vector<16xi32> to vector<16xi32>
      tpu.vector_store %arg7[%swap3A_53], %swap3A_56 {strides = array<i32>} : memref<128xi32, #tpu.memory_space<vmem>>, vector<16xi32>,
      %shift_right_logical3A_57 = arith.constant 14 : i32
      %shift_right_logical3A_58 = vector.broadcast %shift_right_logical3A_57 : i32 to vector<16xi32>
      %shift_right_logical3A_59 = arith.shrui %get3A_49, %shift_right_logical3A_58 : vector<16xi32>
      %swap3A_60 = arith.constant 32 : index
      %swap3A_61 = tpu.vector_load %arg8[%swap3A_60] {strides = array<i32>} : memref<128xi32, #tpu.memory_space<vmem>>, vector<16xi32>,
      %swap3A_62 = vector.shape_cast %swap3A_61 : vector<16xi32> to vector<16xi32>
      %swap3A_63 = vector.shape_cast %shift_right_logical3A_59 : vector<16xi32> to vector<16xi32>
      tpu.vector_store %arg8[%swap3A_60], %swap3A_63 {strides = array<i32>} : memref<128xi32, #tpu.memory_space<vmem>>, vector<16xi32>,
      %get3A_64 = arith.index_cast %scan3A_13 : i32 to index
      %get3A_65 = arith.constant 48 : index
      %get3A_66 = tpu.vector_load %arg6[%get3A_64, %get3A_65] {strides = array<i32>} : memref<80x128xi32, #tpu.memory_space<vmem>>, vector<1x16xi32>,
      %get3A_67 = vector.shape_cast %get3A_66 : vector<1x16xi32> to vector<16xi32>
      %and3A_68 = arith.constant 16383 : i32
      %and3A_69 = vector.broadcast %and3A_68 : i32 to vector<16xi32>
      %and3A_70 = arith.andi %get3A_67, %and3A_69 : vector<16xi32>
      %swap3A_71 = arith.constant 48 : index
      %swap3A_72 = tpu.vector_load %arg7[%swap3A_71] {strides = array<i32>} : memref<128xi32, #tpu.memory_space<vmem>>, vector<16xi32>,
      %swap3A_73 = vector.shape_cast %swap3A_72 : vector<16xi32> to vector<16xi32>
      %swap3A_74 = vector.shape_cast %and3A_70 : vector<16xi32> to vector<16xi32>
      tpu.vector_store %arg7[%swap3A_71], %swap3A_74 {strides = array<i32>} : memref<128xi32, #tpu.memory_space<vmem>>, vector<16xi32>,
      %shift_right_logical3A_75 = arith.constant 14 : i32
      %shift_right_logical3A_76 = vector.broadcast %shift_right_logical3A_75 : i32 to vector<16xi32>
      %shift_right_logical3A_77 = arith.shrui %get3A_67, %shift_right_logical3A_76 : vector<16xi32>
      %swap3A_78 = arith.constant 48 : index
      %swap3A_79 = tpu.vector_load %arg8[%swap3A_78] {strides = array<i32>} : memref<128xi32, #tpu.memory_space<vmem>>, vector<16xi32>,
      %swap3A_80 = vector.shape_cast %swap3A_79 : vector<16xi32> to vector<16xi32>
      %swap3A_81 = vector.shape_cast %shift_right_logical3A_77 : vector<16xi32> to vector<16xi32>
      tpu.vector_store %arg8[%swap3A_78], %swap3A_81 {strides = array<i32>} : memref<128xi32, #tpu.memory_space<vmem>>, vector<16xi32>,
      %get3A_82 = arith.index_cast %scan3A_13 : i32 to index
      %get3A_83 = arith.constant 64 : index
      %get3A_84 = tpu.vector_load %arg6[%get3A_82, %get3A_83] {strides = array<i32>} : memref<80x128xi32, #tpu.memory_space<vmem>>, vector<1x16xi32>,
      %get3A_85 = vector.shape_cast %get3A_84 : vector<1x16xi32> to vector<16xi32>
      %and3A_86 = arith.constant 16383 : i32
      %and3A_87 = vector.broadcast %and3A_86 : i32 to vector<16xi32>
      %and3A_88 = arith.andi %get3A_85, %and3A_87 : vector<16xi32>
      %swap3A_89 = arith.constant 64 : index
      %swap3A_90 = tpu.vector_load %arg7[%swap3A_89] {strides = array<i32>} : memref<128xi32, #tpu.memory_space<vmem>>, vector<16xi32>,
      %swap3A_91 = vector.shape_cast %swap3A_90 : vector<16xi32> to vector<16xi32>
      %swap3A_92 = vector.shape_cast %and3A_88 : vector<16xi32> to vector<16xi32>
      tpu.vector_store %arg7[%swap3A_89], %swap3A_92 {strides = array<i32>} : memref<128xi32, #tpu.memory_space<vmem>>, vector<16xi32>,
      %shift_right_logical3A_93 = arith.constant 14 : i32
      %shift_right_logical3A_94 = vector.broadcast %shift_right_logical3A_93 : i32 to vector<16xi32>
      %shift_right_logical3A_95 = arith.shrui %get3A_85, %shift_right_logical3A_94 : vector<16xi32>
      %swap3A_96 = arith.constant 64 : index
      %swap3A_97 = tpu.vector_load %arg8[%swap3A_96] {strides = array<i32>} : memref<128xi32, #tpu.memory_space<vmem>>, vector<16xi32>,
      %swap3A_98 = vector.shape_cast %swap3A_97 : vector<16xi32> to vector<16xi32>
      %swap3A_99 = vector.shape_cast %shift_right_logical3A_95 : vector<16xi32> to vector<16xi32>
      tpu.vector_store %arg8[%swap3A_96], %swap3A_99 {strides = array<i32>} : memref<128xi32, #tpu.memory_space<vmem>>, vector<16xi32>,
      %get3A_100 = arith.index_cast %scan3A_13 : i32 to index
      %get3A_101 = arith.constant 80 : index
      %get3A_102 = tpu.vector_load %arg6[%get3A_100, %get3A_101] {strides = array<i32>} : memref<80x128xi32, #tpu.memory_space<vmem>>, vector<1x16xi32>,
      %get3A_103 = vector.shape_cast %get3A_102 : vector<1x16xi32> to vector<16xi32>
      %and3A_104 = arith.constant 16383 : i32
      %and3A_105 = vector.broadcast %and3A_104 : i32 to vector<16xi32>
      %and3A_106 = arith.andi %get3A_103, %and3A_105 : vector<16xi32>
      %swap3A_107 = arith.constant 80 : index
      %swap3A_108 = tpu.vector_load %arg7[%swap3A_107] {strides = array<i32>} : memref<128xi32, #tpu.memory_space<vmem>>, vector<16xi32>,
      %swap3A_109 = vector.shape_cast %swap3A_108 : vector<16xi32> to vector<16xi32>
      %swap3A_110 = vector.shape_cast %and3A_106 : vector<16xi32> to vector<16xi32>
      tpu.vector_store %arg7[%swap3A_107], %swap3A_110 {strides = array<i32>} : memref<128xi32, #tpu.memory_space<vmem>>, vector<16xi32>,
      %shift_right_logical3A_111 = arith.constant 14 : i32
      %shift_right_logical3A_112 = vector.broadcast %shift_right_logical3A_111 : i32 to vector<16xi32>
      %shift_right_logical3A_113 = arith.shrui %get3A_103, %shift_right_logical3A_112 : vector<16xi32>
      %swap3A_114 = arith.constant 80 : index
      %swap3A_115 = tpu.vector_load %arg8[%swap3A_114] {strides = array<i32>} : memref<128xi32, #tpu.memory_space<vmem>>, vector<16xi32>,
      %swap3A_116 = vector.shape_cast %swap3A_115 : vector<16xi32> to vector<16xi32>
      %swap3A_117 = vector.shape_cast %shift_right_logical3A_113 : vector<16xi32> to vector<16xi32>
      tpu.vector_store %arg8[%swap3A_114], %swap3A_117 {strides = array<i32>} : memref<128xi32, #tpu.memory_space<vmem>>, vector<16xi32>,
      %get3A_118 = arith.index_cast %scan3A_13 : i32 to index
      %get3A_119 = arith.constant 96 : index
      %get3A_120 = tpu.vector_load %arg6[%get3A_118, %get3A_119] {strides = array<i32>} : memref<80x128xi32, #tpu.memory_space<vmem>>, vector<1x16xi32>,
      %get3A_121 = vector.shape_cast %get3A_120 : vector<1x16xi32> to vector<16xi32>
      %and3A_122 = arith.constant 16383 : i32
      %and3A_123 = vector.broadcast %and3A_122 : i32 to vector<16xi32>
      %and3A_124 = arith.andi %get3A_121, %and3A_123 : vector<16xi32>
      %swap3A_125 = arith.constant 96 : index
      %swap3A_126 = tpu.vector_load %arg7[%swap3A_125] {strides = array<i32>} : memref<128xi32, #tpu.memory_space<vmem>>, vector<16xi32>,
      %swap3A_127 = vector.shape_cast %swap3A_126 : vector<16xi32> to vector<16xi32>
      %swap3A_128 = vector.shape_cast %and3A_124 : vector<16xi32> to vector<16xi32>
      tpu.vector_store %arg7[%swap3A_125], %swap3A_128 {strides = array<i32>} : memref<128xi32, #tpu.memory_space<vmem>>, vector<16xi32>,
      %shift_right_logical3A_129 = arith.constant 14 : i32
      %shift_right_logical3A_130 = vector.broadcast %shift_right_logical3A_129 : i32 to vector<16xi32>
      %shift_right_logical3A_131 = arith.shrui %get3A_121, %shift_right_logical3A_130 : vector<16xi32>
      %swap3A_132 = arith.constant 96 : index
      %swap3A_133 = tpu.vector_load %arg8[%swap3A_132] {strides = array<i32>} : memref<128xi32, #tpu.memory_space<vmem>>, vector<16xi32>,
      %swap3A_134 = vector.shape_cast %swap3A_133 : vector<16xi32> to vector<16xi32>
      %swap3A_135 = vector.shape_cast %shift_right_logical3A_131 : vector<16xi32> to vector<16xi32>
      tpu.vector_store %arg8[%swap3A_132], %swap3A_135 {strides = array<i32>} : memref<128xi32, #tpu.memory_space<vmem>>, vector<16xi32>,
      %get3A_136 = arith.index_cast %scan3A_13 : i32 to index
      %get3A_137 = arith.constant 112 : index
      %get3A_138 = tpu.vector_load %arg6[%get3A_136, %get3A_137] {strides = array<i32>} : memref<80x128xi32, #tpu.memory_space<vmem>>, vector<1x16xi32>,
      %get3A_139 = vector.shape_cast %get3A_138 : vector<1x16xi32> to vector<16xi32>
      %and3A_140 = arith.constant 16383 : i32
      %and3A_141 = vector.broadcast %and3A_140 : i32 to vector<16xi32>
      %and3A_142 = arith.andi %get3A_139, %and3A_141 : vector<16xi32>
      %swap3A_143 = arith.constant 112 : index
      %swap3A_144 = tpu.vector_load %arg7[%swap3A_143] {strides = array<i32>} : memref<128xi32, #tpu.memory_space<vmem>>, vector<16xi32>,
      %swap3A_145 = vector.shape_cast %swap3A_144 : vector<16xi32> to vector<16xi32>
      %swap3A_146 = vector.shape_cast %and3A_142 : vector<16xi32> to vector<16xi32>
      tpu.vector_store %arg7[%swap3A_143], %swap3A_146 {strides = array<i32>} : memref<128xi32, #tpu.memory_space<vmem>>, vector<16xi32>,
      %shift_right_logical3A_147 = arith.constant 14 : i32
      %shift_right_logical3A_148 = vector.broadcast %shift_right_logical3A_147 : i32 to vector<16xi32>
      %shift_right_logical3A_149 = arith.shrui %get3A_139, %shift_right_logical3A_148 : vector<16xi32>
      %swap3A_150 = arith.constant 112 : index
      %swap3A_151 = tpu.vector_load %arg8[%swap3A_150] {strides = array<i32>} : memref<128xi32, #tpu.memory_space<vmem>>, vector<16xi32>,
      %swap3A_152 = vector.shape_cast %swap3A_151 : vector<16xi32> to vector<16xi32>
      %swap3A_153 = vector.shape_cast %shift_right_logical3A_149 : vector<16xi32> to vector<16xi32>
      tpu.vector_store %arg8[%swap3A_150], %swap3A_153 {strides = array<i32>} : memref<128xi32, #tpu.memory_space<vmem>>, vector<16xi32>,
      "tpu.region"() ({
        %run_scoped3A = tpu.sem_alloc : memref<!tpu.dma_semaphore, #tpu.memory_space<semaphore_mem>>
        %dma_start3A = arith.constant 0 : i32
        %dma_start3A_154 = arith.constant 0 : i32
        %dma_start3A_155 = tpu.memref_slice %arg10[%dma_start3A, %dma_start3A_154] : memref<10368x128xf32, #tpu.memory_space<vmem_shared>> -> memref<10368x128xf32, #tpu.memory_space<vmem_shared>>
        tpu.enqueue_indirect_dma source(%arg9 : memref<128x128xf32, #tpu.memory_space<vmem>>) target(%dma_start3A_155 : memref<10368x128xf32, #tpu.memory_space<vmem_shared>>) offsets(%arg8 : memref<128xi32, #tpu.memory_space<vmem>>) semaphore(%run_scoped3A : memref<!tpu.dma_semaphore, #tpu.memory_space<semaphore_mem>>) {add = true}
        %dma_wait3A = arith.constant 0 : i32
        %dma_wait3A_156 = arith.constant 0 : i32
        %dma_wait3A_157 = tpu.memref_slice %arg10[%dma_wait3A, %dma_wait3A_156] : memref<10368x128xf32, #tpu.memory_space<vmem_shared>> -> memref<10368x128xf32, #tpu.memory_space<vmem_shared>>
        tpu.wait_indirect_dma semaphore(%run_scoped3A : memref<!tpu.dma_semaphore, #tpu.memory_space<semaphore_mem>>) src(%arg9 : memref<128x128xf32, #tpu.memory_space<vmem>>) dst(%dma_wait3A_157 : memref<10368x128xf32, #tpu.memory_space<vmem_shared>>)
        tpu.yield
      }) : () -> ()
    }
    %scan3A_7 = arith.constant 80 : i32
    %barrier3A_8 = arith.constant 0 : index
    tpu.barrier barrier_id(%barrier3A_8)
    %mul3A_9 = arith.constant 648 : i32
    %mul3A_10 = arith.muli %arg1, %mul3A_9 : i32
    %mul3A_11 = arith.constant 648 : i32
    %mul3A_12 = arith.muli %arg1, %mul3A_11 : i32
    "tpu.region"() ({
      %run_scoped3A = tpu.sem_alloc : memref<!tpu.dma_semaphore, #tpu.memory_space<semaphore_mem>>
      %dma_start3A = arith.constant 0 : i32
      %dma_start3A_13 = tpu.memref_slice %arg5[%arg0, %mul3A_12, %dma_start3A] : memref<2x10368x128xf32, #tpu.memory_space<hbm>> -> memref<1x648x128xf32, #tpu.memory_space<hbm>>
      %dma_start3A_14 = tpu.memref_squeeze %dma_start3A_13 : memref<1x648x128xf32, #tpu.memory_space<hbm>> -> memref<648x128xf32, #tpu.memory_space<hbm>>
      %dma_start3A_15 = arith.constant 0 : i32
      %dma_start3A_16 = tpu.memref_slice %arg10[%mul3A_10, %dma_start3A_15] : memref<10368x128xf32, #tpu.memory_space<vmem_shared>> -> memref<648x128xf32, #tpu.memory_space<vmem_shared>>
      tpu.enqueue_dma source(%dma_start3A_16 : memref<648x128xf32, #tpu.memory_space<vmem_shared>>) target(%dma_start3A_14 : memref<648x128xf32, #tpu.memory_space<hbm>>) target_semaphore(%run_scoped3A : memref<!tpu.dma_semaphore, #tpu.memory_space<semaphore_mem>>)
      %dma_wait3A = arith.constant 0 : i32
      %dma_wait3A_17 = tpu.memref_slice %arg5[%arg0, %mul3A_12, %dma_wait3A] : memref<2x10368x128xf32, #tpu.memory_space<hbm>> -> memref<1x648x128xf32, #tpu.memory_space<hbm>>
      %dma_wait3A_18 = tpu.memref_squeeze %dma_wait3A_17 : memref<1x648x128xf32, #tpu.memory_space<hbm>> -> memref<648x128xf32, #tpu.memory_space<hbm>>
      %dma_wait3A_19 = arith.constant 0 : i32
      %dma_wait3A_20 = tpu.memref_slice %arg10[%mul3A_10, %dma_wait3A_19] : memref<10368x128xf32, #tpu.memory_space<vmem_shared>> -> memref<648x128xf32, #tpu.memory_space<vmem_shared>>
      tpu.wait_dma2 semaphore(%run_scoped3A : memref<!tpu.dma_semaphore, #tpu.memory_space<semaphore_mem>>) src(%dma_wait3A_20 : memref<648x128xf32, #tpu.memory_space<vmem_shared>>) dst(%dma_wait3A_18 : memref<648x128xf32, #tpu.memory_space<hbm>>)
      tpu.yield
    }) : () -> ()
    return
  }
}

module attributes {stable_mosaic.version = 14 : i64} {
  func.func @body(%arg0: i32, %arg1: memref<1x1000x128xf32, #tpu.memory_space<vmem>>, %arg2: memref<1x1000x128xf32, #tpu.memory_space<vmem>>, %arg3: memref<1000x128xf32, #tpu.memory_space<vmem>>, %arg4: memref<1000x128xf32, #tpu.memory_space<vmem>>, %arg5: memref<1000x1xf32, #tpu.memory_space<vmem>>) attributes {dimension_semantics = [#tpu.dimension_semantics<arbitrary>], iteration_bounds = array<i64: 10>, scalar_prefetch = 0 : i64, scratch_operands = 0 : i64, tpu.core_type = #tpu.core_type<tc>, window_params = [{transform_indices = @transform_0, window_bounds = array<i64: 1, 1000, 128>}, {transform_indices = @transform_1, window_bounds = array<i64: 1, 1000, 128>}, {transform_indices = @transform_2, window_bounds = array<i64: 1000, 128>}, {transform_indices = @transform_3, window_bounds = array<i64: 1000, 128>}, {transform_indices = @transform_4, window_bounds = array<i64: 1000, 1>}]} {
    %get3A = arith.constant 0 : index
    %get3A_0 = arith.constant 0 : index
    %get3A_1 = arith.constant 0 : index
    %get3A_2 = vector.load %arg1[%get3A, %get3A_0, %get3A_1] : memref<1x1000x128xf32, #tpu.memory_space<vmem>>, vector<1x1000x1xf32>
    %get3A_3 = vector.shape_cast %get3A_2 : vector<1x1000x1xf32> to vector<1000x1xf32>
    %get3A_4 = arith.constant 0 : index
    %get3A_5 = arith.constant 0 : index
    %get3A_6 = arith.constant 0 : index
    %get3A_7 = vector.load %arg2[%get3A_4, %get3A_5, %get3A_6] : memref<1x1000x128xf32, #tpu.memory_space<vmem>>, vector<1x1000x1xf32>
    %get3A_8 = vector.shape_cast %get3A_7 : vector<1x1000x1xf32> to vector<1000x1xf32>
    %add3A = arith.addf %get3A_3, %get3A_8 : vector<1000x1xf32>
    %add3A_9 = arith.constant 2.000000e+00 : f32
    %add3A_10 = vector.broadcast %add3A_9 : f32 to vector<1000x1xf32>
    %add3A_11 = arith.addf %add3A, %add3A_10 : vector<1000x1xf32>
    %rsqrt3A = math.rsqrt %add3A_11 : vector<1000x1xf32>
    %get3A_12 = arith.constant 0 : index
    %get3A_13 = arith.constant 0 : index
    %get3A_14 = vector.load %arg3[%get3A_12, %get3A_13] : memref<1000x128xf32, #tpu.memory_space<vmem>>, vector<1000x128xf32>
    %mul3A = vector.broadcast %rsqrt3A : vector<1000x1xf32> to vector<1000x128xf32>
    %mul3A_15 = arith.mulf %mul3A, %get3A_14 : vector<1000x128xf32>
    %swap3A = arith.constant 0 : index
    %swap3A_16 = arith.constant 0 : index
    %swap3A_17 = vector.load %arg4[%swap3A, %swap3A_16] : memref<1000x128xf32, #tpu.memory_space<vmem>>, vector<1000x128xf32>
    tpu.vector_store %arg4[%swap3A, %swap3A_16], %mul3A_15 {strides = array<i32>} : memref<1000x128xf32, #tpu.memory_space<vmem>>, vector<1000x128xf32>,
    %swap3A_18 = arith.constant 0 : index
    %swap3A_19 = arith.constant 0 : index
    %swap3A_20 = vector.load %arg5[%swap3A_18, %swap3A_19] : memref<1000x1xf32, #tpu.memory_space<vmem>>, vector<1000x1xf32>
    tpu.vector_store %arg5[%swap3A_18, %swap3A_19], %rsqrt3A {strides = array<i32>} : memref<1000x1xf32, #tpu.memory_space<vmem>>, vector<1000x1xf32>,
    return
  }
  func.func @transform_0(%arg0: i32) -> (i32, i32, i32) {
    %c0_i32 = arith.constant 0 : i32
    %c0_i32_0 = arith.constant 0 : i32
    %c0_i32_1 = arith.constant 0 : i32
    return %c0_i32, %arg0, %c0_i32_0 : i32, i32, i32
  }
  func.func @transform_1(%arg0: i32) -> (i32, i32, i32) {
    %c1_i32 = arith.constant 1 : i32
    %c0_i32 = arith.constant 0 : i32
    %c0_i32_0 = arith.constant 0 : i32
    return %c1_i32, %arg0, %c0_i32 : i32, i32, i32
  }
  func.func @transform_2(%arg0: i32) -> (i32, i32) {
    %c0_i32 = arith.constant 0 : i32
    %c0_i32_0 = arith.constant 0 : i32
    return %arg0, %c0_i32 : i32, i32
  }
  func.func @transform_3(%arg0: i32) -> (i32, i32) {
    %c0_i32 = arith.constant 0 : i32
    %c0_i32_0 = arith.constant 0 : i32
    return %arg0, %c0_i32 : i32, i32
  }
  func.func @transform_4(%arg0: i32) -> (i32, i32) {
    %c0_i32 = arith.constant 0 : i32
    %c0_i32_0 = arith.constant 0 : i32
    return %arg0, %c0_i32 : i32, i32
  }
}

module attributes {stable_mosaic.version = 14 : i64} {
  func.func @body(%arg0: i32, %arg1: memref<1000x128xf32, #tpu.memory_space<vmem>>, %arg2: memref<128x128xf32, #tpu.memory_space<vmem>>, %arg3: memref<1000x128xf32, #tpu.memory_space<vmem>>) attributes {dimension_semantics = [#tpu.dimension_semantics<arbitrary>], iteration_bounds = array<i64: 10>, scalar_prefetch = 0 : i64, scratch_operands = 0 : i64, tpu.core_type = #tpu.core_type<tc>, window_params = [{transform_indices = @transform_0, window_bounds = array<i64: 1000, 128>}, {pipeline_mode = #tpu.pipeline_mode<synchronous>, transform_indices = @transform_1, window_bounds = array<i64: 128, 128>}, {transform_indices = @transform_2, window_bounds = array<i64: 1000, 128>}]} {
    %get3A = arith.constant 0 : index
    %get3A_0 = arith.constant 0 : index
    %get3A_1 = vector.load %arg1[%get3A, %get3A_0] : memref<1000x128xf32, #tpu.memory_space<vmem>>, vector<1000x128xf32>
    %get3A_2 = arith.constant 0 : index
    %get3A_3 = arith.constant 0 : index
    %get3A_4 = vector.load %arg2[%get3A_2, %get3A_3] : memref<128x128xf32, #tpu.memory_space<vmem>>, vector<128x128xf32>
    %dot_general3A = arith.constant dense<0.000000e+00> : vector<1000x128xf32>
    %dot_general3A_5 = tpu.matmul %get3A_1, %get3A_4, %dot_general3A {dimension_numbers = #tpu.dot_dimension_numbers<[1], [0], [0], [1], [0, 0, 1, 1], [], []>, transpose_lhs_hint = false} : vector<1000x128xf32>, vector<128x128xf32>, vector<1000x128xf32> -> vector<1000x128xf32>
    %swap3A = arith.constant 0 : index
    %swap3A_6 = arith.constant 0 : index
    %swap3A_7 = vector.load %arg3[%swap3A, %swap3A_6] : memref<1000x128xf32, #tpu.memory_space<vmem>>, vector<1000x128xf32>
    tpu.vector_store %arg3[%swap3A, %swap3A_6], %dot_general3A_5 {strides = array<i32>} : memref<1000x128xf32, #tpu.memory_space<vmem>>, vector<1000x128xf32>,
    return
  }
  func.func @transform_0(%arg0: i32) -> (i32, i32) {
    %c0_i32 = arith.constant 0 : i32
    %c0_i32_0 = arith.constant 0 : i32
    return %arg0, %c0_i32 : i32, i32
  }
  func.func @transform_1(%arg0: i32) -> (i32, i32) {
    %c0_i32 = arith.constant 0 : i32
    %c0_i32_0 = arith.constant 0 : i32
    %c0_i32_1 = arith.constant 0 : i32
    return %c0_i32, %c0_i32_0 : i32, i32
  }
  func.func @transform_2(%arg0: i32) -> (i32, i32) {
    %c0_i32 = arith.constant 0 : i32
    %c0_i32_0 = arith.constant 0 : i32
    return %arg0, %c0_i32 : i32, i32
  }
}

module attributes {stable_mosaic.version = 14 : i64} {
  func.func @body(%arg0: i32, %arg1: memref<1x1000x128xf32, #tpu.memory_space<vmem>>, %arg2: memref<1x1000x128xf32, #tpu.memory_space<vmem>>, %arg3: memref<1000x128xf32, #tpu.memory_space<vmem>>, %arg4: memref<1000x1xf32, #tpu.memory_space<vmem>>, %arg5: memref<1x128xf32, #tpu.memory_space<vmem>>, %arg6: memref<128x128xf32, #tpu.memory_space<vmem>>, %arg7: memref<1000x128xf32, #tpu.memory_space<vmem>>, %arg8: memref<1000x128xf32, #tpu.memory_space<vmem>>, %arg9: memref<1000x128xf32, #tpu.memory_space<vmem>>) attributes {dimension_semantics = [#tpu.dimension_semantics<arbitrary>], iteration_bounds = array<i64: 10>, scalar_prefetch = 0 : i64, scratch_operands = 0 : i64, tpu.core_type = #tpu.core_type<tc>, window_params = [{transform_indices = @transform_0, window_bounds = array<i64: 1, 1000, 128>}, {transform_indices = @transform_1, window_bounds = array<i64: 1, 1000, 128>}, {transform_indices = @transform_2, window_bounds = array<i64: 1000, 128>}, {transform_indices = @transform_3, window_bounds = array<i64: 1000, 1>}, {pipeline_mode = #tpu.pipeline_mode<synchronous>, transform_indices = @transform_4, window_bounds = array<i64: 1, 128>}, {pipeline_mode = #tpu.pipeline_mode<synchronous>, transform_indices = @transform_5, window_bounds = array<i64: 128, 128>}, {transform_indices = @transform_6, window_bounds = array<i64: 1000, 128>}, {transform_indices = @transform_7, window_bounds = array<i64: 1000, 128>}, {transform_indices = @transform_8, window_bounds = array<i64: 1000, 128>}]} {
    %get3A = arith.constant 0 : index
    %get3A_0 = arith.constant 0 : index
    %get3A_1 = vector.load %arg4[%get3A, %get3A_0] : memref<1000x1xf32, #tpu.memory_space<vmem>>, vector<1000x1xf32>
    %get3A_2 = arith.constant 0 : index
    %get3A_3 = arith.constant 0 : index
    %get3A_4 = arith.constant 0 : index
    %get3A_5 = vector.load %arg1[%get3A_2, %get3A_3, %get3A_4] : memref<1x1000x128xf32, #tpu.memory_space<vmem>>, vector<1x1000x128xf32>
    %get3A_6 = vector.shape_cast %get3A_5 : vector<1x1000x128xf32> to vector<1000x128xf32>
    %get3A_7 = arith.constant 0 : index
    %get3A_8 = arith.constant 0 : index
    %get3A_9 = arith.constant 0 : index
    %get3A_10 = vector.load %arg2[%get3A_7, %get3A_8, %get3A_9] : memref<1x1000x128xf32, #tpu.memory_space<vmem>>, vector<1x1000x128xf32>
    %get3A_11 = vector.shape_cast %get3A_10 : vector<1x1000x128xf32> to vector<1000x128xf32>
    %add3A = arith.addf %get3A_6, %get3A_11 : vector<1000x128xf32>
    %mul3A = vector.broadcast %get3A_1 : vector<1000x1xf32> to vector<1000x128xf32>
    %mul3A_12 = arith.mulf %mul3A, %add3A : vector<1000x128xf32>
    %mul3A_13 = arith.constant 2.000000e+00 : f32
    %mul3A_14 = vector.broadcast %mul3A_13 : f32 to vector<1000x1xf32>
    %mul3A_15 = arith.mulf %mul3A_14, %get3A_1 : vector<1000x1xf32>
    %mul3A_16 = arith.mulf %mul3A_15, %get3A_1 : vector<1000x1xf32>
    %get3A_17 = arith.constant 0 : index
    %get3A_18 = arith.constant 0 : index
    %get3A_19 = vector.load %arg3[%get3A_17, %get3A_18] : memref<1000x128xf32, #tpu.memory_space<vmem>>, vector<1000x128xf32>
    %mul3A_20 = vector.broadcast %mul3A_16 : vector<1000x1xf32> to vector<1000x128xf32>
    %mul3A_21 = arith.mulf %mul3A_20, %get3A_19 : vector<1000x128xf32>
    %add3A_22 = arith.addf %mul3A_12, %mul3A_21 : vector<1000x128xf32>
    %get3A_23 = arith.constant 0 : index
    %get3A_24 = arith.constant 0 : index
    %get3A_25 = vector.load %arg5[%get3A_23, %get3A_24] : memref<1x128xf32, #tpu.memory_space<vmem>>, vector<1x128xf32>
    %add3A_26 = vector.broadcast %get3A_25 : vector<1x128xf32> to vector<1000x128xf32>
    %add3A_27 = arith.addf %add3A_22, %add3A_26 : vector<1000x128xf32>
    %mul3A_28 = arith.constant 5.000000e-01 : f32
    %mul3A_29 = vector.broadcast %mul3A_28 : f32 to vector<1000x128xf32>
    %mul3A_30 = arith.mulf %mul3A_29, %add3A_27 : vector<1000x128xf32>
    %mul3A_31 = arith.constant 0.707106769 : f32
    %mul3A_32 = vector.broadcast %mul3A_31 : f32 to vector<1000x128xf32>
    %mul3A_33 = arith.mulf %add3A_27, %mul3A_32 : vector<1000x128xf32>
    %erf3A = math.erf %mul3A_33 : vector<1000x128xf32>
    %add3A_34 = arith.constant 1.000000e+00 : f32
    %add3A_35 = vector.broadcast %add3A_34 : f32 to vector<1000x128xf32>
    %add3A_36 = arith.addf %add3A_35, %erf3A : vector<1000x128xf32>
    %mul3A_37 = arith.mulf %mul3A_30, %add3A_36 : vector<1000x128xf32>
    %get3A_38 = arith.constant 0 : index
    %get3A_39 = arith.constant 0 : index
    %get3A_40 = vector.load %arg6[%get3A_38, %get3A_39] : memref<128x128xf32, #tpu.memory_space<vmem>>, vector<128x128xf32>
    %dot_general3A = arith.constant dense<0.000000e+00> : vector<1000x128xf32>
    %dot_general3A_41 = tpu.matmul %mul3A_37, %get3A_40, %dot_general3A {dimension_numbers = #tpu.dot_dimension_numbers<[1], [0], [0], [1], [0, 0, 1, 1], [], []>, transpose_lhs_hint = false} : vector<1000x128xf32>, vector<128x128xf32>, vector<1000x128xf32> -> vector<1000x128xf32>
    %swap3A = arith.constant 0 : index
    %swap3A_42 = arith.constant 0 : index
    %swap3A_43 = vector.load %arg7[%swap3A, %swap3A_42] : memref<1000x128xf32, #tpu.memory_space<vmem>>, vector<1000x128xf32>
    tpu.vector_store %arg7[%swap3A, %swap3A_42], %mul3A_37 {strides = array<i32>} : memref<1000x128xf32, #tpu.memory_space<vmem>>, vector<1000x128xf32>,
    %swap3A_44 = arith.constant 0 : index
    %swap3A_45 = arith.constant 0 : index
    %swap3A_46 = vector.load %arg8[%swap3A_44, %swap3A_45] : memref<1000x128xf32, #tpu.memory_space<vmem>>, vector<1000x128xf32>
    tpu.vector_store %arg8[%swap3A_44, %swap3A_45], %dot_general3A_41 {strides = array<i32>} : memref<1000x128xf32, #tpu.memory_space<vmem>>, vector<1000x128xf32>,
    %mul3A_47 = vector.broadcast %get3A_1 : vector<1000x1xf32> to vector<1000x128xf32>
    %mul3A_48 = arith.mulf %mul3A_47, %dot_general3A_41 : vector<1000x128xf32>
    %swap3A_49 = arith.constant 0 : index
    %swap3A_50 = arith.constant 0 : index
    %swap3A_51 = vector.load %arg9[%swap3A_49, %swap3A_50] : memref<1000x128xf32, #tpu.memory_space<vmem>>, vector<1000x128xf32>
    tpu.vector_store %arg9[%swap3A_49, %swap3A_50], %mul3A_48 {strides = array<i32>} : memref<1000x128xf32, #tpu.memory_space<vmem>>, vector<1000x128xf32>,
    return
  }
  func.func @transform_0(%arg0: i32) -> (i32, i32, i32) {
    %c0_i32 = arith.constant 0 : i32
    %c0_i32_0 = arith.constant 0 : i32
    %c0_i32_1 = arith.constant 0 : i32
    return %c0_i32, %arg0, %c0_i32_0 : i32, i32, i32
  }
  func.func @transform_1(%arg0: i32) -> (i32, i32, i32) {
    %c1_i32 = arith.constant 1 : i32
    %c0_i32 = arith.constant 0 : i32
    %c0_i32_0 = arith.constant 0 : i32
    return %c1_i32, %arg0, %c0_i32 : i32, i32, i32
  }
  func.func @transform_2(%arg0: i32) -> (i32, i32) {
    %c0_i32 = arith.constant 0 : i32
    %c0_i32_0 = arith.constant 0 : i32
    return %arg0, %c0_i32 : i32, i32
  }
  func.func @transform_3(%arg0: i32) -> (i32, i32) {
    %c0_i32 = arith.constant 0 : i32
    %c0_i32_0 = arith.constant 0 : i32
    return %arg0, %c0_i32 : i32, i32
  }
  func.func @transform_4(%arg0: i32) -> (i32, i32) {
    %c0_i32 = arith.constant 0 : i32
    %c0_i32_0 = arith.constant 0 : i32
    %c0_i32_1 = arith.constant 0 : i32
    return %c0_i32, %c0_i32_0 : i32, i32
  }
  func.func @transform_5(%arg0: i32) -> (i32, i32) {
    %c0_i32 = arith.constant 0 : i32
    %c0_i32_0 = arith.constant 0 : i32
    %c0_i32_1 = arith.constant 0 : i32
    return %c0_i32, %c0_i32_0 : i32, i32
  }
  func.func @transform_6(%arg0: i32) -> (i32, i32) {
    %c0_i32 = arith.constant 0 : i32
    %c0_i32_0 = arith.constant 0 : i32
    return %arg0, %c0_i32 : i32, i32
  }
  func.func @transform_7(%arg0: i32) -> (i32, i32) {
    %c0_i32 = arith.constant 0 : i32
    %c0_i32_0 = arith.constant 0 : i32
    return %arg0, %c0_i32 : i32, i32
  }
  func.func @transform_8(%arg0: i32) -> (i32, i32) {
    %c0_i32 = arith.constant 0 : i32
    %c0_i32_0 = arith.constant 0 : i32
    return %arg0, %c0_i32 : i32, i32
  }
}

module attributes {stable_mosaic.version = 14 : i64} {
  func.func @body(%arg0: i32, %arg1: memref<1x1000x128xf32, #tpu.memory_space<vmem>>, %arg2: memref<1x1000x128xf32, #tpu.memory_space<vmem>>, %arg3: memref<1000x128xf32, #tpu.memory_space<vmem>>, %arg4: memref<1000x1xf32, #tpu.memory_space<vmem>>, %arg5: memref<1x128xf32, #tpu.memory_space<vmem>>, %arg6: memref<128x128xf32, #tpu.memory_space<vmem>>, %arg7: memref<1000x128xf32, #tpu.memory_space<vmem>>, %arg8: memref<1000x128xf32, #tpu.memory_space<vmem>>, %arg9: memref<1000x128xf32, #tpu.memory_space<vmem>>, %arg10: memref<1000x128xf32, #tpu.memory_space<vmem>>) attributes {dimension_semantics = [#tpu.dimension_semantics<arbitrary>], iteration_bounds = array<i64: 10>, scalar_prefetch = 0 : i64, scratch_operands = 0 : i64, tpu.core_type = #tpu.core_type<tc>, window_params = [{transform_indices = @transform_0, window_bounds = array<i64: 1, 1000, 128>}, {transform_indices = @transform_1, window_bounds = array<i64: 1, 1000, 128>}, {transform_indices = @transform_2, window_bounds = array<i64: 1000, 128>}, {transform_indices = @transform_3, window_bounds = array<i64: 1000, 1>}, {pipeline_mode = #tpu.pipeline_mode<synchronous>, transform_indices = @transform_4, window_bounds = array<i64: 1, 128>}, {pipeline_mode = #tpu.pipeline_mode<synchronous>, transform_indices = @transform_5, window_bounds = array<i64: 128, 128>}, {transform_indices = @transform_6, window_bounds = array<i64: 1000, 128>}, {transform_indices = @transform_7, window_bounds = array<i64: 1000, 128>}, {transform_indices = @transform_8, window_bounds = array<i64: 1000, 128>}, {transform_indices = @transform_9, window_bounds = array<i64: 1000, 128>}]} {
    %get3A = arith.constant 0 : index
    %get3A_0 = arith.constant 0 : index
    %get3A_1 = vector.load %arg4[%get3A, %get3A_0] : memref<1000x1xf32, #tpu.memory_space<vmem>>, vector<1000x1xf32>
    %get3A_2 = arith.constant 0 : index
    %get3A_3 = arith.constant 0 : index
    %get3A_4 = arith.constant 0 : index
    %get3A_5 = vector.load %arg1[%get3A_2, %get3A_3, %get3A_4] : memref<1x1000x128xf32, #tpu.memory_space<vmem>>, vector<1x1000x128xf32>
    %get3A_6 = vector.shape_cast %get3A_5 : vector<1x1000x128xf32> to vector<1000x128xf32>
    %get3A_7 = arith.constant 0 : index
    %get3A_8 = arith.constant 0 : index
    %get3A_9 = arith.constant 0 : index
    %get3A_10 = vector.load %arg2[%get3A_7, %get3A_8, %get3A_9] : memref<1x1000x128xf32, #tpu.memory_space<vmem>>, vector<1x1000x128xf32>
    %get3A_11 = vector.shape_cast %get3A_10 : vector<1x1000x128xf32> to vector<1000x128xf32>
    %add3A = arith.addf %get3A_6, %get3A_11 : vector<1000x128xf32>
    %mul3A = vector.broadcast %get3A_1 : vector<1000x1xf32> to vector<1000x128xf32>
    %mul3A_12 = arith.mulf %mul3A, %add3A : vector<1000x128xf32>
    %mul3A_13 = arith.constant 2.000000e+00 : f32
    %mul3A_14 = vector.broadcast %mul3A_13 : f32 to vector<1000x1xf32>
    %mul3A_15 = arith.mulf %mul3A_14, %get3A_1 : vector<1000x1xf32>
    %mul3A_16 = arith.mulf %mul3A_15, %get3A_1 : vector<1000x1xf32>
    %get3A_17 = arith.constant 0 : index
    %get3A_18 = arith.constant 0 : index
    %get3A_19 = vector.load %arg3[%get3A_17, %get3A_18] : memref<1000x128xf32, #tpu.memory_space<vmem>>, vector<1000x128xf32>
    %mul3A_20 = vector.broadcast %mul3A_16 : vector<1000x1xf32> to vector<1000x128xf32>
    %mul3A_21 = arith.mulf %mul3A_20, %get3A_19 : vector<1000x128xf32>
    %add3A_22 = arith.addf %mul3A_12, %mul3A_21 : vector<1000x128xf32>
    %get3A_23 = arith.constant 0 : index
    %get3A_24 = arith.constant 0 : index
    %get3A_25 = vector.load %arg5[%get3A_23, %get3A_24] : memref<1x128xf32, #tpu.memory_space<vmem>>, vector<1x128xf32>
    %add3A_26 = vector.broadcast %get3A_25 : vector<1x128xf32> to vector<1000x128xf32>
    %add3A_27 = arith.addf %add3A_22, %add3A_26 : vector<1000x128xf32>
    %get3A_28 = arith.constant 0 : index
    %get3A_29 = arith.constant 0 : index
    %get3A_30 = vector.load %arg7[%get3A_28, %get3A_29] : memref<1000x128xf32, #tpu.memory_space<vmem>>, vector<1000x128xf32>
    %add3A_31 = arith.addf %add3A_27, %get3A_30 : vector<1000x128xf32>
    %mul3A_32 = arith.constant 5.000000e-01 : f32
    %mul3A_33 = vector.broadcast %mul3A_32 : f32 to vector<1000x128xf32>
    %mul3A_34 = arith.mulf %mul3A_33, %add3A_31 : vector<1000x128xf32>
    %mul3A_35 = arith.constant 0.707106769 : f32
    %mul3A_36 = vector.broadcast %mul3A_35 : f32 to vector<1000x128xf32>
    %mul3A_37 = arith.mulf %add3A_31, %mul3A_36 : vector<1000x128xf32>
    %erf3A = math.erf %mul3A_37 : vector<1000x128xf32>
    %add3A_38 = arith.constant 1.000000e+00 : f32
    %add3A_39 = vector.broadcast %add3A_38 : f32 to vector<1000x128xf32>
    %add3A_40 = arith.addf %add3A_39, %erf3A : vector<1000x128xf32>
    %mul3A_41 = arith.mulf %mul3A_34, %add3A_40 : vector<1000x128xf32>
    %get3A_42 = arith.constant 0 : index
    %get3A_43 = arith.constant 0 : index
    %get3A_44 = vector.load %arg6[%get3A_42, %get3A_43] : memref<128x128xf32, #tpu.memory_space<vmem>>, vector<128x128xf32>
    %dot_general3A = arith.constant dense<0.000000e+00> : vector<1000x128xf32>
    %dot_general3A_45 = tpu.matmul %mul3A_41, %get3A_44, %dot_general3A {dimension_numbers = #tpu.dot_dimension_numbers<[1], [0], [0], [1], [0, 0, 1, 1], [], []>, transpose_lhs_hint = false} : vector<1000x128xf32>, vector<128x128xf32>, vector<1000x128xf32> -> vector<1000x128xf32>
    %swap3A = arith.constant 0 : index
    %swap3A_46 = arith.constant 0 : index
    %swap3A_47 = vector.load %arg8[%swap3A, %swap3A_46] : memref<1000x128xf32, #tpu.memory_space<vmem>>, vector<1000x128xf32>
    tpu.vector_store %arg8[%swap3A, %swap3A_46], %mul3A_41 {strides = array<i32>} : memref<1000x128xf32, #tpu.memory_space<vmem>>, vector<1000x128xf32>,
    %swap3A_48 = arith.constant 0 : index
    %swap3A_49 = arith.constant 0 : index
    %swap3A_50 = vector.load %arg9[%swap3A_48, %swap3A_49] : memref<1000x128xf32, #tpu.memory_space<vmem>>, vector<1000x128xf32>
    tpu.vector_store %arg9[%swap3A_48, %swap3A_49], %dot_general3A_45 {strides = array<i32>} : memref<1000x128xf32, #tpu.memory_space<vmem>>, vector<1000x128xf32>,
    %mul3A_51 = vector.broadcast %get3A_1 : vector<1000x1xf32> to vector<1000x128xf32>
    %mul3A_52 = arith.mulf %mul3A_51, %dot_general3A_45 : vector<1000x128xf32>
    %swap3A_53 = arith.constant 0 : index
    %swap3A_54 = arith.constant 0 : index
    %swap3A_55 = vector.load %arg10[%swap3A_53, %swap3A_54] : memref<1000x128xf32, #tpu.memory_space<vmem>>, vector<1000x128xf32>
    tpu.vector_store %arg10[%swap3A_53, %swap3A_54], %mul3A_52 {strides = array<i32>} : memref<1000x128xf32, #tpu.memory_space<vmem>>, vector<1000x128xf32>,
    return
  }
  func.func @transform_0(%arg0: i32) -> (i32, i32, i32) {
    %c0_i32 = arith.constant 0 : i32
    %c0_i32_0 = arith.constant 0 : i32
    %c0_i32_1 = arith.constant 0 : i32
    return %c0_i32, %arg0, %c0_i32_0 : i32, i32, i32
  }
  func.func @transform_1(%arg0: i32) -> (i32, i32, i32) {
    %c1_i32 = arith.constant 1 : i32
    %c0_i32 = arith.constant 0 : i32
    %c0_i32_0 = arith.constant 0 : i32
    return %c1_i32, %arg0, %c0_i32 : i32, i32, i32
  }
  func.func @transform_2(%arg0: i32) -> (i32, i32) {
    %c0_i32 = arith.constant 0 : i32
    %c0_i32_0 = arith.constant 0 : i32
    return %arg0, %c0_i32 : i32, i32
  }
  func.func @transform_3(%arg0: i32) -> (i32, i32) {
    %c0_i32 = arith.constant 0 : i32
    %c0_i32_0 = arith.constant 0 : i32
    return %arg0, %c0_i32 : i32, i32
  }
  func.func @transform_4(%arg0: i32) -> (i32, i32) {
    %c0_i32 = arith.constant 0 : i32
    %c0_i32_0 = arith.constant 0 : i32
    %c0_i32_1 = arith.constant 0 : i32
    return %c0_i32, %c0_i32_0 : i32, i32
  }
  func.func @transform_5(%arg0: i32) -> (i32, i32) {
    %c0_i32 = arith.constant 0 : i32
    %c0_i32_0 = arith.constant 0 : i32
    %c0_i32_1 = arith.constant 0 : i32
    return %c0_i32, %c0_i32_0 : i32, i32
  }
  func.func @transform_6(%arg0: i32) -> (i32, i32) {
    %c0_i32 = arith.constant 0 : i32
    %c0_i32_0 = arith.constant 0 : i32
    return %arg0, %c0_i32 : i32, i32
  }
  func.func @transform_7(%arg0: i32) -> (i32, i32) {
    %c0_i32 = arith.constant 0 : i32
    %c0_i32_0 = arith.constant 0 : i32
    return %arg0, %c0_i32 : i32, i32
  }
  func.func @transform_8(%arg0: i32) -> (i32, i32) {
    %c0_i32 = arith.constant 0 : i32
    %c0_i32_0 = arith.constant 0 : i32
    return %arg0, %c0_i32 : i32, i32
  }
  func.func @transform_9(%arg0: i32) -> (i32, i32) {
    %c0_i32 = arith.constant 0 : i32
    %c0_i32_0 = arith.constant 0 : i32
    return %arg0, %c0_i32 : i32, i32
  }
}

module attributes {stable_mosaic.version = 14 : i64} {
  func.func @body(%arg0: i32, %arg1: memref<1x1000x128xf32, #tpu.memory_space<vmem>>, %arg2: memref<1x1000x128xf32, #tpu.memory_space<vmem>>, %arg3: memref<1000x128xf32, #tpu.memory_space<vmem>>, %arg4: memref<1000x1xf32, #tpu.memory_space<vmem>>, %arg5: memref<1x128xf32, #tpu.memory_space<vmem>>, %arg6: memref<1000x40xf32, #tpu.memory_space<vmem>>) attributes {dimension_semantics = [#tpu.dimension_semantics<arbitrary>], iteration_bounds = array<i64: 10>, scalar_prefetch = 0 : i64, scratch_operands = 0 : i64, tpu.core_type = #tpu.core_type<tc>, window_params = [{transform_indices = @transform_0, window_bounds = array<i64: 1, 1000, 128>}, {transform_indices = @transform_1, window_bounds = array<i64: 1, 1000, 128>}, {transform_indices = @transform_2, window_bounds = array<i64: 1000, 128>}, {transform_indices = @transform_3, window_bounds = array<i64: 1000, 1>}, {pipeline_mode = #tpu.pipeline_mode<synchronous>, transform_indices = @transform_4, window_bounds = array<i64: 1, 128>}, {transform_indices = @transform_5, window_bounds = array<i64: 1000, 40>}]} {
    %get3A = arith.constant 0 : index
    %get3A_0 = arith.constant 0 : index
    %get3A_1 = vector.load %arg4[%get3A, %get3A_0] : memref<1000x1xf32, #tpu.memory_space<vmem>>, vector<1000x1xf32>
    %get3A_2 = arith.constant 0 : index
    %get3A_3 = arith.constant 0 : index
    %get3A_4 = arith.constant 0 : index
    %get3A_5 = vector.load %arg1[%get3A_2, %get3A_3, %get3A_4] : memref<1x1000x128xf32, #tpu.memory_space<vmem>>, vector<1x1000x128xf32>
    %get3A_6 = vector.shape_cast %get3A_5 : vector<1x1000x128xf32> to vector<1000x128xf32>
    %get3A_7 = arith.constant 0 : index
    %get3A_8 = arith.constant 0 : index
    %get3A_9 = arith.constant 0 : index
    %get3A_10 = vector.load %arg2[%get3A_7, %get3A_8, %get3A_9] : memref<1x1000x128xf32, #tpu.memory_space<vmem>>, vector<1x1000x128xf32>
    %get3A_11 = vector.shape_cast %get3A_10 : vector<1x1000x128xf32> to vector<1000x128xf32>
    %add3A = arith.addf %get3A_6, %get3A_11 : vector<1000x128xf32>
    %mul3A = vector.broadcast %get3A_1 : vector<1000x1xf32> to vector<1000x128xf32>
    %mul3A_12 = arith.mulf %mul3A, %add3A : vector<1000x128xf32>
    %mul3A_13 = arith.constant 2.000000e+00 : f32
    %mul3A_14 = vector.broadcast %mul3A_13 : f32 to vector<1000x1xf32>
    %mul3A_15 = arith.mulf %mul3A_14, %get3A_1 : vector<1000x1xf32>
    %mul3A_16 = arith.mulf %mul3A_15, %get3A_1 : vector<1000x1xf32>
    %get3A_17 = arith.constant 0 : index
    %get3A_18 = arith.constant 0 : index
    %get3A_19 = vector.load %arg3[%get3A_17, %get3A_18] : memref<1000x128xf32, #tpu.memory_space<vmem>>, vector<1000x128xf32>
    %mul3A_20 = vector.broadcast %mul3A_16 : vector<1000x1xf32> to vector<1000x128xf32>
    %mul3A_21 = arith.mulf %mul3A_20, %get3A_19 : vector<1000x128xf32>
    %add3A_22 = arith.addf %mul3A_12, %mul3A_21 : vector<1000x128xf32>
    %get3A_23 = arith.constant 0 : index
    %get3A_24 = arith.constant 0 : index
    %get3A_25 = vector.load %arg5[%get3A_23, %get3A_24] : memref<1x128xf32, #tpu.memory_space<vmem>>, vector<1x128xf32>
    %add3A_26 = vector.broadcast %get3A_25 : vector<1x128xf32> to vector<1000x128xf32>
    %add3A_27 = arith.addf %add3A_22, %add3A_26 : vector<1000x128xf32>
    %slice3A = vector.extract_strided_slice %add3A_27 {offsets = [0, 0], sizes = [1000, 40], strides = [1, 1]} : vector<1000x128xf32> to vector<1000x40xf32>
    %swap3A = arith.constant 0 : index
    %swap3A_28 = arith.constant 0 : index
    %swap3A_29 = vector.load %arg6[%swap3A, %swap3A_28] : memref<1000x40xf32, #tpu.memory_space<vmem>>, vector<1000x40xf32>
    tpu.vector_store %arg6[%swap3A, %swap3A_28], %slice3A {strides = array<i32>} : memref<1000x40xf32, #tpu.memory_space<vmem>>, vector<1000x40xf32>,
    return
  }
  func.func @transform_0(%arg0: i32) -> (i32, i32, i32) {
    %c0_i32 = arith.constant 0 : i32
    %c0_i32_0 = arith.constant 0 : i32
    %c0_i32_1 = arith.constant 0 : i32
    return %c0_i32, %arg0, %c0_i32_0 : i32, i32, i32
  }
  func.func @transform_1(%arg0: i32) -> (i32, i32, i32) {
    %c1_i32 = arith.constant 1 : i32
    %c0_i32 = arith.constant 0 : i32
    %c0_i32_0 = arith.constant 0 : i32
    return %c1_i32, %arg0, %c0_i32 : i32, i32, i32
  }
  func.func @transform_2(%arg0: i32) -> (i32, i32) {
    %c0_i32 = arith.constant 0 : i32
    %c0_i32_0 = arith.constant 0 : i32
    return %arg0, %c0_i32 : i32, i32
  }
  func.func @transform_3(%arg0: i32) -> (i32, i32) {
    %c0_i32 = arith.constant 0 : i32
    %c0_i32_0 = arith.constant 0 : i32
    return %arg0, %c0_i32 : i32, i32
  }
  func.func @transform_4(%arg0: i32) -> (i32, i32) {
    %c0_i32 = arith.constant 0 : i32
    %c0_i32_0 = arith.constant 0 : i32
    %c0_i32_1 = arith.constant 0 : i32
    return %c0_i32, %c0_i32_0 : i32, i32
  }
  func.func @transform_5(%arg0: i32) -> (i32, i32) {
    %c0_i32 = arith.constant 0 : i32
    %c0_i32_0 = arith.constant 0 : i32
    return %arg0, %c0_i32 : i32, i32
  }
}

</mosaic_0001>

<sc_bundles>
// kernel: kernel.11.cloned.1.call-start
scs
__scs_entry_jumppad:
0x0: {  	(pc) =	sbr.rel $0x88, $3  }
0x1: {  	(tag) =	ssettag $0x0;
	lr =	simm.s32 $0x1  }
0x2: {  	[smem:$0x3F99] =	sst lr;
	_ =	strace $0xD0000000  }
0x3: {  	_ = 	snop  }
0x4: {  	_ = 	snop  }
0x5: {  	_ = 	snop  }
0x6: {  	_ = 	snop  }
0x7: {  	_ = 	snop  }
__scs_overlays_trampoline_lowered:
0x8: {  	[smem:$0x3FA8] =	sst s0  }
0x9: {  	[smem:$0x3FA9] =	sst s1  }
0xa: {  	[smem:$0x3FAA] =	sst s2  }
0xb: {  	[smem:$0x3FAB] =	sst s3  }
0xc: {  	[smem:$0x3FAC] =	sst s4  }
0xd: {  	[smem:$0x3FAD] =	sst s5  }
0xe: {  	[smem:$0x3FAE] =	sst s6  }
0xf: {  	[smem:$0x3FAF] =	sst s7  }
0x10: {  	[smem:$0x3FB0] =	sst s8  }
0x11: {  	[smem:$0x3FB1] =	sst s9;
	s0 =	simm.s32 @!p0 $0x0  }
0x12: {  	s1 =	sld [smem:$0x3F97];
	s0 =	simm.s32 @p0 $0x1  }
0x13: {  	[smem:$0x3FB2] =	sst s0;
	s0 =	simm.s32 @!p1 $0x0  }
0x14: {  	s2 =	sld [smem:$0x3F96];
	s0 =	simm.s32 @p1 $0x1  }
0x15: {  	[smem:$0x3FB3] =	sst s0;
	s0 =	simm.s32 @!p2 $0x0  }
0x16: {  	s3 =	sld [smem:$0x3FDB];
	s0 =	simm.s32 @p2 $0x1  }
0x17: {  	s4 =	simm.s32 $0x1BF5;
	[smem:$0x3FB5] =	sst s0  }
0x18: {  	s0 =	sld [smem:$0x3F98];
	_ =	swait.ge [sflag:s4], $0x0  }
0x19: {  	s7 =	sld [smem:$0x3F99]  }
0x1a: {  	s8 =	sadd.s32 $0xFFFFE003, lr  }
0x1b: {  	s9 =	sadd.s32 $0xFFFFFEF7, lr;
	s5 =	simm.s32 $0xFFFFFFFF;
	p2 =	slt.u32 s8, $0xFFFFF086  }
0x1c: {  	p1 =	slt.u32 s9, $0xF7A;
	s5 =	simm.s32 @!p2 $0x0  }
0x1d: {  	s5 =	simm.s32 @p1 $0x1;
	p0 =	seq.s32 s7, s2  }
0x1e: {  	s7 =	smul.u32 @!p0 $0xF7A, s2;
	p2 =	seq.s32 @!p0 s5, $0x0  }
0x1f: {  	s9 =	smul.u32 $0xF7A, s1;
	s8 =	simm.s32 @!p0 $0x1BF5;
	p2 =	por !p2, p0  }
0x20: {  	[sflag:s8] =	ssyncset.s32 @!p0 $0xFFFFF086;
	s6 =	sadd.s32 @!p0 s3, s7;
	s7 =	simm.s32 @!p0 $0x108  }
0x21: {  	s3 =	sadd.s32 s3, s9;
	s6 =	sadd.s32 @!p0 $0x88, s6;
	s7 =	simm.s32 @p2 $0x1082  }
0x22: {  	[simem:s7], [sflag:s8] =	dma.local @!p0 [hbm:s6], $0xF7A  }
0x23: {  	s9 =	sor.u32 $0xD0000000, s2;
	s6 =	simm.s32 $0x108;
	_ =	swait.ge @!p0 [sflag:s8], $0x0  }
0x24: {  	s3 =	sadd.s32 $0x88, s3;
	s6 =	simm.s32 @!p1 $0x1082;
	[sflag:s4] =	ssyncset.s32 $0xFFFFF086  }
0x25: {  	[simem:s6], [sflag:s4] =	dma.local [hbm:s3], $0xF7A  }
0x26: {  	[smem:$0x3F99] =	sst s1;
	(tag) =	ssettag s2;
	_ =	strace s9  }
0x27: {  	s1 =	sld [smem:$0x3FA9]  }
0x28: {  	s2 =	sld [smem:$0x3FAA]  }
0x29: {  	s4 =	sld [smem:$0x3FAC]  }
0x2a: {  	p0 =	seq.s32 s5, $0x0;
	s5 =	sld [smem:$0x3FAD]  }
0x2b: {  	s6 =	sld [smem:$0x3FAE]  }
0x2c: {  	s7 =	sld [smem:$0x3FAF]  }
0x2d: {  	s3 =	simm.s32 $0x108;
	s8 =	sld [smem:$0x3FB0]  }
0x2e: {  	s3 =	simm.s32 @!p0 $0x1082;
	s9 =	sld [smem:$0x3FB1]  }
0x2f: {  	lr =	sadd.s32 s0, s3;
	s0 =	sld [smem:$0x3FA8]  }
0x30: {  	s3 =	sld [smem:$0x3FAB]  }
0x31: {  	[smem:$0x3FB4] =	sst s10  }
0x32: {  	s10 =	sld [smem:$0x3FB2];
	_ =	sdelay $0x3  }
0x33: {  	p0 =	seq.s32 s10, $0x1;
	s10 =	sld [smem:$0x3FB4];
	_ =	sdelay $0x3  }
0x34: {  	[smem:$0x3FB4] =	sst s10  }
0x35: {  	s10 =	sld [smem:$0x3FB3];
	_ =	sdelay $0x3  }
0x36: {  	p1 =	seq.s32 s10, $0x1;
	s10 =	sld [smem:$0x3FB4];
	_ =	sdelay $0x3  }
0x37: {  	[smem:$0x3FB4] =	sst s10  }
0x38: {  	s10 =	sld [smem:$0x3FB5]  }
0x39: {  	_ = 	snop;
	(pc) =	sbr.ind lr, $3  }
0x3a: {  	_ = 	snop  }
0x3b: {  	_ = 	snop  }
0x3c: {  	p2 =	seq.s32 s10, $0x1;
	s10 =	sld [smem:$0x3FB4]  }
0x3d: {  	_ =	shalt  }
0x3e: {  	_ =	shalt  }
0x3f: {  	_ =	shalt  }
0x40: {  	_ =	shalt  }
0x41: {  	_ =	shalt  }
0x42: {  	_ =	shalt  }
0x43: {  	_ =	shalt  }
0x44: {  	_ =	shalt  }
0x45: {  	_ =	shalt  }
0x46: {  	_ =	shalt  }
0x47: {  	_ =	shalt  }
0x48: {  	_ =	shalt  }
0x49: {  	_ =	shalt  }
0x4a: {  	_ =	shalt  }
0x4b: {  	_ =	shalt  }
0x4c: {  	_ =	shalt  }
0x4d: {  	_ =	shalt  }
0x4e: {  	_ =	shalt  }
0x4f: {  	_ =	shalt  }
0x50: {  	_ =	shalt  }
0x51: {  	_ =	shalt  }
0x52: {  	_ =	shalt  }
0x53: {  	_ =	shalt  }
0x54: {  	_ =	shalt  }
0x55: {  	_ =	shalt  }
0x56: {  	_ =	shalt  }
0x57: {  	_ =	shalt  }
0x58: {  	_ =	shalt  }
0x59: {  	_ =	shalt  }
0x5a: {  	_ =	shalt  }
0x5b: {  	_ =	shalt  }
0x5c: {  	_ =	shalt  }
0x5d: {  	_ =	shalt  }
0x5e: {  	_ =	shalt  }
0x5f: {  	_ =	shalt  }
0x60: {  	_ =	shalt  }
0x61: {  	_ =	shalt  }
0x62: {  	_ =	shalt  }
0x63: {  	_ =	shalt  }
0x64: {  	_ =	shalt  }
0x65: {  	_ =	shalt  }
0x66: {  	_ =	shalt  }
0x67: {  	_ =	shalt  }
0x68: {  	_ =	shalt  }
0x69: {  	_ =	shalt  }
0x6a: {  	_ =	shalt  }
0x6b: {  	_ =	shalt  }
0x6c: {  	_ =	shalt  }
0x6d: {  	_ =	shalt  }
0x6e: {  	_ =	shalt  }
0x6f: {  	_ =	shalt  }
0x70: {  	_ =	shalt  }
0x71: {  	_ =	shalt  }
0x72: {  	_ =	shalt  }
0x73: {  	_ =	shalt  }
0x74: {  	_ =	shalt  }
0x75: {  	_ =	shalt  }
0x76: {  	_ =	shalt  }
0x77: {  	_ =	shalt  }
0x78: {  	_ =	shalt  }
0x79: {  	_ =	shalt  }
0x7a: {  	_ =	shalt  }
0x7b: {  	_ =	shalt  }
0x7c: {  	_ =	shalt  }
0x7d: {  	_ =	shalt  }
0x7e: {  	_ =	shalt  }
0x7f: {  	_ =	shalt  }
0x80: {  	_ =	shalt  }
0x81: {  	_ =	shalt  }
0x82: {  	_ =	shalt  }
0x83: {  	_ =	shalt  }
0x84: {  	_ =	shalt  }
0x85: {  	_ =	shalt  }
0x86: {  	_ =	shalt  }
0x87: {  	_ =	shalt  }
.Lfunc_end0:
.L_simem_size_0:
called_computation_lowered:
.L_overlay_start_0:
0x88: {  	s2 =	sld [smem:$0x3FD9]  }
0x89: {  	s3 =	sld [smem:$0x3FFE];
	_ =	sdelay $0x1  }
0x8a: {  	s1 =	srdreg.scid  }
0x8b: {  	s0 =	sand.u32 $0x1, s1  }
0x8c: {  	s17 =	sshll.u32 s0, $0xA;
	s2 =	sadd.s32 s3, s2  }
0x8d: {  	s2 =	sadd.s32 s2, s17  }
0x8e: {  	[smem:$0x3FC0] =	sst s2  }
0x8f: {  	_ = 	snop  }
0x90: {  	s2 =	sld [smem:$0x3FD0];
	(tm) =	ssettm $0x1  }
0x91: {  	s18 =	sld [smem:$0x3FFB];
	_ =	sdelay $0x3  }
0x92: {  	_ =	strace s18  }
0x93: {  	s3 =	sld [smem:$0x3FFC];
	_ =	sdelay $0x3  }
0x94: {  	_ =	strace s3  }
0x95: {  	s3 =	sld [smem:$0x3FFD];
	_ =	sdelay $0x3  }
0x96: {  	_ =	strace s3  }
0x97: {  	_ =	strace $0x8FFFFFFF  }
0x98: {  	s19 =	sld [smem:$0x3FDB];
	_ =	sdelay $0x1  }
0x99: {  	s4 =	simm.s32 $_scs_section_size  }
0x9a: {  	s5 =	simm.s32 $_size__tile_overlayer_lowered;
	s6 =	simm.s32 $_tile_overlayer_lowered  }
0x9b: {  	s22 =	simm.s32 $0x1BFF;
	s21 =	sshll.u32 s6, $0x1;
	s3 =	sadd.s32 s4, s19  }
0x9c: {  	s7 =	simm.s32 $0x0;
	s20 =	sshll.u32 s5, $0x1;
	s5 =	sadd.s32 s21, s3  }
0x9d: {  	[timem:s7], [sflag:s22] =	dma.local [hbm:s5], s20  }
0x9e: {  	_ =	swait.ge [sflag:s22], s20  }
0x9f: {  	s4 =	ssub.s32 $0x0, s20;
	[sflag:s22] =	ssyncset.done $0x0  }
0xa0: {  	[sflag:s22] =	ssyncadd.s32 s4;
	_ =	sdelay $0x1  }
0xa1: {  	s23 =	simm.s32 $0x1B8B  }
0xa2: {  	_ =	swait.ge [sflag:s23], $0x1  }
0xa3: {  	[sflag:s23] =	ssyncset.done $0x0  }
0xa4: {  	s25 =	simm.s32 $0x1B8E;
	s24 =	sld [smem:$0x3FFE];
	[sflag:s23] =	ssyncadd.s32 $0xFFFFFFFF  }
0xa5: {  	s26 =	simm.s32 $execute0_lowered;
	[smem:$0x3FD2] =	sst s25  }
0xa6: {  	s5 =	sshll.u32 s26, $0x1;
	_ =	strace $0x80000046;
	[dreg:$0x1] =	wrdreg $0xFFFFFFFF  }
0xa7: {  	s28 =	simm.s32 $_size_execute0_lowered;
	s3 =	sadd.s32 s3, s5;
	[dreg:$0x0] =	wrdreg $0x0  }
0xa8: {  	s5 =	sshll.u32 s28, $0x1;
	[dreg:$0x2] =	wrdreg s3  }
0xa9: {  	[dreg:$0x3] =	wrdreg s5  }
0xaa: {  	[dreg:$0x4] =	wrdreg $0xC0  }
0xab: {  	_ =	task [dreg:s7], $0x5FFFF  }
0xac: {  	[dreg:$0x1] =	wrdreg $0xFFFFFFFF  }
0xad: {  	[dreg:$0x0] =	wrdreg $0x60  }
0xae: {  	[dreg:$0x2] =	wrdreg s2  }
0xaf: {  	[dreg:$0x3] =	wrdreg s24  }
0xb0: {  	[dreg:$0x4] =	wrdreg $0x69000  }
0xb1: {  	[dreg:$0x5] =	wrdreg $0x9  }
0xb2: {  	_ =	task.clear_ibuf [dreg:s7], $0x6FFFF;
	_ =	strace $0x90000046  }
0xb3: {  	s29 =	simm.s32 $0x9;
	_ =	strace $0x80000048  }
0xb4: {  	_ =	swait.ge [sflag:s29], $0x1  }
0xb5: {  	[sflag:s29] =	ssyncadd.s32 $0xFFFFFFFF  }
0xb6: {  	_ =	strace $0x90000048  }
0xb7: {  	_ =	sfence  }
0xb8: {  	s30 =	sld [smem:$0x0];
	_ =	sdelay $0x2  }
0xb9: {  	s31 =	sshll.u32 s1, $0xD;
	s1 =	sshrl.u32 s1, $0x2  }
0xba: {  	s3 =	sand.u32 $0x4000, s31;
	s1 =	sadd.s32 s1, s30  }
0xbb: {  	s0 =	sor.u32 s3, s0;
	s1 =	sshll.u32 s1, $0x11  }
0xbc: {  	s0 =	sor.u32 s1, s0  }
0xbd: {  	s0 =	sadd.s32 $0x8F2B, s0  }
0xbe: {  	[sflag:s0] =	ssyncadd.remote.s32 $0x1  }
0xbf: {  	_ =	sfence.sel $0xFFFF  }
0xc0: {  	[dreg:$0x0] =	wrdreg $0xFFFFFFFF;
	(pc) =	sbr.abs _section_cstart, $3  }
0xc1: {  	[dreg:$0x1] =	wrdreg $0xFFFFFFFF  }
0xc2: {  	_ =	task.clear_ibuf [dreg:s7], $0x2FFFF;
	_ =	strace $0x9FFFFFFF  }
0xc3: {  	(tm) =	ssettm $0x7FFFFFFF  }
tec
execute0_lowered:
.L_overlay_start_1:
0x0: {  	(tag) =	ssettag $0x1  }
0x1: {  	s6 =	rddreg [dreg:$0x0]  }
0x2: {  	s7 =	rddreg [dreg:$0x1]  }
0x3: {  	s1 =	rddreg [dreg:$0x2];
	s2 =	srdreg.scid  }
0x4: {  	s0 =	rddreg [dreg:$0x3];
	s3 =	simm.s32 $0x0;
	s13 =	simm.s32 $0x80  }
0x5: {  	s14 =	simm.s32 $0x2880;
	s8 =	sand.u32 $0x1, s2;
	s2 =	stileid.u32  }
0x6: {  	s15 =	simm.s32 $0x0;
	[smem:$0x7FF] =	sst s3;
	s9 =	smul.u32 $0x144000, s8  }
0x7: {  	s4 =	sadd.s32 $0x3000, s7;
	s5 =	sadd.s32 $0x3800, s7;
	s10 =	smul.u32 $0x14400, s2  }
0x8: {  	_ =	strace $0x80000047;
	s26 =	sshll.u32 s2, $0x1;
	s11 =	ssub.s32 $0x2, s8  }
0x9: {  	s28 =	smul.u32 $0x51000, s2;
	s31 =	sshll.u32 s2, $0x6;
	s8 =	sor.u32 s8, s26  }
0xa: {  	s12 =	sshrl.u32 s11, $0x1;
	s9 =	sadd.s32 s10, s9;
	s8 =	smul.u32 $0x500, s8  }
0xb: {  	s29 =	ssub.s32 s11, s12;
	s10 =	sshrl.u32 s28, $0x2;
	s11 =	sor.u32 $0x1C01, s31  }
0xc: {  	s9 =	sshrl.u32 s9, $0x3;
	s30 =	sadd.s32 s10, s1;
	s10 =	simm.s32 $0x2900  }
0xd: {  	s7 =	sadd.s32 s9, s7;
	s6 =	sadd.s32 s6, s8;
	s8 =	smax.u32 s29, $0x1  }
0xe: {  	s9 =	simm.s32 $0x1;
	s12 =	sshrl.u32 s30, $0x3;
	s7 =	sadd.s32 $0x6200, s7  }
.LBB2_1:
0xf: {  	[tilespmem:s3], [sflag:$0x1] =	stream.linear.gather [hbm4b:s6+s3], $0x2800, $0x38;
	[tilespmem:$0x1AD00] =	vst v63  }
0x10: {  	_ =	swait.ge [sflag:s9], $0x2800  }
0x11: {  	[sflag:s9] =	ssyncset.done $0x0  }
0x12: {  	[sflag:s9] =	ssyncadd.s32 $0xFFFFD800  }
0x13: {  	[tilespmem:s10], [sflag:$0x1] =	stream.linear.gather [hbm4b:s4+s3], $0x4000, $0x38;
	[tilespmem:$0x1AD00] =	vst v63  }
0x14: {  	_ =	swait.ge [sflag:s9], $0x4000  }
0x15: {  	[sflag:s9] =	ssyncset.done $0x0  }
0x16: {  	[sflag:s9] =	ssyncadd.s32 $0xFFFFC000  }
0x17: {  	[spmem:s12], [sflag:s11] =	dma.local [hbm:s5], $0x2880  }
0x18: {  	_ =	swait.ge [sflag:s9], $0x2880  }
0x19: {  	[sflag:s9] =	ssyncset.done $0x0  }
0x1a: {  	[sflag:s9] =	ssyncadd.s32 $0xFFFFD780  }
0x1b: {  	s17 =	simm.s32 $0x0;
	[bflag:$0x0] =	sbarrier.arrive $0xFFFF  }
0x1c: {  	v0 =	vld [tilespmem:s17+$0x0];
	_ =	sdelay $0x4  }
0x1d: {  	v1 =	vand.u32 $0x3FFF, v0  }
0x1e: {  	v0 =	vshrl.u32 v0, $0xE;
	[tilespmem:$0x2800] =	vst v1  }
0x1f: {  	[tilespmem:$0x2880] =	vst v0  }
0x20: {  	v0 =	vld [tilespmem:s17+$0x10];
	_ =	sdelay $0x4  }
0x21: {  	v1 =	vand.u32 $0x3FFF, v0  }
0x22: {  	v0 =	vshrl.u32 v0, $0xE;
	[tilespmem:$0x2810] =	vst v1  }
0x23: {  	[tilespmem:$0x2890] =	vst v0  }
0x24: {  	v0 =	vld [tilespmem:s17+$0x20];
	_ =	sdelay $0x4  }
0x25: {  	v1 =	vand.u32 $0x3FFF, v0  }
0x26: {  	v0 =	vshrl.u32 v0, $0xE;
	[tilespmem:$0x2820] =	vst v1  }
0x27: {  	[tilespmem:$0x28A0] =	vst v0  }
0x28: {  	v0 =	vld [tilespmem:s17+$0x30];
	_ =	sdelay $0x4  }
0x29: {  	v1 =	vand.u32 $0x3FFF, v0  }
0x2a: {  	v0 =	vshrl.u32 v0, $0xE;
	[tilespmem:$0x2830] =	vst v1  }
0x2b: {  	[tilespmem:$0x28B0] =	vst v0  }
0x2c: {  	v0 =	vld [tilespmem:s17+$0x40];
	_ =	sdelay $0x4  }
0x2d: {  	v1 =	vand.u32 $0x3FFF, v0  }
0x2e: {  	v0 =	vshrl.u32 v0, $0xE;
	[tilespmem:$0x2840] =	vst v1  }
0x2f: {  	[tilespmem:$0x28C0] =	vst v0  }
0x30: {  	v0 =	vld [tilespmem:s17+$0x50];
	_ =	sdelay $0x4  }
0x31: {  	v1 =	vand.u32 $0x3FFF, v0  }
0x32: {  	v0 =	vshrl.u32 v0, $0xE;
	[tilespmem:$0x2850] =	vst v1  }
0x33: {  	[tilespmem:$0x28D0] =	vst v0  }
0x34: {  	v0 =	vld [tilespmem:s17+$0x60];
	_ =	sdelay $0x4  }
0x35: {  	v1 =	vand.u32 $0x3FFF, v0  }
0x36: {  	v0 =	vshrl.u32 v0, $0xE;
	[tilespmem:$0x2860] =	vst v1  }
0x37: {  	[tilespmem:$0x28E0] =	vst v0  }
0x38: {  	s16 =	simm.s32 $0x200;
	v0 =	vld [tilespmem:s17+$0x70]  }
.LBB2_2:
0x39: {  	_ =	sdelay $0x1  }
0x3a: {  	p0 =	sne.s32 s16, $0x9E00;
	s17 =	smov.u32 s16;
	s16 =	sadd.s32 $0x200, s16  }
0x3b: {  	_ = 	snop  }
0x3c: {  	v1 =	vand.u32 $0x3FFF, v0;
	v0 =	vshrl.u32 v0, $0xE  }
0x3d: {  	[tilespmem:$0x2870] =	vst v1  }
0x3e: {  	[tilespmem:$0x28F0] =	vst v0  }
0x3f: {  	[spmem:s1] =	stream.indirect.scatter.add.f32 [tilespmem:s10], [sflag:$0x1], $0x80, s14, s13, $0xb8;
	[tilespmem:$0x1AD00] =	vst v63  }
0x40: {  	_ =	swait.ge [sflag:s9], $0x4000  }
0x41: {  	[sflag:s9] =	ssyncset.done $0x0  }
0x42: {  	s17 =	sshra.s32 s17, $0x2;
	[sflag:s9] =	ssyncadd.s32 $0xFFFFC000  }
0x43: {  	v0 =	vld [tilespmem:s17+$0x0];
	_ =	sdelay $0x4  }
0x44: {  	v1 =	vand.u32 $0x3FFF, v0;
	v0 =	vshrl.u32 v0, $0xE  }
0x45: {  	[tilespmem:$0x2800] =	vst v1  }
0x46: {  	[tilespmem:$0x2880] =	vst v0  }
0x47: {  	v0 =	vld [tilespmem:s17+$0x10];
	_ =	sdelay $0x4  }
0x48: {  	v1 =	vand.u32 $0x3FFF, v0;
	v0 =	vshrl.u32 v0, $0xE  }
0x49: {  	[tilespmem:$0x2810] =	vst v1  }
0x4a: {  	[tilespmem:$0x2890] =	vst v0  }
0x4b: {  	v0 =	vld [tilespmem:s17+$0x20];
	_ =	sdelay $0x4  }
0x4c: {  	v1 =	vand.u32 $0x3FFF, v0;
	v0 =	vshrl.u32 v0, $0xE  }
0x4d: {  	[tilespmem:$0x2820] =	vst v1  }
0x4e: {  	[tilespmem:$0x28A0] =	vst v0  }
0x4f: {  	v0 =	vld [tilespmem:s17+$0x30];
	_ =	sdelay $0x4  }
0x50: {  	v1 =	vand.u32 $0x3FFF, v0;
	v0 =	vshrl.u32 v0, $0xE  }
0x51: {  	[tilespmem:$0x2830] =	vst v1  }
0x52: {  	[tilespmem:$0x28B0] =	vst v0  }
0x53: {  	v0 =	vld [tilespmem:s17+$0x40];
	_ =	sdelay $0x4  }
0x54: {  	v1 =	vand.u32 $0x3FFF, v0;
	v0 =	vshrl.u32 v0, $0xE  }
0x55: {  	[tilespmem:$0x2840] =	vst v1  }
0x56: {  	[tilespmem:$0x28C0] =	vst v0  }
0x57: {  	v0 =	vld [tilespmem:s17+$0x50];
	_ =	sdelay $0x4  }
0x58: {  	v1 =	vand.u32 $0x3FFF, v0;
	v0 =	vshrl.u32 v0, $0xE  }
0x59: {  	[tilespmem:$0x2850] =	vst v1  }
0x5a: {  	[tilespmem:$0x28D0] =	vst v0  }
0x5b: {  	v0 =	vld [tilespmem:s17+$0x60];
	_ =	sdelay $0x3  }
.Ltmp0:
0x5c: {  	(pc) =	sbr.rel @p0 .LBB2_2-.Ltmp0, $4  }
0x5d: {  	v1 =	vand.u32 $0x3FFF, v0;
	v0 =	vshrl.u32 v0, $0xE  }
0x5e: {  	[tilespmem:$0x2860] =	vst v1  }
0x5f: {  	[tilespmem:$0x28E0] =	vst v0  }
0x60: {  	v0 =	vld [tilespmem:s17+$0x70]  }
0x61: {  	_ =	sdelay $0x3  }
0x62: {  	v1 =	vand.u32 $0x3FFF, v0  }
0x63: {  	v63 =	vshrl.u32 v0, $0xE;
	[tilespmem:$0x2870] =	vst v1  }
0x64: {  	[tilespmem:$0x28F0] =	vst v63  }
0x65: {  	[spmem:s1] =	stream.indirect.scatter.add.f32 [tilespmem:s10], [sflag:$0x1], $0x80, s14, s13, $0xb8;
	[tilespmem:$0x1AD00] =	vst v63  }
0x66: {  	_ =	swait.ge [sflag:s9], $0x4000  }
0x67: {  	s15 =	sadd.s32 $0x1, s15;
	[sflag:s9] =	ssyncset.done $0x0  }
0x68: {  	p0 =	sne.s32 s15, s8;
	[sflag:s9] =	ssyncadd.s32 $0xFFFFC000  }
.Ltmp1:
0x69: {  	[bflag:$0x0] =	sbarrier.arrive $0xFFFF;
	(pc) =	sbr.rel @p0 .LBB2_1-.Ltmp1, $4  }
0x6a: {  	[hbm:s7], [sflag:s11] =	dma.local [spmem:s12], $0x2880  }
0x6b: {  	_ =	swait.ge [sflag:s9], $0x2880  }
0x6c: {  	[sflag:s9] =	ssyncset.done $0x0  }
0x6d: {  	[sflag:s9] =	ssyncadd.s32 $0xFFFFD780  }
0x6e: {  	_ =	sfence.sel $0x180000  }
0x6f: {  	[bflag:$0x0] =	sbarrier.arrive $0xFFFF  }
0x70: {  	p0 =	sne.s32 s2, $0x0;
	_ =	strace $0x90000047  }
0x71: {  	s0 =	sadd.s32 @!p0 $0x100000, s0;
	[bflag:$0x2] =	sbarrier.arrive $0xFFFF  }
0x72: {  	[sflag:s0] =	ssyncadd.tile.s32 @!p0 $0x1;
	_ =	shalt  }
.Lfunc_end2:
_tile_overlayer_lowered:
.L_overlay_start_2:
0x73: {  	(tag) =	ssettag $0x2  }
0x74: {  	s0 =	rddreg [dreg:$0x0];
	s2 =	stileid.u32  }
0x75: {  	s1 =	rddreg [dreg:$0x1];
	p0 =	sne.s32 s2, $0x0  }
0x76: {  	s3 =	rddreg [dreg:$0x2];
	[bflag:$0x3] =	sbarrier.arrive $0xFFFF;
	s2 =	simm.s32 @!p0 $0x1C01  }
0x77: {  	[timem:s3], [sflag:s2] =	dma.local @!p0 [hbm:s0], s1  }
0x78: {  	s0 =	simm.s32 @!p0 $0x1  }
0x79: {  	_ =	swait.ge @!p0 [sflag:s0], s1  }
0x7a: {  	s1 =	ssub.s32 @!p0 $0x0, s1;
	[sflag:s0] =	ssyncset.done @!p0 $0x0  }
0x7b: {  	[sflag:s0] =	ssyncadd.s32 @!p0 s1  }
0x7c: {  	[bflag:$0x3] =	sbarrier.arrive $0xFFFF  }
0x7d: {  	_ =	shalt  }

// kernel: kernel.14.cloned.1.call-start
scs
__scs_entry_jumppad:
0x0: {  	(pc) =	sbr.rel $0x88, $3  }
0x1: {  	(tag) =	ssettag $0x0;
	lr =	simm.s32 $0x1  }
0x2: {  	[smem:$0x3F99] =	sst lr;
	_ =	strace $0xD0000000  }
0x3: {  	_ = 	snop  }
0x4: {  	_ = 	snop  }
0x5: {  	_ = 	snop  }
0x6: {  	_ = 	snop  }
0x7: {  	_ = 	snop  }
__scs_overlays_trampoline_lowered:
0x8: {  	[smem:$0x3FA8] =	sst s0  }
0x9: {  	[smem:$0x3FA9] =	sst s1  }
0xa: {  	[smem:$0x3FAA] =	sst s2  }
0xb: {  	[smem:$0x3FAB] =	sst s3  }
0xc: {  	[smem:$0x3FAC] =	sst s4  }
0xd: {  	[smem:$0x3FAD] =	sst s5  }
0xe: {  	[smem:$0x3FAE] =	sst s6  }
0xf: {  	[smem:$0x3FAF] =	sst s7  }
0x10: {  	[smem:$0x3FB0] =	sst s8  }
0x11: {  	[smem:$0x3FB1] =	sst s9;
	s0 =	simm.s32 @!p0 $0x0  }
0x12: {  	s1 =	sld [smem:$0x3F97];
	s0 =	simm.s32 @p0 $0x1  }
0x13: {  	[smem:$0x3FB2] =	sst s0;
	s0 =	simm.s32 @!p1 $0x0  }
0x14: {  	s2 =	sld [smem:$0x3F96];
	s0 =	simm.s32 @p1 $0x1  }
0x15: {  	[smem:$0x3FB3] =	sst s0;
	s0 =	simm.s32 @!p2 $0x0  }
0x16: {  	s3 =	sld [smem:$0x3FDB];
	s0 =	simm.s32 @p2 $0x1  }
0x17: {  	s4 =	simm.s32 $0x1BF5;
	[smem:$0x3FB5] =	sst s0  }
0x18: {  	s0 =	sld [smem:$0x3F98];
	_ =	swait.ge [sflag:s4], $0x0  }
0x19: {  	s7 =	sld [smem:$0x3F99]  }
0x1a: {  	s8 =	sadd.s32 $0xFFFFE003, lr  }
0x1b: {  	s9 =	sadd.s32 $0xFFFFFEF7, lr;
	s5 =	simm.s32 $0xFFFFFFFF;
	p2 =	slt.u32 s8, $0xFFFFF086  }
0x1c: {  	p1 =	slt.u32 s9, $0xF7A;
	s5 =	simm.s32 @!p2 $0x0  }
0x1d: {  	s5 =	simm.s32 @p1 $0x1;
	p0 =	seq.s32 s7, s2  }
0x1e: {  	s7 =	smul.u32 @!p0 $0xF7A, s2;
	p2 =	seq.s32 @!p0 s5, $0x0  }
0x1f: {  	s9 =	smul.u32 $0xF7A, s1;
	s8 =	simm.s32 @!p0 $0x1BF5;
	p2 =	por !p2, p0  }
0x20: {  	[sflag:s8] =	ssyncset.s32 @!p0 $0xFFFFF086;
	s6 =	sadd.s32 @!p0 s3, s7;
	s7 =	simm.s32 @!p0 $0x108  }
0x21: {  	s3 =	sadd.s32 s3, s9;
	s6 =	sadd.s32 @!p0 $0x88, s6;
	s7 =	simm.s32 @p2 $0x1082  }
0x22: {  	[simem:s7], [sflag:s8] =	dma.local @!p0 [hbm:s6], $0xF7A  }
0x23: {  	s9 =	sor.u32 $0xD0000000, s2;
	s6 =	simm.s32 $0x108;
	_ =	swait.ge @!p0 [sflag:s8], $0x0  }
0x24: {  	s3 =	sadd.s32 $0x88, s3;
	s6 =	simm.s32 @!p1 $0x1082;
	[sflag:s4] =	ssyncset.s32 $0xFFFFF086  }
0x25: {  	[simem:s6], [sflag:s4] =	dma.local [hbm:s3], $0xF7A  }
0x26: {  	[smem:$0x3F99] =	sst s1;
	(tag) =	ssettag s2;
	_ =	strace s9  }
0x27: {  	s1 =	sld [smem:$0x3FA9]  }
0x28: {  	s2 =	sld [smem:$0x3FAA]  }
0x29: {  	s4 =	sld [smem:$0x3FAC]  }
0x2a: {  	p0 =	seq.s32 s5, $0x0;
	s5 =	sld [smem:$0x3FAD]  }
0x2b: {  	s6 =	sld [smem:$0x3FAE]  }
0x2c: {  	s7 =	sld [smem:$0x3FAF]  }
0x2d: {  	s3 =	simm.s32 $0x108;
	s8 =	sld [smem:$0x3FB0]  }
0x2e: {  	s3 =	simm.s32 @!p0 $0x1082;
	s9 =	sld [smem:$0x3FB1]  }
0x2f: {  	lr =	sadd.s32 s0, s3;
	s0 =	sld [smem:$0x3FA8]  }
0x30: {  	s3 =	sld [smem:$0x3FAB]  }
0x31: {  	[smem:$0x3FB4] =	sst s10  }
0x32: {  	s10 =	sld [smem:$0x3FB2];
	_ =	sdelay $0x3  }
0x33: {  	p0 =	seq.s32 s10, $0x1;
	s10 =	sld [smem:$0x3FB4];
	_ =	sdelay $0x3  }
0x34: {  	[smem:$0x3FB4] =	sst s10  }
0x35: {  	s10 =	sld [smem:$0x3FB3];
	_ =	sdelay $0x3  }
0x36: {  	p1 =	seq.s32 s10, $0x1;
	s10 =	sld [smem:$0x3FB4];
	_ =	sdelay $0x3  }
0x37: {  	[smem:$0x3FB4] =	sst s10  }
0x38: {  	s10 =	sld [smem:$0x3FB5]  }
0x39: {  	_ = 	snop;
	(pc) =	sbr.ind lr, $3  }
0x3a: {  	_ = 	snop  }
0x3b: {  	_ = 	snop  }
0x3c: {  	p2 =	seq.s32 s10, $0x1;
	s10 =	sld [smem:$0x3FB4]  }
0x3d: {  	_ =	shalt  }
0x3e: {  	_ =	shalt  }
0x3f: {  	_ =	shalt  }
0x40: {  	_ =	shalt  }
0x41: {  	_ =	shalt  }
0x42: {  	_ =	shalt  }
0x43: {  	_ =	shalt  }
0x44: {  	_ =	shalt  }
0x45: {  	_ =	shalt  }
0x46: {  	_ =	shalt  }
0x47: {  	_ =	shalt  }
0x48: {  	_ =	shalt  }
0x49: {  	_ =	shalt  }
0x4a: {  	_ =	shalt  }
0x4b: {  	_ =	shalt  }
0x4c: {  	_ =	shalt  }
0x4d: {  	_ =	shalt  }
0x4e: {  	_ =	shalt  }
0x4f: {  	_ =	shalt  }
0x50: {  	_ =	shalt  }
0x51: {  	_ =	shalt  }
0x52: {  	_ =	shalt  }
0x53: {  	_ =	shalt  }
0x54: {  	_ =	shalt  }
0x55: {  	_ =	shalt  }
0x56: {  	_ =	shalt  }
0x57: {  	_ =	shalt  }
0x58: {  	_ =	shalt  }
0x59: {  	_ =	shalt  }
0x5a: {  	_ =	shalt  }
0x5b: {  	_ =	shalt  }
0x5c: {  	_ =	shalt  }
0x5d: {  	_ =	shalt  }
0x5e: {  	_ =	shalt  }
0x5f: {  	_ =	shalt  }
0x60: {  	_ =	shalt  }
0x61: {  	_ =	shalt  }
0x62: {  	_ =	shalt  }
0x63: {  	_ =	shalt  }
0x64: {  	_ =	shalt  }
0x65: {  	_ =	shalt  }
0x66: {  	_ =	shalt  }
0x67: {  	_ =	shalt  }
0x68: {  	_ =	shalt  }
0x69: {  	_ =	shalt  }
0x6a: {  	_ =	shalt  }
0x6b: {  	_ =	shalt  }
0x6c: {  	_ =	shalt  }
0x6d: {  	_ =	shalt  }
0x6e: {  	_ =	shalt  }
0x6f: {  	_ =	shalt  }
0x70: {  	_ =	shalt  }
0x71: {  	_ =	shalt  }
0x72: {  	_ =	shalt  }
0x73: {  	_ =	shalt  }
0x74: {  	_ =	shalt  }
0x75: {  	_ =	shalt  }
0x76: {  	_ =	shalt  }
0x77: {  	_ =	shalt  }
0x78: {  	_ =	shalt  }
0x79: {  	_ =	shalt  }
0x7a: {  	_ =	shalt  }
0x7b: {  	_ =	shalt  }
0x7c: {  	_ =	shalt  }
0x7d: {  	_ =	shalt  }
0x7e: {  	_ =	shalt  }
0x7f: {  	_ =	shalt  }
0x80: {  	_ =	shalt  }
0x81: {  	_ =	shalt  }
0x82: {  	_ =	shalt  }
0x83: {  	_ =	shalt  }
0x84: {  	_ =	shalt  }
0x85: {  	_ =	shalt  }
0x86: {  	_ =	shalt  }
0x87: {  	_ =	shalt  }
.Lfunc_end0:
.L_simem_size_0:
called_computation.1_lowered:
.L_overlay_start_0:
0x88: {  	s2 =	sld [smem:$0x3FD9]  }
0x89: {  	s3 =	sld [smem:$0x3FFE];
	_ =	sdelay $0x1  }
0x8a: {  	s1 =	srdreg.scid  }
0x8b: {  	s0 =	sand.u32 $0x1, s1  }
0x8c: {  	s17 =	sshll.u32 s0, $0xA;
	s2 =	sadd.s32 s3, s2  }
0x8d: {  	s2 =	sadd.s32 s2, s17  }
0x8e: {  	[smem:$0x3FC0] =	sst s2  }
0x8f: {  	_ = 	snop  }
0x90: {  	s2 =	sld [smem:$0x3FD0];
	(tm) =	ssettm $0x1  }
0x91: {  	s18 =	sld [smem:$0x3FFB];
	_ =	sdelay $0x3  }
0x92: {  	_ =	strace s18  }
0x93: {  	s3 =	sld [smem:$0x3FFC];
	_ =	sdelay $0x3  }
0x94: {  	_ =	strace s3  }
0x95: {  	s3 =	sld [smem:$0x3FFD];
	_ =	sdelay $0x3  }
0x96: {  	_ =	strace s3  }
0x97: {  	_ =	strace $0x8FFFFFFF  }
0x98: {  	s19 =	sld [smem:$0x3FDB];
	_ =	sdelay $0x1  }
0x99: {  	s4 =	simm.s32 $_scs_section_size  }
0x9a: {  	s5 =	simm.s32 $_size__tile_overlayer_lowered;
	s6 =	simm.s32 $_tile_overlayer_lowered  }
0x9b: {  	s22 =	simm.s32 $0x1BFF;
	s21 =	sshll.u32 s6, $0x1;
	s3 =	sadd.s32 s4, s19  }
0x9c: {  	s7 =	simm.s32 $0x0;
	s20 =	sshll.u32 s5, $0x1;
	s5 =	sadd.s32 s21, s3  }
0x9d: {  	[timem:s7], [sflag:s22] =	dma.local [hbm:s5], s20  }
0x9e: {  	_ =	swait.ge [sflag:s22], s20  }
0x9f: {  	s4 =	ssub.s32 $0x0, s20;
	[sflag:s22] =	ssyncset.done $0x0  }
0xa0: {  	[sflag:s22] =	ssyncadd.s32 s4;
	_ =	sdelay $0x1  }
0xa1: {  	s23 =	simm.s32 $0x1B8B  }
0xa2: {  	_ =	swait.ge [sflag:s23], $0x1  }
0xa3: {  	[sflag:s23] =	ssyncset.done $0x0  }
0xa4: {  	s25 =	simm.s32 $0x1B8E;
	s24 =	sld [smem:$0x3FFE];
	[sflag:s23] =	ssyncadd.s32 $0xFFFFFFFF  }
0xa5: {  	s26 =	simm.s32 $execute0_lowered;
	[smem:$0x3FD2] =	sst s25  }
0xa6: {  	s5 =	sshll.u32 s26, $0x1;
	_ =	strace $0x80000049;
	[dreg:$0x1] =	wrdreg $0xFFFFFFFF  }
0xa7: {  	s28 =	simm.s32 $_size_execute0_lowered;
	s3 =	sadd.s32 s3, s5;
	[dreg:$0x0] =	wrdreg $0x0  }
0xa8: {  	s5 =	sshll.u32 s28, $0x1;
	[dreg:$0x2] =	wrdreg s3  }
0xa9: {  	[dreg:$0x3] =	wrdreg s5  }
0xaa: {  	[dreg:$0x4] =	wrdreg $0xC0  }
0xab: {  	_ =	task [dreg:s7], $0x5FFFF  }
0xac: {  	[dreg:$0x1] =	wrdreg $0xFFFFFFFF  }
0xad: {  	[dreg:$0x0] =	wrdreg $0x60  }
0xae: {  	[dreg:$0x2] =	wrdreg s24  }
0xaf: {  	[dreg:$0x3] =	wrdreg s2  }
0xb0: {  	[dreg:$0x4] =	wrdreg $0xAA000  }
0xb1: {  	[dreg:$0x5] =	wrdreg $0x9  }
0xb2: {  	_ =	task.clear_ibuf [dreg:s7], $0x6FFFF;
	_ =	strace $0x90000049  }
0xb3: {  	s29 =	simm.s32 $0x9;
	_ =	strace $0x8000004B  }
0xb4: {  	_ =	swait.ge [sflag:s29], $0x1  }
0xb5: {  	[sflag:s29] =	ssyncadd.s32 $0xFFFFFFFF  }
0xb6: {  	_ =	strace $0x9000004B  }
0xb7: {  	_ =	sfence  }
0xb8: {  	s30 =	sld [smem:$0x0];
	_ =	sdelay $0x2  }
0xb9: {  	s31 =	sshll.u32 s1, $0xD;
	s1 =	sshrl.u32 s1, $0x2  }
0xba: {  	s3 =	sand.u32 $0x4000, s31;
	s1 =	sadd.s32 s1, s30  }
0xbb: {  	s0 =	sor.u32 s3, s0;
	s1 =	sshll.u32 s1, $0x11  }
0xbc: {  	s0 =	sor.u32 s1, s0  }
0xbd: {  	s0 =	sadd.s32 $0x8F2B, s0  }
0xbe: {  	[sflag:s0] =	ssyncadd.remote.s32 $0x1  }
0xbf: {  	_ =	sfence.sel $0xFFFF  }
0xc0: {  	[dreg:$0x0] =	wrdreg $0xFFFFFFFF;
	(pc) =	sbr.abs _section_cstart, $3  }
0xc1: {  	[dreg:$0x1] =	wrdreg $0xFFFFFFFF  }
0xc2: {  	_ =	task.clear_ibuf [dreg:s7], $0x2FFFF;
	_ =	strace $0x9FFFFFFF  }
0xc3: {  	(tm) =	ssettm $0x7FFFFFFF  }
tec
execute0_lowered:
.L_overlay_start_1:
0x0: {  	(tag) =	ssettag $0x1  }
0x1: {  	s6 =	rddreg [dreg:$0x0]  }
0x2: {  	s7 =	rddreg [dreg:$0x1]  }
0x3: {  	s1 =	rddreg [dreg:$0x2];
	s2 =	srdreg.scid  }
0x4: {  	s0 =	rddreg [dreg:$0x3];
	s3 =	simm.s32 $0x0;
	s13 =	simm.s32 $0x2800  }
0x5: {  	s14 =	simm.s32 $0x2A00;
	s15 =	simm.s32 $0x2880;
	s16 =	simm.s32 $0x6A00  }
0x6: {  	s17 =	simm.s32 $0x1;
	s18 =	simm.s32 $0x2900;
	s19 =	simm.s32 $0x2  }
0x7: {  	s20 =	simm.s32 $0x2980;
	s8 =	sand.u32 $0x1, s2;
	s2 =	stileid.u32  }
0x8: {  	s21 =	simm.s32 $0x0;
	[smem:$0x7FF] =	sst s3;
	s9 =	smul.u32 $0x144000, s8  }
0x9: {  	s4 =	sadd.s32 $0x6200, s6;
	s5 =	sadd.s32 $0x3800, s6;
	s10 =	smul.u32 $0x14400, s2  }
0xa: {  	_ =	strace $0x8000004A;
	s28 =	sshll.u32 s2, $0x1;
	s11 =	ssub.s32 $0x2, s8  }
0xb: {  	s29 =	smul.u32 $0x51000, s2;
	s31 =	sshll.u32 s2, $0x6;
	s8 =	sor.u32 s8, s28  }
0xc: {  	s12 =	sshrl.u32 s11, $0x1;
	s9 =	sadd.s32 s10, s9;
	s8 =	smul.u32 $0x500, s8  }
0xd: {  	s11 =	ssub.s32 s11, s12;
	s10 =	sshrl.u32 s29, $0x2;
	s12 =	simm.s32 $0x80  }
0xe: {  	s9 =	sshrl.u32 s9, $0x3;
	s30 =	sadd.s32 s10, s1;
	s10 =	sor.u32 $0x1C03, s31  }
0xf: {  	s9 =	sadd.s32 s9, s6;
	s6 =	sadd.s32 s7, s8;
	s8 =	smax.u32 s11, $0x1  }
0x10: {  	s11 =	sshrl.u32 s30, $0x3;
	s7 =	sadd.s32 $0x54600, s9;
	s9 =	simm.s32 $0x3  }
.LBB2_1:
0x11: {  	[tilespmem:s3], [sflag:$0x3] =	stream.linear.gather [hbm4b:s6+s3], $0x2800, $0x38;
	[tilespmem:$0x1EE00] =	vst v63  }
0x12: {  	_ =	swait.ge [sflag:s9], $0x2800  }
0x13: {  	[sflag:s9] =	ssyncset.done $0x0  }
0x14: {  	[sflag:s9] =	ssyncadd.s32 $0xFFFFD800  }
0x15: {  	[spmem:s11], [sflag:s10] =	dma.local [hbm:s5], $0x2880  }
0x16: {  	_ =	swait.ge [sflag:s9], $0x2880  }
0x17: {  	[sflag:s9] =	ssyncset.done $0x0  }
0x18: {  	[sflag:s9] =	ssyncadd.s32 $0xFFFFD780  }
0x19: {  	[bflag:$0x0] =	sbarrier.arrive $0xFFFF  }
0x1a: {  	v0 =	vld [tilespmem:$0x0];
	_ =	sdelay $0x1  }
0x1b: {  	v1 =	vld [tilespmem:$0x10];
	_ =	sdelay $0x1  }
0x1c: {  	v2 =	vld [tilespmem:$0x20]  }
0x1d: {  	v3 =	vand.u32 $0x3FFF, v0  }
0x1e: {  	v6 =	vld [tilespmem:$0x30];
	v0 =	vshrl.u32 v0, $0xE;
	[tilespmem:$0x2800] =	vst v3  }
0x1f: {  	v7 =	vand.u32 $0x3FFF, v1;
	[tilespmem:$0x2900] =	vst v0  }
0x20: {  	v9 =	vld [tilespmem:$0x40];
	v8 =	vshrl.u32 v1, $0xE;
	[tilespmem:$0x2810] =	vst v7  }
0x21: {  	v10 =	vand.u32 $0x3FFF, v2;
	[tilespmem:$0x2910] =	vst v8  }
0x22: {  	v12 =	vld [tilespmem:$0x50];
	v11 =	vshrl.u32 v2, $0xE;
	[tilespmem:$0x2820] =	vst v10  }
0x23: {  	v13 =	vand.u32 $0x3FFF, v6;
	[tilespmem:$0x2920] =	vst v11  }
0x24: {  	v15 =	vld [tilespmem:$0x60];
	v14 =	vshrl.u32 v6, $0xE;
	[tilespmem:$0x2830] =	vst v13  }
0x25: {  	v16 =	vand.u32 $0x3FFF, v9;
	[tilespmem:$0x2930] =	vst v14  }
0x26: {  	v18 =	vld [tilespmem:$0x70];
	v17 =	vshrl.u32 v9, $0xE;
	[tilespmem:$0x2840] =	vst v16  }
0x27: {  	v19 =	vand.u32 $0x3FFF, v12;
	[tilespmem:$0x2940] =	vst v17  }
0x28: {  	v20 =	vshrl.u32 v12, $0xE;
	[tilespmem:$0x2850] =	vst v19  }
0x29: {  	v21 =	vand.u32 $0x3FFF, v15;
	[tilespmem:$0x2950] =	vst v20  }
0x2a: {  	v22 =	vshrl.u32 v15, $0xE;
	[tilespmem:$0x2860] =	vst v21  }
0x2b: {  	v23 =	vand.u32 $0x3FFF, v18;
	[tilespmem:$0x2960] =	vst v22  }
0x2c: {  	v24 =	vshrl.u32 v18, $0xE;
	[tilespmem:$0x2870] =	vst v23  }
0x2d: {  	[tilespmem:$0x2970] =	vst v24  }
0x2e: {  	[tilespmem:s14], [sflag:$0x1] =	stream.indirect.gather [hbm4b:s4+s12], $0x80, s13, s12, $0xb8;
	[tilespmem:$0x1EE00] =	vst v63  }
0x2f: {  	v25 =	vld [tilespmem:$0x80];
	_ =	sdelay $0x1  }
0x30: {  	v26 =	vld [tilespmem:$0x90];
	_ =	sdelay $0x1  }
0x31: {  	v27 =	vld [tilespmem:$0xA0]  }
0x32: {  	v28 =	vand.u32 $0x3FFF, v25  }
0x33: {  	v29 =	vld [tilespmem:$0xB0];
	v0 =	vshrl.u32 v25, $0xE;
	[tilespmem:$0x2880] =	vst v28  }
0x34: {  	v30 =	vand.u32 $0x3FFF, v26;
	[tilespmem:$0x2980] =	vst v0  }
0x35: {  	v32 =	vld [tilespmem:$0xC0];
	v31 =	vshrl.u32 v26, $0xE;
	[tilespmem:$0x2890] =	vst v30  }
0x36: {  	v33 =	vand.u32 $0x3FFF, v27;
	[tilespmem:$0x2990] =	vst v31  }
0x37: {  	v35 =	vld [tilespmem:$0xD0];
	v34 =	vshrl.u32 v27, $0xE;
	[tilespmem:$0x28A0] =	vst v33  }
0x38: {  	v36 =	vand.u32 $0x3FFF, v29;
	[tilespmem:$0x29A0] =	vst v34  }
0x39: {  	v38 =	vld [tilespmem:$0xE0];
	v37 =	vshrl.u32 v29, $0xE;
	[tilespmem:$0x28B0] =	vst v36  }
0x3a: {  	v39 =	vand.u32 $0x3FFF, v32;
	[tilespmem:$0x29B0] =	vst v37  }
0x3b: {  	v41 =	vld [tilespmem:$0xF0];
	v40 =	vshrl.u32 v32, $0xE;
	[tilespmem:$0x28C0] =	vst v39  }
0x3c: {  	v42 =	vand.u32 $0x3FFF, v35;
	[tilespmem:$0x29C0] =	vst v40  }
0x3d: {  	v43 =	vshrl.u32 v35, $0xE;
	[tilespmem:$0x28D0] =	vst v42  }
0x3e: {  	v44 =	vand.u32 $0x3FFF, v38;
	[tilespmem:$0x29D0] =	vst v43  }
0x3f: {  	v45 =	vshrl.u32 v38, $0xE;
	[tilespmem:$0x28E0] =	vst v44  }
0x40: {  	v46 =	vand.u32 $0x3FFF, v41;
	[tilespmem:$0x29E0] =	vst v45  }
0x41: {  	v47 =	vshrl.u32 v41, $0xE;
	[tilespmem:$0x28F0] =	vst v46  }
0x42: {  	[tilespmem:$0x29F0] =	vst v47  }
0x43: {  	[tilespmem:s16], [sflag:$0x2] =	stream.indirect.gather [hbm4b:s4+s12], $0x80, s15, s12, $0xb8;
	[tilespmem:$0x1EE00] =	vst v63  }
0x44: {  	_ =	swait.ge [sflag:s17], $0x4000  }
0x45: {  	[sflag:s17] =	ssyncset.done $0x0  }
0x46: {  	[sflag:s17] =	ssyncadd.s32 $0xFFFFC000  }
0x47: {  	[spmem:s1] =	stream.indirect.scatter.add.f32 [tilespmem:s14], [sflag:$0x3], $0x80, s18, s12, $0xb8;
	[tilespmem:$0x1EE00] =	vst v63  }
0x48: {  	_ =	swait.ge [sflag:s9], $0x4000  }
0x49: {  	s22 =	smin.u32 s3, $0x4D;
	[sflag:s9] =	ssyncset.done $0x0  }
0x4a: {  	s22 =	sshll.u32 s22, $0x7;
	[sflag:s9] =	ssyncadd.s32 $0xFFFFC000  }
0x4b: {  	v48 =	vld [tilespmem:s22+$0x100];
	_ =	sdelay $0x4  }
0x4c: {  	v49 =	vand.u32 $0x3FFF, v48  }
0x4d: {  	v0 =	vshrl.u32 v48, $0xE;
	[tilespmem:$0x2800] =	vst v49  }
0x4e: {  	[tilespmem:$0x2900] =	vst v0  }
0x4f: {  	v0 =	vld [tilespmem:s22+$0x110];
	_ =	sdelay $0x4  }
0x50: {  	v50 =	vand.u32 $0x3FFF, v0  }
0x51: {  	v0 =	vshrl.u32 v0, $0xE;
	[tilespmem:$0x2810] =	vst v50  }
0x52: {  	[tilespmem:$0x2910] =	vst v0  }
0x53: {  	v0 =	vld [tilespmem:s22+$0x120];
	_ =	sdelay $0x4  }
0x54: {  	v51 =	vand.u32 $0x3FFF, v0  }
0x55: {  	v0 =	vshrl.u32 v0, $0xE;
	[tilespmem:$0x2820] =	vst v51  }
0x56: {  	[tilespmem:$0x2920] =	vst v0  }
0x57: {  	v0 =	vld [tilespmem:s22+$0x130];
	_ =	sdelay $0x4  }
0x58: {  	v52 =	vand.u32 $0x3FFF, v0  }
0x59: {  	v0 =	vshrl.u32 v0, $0xE;
	[tilespmem:$0x2830] =	vst v52  }
0x5a: {  	[tilespmem:$0x2930] =	vst v0  }
0x5b: {  	v0 =	vld [tilespmem:s22+$0x140];
	_ =	sdelay $0x4  }
0x5c: {  	v53 =	vand.u32 $0x3FFF, v0  }
0x5d: {  	v0 =	vshrl.u32 v0, $0xE;
	[tilespmem:$0x2840] =	vst v53  }
0x5e: {  	[tilespmem:$0x2940] =	vst v0  }
0x5f: {  	v0 =	vld [tilespmem:s22+$0x150];
	_ =	sdelay $0x4  }
0x60: {  	v54 =	vand.u32 $0x3FFF, v0  }
0x61: {  	v0 =	vshrl.u32 v0, $0xE;
	[tilespmem:$0x2850] =	vst v54  }
0x62: {  	[tilespmem:$0x2950] =	vst v0  }
0x63: {  	v0 =	vld [tilespmem:s22+$0x160];
	_ =	sdelay $0x4  }
0x64: {  	v55 =	vand.u32 $0x3FFF, v0  }
0x65: {  	v0 =	vshrl.u32 v0, $0xE;
	[tilespmem:$0x2860] =	vst v55  }
0x66: {  	[tilespmem:$0x2960] =	vst v0  }
0x67: {  	v0 =	vld [tilespmem:s22+$0x170];
	_ =	sdelay $0x4  }
0x68: {  	v56 =	vand.u32 $0x3FFF, v0  }
0x69: {  	v0 =	vshrl.u32 v0, $0xE;
	[tilespmem:$0x2870] =	vst v56  }
0x6a: {  	[tilespmem:$0x2970] =	vst v0  }
0x6b: {  	[tilespmem:s14], [sflag:$0x1] =	stream.indirect.gather [hbm4b:s4+s12], $0x80, s13, s12, $0xb8;
	[tilespmem:$0x1EE00] =	vst v63  }
0x6c: {  	_ =	swait.ge [sflag:s19], $0x4000  }
0x6d: {  	[sflag:s19] =	ssyncset.done $0x0  }
0x6e: {  	[sflag:s19] =	ssyncadd.s32 $0xFFFFC000  }
0x6f: {  	[spmem:s1] =	stream.indirect.scatter.add.f32 [tilespmem:s16], [sflag:$0x3], $0x80, s20, s12, $0xb8;
	[tilespmem:$0x1EE00] =	vst v63  }
0x70: {  	_ =	swait.ge [sflag:s9], $0x4000  }
0x71: {  	s31 =	smin.u32 s3, $0x4C;
	[sflag:s9] =	ssyncset.done $0x0  }
0x72: {  	s23 =	sshll.u32 s31, $0x7;
	[sflag:s9] =	ssyncadd.s32 $0xFFFFC000  }
0x73: {  	v57 =	vld [tilespmem:s23+$0x180];
	_ =	sdelay $0x4  }
0x74: {  	v58 =	vand.u32 $0x3FFF, v57  }
0x75: {  	v0 =	vshrl.u32 v57, $0xE;
	[tilespmem:$0x2880] =	vst v58  }
0x76: {  	[tilespmem:$0x2980] =	vst v0  }
0x77: {  	v0 =	vld [tilespmem:s23+$0x190];
	_ =	sdelay $0x4  }
0x78: {  	v59 =	vand.u32 $0x3FFF, v0  }
0x79: {  	v0 =	vshrl.u32 v0, $0xE;
	[tilespmem:$0x2890] =	vst v59  }
0x7a: {  	[tilespmem:$0x2990] =	vst v0  }
0x7b: {  	v0 =	vld [tilespmem:s23+$0x1A0];
	_ =	sdelay $0x4  }
0x7c: {  	v60 =	vand.u32 $0x3FFF, v0  }
0x7d: {  	v0 =	vshrl.u32 v0, $0xE;
	[tilespmem:$0x28A0] =	vst v60  }
0x7e: {  	[tilespmem:$0x29A0] =	vst v0  }
0x7f: {  	v0 =	vld [tilespmem:s23+$0x1B0];
	_ =	sdelay $0x4  }
0x80: {  	v61 =	vand.u32 $0x3FFF, v0  }
0x81: {  	v0 =	vshrl.u32 v0, $0xE;
	[tilespmem:$0x28B0] =	vst v61  }
0x82: {  	[tilespmem:$0x29B0] =	vst v0  }
0x83: {  	v0 =	vld [tilespmem:s23+$0x1C0];
	_ =	sdelay $0x4  }
0x84: {  	v62 =	vand.u32 $0x3FFF, v0  }
0x85: {  	v0 =	vshrl.u32 v0, $0xE;
	[tilespmem:$0x28C0] =	vst v62  }
0x86: {  	[tilespmem:$0x29C0] =	vst v0  }
0x87: {  	v0 =	vld [tilespmem:s23+$0x1D0];
	_ =	sdelay $0x4  }
0x88: {  	v63 =	vand.u32 $0x3FFF, v0  }
0x89: {  	v0 =	vshrl.u32 v0, $0xE;
	[tilespmem:$0x28D0] =	vst v63  }
0x8a: {  	s22 =	simm.s32 $0x2;
	[tilespmem:$0x29D0] =	vst v0  }
.LBB2_2:
0x8b: {  	p0 =	sne.s32 s22, $0x4E;
	v0 =	vld [tilespmem:s23+$0x1E0];
	s24 =	smov.u32 s22;
	s22 =	sadd.s32 $0x2, s22  }
0x8c: {  	_ =	sdelay $0x3  }
0x8d: {  	v1 =	vand.u32 $0x3FFF, v0;
	v0 =	vshrl.u32 v0, $0xE  }
0x8e: {  	[tilespmem:$0x28E0] =	vst v1  }
0x8f: {  	[tilespmem:$0x29E0] =	vst v0  }
0x90: {  	v0 =	vld [tilespmem:s23+$0x1F0];
	_ =	sdelay $0x4  }
0x91: {  	v1 =	vand.u32 $0x3FFF, v0;
	v0 =	vshrl.u32 v0, $0xE  }
0x92: {  	[tilespmem:$0x28F0] =	vst v1  }
0x93: {  	[tilespmem:$0x29F0] =	vst v0  }
0x94: {  	[tilespmem:s16], [sflag:$0x2] =	stream.indirect.gather [hbm4b:s4+s12], $0x80, s15, s12, $0xb8;
	[tilespmem:$0x1EE00] =	vst v63  }
0x95: {  	_ =	swait.ge [sflag:s17], $0x4000  }
0x96: {  	[sflag:s17] =	ssyncset.done $0x0  }
0x97: {  	[sflag:s17] =	ssyncadd.s32 $0xFFFFC000  }
0x98: {  	[spmem:s1] =	stream.indirect.scatter.add.f32 [tilespmem:s14], [sflag:$0x3], $0x80, s18, s12, $0xb8;
	[tilespmem:$0x1EE00] =	vst v63  }
0x99: {  	_ =	swait.ge [sflag:s9], $0x4000  }
0x9a: {  	s23 =	smin.u32 s24, $0x4D;
	[sflag:s9] =	ssyncset.done $0x0  }
0x9b: {  	s23 =	sshll.u32 s23, $0x7;
	[sflag:s9] =	ssyncadd.s32 $0xFFFFC000  }
0x9c: {  	v0 =	vld [tilespmem:s23+$0x100];
	_ =	sdelay $0x4  }
0x9d: {  	v1 =	vand.u32 $0x3FFF, v0;
	v0 =	vshrl.u32 v0, $0xE  }
0x9e: {  	[tilespmem:$0x2800] =	vst v1  }
0x9f: {  	[tilespmem:$0x2900] =	vst v0  }
0xa0: {  	v0 =	vld [tilespmem:s23+$0x110];
	_ =	sdelay $0x4  }
0xa1: {  	v1 =	vand.u32 $0x3FFF, v0;
	v0 =	vshrl.u32 v0, $0xE  }
0xa2: {  	[tilespmem:$0x2810] =	vst v1  }
0xa3: {  	[tilespmem:$0x2910] =	vst v0  }
0xa4: {  	v0 =	vld [tilespmem:s23+$0x120];
	_ =	sdelay $0x4  }
0xa5: {  	v1 =	vand.u32 $0x3FFF, v0;
	v0 =	vshrl.u32 v0, $0xE  }
0xa6: {  	[tilespmem:$0x2820] =	vst v1  }
0xa7: {  	[tilespmem:$0x2920] =	vst v0  }
0xa8: {  	v0 =	vld [tilespmem:s23+$0x130];
	_ =	sdelay $0x4  }
0xa9: {  	v1 =	vand.u32 $0x3FFF, v0;
	v0 =	vshrl.u32 v0, $0xE  }
0xaa: {  	[tilespmem:$0x2830] =	vst v1  }
0xab: {  	[tilespmem:$0x2930] =	vst v0  }
0xac: {  	v0 =	vld [tilespmem:s23+$0x140];
	_ =	sdelay $0x4  }
0xad: {  	v1 =	vand.u32 $0x3FFF, v0;
	v0 =	vshrl.u32 v0, $0xE  }
0xae: {  	[tilespmem:$0x2840] =	vst v1  }
0xaf: {  	[tilespmem:$0x2940] =	vst v0  }
0xb0: {  	v0 =	vld [tilespmem:s23+$0x150];
	_ =	sdelay $0x4  }
0xb1: {  	v1 =	vand.u32 $0x3FFF, v0;
	v0 =	vshrl.u32 v0, $0xE  }
0xb2: {  	[tilespmem:$0x2850] =	vst v1  }
0xb3: {  	[tilespmem:$0x2950] =	vst v0  }
0xb4: {  	v0 =	vld [tilespmem:s23+$0x160];
	_ =	sdelay $0x4  }
0xb5: {  	v1 =	vand.u32 $0x3FFF, v0;
	v0 =	vshrl.u32 v0, $0xE  }
0xb6: {  	[tilespmem:$0x2860] =	vst v1  }
0xb7: {  	[tilespmem:$0x2960] =	vst v0  }
0xb8: {  	v0 =	vld [tilespmem:s23+$0x170];
	_ =	sdelay $0x4  }
0xb9: {  	v1 =	vand.u32 $0x3FFF, v0;
	v0 =	vshrl.u32 v0, $0xE  }
0xba: {  	s23 =	smin.u32 s24, $0x4C;
	[tilespmem:$0x2870] =	vst v1  }
0xbb: {  	s23 =	sshll.u32 s23, $0x7;
	[tilespmem:$0x2970] =	vst v0  }
0xbc: {  	[tilespmem:s14], [sflag:$0x1] =	stream.indirect.gather [hbm4b:s4+s12], $0x80, s13, s12, $0xb8;
	[tilespmem:$0x1EE00] =	vst v63  }
0xbd: {  	_ =	swait.ge [sflag:s19], $0x4000  }
0xbe: {  	[sflag:s19] =	ssyncset.done $0x0  }
0xbf: {  	[sflag:s19] =	ssyncadd.s32 $0xFFFFC000  }
0xc0: {  	[spmem:s1] =	stream.indirect.scatter.add.f32 [tilespmem:s16], [sflag:$0x3], $0x80, s20, s12, $0xb8;
	[tilespmem:$0x1EE00] =	vst v63  }
0xc1: {  	_ =	swait.ge [sflag:s9], $0x4000  }
0xc2: {  	[sflag:s9] =	ssyncset.done $0x0  }
0xc3: {  	[sflag:s9] =	ssyncadd.s32 $0xFFFFC000  }
0xc4: {  	v0 =	vld [tilespmem:s23+$0x180];
	_ =	sdelay $0x4  }
0xc5: {  	v1 =	vand.u32 $0x3FFF, v0;
	v0 =	vshrl.u32 v0, $0xE  }
0xc6: {  	[tilespmem:$0x2880] =	vst v1  }
0xc7: {  	[tilespmem:$0x2980] =	vst v0  }
0xc8: {  	v0 =	vld [tilespmem:s23+$0x190];
	_ =	sdelay $0x4  }
0xc9: {  	v1 =	vand.u32 $0x3FFF, v0;
	v0 =	vshrl.u32 v0, $0xE  }
0xca: {  	[tilespmem:$0x2890] =	vst v1  }
0xcb: {  	[tilespmem:$0x2990] =	vst v0  }
0xcc: {  	v0 =	vld [tilespmem:s23+$0x1A0];
	_ =	sdelay $0x4  }
0xcd: {  	v1 =	vand.u32 $0x3FFF, v0;
	v0 =	vshrl.u32 v0, $0xE  }
0xce: {  	[tilespmem:$0x28A0] =	vst v1  }
0xcf: {  	[tilespmem:$0x29A0] =	vst v0  }
0xd0: {  	v0 =	vld [tilespmem:s23+$0x1B0];
	_ =	sdelay $0x4  }
0xd1: {  	v1 =	vand.u32 $0x3FFF, v0;
	v0 =	vshrl.u32 v0, $0xE  }
0xd2: {  	[tilespmem:$0x28B0] =	vst v1  }
0xd3: {  	[tilespmem:$0x29B0] =	vst v0  }
0xd4: {  	v0 =	vld [tilespmem:s23+$0x1C0];
	_ =	sdelay $0x4  }
0xd5: {  	v1 =	vand.u32 $0x3FFF, v0;
	v0 =	vshrl.u32 v0, $0xE  }
0xd6: {  	[tilespmem:$0x28C0] =	vst v1  }
0xd7: {  	[tilespmem:$0x29C0] =	vst v0  }
0xd8: {  	v0 =	vld [tilespmem:s23+$0x1D0];
	_ =	sdelay $0x2  }
.Ltmp0:
0xd9: {  	(pc) =	sbr.rel @p0 .LBB2_2-.Ltmp0, $4  }
0xda: {  	_ = 	snop  }
0xdb: {  	v1 =	vand.u32 $0x3FFF, v0;
	v0 =	vshrl.u32 v0, $0xE  }
0xdc: {  	[tilespmem:$0x28D0] =	vst v1  }
0xdd: {  	[tilespmem:$0x29D0] =	vst v0  }
0xde: {  	v0 =	vld [tilespmem:s23+$0x1E0];
	_ =	sdelay $0x4  }
0xdf: {  	v1 =	vand.u32 $0x3FFF, v0  }
0xe0: {  	v0 =	vshrl.u32 v0, $0xE;
	[tilespmem:$0x28E0] =	vst v1  }
0xe1: {  	[tilespmem:$0x29E0] =	vst v0  }
0xe2: {  	v0 =	vld [tilespmem:s23+$0x1F0];
	_ =	sdelay $0x4  }
0xe3: {  	v63 =	vand.u32 $0x3FFF, v0  }
0xe4: {  	v0 =	vshrl.u32 v0, $0xE;
	[tilespmem:$0x28F0] =	vst v63  }
0xe5: {  	[tilespmem:$0x29F0] =	vst v0  }
0xe6: {  	[tilespmem:s16], [sflag:$0x2] =	stream.indirect.gather [hbm4b:s4+s12], $0x80, s15, s12, $0xb8;
	[tilespmem:$0x1EE00] =	vst v63  }
0xe7: {  	_ =	swait.ge [sflag:s17], $0x4000  }
0xe8: {  	[sflag:s17] =	ssyncset.done $0x0  }
0xe9: {  	[sflag:s17] =	ssyncadd.s32 $0xFFFFC000  }
0xea: {  	_ =	swait.ge [sflag:s19], $0x4000  }
0xeb: {  	s21 =	sadd.s32 $0x1, s21;
	[sflag:s19] =	ssyncset.done $0x0  }
0xec: {  	p0 =	sne.s32 s21, s8;
	[sflag:s19] =	ssyncadd.s32 $0xFFFFC000  }
.Ltmp1:
0xed: {  	[bflag:$0x0] =	sbarrier.arrive $0xFFFF;
	(pc) =	sbr.rel @p0 .LBB2_1-.Ltmp1, $4  }
0xee: {  	[hbm:s7], [sflag:s10] =	dma.local [spmem:s11], $0x2880  }
0xef: {  	_ =	swait.ge [sflag:s9], $0x2880  }
0xf0: {  	[sflag:s9] =	ssyncset.done $0x0  }
0xf1: {  	[sflag:s9] =	ssyncadd.s32 $0xFFFFD780  }
0xf2: {  	_ =	sfence.sel $0x180000  }
0xf3: {  	[bflag:$0x0] =	sbarrier.arrive $0xFFFF  }
0xf4: {  	p0 =	sne.s32 s2, $0x0;
	_ =	strace $0x9000004A  }
0xf5: {  	s0 =	sadd.s32 @!p0 $0x100000, s0;
	[bflag:$0x2] =	sbarrier.arrive $0xFFFF  }
0xf6: {  	[sflag:s0] =	ssyncadd.tile.s32 @!p0 $0x1;
	_ =	shalt  }
.Lfunc_end2:
_tile_overlayer_lowered:
.L_overlay_start_2:
0xf7: {  	(tag) =	ssettag $0x2  }
0xf8: {  	s0 =	rddreg [dreg:$0x0];
	s2 =	stileid.u32  }
0xf9: {  	s1 =	rddreg [dreg:$0x1];
	p0 =	sne.s32 s2, $0x0  }
0xfa: {  	s3 =	rddreg [dreg:$0x2];
	[bflag:$0x3] =	sbarrier.arrive $0xFFFF;
	s2 =	simm.s32 @!p0 $0x1C03  }
0xfb: {  	[timem:s3], [sflag:s2] =	dma.local @!p0 [hbm:s0], s1  }
0xfc: {  	s0 =	simm.s32 @!p0 $0x3  }
0xfd: {  	_ =	swait.ge @!p0 [sflag:s0], s1  }
0xfe: {  	s1 =	ssub.s32 @!p0 $0x0, s1;
	[sflag:s0] =	ssyncset.done @!p0 $0x0  }
0xff: {  	[sflag:s0] =	ssyncadd.s32 @!p0 s1  }
0x100: {  	[bflag:$0x3] =	sbarrier.arrive $0xFFFF  }
0x101: {  	_ =	shalt  }

// kernel: kernel.17.cloned.1.call-start
scs
__scs_entry_jumppad:
0x0: {  	(pc) =	sbr.rel $0x88, $3  }
0x1: {  	(tag) =	ssettag $0x0;
	lr =	simm.s32 $0x1  }
0x2: {  	[smem:$0x3F99] =	sst lr;
	_ =	strace $0xD0000000  }
0x3: {  	_ = 	snop  }
0x4: {  	_ = 	snop  }
0x5: {  	_ = 	snop  }
0x6: {  	_ = 	snop  }
0x7: {  	_ = 	snop  }
__scs_overlays_trampoline_lowered:
0x8: {  	[smem:$0x3FA8] =	sst s0  }
0x9: {  	[smem:$0x3FA9] =	sst s1  }
0xa: {  	[smem:$0x3FAA] =	sst s2  }
0xb: {  	[smem:$0x3FAB] =	sst s3  }
0xc: {  	[smem:$0x3FAC] =	sst s4  }
0xd: {  	[smem:$0x3FAD] =	sst s5  }
0xe: {  	[smem:$0x3FAE] =	sst s6  }
0xf: {  	[smem:$0x3FAF] =	sst s7  }
0x10: {  	[smem:$0x3FB0] =	sst s8  }
0x11: {  	[smem:$0x3FB1] =	sst s9;
	s0 =	simm.s32 @!p0 $0x0  }
0x12: {  	s1 =	sld [smem:$0x3F97];
	s0 =	simm.s32 @p0 $0x1  }
0x13: {  	[smem:$0x3FB2] =	sst s0;
	s0 =	simm.s32 @!p1 $0x0  }
0x14: {  	s2 =	sld [smem:$0x3F96];
	s0 =	simm.s32 @p1 $0x1  }
0x15: {  	[smem:$0x3FB3] =	sst s0;
	s0 =	simm.s32 @!p2 $0x0  }
0x16: {  	s3 =	sld [smem:$0x3FDB];
	s0 =	simm.s32 @p2 $0x1  }
0x17: {  	s4 =	simm.s32 $0x1BF5;
	[smem:$0x3FB5] =	sst s0  }
0x18: {  	s0 =	sld [smem:$0x3F98];
	_ =	swait.ge [sflag:s4], $0x0  }
0x19: {  	s7 =	sld [smem:$0x3F99]  }
0x1a: {  	s8 =	sadd.s32 $0xFFFFE003, lr  }
0x1b: {  	s9 =	sadd.s32 $0xFFFFFEF7, lr;
	s5 =	simm.s32 $0xFFFFFFFF;
	p2 =	slt.u32 s8, $0xFFFFF086  }
0x1c: {  	p1 =	slt.u32 s9, $0xF7A;
	s5 =	simm.s32 @!p2 $0x0  }
0x1d: {  	s5 =	simm.s32 @p1 $0x1;
	p0 =	seq.s32 s7, s2  }
0x1e: {  	s7 =	smul.u32 @!p0 $0xF7A, s2;
	p2 =	seq.s32 @!p0 s5, $0x0  }
0x1f: {  	s9 =	smul.u32 $0xF7A, s1;
	s8 =	simm.s32 @!p0 $0x1BF5;
	p2 =	por !p2, p0  }
0x20: {  	[sflag:s8] =	ssyncset.s32 @!p0 $0xFFFFF086;
	s6 =	sadd.s32 @!p0 s3, s7;
	s7 =	simm.s32 @!p0 $0x108  }
0x21: {  	s3 =	sadd.s32 s3, s9;
	s6 =	sadd.s32 @!p0 $0x88, s6;
	s7 =	simm.s32 @p2 $0x1082  }
0x22: {  	[simem:s7], [sflag:s8] =	dma.local @!p0 [hbm:s6], $0xF7A  }
0x23: {  	s9 =	sor.u32 $0xD0000000, s2;
	s6 =	simm.s32 $0x108;
	_ =	swait.ge @!p0 [sflag:s8], $0x0  }
0x24: {  	s3 =	sadd.s32 $0x88, s3;
	s6 =	simm.s32 @!p1 $0x1082;
	[sflag:s4] =	ssyncset.s32 $0xFFFFF086  }
0x25: {  	[simem:s6], [sflag:s4] =	dma.local [hbm:s3], $0xF7A  }
0x26: {  	[smem:$0x3F99] =	sst s1;
	(tag) =	ssettag s2;
	_ =	strace s9  }
0x27: {  	s1 =	sld [smem:$0x3FA9]  }
0x28: {  	s2 =	sld [smem:$0x3FAA]  }
0x29: {  	s4 =	sld [smem:$0x3FAC]  }
0x2a: {  	p0 =	seq.s32 s5, $0x0;
	s5 =	sld [smem:$0x3FAD]  }
0x2b: {  	s6 =	sld [smem:$0x3FAE]  }
0x2c: {  	s7 =	sld [smem:$0x3FAF]  }
0x2d: {  	s3 =	simm.s32 $0x108;
	s8 =	sld [smem:$0x3FB0]  }
0x2e: {  	s3 =	simm.s32 @!p0 $0x1082;
	s9 =	sld [smem:$0x3FB1]  }
0x2f: {  	lr =	sadd.s32 s0, s3;
	s0 =	sld [smem:$0x3FA8]  }
0x30: {  	s3 =	sld [smem:$0x3FAB]  }
0x31: {  	[smem:$0x3FB4] =	sst s10  }
0x32: {  	s10 =	sld [smem:$0x3FB2];
	_ =	sdelay $0x3  }
0x33: {  	p0 =	seq.s32 s10, $0x1;
	s10 =	sld [smem:$0x3FB4];
	_ =	sdelay $0x3  }
0x34: {  	[smem:$0x3FB4] =	sst s10  }
0x35: {  	s10 =	sld [smem:$0x3FB3];
	_ =	sdelay $0x3  }
0x36: {  	p1 =	seq.s32 s10, $0x1;
	s10 =	sld [smem:$0x3FB4];
	_ =	sdelay $0x3  }
0x37: {  	[smem:$0x3FB4] =	sst s10  }
0x38: {  	s10 =	sld [smem:$0x3FB5]  }
0x39: {  	_ = 	snop;
	(pc) =	sbr.ind lr, $3  }
0x3a: {  	_ = 	snop  }
0x3b: {  	_ = 	snop  }
0x3c: {  	p2 =	seq.s32 s10, $0x1;
	s10 =	sld [smem:$0x3FB4]  }
0x3d: {  	_ =	shalt  }
0x3e: {  	_ =	shalt  }
0x3f: {  	_ =	shalt  }
0x40: {  	_ =	shalt  }
0x41: {  	_ =	shalt  }
0x42: {  	_ =	shalt  }
0x43: {  	_ =	shalt  }
0x44: {  	_ =	shalt  }
0x45: {  	_ =	shalt  }
0x46: {  	_ =	shalt  }
0x47: {  	_ =	shalt  }
0x48: {  	_ =	shalt  }
0x49: {  	_ =	shalt  }
0x4a: {  	_ =	shalt  }
0x4b: {  	_ =	shalt  }
0x4c: {  	_ =	shalt  }
0x4d: {  	_ =	shalt  }
0x4e: {  	_ =	shalt  }
0x4f: {  	_ =	shalt  }
0x50: {  	_ =	shalt  }
0x51: {  	_ =	shalt  }
0x52: {  	_ =	shalt  }
0x53: {  	_ =	shalt  }
0x54: {  	_ =	shalt  }
0x55: {  	_ =	shalt  }
0x56: {  	_ =	shalt  }
0x57: {  	_ =	shalt  }
0x58: {  	_ =	shalt  }
0x59: {  	_ =	shalt  }
0x5a: {  	_ =	shalt  }
0x5b: {  	_ =	shalt  }
0x5c: {  	_ =	shalt  }
0x5d: {  	_ =	shalt  }
0x5e: {  	_ =	shalt  }
0x5f: {  	_ =	shalt  }
0x60: {  	_ =	shalt  }
0x61: {  	_ =	shalt  }
0x62: {  	_ =	shalt  }
0x63: {  	_ =	shalt  }
0x64: {  	_ =	shalt  }
0x65: {  	_ =	shalt  }
0x66: {  	_ =	shalt  }
0x67: {  	_ =	shalt  }
0x68: {  	_ =	shalt  }
0x69: {  	_ =	shalt  }
0x6a: {  	_ =	shalt  }
0x6b: {  	_ =	shalt  }
0x6c: {  	_ =	shalt  }
0x6d: {  	_ =	shalt  }
0x6e: {  	_ =	shalt  }
0x6f: {  	_ =	shalt  }
0x70: {  	_ =	shalt  }
0x71: {  	_ =	shalt  }
0x72: {  	_ =	shalt  }
0x73: {  	_ =	shalt  }
0x74: {  	_ =	shalt  }
0x75: {  	_ =	shalt  }
0x76: {  	_ =	shalt  }
0x77: {  	_ =	shalt  }
0x78: {  	_ =	shalt  }
0x79: {  	_ =	shalt  }
0x7a: {  	_ =	shalt  }
0x7b: {  	_ =	shalt  }
0x7c: {  	_ =	shalt  }
0x7d: {  	_ =	shalt  }
0x7e: {  	_ =	shalt  }
0x7f: {  	_ =	shalt  }
0x80: {  	_ =	shalt  }
0x81: {  	_ =	shalt  }
0x82: {  	_ =	shalt  }
0x83: {  	_ =	shalt  }
0x84: {  	_ =	shalt  }
0x85: {  	_ =	shalt  }
0x86: {  	_ =	shalt  }
0x87: {  	_ =	shalt  }
.Lfunc_end0:
.L_simem_size_0:
called_computation.2_lowered:
.L_overlay_start_0:
0x88: {  	s2 =	sld [smem:$0x3FD9]  }
0x89: {  	s3 =	sld [smem:$0x3FFE];
	_ =	sdelay $0x1  }
0x8a: {  	s1 =	srdreg.scid  }
0x8b: {  	s0 =	sand.u32 $0x1, s1  }
0x8c: {  	s17 =	sshll.u32 s0, $0xA;
	s2 =	sadd.s32 s3, s2  }
0x8d: {  	s2 =	sadd.s32 s2, s17  }
0x8e: {  	[smem:$0x3FC0] =	sst s2  }
0x8f: {  	_ = 	snop  }
0x90: {  	s2 =	sld [smem:$0x3FD0];
	(tm) =	ssettm $0x1  }
0x91: {  	s18 =	sld [smem:$0x3FFB];
	_ =	sdelay $0x3  }
0x92: {  	_ =	strace s18  }
0x93: {  	s3 =	sld [smem:$0x3FFC];
	_ =	sdelay $0x3  }
0x94: {  	_ =	strace s3  }
0x95: {  	s3 =	sld [smem:$0x3FFD];
	_ =	sdelay $0x3  }
0x96: {  	_ =	strace s3  }
0x97: {  	_ =	strace $0x8FFFFFFF  }
0x98: {  	s19 =	sld [smem:$0x3FDB];
	_ =	sdelay $0x1  }
0x99: {  	s4 =	simm.s32 $_scs_section_size  }
0x9a: {  	s5 =	simm.s32 $_size__tile_overlayer_lowered;
	s6 =	simm.s32 $_tile_overlayer_lowered  }
0x9b: {  	s22 =	simm.s32 $0x1BFF;
	s21 =	sshll.u32 s6, $0x1;
	s3 =	sadd.s32 s4, s19  }
0x9c: {  	s7 =	simm.s32 $0x0;
	s20 =	sshll.u32 s5, $0x1;
	s5 =	sadd.s32 s21, s3  }
0x9d: {  	[timem:s7], [sflag:s22] =	dma.local [hbm:s5], s20  }
0x9e: {  	_ =	swait.ge [sflag:s22], s20  }
0x9f: {  	s4 =	ssub.s32 $0x0, s20;
	[sflag:s22] =	ssyncset.done $0x0  }
0xa0: {  	[sflag:s22] =	ssyncadd.s32 s4;
	_ =	sdelay $0x1  }
0xa1: {  	s23 =	simm.s32 $0x1B8B  }
0xa2: {  	_ =	swait.ge [sflag:s23], $0x1  }
0xa3: {  	[sflag:s23] =	ssyncset.done $0x0  }
0xa4: {  	s25 =	simm.s32 $0x1B8E;
	s24 =	sld [smem:$0x3FFE];
	[sflag:s23] =	ssyncadd.s32 $0xFFFFFFFF  }
0xa5: {  	s26 =	simm.s32 $execute0_lowered;
	[smem:$0x3FD2] =	sst s25  }
0xa6: {  	s5 =	sshll.u32 s26, $0x1;
	_ =	strace $0x8000004C;
	[dreg:$0x1] =	wrdreg $0xFFFFFFFF  }
0xa7: {  	s28 =	simm.s32 $_size_execute0_lowered;
	s3 =	sadd.s32 s3, s5;
	[dreg:$0x0] =	wrdreg $0x0  }
0xa8: {  	s5 =	sshll.u32 s28, $0x1;
	[dreg:$0x2] =	wrdreg s3  }
0xa9: {  	[dreg:$0x3] =	wrdreg s5  }
0xaa: {  	[dreg:$0x4] =	wrdreg $0xC0  }
0xab: {  	_ =	task [dreg:s7], $0x5FFFF  }
0xac: {  	[dreg:$0x1] =	wrdreg $0xFFFFFFFF  }
0xad: {  	[dreg:$0x0] =	wrdreg $0x60  }
0xae: {  	[dreg:$0x2] =	wrdreg s24  }
0xaf: {  	[dreg:$0x3] =	wrdreg s2  }
0xb0: {  	[dreg:$0x4] =	wrdreg $0xAA000  }
0xb1: {  	[dreg:$0x5] =	wrdreg $0x9  }
0xb2: {  	_ =	task.clear_ibuf [dreg:s7], $0x6FFFF;
	_ =	strace $0x9000004C  }
0xb3: {  	s29 =	simm.s32 $0x9;
	_ =	strace $0x8000004E  }
0xb4: {  	_ =	swait.ge [sflag:s29], $0x1  }
0xb5: {  	[sflag:s29] =	ssyncadd.s32 $0xFFFFFFFF  }
0xb6: {  	_ =	strace $0x9000004E  }
0xb7: {  	_ =	sfence  }
0xb8: {  	s30 =	sld [smem:$0x0];
	_ =	sdelay $0x2  }
0xb9: {  	s31 =	sshll.u32 s1, $0xD;
	s1 =	sshrl.u32 s1, $0x2  }
0xba: {  	s3 =	sand.u32 $0x4000, s31;
	s1 =	sadd.s32 s1, s30  }
0xbb: {  	s0 =	sor.u32 s3, s0;
	s1 =	sshll.u32 s1, $0x11  }
0xbc: {  	s0 =	sor.u32 s1, s0  }
0xbd: {  	s0 =	sadd.s32 $0x8F2B, s0  }
0xbe: {  	[sflag:s0] =	ssyncadd.remote.s32 $0x1  }
0xbf: {  	_ =	sfence.sel $0xFFFF  }
0xc0: {  	[dreg:$0x0] =	wrdreg $0xFFFFFFFF;
	(pc) =	sbr.abs _section_cstart, $3  }
0xc1: {  	[dreg:$0x1] =	wrdreg $0xFFFFFFFF  }
0xc2: {  	_ =	task.clear_ibuf [dreg:s7], $0x2FFFF;
	_ =	strace $0x9FFFFFFF  }
0xc3: {  	(tm) =	ssettm $0x7FFFFFFF  }
tec
execute0_lowered:
.L_overlay_start_1:
0x0: {  	(tag) =	ssettag $0x1  }
0x1: {  	s6 =	rddreg [dreg:$0x0]  }
0x2: {  	s7 =	rddreg [dreg:$0x1]  }
0x3: {  	s1 =	rddreg [dreg:$0x2];
	s2 =	srdreg.scid  }
0x4: {  	s0 =	rddreg [dreg:$0x3];
	s3 =	simm.s32 $0x0;
	s13 =	simm.s32 $0x2800  }
0x5: {  	s14 =	simm.s32 $0x2A00;
	s15 =	simm.s32 $0x2880;
	s16 =	simm.s32 $0x6A00  }
0x6: {  	s17 =	simm.s32 $0x1;
	s18 =	simm.s32 $0x2900;
	s19 =	simm.s32 $0x2  }
0x7: {  	s20 =	simm.s32 $0x2980;
	s8 =	sand.u32 $0x1, s2;
	s2 =	stileid.u32  }
0x8: {  	s21 =	simm.s32 $0x0;
	[smem:$0x7FF] =	sst s3;
	s9 =	smul.u32 $0x144000, s8  }
0x9: {  	s4 =	sadd.s32 $0x6200, s6;
	s5 =	sadd.s32 $0x3800, s6;
	s10 =	smul.u32 $0x14400, s2  }
0xa: {  	_ =	strace $0x8000004D;
	s28 =	sshll.u32 s2, $0x1;
	s11 =	ssub.s32 $0x2, s8  }
0xb: {  	s29 =	smul.u32 $0x51000, s2;
	s31 =	sshll.u32 s2, $0x6;
	s8 =	sor.u32 s8, s28  }
0xc: {  	s12 =	sshrl.u32 s11, $0x1;
	s9 =	sadd.s32 s10, s9;
	s8 =	smul.u32 $0x500, s8  }
0xd: {  	s11 =	ssub.s32 s11, s12;
	s10 =	sshrl.u32 s29, $0x2;
	s12 =	simm.s32 $0x80  }
0xe: {  	s9 =	sshrl.u32 s9, $0x3;
	s30 =	sadd.s32 s10, s1;
	s10 =	sor.u32 $0x1C03, s31  }
0xf: {  	s9 =	sadd.s32 s9, s6;
	s6 =	sadd.s32 s7, s8;
	s8 =	smax.u32 s11, $0x1  }
0x10: {  	s11 =	sshrl.u32 s30, $0x3;
	s7 =	sadd.s32 $0x7B800, s9;
	s9 =	simm.s32 $0x3  }
.LBB2_1:
0x11: {  	[tilespmem:s3], [sflag:$0x3] =	stream.linear.gather [hbm4b:s6+s3], $0x2800, $0x38;
	[tilespmem:$0x1EE00] =	vst v63  }
0x12: {  	_ =	swait.ge [sflag:s9], $0x2800  }
0x13: {  	[sflag:s9] =	ssyncset.done $0x0  }
0x14: {  	[sflag:s9] =	ssyncadd.s32 $0xFFFFD800  }
0x15: {  	[spmem:s11], [sflag:s10] =	dma.local [hbm:s5], $0x2880  }
0x16: {  	_ =	swait.ge [sflag:s9], $0x2880  }
0x17: {  	[sflag:s9] =	ssyncset.done $0x0  }
0x18: {  	[sflag:s9] =	ssyncadd.s32 $0xFFFFD780  }
0x19: {  	[bflag:$0x0] =	sbarrier.arrive $0xFFFF  }
0x1a: {  	v0 =	vld [tilespmem:$0x0];
	_ =	sdelay $0x1  }
0x1b: {  	v1 =	vld [tilespmem:$0x10];
	_ =	sdelay $0x1  }
0x1c: {  	v2 =	vld [tilespmem:$0x20]  }
0x1d: {  	v3 =	vand.u32 $0x3FFF, v0  }
0x1e: {  	v6 =	vld [tilespmem:$0x30];
	v0 =	vshrl.u32 v0, $0xE;
	[tilespmem:$0x2800] =	vst v3  }
0x1f: {  	v7 =	vand.u32 $0x3FFF, v1;
	[tilespmem:$0x2900] =	vst v0  }
0x20: {  	v9 =	vld [tilespmem:$0x40];
	v8 =	vshrl.u32 v1, $0xE;
	[tilespmem:$0x2810] =	vst v7  }
0x21: {  	v10 =	vand.u32 $0x3FFF, v2;
	[tilespmem:$0x2910] =	vst v8  }
0x22: {  	v12 =	vld [tilespmem:$0x50];
	v11 =	vshrl.u32 v2, $0xE;
	[tilespmem:$0x2820] =	vst v10  }
0x23: {  	v13 =	vand.u32 $0x3FFF, v6;
	[tilespmem:$0x2920] =	vst v11  }
0x24: {  	v15 =	vld [tilespmem:$0x60];
	v14 =	vshrl.u32 v6, $0xE;
	[tilespmem:$0x2830] =	vst v13  }
0x25: {  	v16 =	vand.u32 $0x3FFF, v9;
	[tilespmem:$0x2930] =	vst v14  }
0x26: {  	v18 =	vld [tilespmem:$0x70];
	v17 =	vshrl.u32 v9, $0xE;
	[tilespmem:$0x2840] =	vst v16  }
0x27: {  	v19 =	vand.u32 $0x3FFF, v12;
	[tilespmem:$0x2940] =	vst v17  }
0x28: {  	v20 =	vshrl.u32 v12, $0xE;
	[tilespmem:$0x2850] =	vst v19  }
0x29: {  	v21 =	vand.u32 $0x3FFF, v15;
	[tilespmem:$0x2950] =	vst v20  }
0x2a: {  	v22 =	vshrl.u32 v15, $0xE;
	[tilespmem:$0x2860] =	vst v21  }
0x2b: {  	v23 =	vand.u32 $0x3FFF, v18;
	[tilespmem:$0x2960] =	vst v22  }
0x2c: {  	v24 =	vshrl.u32 v18, $0xE;
	[tilespmem:$0x2870] =	vst v23  }
0x2d: {  	[tilespmem:$0x2970] =	vst v24  }
0x2e: {  	[tilespmem:s14], [sflag:$0x1] =	stream.indirect.gather [hbm4b:s4+s12], $0x80, s13, s12, $0xb8;
	[tilespmem:$0x1EE00] =	vst v63  }
0x2f: {  	v25 =	vld [tilespmem:$0x80];
	_ =	sdelay $0x1  }
0x30: {  	v26 =	vld [tilespmem:$0x90];
	_ =	sdelay $0x1  }
0x31: {  	v27 =	vld [tilespmem:$0xA0]  }
0x32: {  	v28 =	vand.u32 $0x3FFF, v25  }
0x33: {  	v29 =	vld [tilespmem:$0xB0];
	v0 =	vshrl.u32 v25, $0xE;
	[tilespmem:$0x2880] =	vst v28  }
0x34: {  	v30 =	vand.u32 $0x3FFF, v26;
	[tilespmem:$0x2980] =	vst v0  }
0x35: {  	v32 =	vld [tilespmem:$0xC0];
	v31 =	vshrl.u32 v26, $0xE;
	[tilespmem:$0x2890] =	vst v30  }
0x36: {  	v33 =	vand.u32 $0x3FFF, v27;
	[tilespmem:$0x2990] =	vst v31  }
0x37: {  	v35 =	vld [tilespmem:$0xD0];
	v34 =	vshrl.u32 v27, $0xE;
	[tilespmem:$0x28A0] =	vst v33  }
0x38: {  	v36 =	vand.u32 $0x3FFF, v29;
	[tilespmem:$0x29A0] =	vst v34  }
0x39: {  	v38 =	vld [tilespmem:$0xE0];
	v37 =	vshrl.u32 v29, $0xE;
	[tilespmem:$0x28B0] =	vst v36  }
0x3a: {  	v39 =	vand.u32 $0x3FFF, v32;
	[tilespmem:$0x29B0] =	vst v37  }
0x3b: {  	v41 =	vld [tilespmem:$0xF0];
	v40 =	vshrl.u32 v32, $0xE;
	[tilespmem:$0x28C0] =	vst v39  }
0x3c: {  	v42 =	vand.u32 $0x3FFF, v35;
	[tilespmem:$0x29C0] =	vst v40  }
0x3d: {  	v43 =	vshrl.u32 v35, $0xE;
	[tilespmem:$0x28D0] =	vst v42  }
0x3e: {  	v44 =	vand.u32 $0x3FFF, v38;
	[tilespmem:$0x29D0] =	vst v43  }
0x3f: {  	v45 =	vshrl.u32 v38, $0xE;
	[tilespmem:$0x28E0] =	vst v44  }
0x40: {  	v46 =	vand.u32 $0x3FFF, v41;
	[tilespmem:$0x29E0] =	vst v45  }
0x41: {  	v47 =	vshrl.u32 v41, $0xE;
	[tilespmem:$0x28F0] =	vst v46  }
0x42: {  	[tilespmem:$0x29F0] =	vst v47  }
0x43: {  	[tilespmem:s16], [sflag:$0x2] =	stream.indirect.gather [hbm4b:s4+s12], $0x80, s15, s12, $0xb8;
	[tilespmem:$0x1EE00] =	vst v63  }
0x44: {  	_ =	swait.ge [sflag:s17], $0x4000  }
0x45: {  	[sflag:s17] =	ssyncset.done $0x0  }
0x46: {  	[sflag:s17] =	ssyncadd.s32 $0xFFFFC000  }
0x47: {  	[spmem:s1] =	stream.indirect.scatter.add.f32 [tilespmem:s14], [sflag:$0x3], $0x80, s18, s12, $0xb8;
	[tilespmem:$0x1EE00] =	vst v63  }
0x48: {  	_ =	swait.ge [sflag:s9], $0x4000  }
0x49: {  	s22 =	smin.u32 s3, $0x4D;
	[sflag:s9] =	ssyncset.done $0x0  }
0x4a: {  	s22 =	sshll.u32 s22, $0x7;
	[sflag:s9] =	ssyncadd.s32 $0xFFFFC000  }
0x4b: {  	v48 =	vld [tilespmem:s22+$0x100];
	_ =	sdelay $0x4  }
0x4c: {  	v49 =	vand.u32 $0x3FFF, v48  }
0x4d: {  	v0 =	vshrl.u32 v48, $0xE;
	[tilespmem:$0x2800] =	vst v49  }
0x4e: {  	[tilespmem:$0x2900] =	vst v0  }
0x4f: {  	v0 =	vld [tilespmem:s22+$0x110];
	_ =	sdelay $0x4  }
0x50: {  	v50 =	vand.u32 $0x3FFF, v0  }
0x51: {  	v0 =	vshrl.u32 v0, $0xE;
	[tilespmem:$0x2810] =	vst v50  }
0x52: {  	[tilespmem:$0x2910] =	vst v0  }
0x53: {  	v0 =	vld [tilespmem:s22+$0x120];
	_ =	sdelay $0x4  }
0x54: {  	v51 =	vand.u32 $0x3FFF, v0  }
0x55: {  	v0 =	vshrl.u32 v0, $0xE;
	[tilespmem:$0x2820] =	vst v51  }
0x56: {  	[tilespmem:$0x2920] =	vst v0  }
0x57: {  	v0 =	vld [tilespmem:s22+$0x130];
	_ =	sdelay $0x4  }
0x58: {  	v52 =	vand.u32 $0x3FFF, v0  }
0x59: {  	v0 =	vshrl.u32 v0, $0xE;
	[tilespmem:$0x2830] =	vst v52  }
0x5a: {  	[tilespmem:$0x2930] =	vst v0  }
0x5b: {  	v0 =	vld [tilespmem:s22+$0x140];
	_ =	sdelay $0x4  }
0x5c: {  	v53 =	vand.u32 $0x3FFF, v0  }
0x5d: {  	v0 =	vshrl.u32 v0, $0xE;
	[tilespmem:$0x2840] =	vst v53  }
0x5e: {  	[tilespmem:$0x2940] =	vst v0  }
0x5f: {  	v0 =	vld [tilespmem:s22+$0x150];
	_ =	sdelay $0x4  }
0x60: {  	v54 =	vand.u32 $0x3FFF, v0  }
0x61: {  	v0 =	vshrl.u32 v0, $0xE;
	[tilespmem:$0x2850] =	vst v54  }
0x62: {  	[tilespmem:$0x2950] =	vst v0  }
0x63: {  	v0 =	vld [tilespmem:s22+$0x160];
	_ =	sdelay $0x4  }
0x64: {  	v55 =	vand.u32 $0x3FFF, v0  }
0x65: {  	v0 =	vshrl.u32 v0, $0xE;
	[tilespmem:$0x2860] =	vst v55  }
0x66: {  	[tilespmem:$0x2960] =	vst v0  }
0x67: {  	v0 =	vld [tilespmem:s22+$0x170];
	_ =	sdelay $0x4  }
0x68: {  	v56 =	vand.u32 $0x3FFF, v0  }
0x69: {  	v0 =	vshrl.u32 v0, $0xE;
	[tilespmem:$0x2870] =	vst v56  }
0x6a: {  	[tilespmem:$0x2970] =	vst v0  }
0x6b: {  	[tilespmem:s14], [sflag:$0x1] =	stream.indirect.gather [hbm4b:s4+s12], $0x80, s13, s12, $0xb8;
	[tilespmem:$0x1EE00] =	vst v63  }
0x6c: {  	_ =	swait.ge [sflag:s19], $0x4000  }
0x6d: {  	[sflag:s19] =	ssyncset.done $0x0  }
0x6e: {  	[sflag:s19] =	ssyncadd.s32 $0xFFFFC000  }
0x6f: {  	[spmem:s1] =	stream.indirect.scatter.add.f32 [tilespmem:s16], [sflag:$0x3], $0x80, s20, s12, $0xb8;
	[tilespmem:$0x1EE00] =	vst v63  }
0x70: {  	_ =	swait.ge [sflag:s9], $0x4000  }
0x71: {  	s31 =	smin.u32 s3, $0x4C;
	[sflag:s9] =	ssyncset.done $0x0  }
0x72: {  	s23 =	sshll.u32 s31, $0x7;
	[sflag:s9] =	ssyncadd.s32 $0xFFFFC000  }
0x73: {  	v57 =	vld [tilespmem:s23+$0x180];
	_ =	sdelay $0x4  }
0x74: {  	v58 =	vand.u32 $0x3FFF, v57  }
0x75: {  	v0 =	vshrl.u32 v57, $0xE;
	[tilespmem:$0x2880] =	vst v58  }
0x76: {  	[tilespmem:$0x2980] =	vst v0  }
0x77: {  	v0 =	vld [tilespmem:s23+$0x190];
	_ =	sdelay $0x4  }
0x78: {  	v59 =	vand.u32 $0x3FFF, v0  }
0x79: {  	v0 =	vshrl.u32 v0, $0xE;
	[tilespmem:$0x2890] =	vst v59  }
0x7a: {  	[tilespmem:$0x2990] =	vst v0  }
0x7b: {  	v0 =	vld [tilespmem:s23+$0x1A0];
	_ =	sdelay $0x4  }
0x7c: {  	v60 =	vand.u32 $0x3FFF, v0  }
0x7d: {  	v0 =	vshrl.u32 v0, $0xE;
	[tilespmem:$0x28A0] =	vst v60  }
0x7e: {  	[tilespmem:$0x29A0] =	vst v0  }
0x7f: {  	v0 =	vld [tilespmem:s23+$0x1B0];
	_ =	sdelay $0x4  }
0x80: {  	v61 =	vand.u32 $0x3FFF, v0  }
0x81: {  	v0 =	vshrl.u32 v0, $0xE;
	[tilespmem:$0x28B0] =	vst v61  }
0x82: {  	[tilespmem:$0x29B0] =	vst v0  }
0x83: {  	v0 =	vld [tilespmem:s23+$0x1C0];
	_ =	sdelay $0x4  }
0x84: {  	v62 =	vand.u32 $0x3FFF, v0  }
0x85: {  	v0 =	vshrl.u32 v0, $0xE;
	[tilespmem:$0x28C0] =	vst v62  }
0x86: {  	[tilespmem:$0x29C0] =	vst v0  }
0x87: {  	v0 =	vld [tilespmem:s23+$0x1D0];
	_ =	sdelay $0x4  }
0x88: {  	v63 =	vand.u32 $0x3FFF, v0  }
0x89: {  	v0 =	vshrl.u32 v0, $0xE;
	[tilespmem:$0x28D0] =	vst v63  }
0x8a: {  	s22 =	simm.s32 $0x2;
	[tilespmem:$0x29D0] =	vst v0  }
.LBB2_2:
0x8b: {  	p0 =	sne.s32 s22, $0x4E;
	v0 =	vld [tilespmem:s23+$0x1E0];
	s24 =	smov.u32 s22;
	s22 =	sadd.s32 $0x2, s22  }
0x8c: {  	_ =	sdelay $0x3  }
0x8d: {  	v1 =	vand.u32 $0x3FFF, v0;
	v0 =	vshrl.u32 v0, $0xE  }
0x8e: {  	[tilespmem:$0x28E0] =	vst v1  }
0x8f: {  	[tilespmem:$0x29E0] =	vst v0  }
0x90: {  	v0 =	vld [tilespmem:s23+$0x1F0];
	_ =	sdelay $0x4  }
0x91: {  	v1 =	vand.u32 $0x3FFF, v0;
	v0 =	vshrl.u32 v0, $0xE  }
0x92: {  	[tilespmem:$0x28F0] =	vst v1  }
0x93: {  	[tilespmem:$0x29F0] =	vst v0  }
0x94: {  	[tilespmem:s16], [sflag:$0x2] =	stream.indirect.gather [hbm4b:s4+s12], $0x80, s15, s12, $0xb8;
	[tilespmem:$0x1EE00] =	vst v63  }
0x95: {  	_ =	swait.ge [sflag:s17], $0x4000  }
0x96: {  	[sflag:s17] =	ssyncset.done $0x0  }
0x97: {  	[sflag:s17] =	ssyncadd.s32 $0xFFFFC000  }
0x98: {  	[spmem:s1] =	stream.indirect.scatter.add.f32 [tilespmem:s14], [sflag:$0x3], $0x80, s18, s12, $0xb8;
	[tilespmem:$0x1EE00] =	vst v63  }
0x99: {  	_ =	swait.ge [sflag:s9], $0x4000  }
0x9a: {  	s23 =	smin.u32 s24, $0x4D;
	[sflag:s9] =	ssyncset.done $0x0  }
0x9b: {  	s23 =	sshll.u32 s23, $0x7;
	[sflag:s9] =	ssyncadd.s32 $0xFFFFC000  }
0x9c: {  	v0 =	vld [tilespmem:s23+$0x100];
	_ =	sdelay $0x4  }
0x9d: {  	v1 =	vand.u32 $0x3FFF, v0;
	v0 =	vshrl.u32 v0, $0xE  }
0x9e: {  	[tilespmem:$0x2800] =	vst v1  }
0x9f: {  	[tilespmem:$0x2900] =	vst v0  }
0xa0: {  	v0 =	vld [tilespmem:s23+$0x110];
	_ =	sdelay $0x4  }
0xa1: {  	v1 =	vand.u32 $0x3FFF, v0;
	v0 =	vshrl.u32 v0, $0xE  }
0xa2: {  	[tilespmem:$0x2810] =	vst v1  }
0xa3: {  	[tilespmem:$0x2910] =	vst v0  }
0xa4: {  	v0 =	vld [tilespmem:s23+$0x120];
	_ =	sdelay $0x4  }
0xa5: {  	v1 =	vand.u32 $0x3FFF, v0;
	v0 =	vshrl.u32 v0, $0xE  }
0xa6: {  	[tilespmem:$0x2820] =	vst v1  }
0xa7: {  	[tilespmem:$0x2920] =	vst v0  }
0xa8: {  	v0 =	vld [tilespmem:s23+$0x130];
	_ =	sdelay $0x4  }
0xa9: {  	v1 =	vand.u32 $0x3FFF, v0;
	v0 =	vshrl.u32 v0, $0xE  }
0xaa: {  	[tilespmem:$0x2830] =	vst v1  }
0xab: {  	[tilespmem:$0x2930] =	vst v0  }
0xac: {  	v0 =	vld [tilespmem:s23+$0x140];
	_ =	sdelay $0x4  }
0xad: {  	v1 =	vand.u32 $0x3FFF, v0;
	v0 =	vshrl.u32 v0, $0xE  }
0xae: {  	[tilespmem:$0x2840] =	vst v1  }
0xaf: {  	[tilespmem:$0x2940] =	vst v0  }
0xb0: {  	v0 =	vld [tilespmem:s23+$0x150];
	_ =	sdelay $0x4  }
0xb1: {  	v1 =	vand.u32 $0x3FFF, v0;
	v0 =	vshrl.u32 v0, $0xE  }
0xb2: {  	[tilespmem:$0x2850] =	vst v1  }
0xb3: {  	[tilespmem:$0x2950] =	vst v0  }
0xb4: {  	v0 =	vld [tilespmem:s23+$0x160];
	_ =	sdelay $0x4  }
0xb5: {  	v1 =	vand.u32 $0x3FFF, v0;
	v0 =	vshrl.u32 v0, $0xE  }
0xb6: {  	[tilespmem:$0x2860] =	vst v1  }
0xb7: {  	[tilespmem:$0x2960] =	vst v0  }
0xb8: {  	v0 =	vld [tilespmem:s23+$0x170];
	_ =	sdelay $0x4  }
0xb9: {  	v1 =	vand.u32 $0x3FFF, v0;
	v0 =	vshrl.u32 v0, $0xE  }
0xba: {  	s23 =	smin.u32 s24, $0x4C;
	[tilespmem:$0x2870] =	vst v1  }
0xbb: {  	s23 =	sshll.u32 s23, $0x7;
	[tilespmem:$0x2970] =	vst v0  }
0xbc: {  	[tilespmem:s14], [sflag:$0x1] =	stream.indirect.gather [hbm4b:s4+s12], $0x80, s13, s12, $0xb8;
	[tilespmem:$0x1EE00] =	vst v63  }
0xbd: {  	_ =	swait.ge [sflag:s19], $0x4000  }
0xbe: {  	[sflag:s19] =	ssyncset.done $0x0  }
0xbf: {  	[sflag:s19] =	ssyncadd.s32 $0xFFFFC000  }
0xc0: {  	[spmem:s1] =	stream.indirect.scatter.add.f32 [tilespmem:s16], [sflag:$0x3], $0x80, s20, s12, $0xb8;
	[tilespmem:$0x1EE00] =	vst v63  }
0xc1: {  	_ =	swait.ge [sflag:s9], $0x4000  }
0xc2: {  	[sflag:s9] =	ssyncset.done $0x0  }
0xc3: {  	[sflag:s9] =	ssyncadd.s32 $0xFFFFC000  }
0xc4: {  	v0 =	vld [tilespmem:s23+$0x180];
	_ =	sdelay $0x4  }
0xc5: {  	v1 =	vand.u32 $0x3FFF, v0;
	v0 =	vshrl.u32 v0, $0xE  }
0xc6: {  	[tilespmem:$0x2880] =	vst v1  }
0xc7: {  	[tilespmem:$0x2980] =	vst v0  }
0xc8: {  	v0 =	vld [tilespmem:s23+$0x190];
	_ =	sdelay $0x4  }
0xc9: {  	v1 =	vand.u32 $0x3FFF, v0;
	v0 =	vshrl.u32 v0, $0xE  }
0xca: {  	[tilespmem:$0x2890] =	vst v1  }
0xcb: {  	[tilespmem:$0x2990] =	vst v0  }
0xcc: {  	v0 =	vld [tilespmem:s23+$0x1A0];
	_ =	sdelay $0x4  }
0xcd: {  	v1 =	vand.u32 $0x3FFF, v0;
	v0 =	vshrl.u32 v0, $0xE  }
0xce: {  	[tilespmem:$0x28A0] =	vst v1  }
0xcf: {  	[tilespmem:$0x29A0] =	vst v0  }
0xd0: {  	v0 =	vld [tilespmem:s23+$0x1B0];
	_ =	sdelay $0x4  }
0xd1: {  	v1 =	vand.u32 $0x3FFF, v0;
	v0 =	vshrl.u32 v0, $0xE  }
0xd2: {  	[tilespmem:$0x28B0] =	vst v1  }
0xd3: {  	[tilespmem:$0x29B0] =	vst v0  }
0xd4: {  	v0 =	vld [tilespmem:s23+$0x1C0];
	_ =	sdelay $0x4  }
0xd5: {  	v1 =	vand.u32 $0x3FFF, v0;
	v0 =	vshrl.u32 v0, $0xE  }
0xd6: {  	[tilespmem:$0x28C0] =	vst v1  }
0xd7: {  	[tilespmem:$0x29C0] =	vst v0  }
0xd8: {  	v0 =	vld [tilespmem:s23+$0x1D0];
	_ =	sdelay $0x2  }
.Ltmp0:
0xd9: {  	(pc) =	sbr.rel @p0 .LBB2_2-.Ltmp0, $4  }
0xda: {  	_ = 	snop  }
0xdb: {  	v1 =	vand.u32 $0x3FFF, v0;
	v0 =	vshrl.u32 v0, $0xE  }
0xdc: {  	[tilespmem:$0x28D0] =	vst v1  }
0xdd: {  	[tilespmem:$0x29D0] =	vst v0  }
0xde: {  	v0 =	vld [tilespmem:s23+$0x1E0];
	_ =	sdelay $0x4  }
0xdf: {  	v1 =	vand.u32 $0x3FFF, v0  }
0xe0: {  	v0 =	vshrl.u32 v0, $0xE;
	[tilespmem:$0x28E0] =	vst v1  }
0xe1: {  	[tilespmem:$0x29E0] =	vst v0  }
0xe2: {  	v0 =	vld [tilespmem:s23+$0x1F0];
	_ =	sdelay $0x4  }
0xe3: {  	v63 =	vand.u32 $0x3FFF, v0  }
0xe4: {  	v0 =	vshrl.u32 v0, $0xE;
	[tilespmem:$0x28F0] =	vst v63  }
0xe5: {  	[tilespmem:$0x29F0] =	vst v0  }
0xe6: {  	[tilespmem:s16], [sflag:$0x2] =	stream.indirect.gather [hbm4b:s4+s12], $0x80, s15, s12, $0xb8;
	[tilespmem:$0x1EE00] =	vst v63  }
0xe7: {  	_ =	swait.ge [sflag:s17], $0x4000  }
0xe8: {  	[sflag:s17] =	ssyncset.done $0x0  }
0xe9: {  	[sflag:s17] =	ssyncadd.s32 $0xFFFFC000  }
0xea: {  	_ =	swait.ge [sflag:s19], $0x4000  }
0xeb: {  	s21 =	sadd.s32 $0x1, s21;
	[sflag:s19] =	ssyncset.done $0x0  }
0xec: {  	p0 =	sne.s32 s21, s8;
	[sflag:s19] =	ssyncadd.s32 $0xFFFFC000  }
.Ltmp1:
0xed: {  	[bflag:$0x0] =	sbarrier.arrive $0xFFFF;
	(pc) =	sbr.rel @p0 .LBB2_1-.Ltmp1, $4  }
0xee: {  	[hbm:s7], [sflag:s10] =	dma.local [spmem:s11], $0x2880  }
0xef: {  	_ =	swait.ge [sflag:s9], $0x2880  }
0xf0: {  	[sflag:s9] =	ssyncset.done $0x0  }
0xf1: {  	[sflag:s9] =	ssyncadd.s32 $0xFFFFD780  }
0xf2: {  	_ =	sfence.sel $0x180000  }
0xf3: {  	[bflag:$0x0] =	sbarrier.arrive $0xFFFF  }
0xf4: {  	p0 =	sne.s32 s2, $0x0;
	_ =	strace $0x9000004D  }
0xf5: {  	s0 =	sadd.s32 @!p0 $0x100000, s0;
	[bflag:$0x2] =	sbarrier.arrive $0xFFFF  }
0xf6: {  	[sflag:s0] =	ssyncadd.tile.s32 @!p0 $0x1;
	_ =	shalt  }
.Lfunc_end2:
_tile_overlayer_lowered:
.L_overlay_start_2:
0xf7: {  	(tag) =	ssettag $0x2  }
0xf8: {  	s0 =	rddreg [dreg:$0x0];
	s2 =	stileid.u32  }
0xf9: {  	s1 =	rddreg [dreg:$0x1];
	p0 =	sne.s32 s2, $0x0  }
0xfa: {  	s3 =	rddreg [dreg:$0x2];
	[bflag:$0x3] =	sbarrier.arrive $0xFFFF;
	s2 =	simm.s32 @!p0 $0x1C03  }
0xfb: {  	[timem:s3], [sflag:s2] =	dma.local @!p0 [hbm:s0], s1  }
0xfc: {  	s0 =	simm.s32 @!p0 $0x3  }
0xfd: {  	_ =	swait.ge @!p0 [sflag:s0], s1  }
0xfe: {  	s1 =	ssub.s32 @!p0 $0x0, s1;
	[sflag:s0] =	ssyncset.done @!p0 $0x0  }
0xff: {  	[sflag:s0] =	ssyncadd.s32 @!p0 s1  }
0x100: {  	[bflag:$0x3] =	sbarrier.arrive $0xFFFF  }
0x101: {  	_ =	shalt  }

// kernel: kernel.20.cloned.1.call-start
scs
__scs_entry_jumppad:
0x0: {  	(pc) =	sbr.rel $0x88, $3  }
0x1: {  	(tag) =	ssettag $0x0;
	lr =	simm.s32 $0x1  }
0x2: {  	[smem:$0x3F99] =	sst lr;
	_ =	strace $0xD0000000  }
0x3: {  	_ = 	snop  }
0x4: {  	_ = 	snop  }
0x5: {  	_ = 	snop  }
0x6: {  	_ = 	snop  }
0x7: {  	_ = 	snop  }
__scs_overlays_trampoline_lowered:
0x8: {  	[smem:$0x3FA8] =	sst s0  }
0x9: {  	[smem:$0x3FA9] =	sst s1  }
0xa: {  	[smem:$0x3FAA] =	sst s2  }
0xb: {  	[smem:$0x3FAB] =	sst s3  }
0xc: {  	[smem:$0x3FAC] =	sst s4  }
0xd: {  	[smem:$0x3FAD] =	sst s5  }
0xe: {  	[smem:$0x3FAE] =	sst s6  }
0xf: {  	[smem:$0x3FAF] =	sst s7  }
0x10: {  	[smem:$0x3FB0] =	sst s8  }
0x11: {  	[smem:$0x3FB1] =	sst s9;
	s0 =	simm.s32 @!p0 $0x0  }
0x12: {  	s1 =	sld [smem:$0x3F97];
	s0 =	simm.s32 @p0 $0x1  }
0x13: {  	[smem:$0x3FB2] =	sst s0;
	s0 =	simm.s32 @!p1 $0x0  }
0x14: {  	s2 =	sld [smem:$0x3F96];
	s0 =	simm.s32 @p1 $0x1  }
0x15: {  	[smem:$0x3FB3] =	sst s0;
	s0 =	simm.s32 @!p2 $0x0  }
0x16: {  	s3 =	sld [smem:$0x3FDB];
	s0 =	simm.s32 @p2 $0x1  }
0x17: {  	s4 =	simm.s32 $0x1BF5;
	[smem:$0x3FB5] =	sst s0  }
0x18: {  	s0 =	sld [smem:$0x3F98];
	_ =	swait.ge [sflag:s4], $0x0  }
0x19: {  	s7 =	sld [smem:$0x3F99]  }
0x1a: {  	s8 =	sadd.s32 $0xFFFFE003, lr  }
0x1b: {  	s9 =	sadd.s32 $0xFFFFFEF7, lr;
	s5 =	simm.s32 $0xFFFFFFFF;
	p2 =	slt.u32 s8, $0xFFFFF086  }
0x1c: {  	p1 =	slt.u32 s9, $0xF7A;
	s5 =	simm.s32 @!p2 $0x0  }
0x1d: {  	s5 =	simm.s32 @p1 $0x1;
	p0 =	seq.s32 s7, s2  }
0x1e: {  	s7 =	smul.u32 @!p0 $0xF7A, s2;
	p2 =	seq.s32 @!p0 s5, $0x0  }
0x1f: {  	s9 =	smul.u32 $0xF7A, s1;
	s8 =	simm.s32 @!p0 $0x1BF5;
	p2 =	por !p2, p0  }
0x20: {  	[sflag:s8] =	ssyncset.s32 @!p0 $0xFFFFF086;
	s6 =	sadd.s32 @!p0 s3, s7;
	s7 =	simm.s32 @!p0 $0x108  }
0x21: {  	s3 =	sadd.s32 s3, s9;
	s6 =	sadd.s32 @!p0 $0x88, s6;
	s7 =	simm.s32 @p2 $0x1082  }
0x22: {  	[simem:s7], [sflag:s8] =	dma.local @!p0 [hbm:s6], $0xF7A  }
0x23: {  	s9 =	sor.u32 $0xD0000000, s2;
	s6 =	simm.s32 $0x108;
	_ =	swait.ge @!p0 [sflag:s8], $0x0  }
0x24: {  	s3 =	sadd.s32 $0x88, s3;
	s6 =	simm.s32 @!p1 $0x1082;
	[sflag:s4] =	ssyncset.s32 $0xFFFFF086  }
0x25: {  	[simem:s6], [sflag:s4] =	dma.local [hbm:s3], $0xF7A  }
0x26: {  	[smem:$0x3F99] =	sst s1;
	(tag) =	ssettag s2;
	_ =	strace s9  }
0x27: {  	s1 =	sld [smem:$0x3FA9]  }
0x28: {  	s2 =	sld [smem:$0x3FAA]  }
0x29: {  	s4 =	sld [smem:$0x3FAC]  }
0x2a: {  	p0 =	seq.s32 s5, $0x0;
	s5 =	sld [smem:$0x3FAD]  }
0x2b: {  	s6 =	sld [smem:$0x3FAE]  }
0x2c: {  	s7 =	sld [smem:$0x3FAF]  }
0x2d: {  	s3 =	simm.s32 $0x108;
	s8 =	sld [smem:$0x3FB0]  }
0x2e: {  	s3 =	simm.s32 @!p0 $0x1082;
	s9 =	sld [smem:$0x3FB1]  }
0x2f: {  	lr =	sadd.s32 s0, s3;
	s0 =	sld [smem:$0x3FA8]  }
0x30: {  	s3 =	sld [smem:$0x3FAB]  }
0x31: {  	[smem:$0x3FB4] =	sst s10  }
0x32: {  	s10 =	sld [smem:$0x3FB2];
	_ =	sdelay $0x3  }
0x33: {  	p0 =	seq.s32 s10, $0x1;
	s10 =	sld [smem:$0x3FB4];
	_ =	sdelay $0x3  }
0x34: {  	[smem:$0x3FB4] =	sst s10  }
0x35: {  	s10 =	sld [smem:$0x3FB3];
	_ =	sdelay $0x3  }
0x36: {  	p1 =	seq.s32 s10, $0x1;
	s10 =	sld [smem:$0x3FB4];
	_ =	sdelay $0x3  }
0x37: {  	[smem:$0x3FB4] =	sst s10  }
0x38: {  	s10 =	sld [smem:$0x3FB5]  }
0x39: {  	_ = 	snop;
	(pc) =	sbr.ind lr, $3  }
0x3a: {  	_ = 	snop  }
0x3b: {  	_ = 	snop  }
0x3c: {  	p2 =	seq.s32 s10, $0x1;
	s10 =	sld [smem:$0x3FB4]  }
0x3d: {  	_ =	shalt  }
0x3e: {  	_ =	shalt  }
0x3f: {  	_ =	shalt  }
0x40: {  	_ =	shalt  }
0x41: {  	_ =	shalt  }
0x42: {  	_ =	shalt  }
0x43: {  	_ =	shalt  }
0x44: {  	_ =	shalt  }
0x45: {  	_ =	shalt  }
0x46: {  	_ =	shalt  }
0x47: {  	_ =	shalt  }
0x48: {  	_ =	shalt  }
0x49: {  	_ =	shalt  }
0x4a: {  	_ =	shalt  }
0x4b: {  	_ =	shalt  }
0x4c: {  	_ =	shalt  }
0x4d: {  	_ =	shalt  }
0x4e: {  	_ =	shalt  }
0x4f: {  	_ =	shalt  }
0x50: {  	_ =	shalt  }
0x51: {  	_ =	shalt  }
0x52: {  	_ =	shalt  }
0x53: {  	_ =	shalt  }
0x54: {  	_ =	shalt  }
0x55: {  	_ =	shalt  }
0x56: {  	_ =	shalt  }
0x57: {  	_ =	shalt  }
0x58: {  	_ =	shalt  }
0x59: {  	_ =	shalt  }
0x5a: {  	_ =	shalt  }
0x5b: {  	_ =	shalt  }
0x5c: {  	_ =	shalt  }
0x5d: {  	_ =	shalt  }
0x5e: {  	_ =	shalt  }
0x5f: {  	_ =	shalt  }
0x60: {  	_ =	shalt  }
0x61: {  	_ =	shalt  }
0x62: {  	_ =	shalt  }
0x63: {  	_ =	shalt  }
0x64: {  	_ =	shalt  }
0x65: {  	_ =	shalt  }
0x66: {  	_ =	shalt  }
0x67: {  	_ =	shalt  }
0x68: {  	_ =	shalt  }
0x69: {  	_ =	shalt  }
0x6a: {  	_ =	shalt  }
0x6b: {  	_ =	shalt  }
0x6c: {  	_ =	shalt  }
0x6d: {  	_ =	shalt  }
0x6e: {  	_ =	shalt  }
0x6f: {  	_ =	shalt  }
0x70: {  	_ =	shalt  }
0x71: {  	_ =	shalt  }
0x72: {  	_ =	shalt  }
0x73: {  	_ =	shalt  }
0x74: {  	_ =	shalt  }
0x75: {  	_ =	shalt  }
0x76: {  	_ =	shalt  }
0x77: {  	_ =	shalt  }
0x78: {  	_ =	shalt  }
0x79: {  	_ =	shalt  }
0x7a: {  	_ =	shalt  }
0x7b: {  	_ =	shalt  }
0x7c: {  	_ =	shalt  }
0x7d: {  	_ =	shalt  }
0x7e: {  	_ =	shalt  }
0x7f: {  	_ =	shalt  }
0x80: {  	_ =	shalt  }
0x81: {  	_ =	shalt  }
0x82: {  	_ =	shalt  }
0x83: {  	_ =	shalt  }
0x84: {  	_ =	shalt  }
0x85: {  	_ =	shalt  }
0x86: {  	_ =	shalt  }
0x87: {  	_ =	shalt  }
.Lfunc_end0:
.L_simem_size_0:
called_computation.3_lowered:
.L_overlay_start_0:
0x88: {  	s2 =	sld [smem:$0x3FD9]  }
0x89: {  	s3 =	sld [smem:$0x3FFE];
	_ =	sdelay $0x1  }
0x8a: {  	s1 =	srdreg.scid  }
0x8b: {  	s0 =	sand.u32 $0x1, s1  }
0x8c: {  	s17 =	sshll.u32 s0, $0xA;
	s2 =	sadd.s32 s3, s2  }
0x8d: {  	s2 =	sadd.s32 s2, s17  }
0x8e: {  	[smem:$0x3FC0] =	sst s2  }
0x8f: {  	_ = 	snop  }
0x90: {  	s2 =	sld [smem:$0x3FD0];
	(tm) =	ssettm $0x1  }
0x91: {  	s18 =	sld [smem:$0x3FFB];
	_ =	sdelay $0x3  }
0x92: {  	_ =	strace s18  }
0x93: {  	s3 =	sld [smem:$0x3FFC];
	_ =	sdelay $0x3  }
0x94: {  	_ =	strace s3  }
0x95: {  	s3 =	sld [smem:$0x3FFD];
	_ =	sdelay $0x3  }
0x96: {  	_ =	strace s3  }
0x97: {  	_ =	strace $0x8FFFFFFF  }
0x98: {  	s19 =	sld [smem:$0x3FDB];
	_ =	sdelay $0x1  }
0x99: {  	s4 =	simm.s32 $_scs_section_size  }
0x9a: {  	s5 =	simm.s32 $_size__tile_overlayer_lowered;
	s6 =	simm.s32 $_tile_overlayer_lowered  }
0x9b: {  	s22 =	simm.s32 $0x1BFF;
	s21 =	sshll.u32 s6, $0x1;
	s3 =	sadd.s32 s4, s19  }
0x9c: {  	s7 =	simm.s32 $0x0;
	s20 =	sshll.u32 s5, $0x1;
	s5 =	sadd.s32 s21, s3  }
0x9d: {  	[timem:s7], [sflag:s22] =	dma.local [hbm:s5], s20  }
0x9e: {  	_ =	swait.ge [sflag:s22], s20  }
0x9f: {  	s4 =	ssub.s32 $0x0, s20;
	[sflag:s22] =	ssyncset.done $0x0  }
0xa0: {  	[sflag:s22] =	ssyncadd.s32 s4;
	_ =	sdelay $0x1  }
0xa1: {  	s23 =	simm.s32 $0x1B8B  }
0xa2: {  	_ =	swait.ge [sflag:s23], $0x1  }
0xa3: {  	[sflag:s23] =	ssyncset.done $0x0  }
0xa4: {  	s25 =	simm.s32 $0x1B8E;
	s24 =	sld [smem:$0x3FFE];
	[sflag:s23] =	ssyncadd.s32 $0xFFFFFFFF  }
0xa5: {  	s26 =	simm.s32 $execute0_lowered;
	[smem:$0x3FD2] =	sst s25  }
0xa6: {  	s5 =	sshll.u32 s26, $0x1;
	_ =	strace $0x8000004F;
	[dreg:$0x1] =	wrdreg $0xFFFFFFFF  }
0xa7: {  	s28 =	simm.s32 $_size_execute0_lowered;
	s3 =	sadd.s32 s3, s5;
	[dreg:$0x0] =	wrdreg $0x0  }
0xa8: {  	s5 =	sshll.u32 s28, $0x1;
	[dreg:$0x2] =	wrdreg s3  }
0xa9: {  	[dreg:$0x3] =	wrdreg s5  }
0xaa: {  	[dreg:$0x4] =	wrdreg $0xC0  }
0xab: {  	_ =	task [dreg:s7], $0x5FFFF  }
0xac: {  	[dreg:$0x1] =	wrdreg $0xFFFFFFFF  }
0xad: {  	[dreg:$0x0] =	wrdreg $0x60  }
0xae: {  	[dreg:$0x2] =	wrdreg s24  }
0xaf: {  	[dreg:$0x3] =	wrdreg s2  }
0xb0: {  	[dreg:$0x4] =	wrdreg $0xAA000  }
0xb1: {  	[dreg:$0x5] =	wrdreg $0x9  }
0xb2: {  	_ =	task.clear_ibuf [dreg:s7], $0x6FFFF;
	_ =	strace $0x9000004F  }
0xb3: {  	s29 =	simm.s32 $0x9;
	_ =	strace $0x80000051  }
0xb4: {  	_ =	swait.ge [sflag:s29], $0x1  }
0xb5: {  	[sflag:s29] =	ssyncadd.s32 $0xFFFFFFFF  }
0xb6: {  	_ =	strace $0x90000051  }
0xb7: {  	_ =	sfence  }
0xb8: {  	s30 =	sld [smem:$0x0];
	_ =	sdelay $0x2  }
0xb9: {  	s31 =	sshll.u32 s1, $0xD;
	s1 =	sshrl.u32 s1, $0x2  }
0xba: {  	s3 =	sand.u32 $0x4000, s31;
	s1 =	sadd.s32 s1, s30  }
0xbb: {  	s0 =	sor.u32 s3, s0;
	s1 =	sshll.u32 s1, $0x11  }
0xbc: {  	s0 =	sor.u32 s1, s0  }
0xbd: {  	s0 =	sadd.s32 $0x8F2B, s0  }
0xbe: {  	[sflag:s0] =	ssyncadd.remote.s32 $0x1  }
0xbf: {  	_ =	sfence.sel $0xFFFF  }
0xc0: {  	[dreg:$0x0] =	wrdreg $0xFFFFFFFF;
	(pc) =	sbr.abs _section_cstart, $3  }
0xc1: {  	[dreg:$0x1] =	wrdreg $0xFFFFFFFF  }
0xc2: {  	_ =	task.clear_ibuf [dreg:s7], $0x2FFFF;
	_ =	strace $0x9FFFFFFF  }
0xc3: {  	(tm) =	ssettm $0x7FFFFFFF  }
tec
execute0_lowered:
.L_overlay_start_1:
0x0: {  	(tag) =	ssettag $0x1  }
0x1: {  	s6 =	rddreg [dreg:$0x0]  }
0x2: {  	s7 =	rddreg [dreg:$0x1]  }
0x3: {  	s1 =	rddreg [dreg:$0x2];
	s2 =	srdreg.scid  }
0x4: {  	s0 =	rddreg [dreg:$0x3];
	s3 =	simm.s32 $0x0;
	s13 =	simm.s32 $0x2800  }
0x5: {  	s14 =	simm.s32 $0x2A00;
	s15 =	simm.s32 $0x2880;
	s16 =	simm.s32 $0x6A00  }
0x6: {  	s17 =	simm.s32 $0x1;
	s18 =	simm.s32 $0x2900;
	s19 =	simm.s32 $0x2  }
0x7: {  	s20 =	simm.s32 $0x2980;
	s8 =	sand.u32 $0x1, s2;
	s2 =	stileid.u32  }
0x8: {  	s21 =	simm.s32 $0x0;
	[smem:$0x7FF] =	sst s3;
	s9 =	smul.u32 $0x144000, s8  }
0x9: {  	s4 =	sadd.s32 $0x6200, s6;
	s5 =	sadd.s32 $0x3800, s6;
	s10 =	smul.u32 $0x14400, s2  }
0xa: {  	_ =	strace $0x80000050;
	s28 =	sshll.u32 s2, $0x1;
	s11 =	ssub.s32 $0x2, s8  }
0xb: {  	s29 =	smul.u32 $0x51000, s2;
	s31 =	sshll.u32 s2, $0x6;
	s8 =	sor.u32 s8, s28  }
0xc: {  	s12 =	sshrl.u32 s11, $0x1;
	s9 =	sadd.s32 s10, s9;
	s8 =	smul.u32 $0x500, s8  }
0xd: {  	s11 =	ssub.s32 s11, s12;
	s10 =	sshrl.u32 s29, $0x2;
	s12 =	simm.s32 $0x80  }
0xe: {  	s9 =	sshrl.u32 s9, $0x3;
	s30 =	sadd.s32 s10, s1;
	s10 =	sor.u32 $0x1C03, s31  }
0xf: {  	s9 =	sadd.s32 s9, s6;
	s6 =	sadd.s32 s7, s8;
	s8 =	smax.u32 s11, $0x1  }
0x10: {  	s11 =	sshrl.u32 s30, $0x3;
	s7 =	sadd.s32 $0x54600, s9;
	s9 =	simm.s32 $0x3  }
.LBB2_1:
0x11: {  	[tilespmem:s3], [sflag:$0x3] =	stream.linear.gather [hbm4b:s6+s3], $0x2800, $0x38;
	[tilespmem:$0x1EE00] =	vst v63  }
0x12: {  	_ =	swait.ge [sflag:s9], $0x2800  }
0x13: {  	[sflag:s9] =	ssyncset.done $0x0  }
0x14: {  	[sflag:s9] =	ssyncadd.s32 $0xFFFFD800  }
0x15: {  	[spmem:s11], [sflag:s10] =	dma.local [hbm:s5], $0x2880  }
0x16: {  	_ =	swait.ge [sflag:s9], $0x2880  }
0x17: {  	[sflag:s9] =	ssyncset.done $0x0  }
0x18: {  	[sflag:s9] =	ssyncadd.s32 $0xFFFFD780  }
0x19: {  	[bflag:$0x0] =	sbarrier.arrive $0xFFFF  }
0x1a: {  	v0 =	vld [tilespmem:$0x0];
	_ =	sdelay $0x1  }
0x1b: {  	v1 =	vld [tilespmem:$0x10];
	_ =	sdelay $0x1  }
0x1c: {  	v2 =	vld [tilespmem:$0x20]  }
0x1d: {  	v3 =	vand.u32 $0x3FFF, v0  }
0x1e: {  	v6 =	vld [tilespmem:$0x30];
	v0 =	vshrl.u32 v0, $0xE;
	[tilespmem:$0x2800] =	vst v3  }
0x1f: {  	v7 =	vand.u32 $0x3FFF, v1;
	[tilespmem:$0x2900] =	vst v0  }
0x20: {  	v9 =	vld [tilespmem:$0x40];
	v8 =	vshrl.u32 v1, $0xE;
	[tilespmem:$0x2810] =	vst v7  }
0x21: {  	v10 =	vand.u32 $0x3FFF, v2;
	[tilespmem:$0x2910] =	vst v8  }
0x22: {  	v12 =	vld [tilespmem:$0x50];
	v11 =	vshrl.u32 v2, $0xE;
	[tilespmem:$0x2820] =	vst v10  }
0x23: {  	v13 =	vand.u32 $0x3FFF, v6;
	[tilespmem:$0x2920] =	vst v11  }
0x24: {  	v15 =	vld [tilespmem:$0x60];
	v14 =	vshrl.u32 v6, $0xE;
	[tilespmem:$0x2830] =	vst v13  }
0x25: {  	v16 =	vand.u32 $0x3FFF, v9;
	[tilespmem:$0x2930] =	vst v14  }
0x26: {  	v18 =	vld [tilespmem:$0x70];
	v17 =	vshrl.u32 v9, $0xE;
	[tilespmem:$0x2840] =	vst v16  }
0x27: {  	v19 =	vand.u32 $0x3FFF, v12;
	[tilespmem:$0x2940] =	vst v17  }
0x28: {  	v20 =	vshrl.u32 v12, $0xE;
	[tilespmem:$0x2850] =	vst v19  }
0x29: {  	v21 =	vand.u32 $0x3FFF, v15;
	[tilespmem:$0x2950] =	vst v20  }
0x2a: {  	v22 =	vshrl.u32 v15, $0xE;
	[tilespmem:$0x2860] =	vst v21  }
0x2b: {  	v23 =	vand.u32 $0x3FFF, v18;
	[tilespmem:$0x2960] =	vst v22  }
0x2c: {  	v24 =	vshrl.u32 v18, $0xE;
	[tilespmem:$0x2870] =	vst v23  }
0x2d: {  	[tilespmem:$0x2970] =	vst v24  }
0x2e: {  	[tilespmem:s14], [sflag:$0x1] =	stream.indirect.gather [hbm4b:s4+s12], $0x80, s13, s12, $0xb8;
	[tilespmem:$0x1EE00] =	vst v63  }
0x2f: {  	v25 =	vld [tilespmem:$0x80];
	_ =	sdelay $0x1  }
0x30: {  	v26 =	vld [tilespmem:$0x90];
	_ =	sdelay $0x1  }
0x31: {  	v27 =	vld [tilespmem:$0xA0]  }
0x32: {  	v28 =	vand.u32 $0x3FFF, v25  }
0x33: {  	v29 =	vld [tilespmem:$0xB0];
	v0 =	vshrl.u32 v25, $0xE;
	[tilespmem:$0x2880] =	vst v28  }
0x34: {  	v30 =	vand.u32 $0x3FFF, v26;
	[tilespmem:$0x2980] =	vst v0  }
0x35: {  	v32 =	vld [tilespmem:$0xC0];
	v31 =	vshrl.u32 v26, $0xE;
	[tilespmem:$0x2890] =	vst v30  }
0x36: {  	v33 =	vand.u32 $0x3FFF, v27;
	[tilespmem:$0x2990] =	vst v31  }
0x37: {  	v35 =	vld [tilespmem:$0xD0];
	v34 =	vshrl.u32 v27, $0xE;
	[tilespmem:$0x28A0] =	vst v33  }
0x38: {  	v36 =	vand.u32 $0x3FFF, v29;
	[tilespmem:$0x29A0] =	vst v34  }
0x39: {  	v38 =	vld [tilespmem:$0xE0];
	v37 =	vshrl.u32 v29, $0xE;
	[tilespmem:$0x28B0] =	vst v36  }
0x3a: {  	v39 =	vand.u32 $0x3FFF, v32;
	[tilespmem:$0x29B0] =	vst v37  }
0x3b: {  	v41 =	vld [tilespmem:$0xF0];
	v40 =	vshrl.u32 v32, $0xE;
	[tilespmem:$0x28C0] =	vst v39  }
0x3c: {  	v42 =	vand.u32 $0x3FFF, v35;
	[tilespmem:$0x29C0] =	vst v40  }
0x3d: {  	v43 =	vshrl.u32 v35, $0xE;
	[tilespmem:$0x28D0] =	vst v42  }
0x3e: {  	v44 =	vand.u32 $0x3FFF, v38;
	[tilespmem:$0x29D0] =	vst v43  }
0x3f: {  	v45 =	vshrl.u32 v38, $0xE;
	[tilespmem:$0x28E0] =	vst v44  }
0x40: {  	v46 =	vand.u32 $0x3FFF, v41;
	[tilespmem:$0x29E0] =	vst v45  }
0x41: {  	v47 =	vshrl.u32 v41, $0xE;
	[tilespmem:$0x28F0] =	vst v46  }
0x42: {  	[tilespmem:$0x29F0] =	vst v47  }
0x43: {  	[tilespmem:s16], [sflag:$0x2] =	stream.indirect.gather [hbm4b:s4+s12], $0x80, s15, s12, $0xb8;
	[tilespmem:$0x1EE00] =	vst v63  }
0x44: {  	_ =	swait.ge [sflag:s17], $0x4000  }
0x45: {  	[sflag:s17] =	ssyncset.done $0x0  }
0x46: {  	[sflag:s17] =	ssyncadd.s32 $0xFFFFC000  }
0x47: {  	[spmem:s1] =	stream.indirect.scatter.add.f32 [tilespmem:s14], [sflag:$0x3], $0x80, s18, s12, $0xb8;
	[tilespmem:$0x1EE00] =	vst v63  }
0x48: {  	_ =	swait.ge [sflag:s9], $0x4000  }
0x49: {  	s22 =	smin.u32 s3, $0x4D;
	[sflag:s9] =	ssyncset.done $0x0  }
0x4a: {  	s22 =	sshll.u32 s22, $0x7;
	[sflag:s9] =	ssyncadd.s32 $0xFFFFC000  }
0x4b: {  	v48 =	vld [tilespmem:s22+$0x100];
	_ =	sdelay $0x4  }
0x4c: {  	v49 =	vand.u32 $0x3FFF, v48  }
0x4d: {  	v0 =	vshrl.u32 v48, $0xE;
	[tilespmem:$0x2800] =	vst v49  }
0x4e: {  	[tilespmem:$0x2900] =	vst v0  }
0x4f: {  	v0 =	vld [tilespmem:s22+$0x110];
	_ =	sdelay $0x4  }
0x50: {  	v50 =	vand.u32 $0x3FFF, v0  }
0x51: {  	v0 =	vshrl.u32 v0, $0xE;
	[tilespmem:$0x2810] =	vst v50  }
0x52: {  	[tilespmem:$0x2910] =	vst v0  }
0x53: {  	v0 =	vld [tilespmem:s22+$0x120];
	_ =	sdelay $0x4  }
0x54: {  	v51 =	vand.u32 $0x3FFF, v0  }
0x55: {  	v0 =	vshrl.u32 v0, $0xE;
	[tilespmem:$0x2820] =	vst v51  }
0x56: {  	[tilespmem:$0x2920] =	vst v0  }
0x57: {  	v0 =	vld [tilespmem:s22+$0x130];
	_ =	sdelay $0x4  }
0x58: {  	v52 =	vand.u32 $0x3FFF, v0  }
0x59: {  	v0 =	vshrl.u32 v0, $0xE;
	[tilespmem:$0x2830] =	vst v52  }
0x5a: {  	[tilespmem:$0x2930] =	vst v0  }
0x5b: {  	v0 =	vld [tilespmem:s22+$0x140];
	_ =	sdelay $0x4  }
0x5c: {  	v53 =	vand.u32 $0x3FFF, v0  }
0x5d: {  	v0 =	vshrl.u32 v0, $0xE;
	[tilespmem:$0x2840] =	vst v53  }
0x5e: {  	[tilespmem:$0x2940] =	vst v0  }
0x5f: {  	v0 =	vld [tilespmem:s22+$0x150];
	_ =	sdelay $0x4  }
0x60: {  	v54 =	vand.u32 $0x3FFF, v0  }
0x61: {  	v0 =	vshrl.u32 v0, $0xE;
	[tilespmem:$0x2850] =	vst v54  }
0x62: {  	[tilespmem:$0x2950] =	vst v0  }
0x63: {  	v0 =	vld [tilespmem:s22+$0x160];
	_ =	sdelay $0x4  }
0x64: {  	v55 =	vand.u32 $0x3FFF, v0  }
0x65: {  	v0 =	vshrl.u32 v0, $0xE;
	[tilespmem:$0x2860] =	vst v55  }
0x66: {  	[tilespmem:$0x2960] =	vst v0  }
0x67: {  	v0 =	vld [tilespmem:s22+$0x170];
	_ =	sdelay $0x4  }
0x68: {  	v56 =	vand.u32 $0x3FFF, v0  }
0x69: {  	v0 =	vshrl.u32 v0, $0xE;
	[tilespmem:$0x2870] =	vst v56  }
0x6a: {  	[tilespmem:$0x2970] =	vst v0  }
0x6b: {  	[tilespmem:s14], [sflag:$0x1] =	stream.indirect.gather [hbm4b:s4+s12], $0x80, s13, s12, $0xb8;
	[tilespmem:$0x1EE00] =	vst v63  }
0x6c: {  	_ =	swait.ge [sflag:s19], $0x4000  }
0x6d: {  	[sflag:s19] =	ssyncset.done $0x0  }
0x6e: {  	[sflag:s19] =	ssyncadd.s32 $0xFFFFC000  }
0x6f: {  	[spmem:s1] =	stream.indirect.scatter.add.f32 [tilespmem:s16], [sflag:$0x3], $0x80, s20, s12, $0xb8;
	[tilespmem:$0x1EE00] =	vst v63  }
0x70: {  	_ =	swait.ge [sflag:s9], $0x4000  }
0x71: {  	s31 =	smin.u32 s3, $0x4C;
	[sflag:s9] =	ssyncset.done $0x0  }
0x72: {  	s23 =	sshll.u32 s31, $0x7;
	[sflag:s9] =	ssyncadd.s32 $0xFFFFC000  }
0x73: {  	v57 =	vld [tilespmem:s23+$0x180];
	_ =	sdelay $0x4  }
0x74: {  	v58 =	vand.u32 $0x3FFF, v57  }
0x75: {  	v0 =	vshrl.u32 v57, $0xE;
	[tilespmem:$0x2880] =	vst v58  }
0x76: {  	[tilespmem:$0x2980] =	vst v0  }
0x77: {  	v0 =	vld [tilespmem:s23+$0x190];
	_ =	sdelay $0x4  }
0x78: {  	v59 =	vand.u32 $0x3FFF, v0  }
0x79: {  	v0 =	vshrl.u32 v0, $0xE;
	[tilespmem:$0x2890] =	vst v59  }
0x7a: {  	[tilespmem:$0x2990] =	vst v0  }
0x7b: {  	v0 =	vld [tilespmem:s23+$0x1A0];
	_ =	sdelay $0x4  }
0x7c: {  	v60 =	vand.u32 $0x3FFF, v0  }
0x7d: {  	v0 =	vshrl.u32 v0, $0xE;
	[tilespmem:$0x28A0] =	vst v60  }
0x7e: {  	[tilespmem:$0x29A0] =	vst v0  }
0x7f: {  	v0 =	vld [tilespmem:s23+$0x1B0];
	_ =	sdelay $0x4  }
0x80: {  	v61 =	vand.u32 $0x3FFF, v0  }
0x81: {  	v0 =	vshrl.u32 v0, $0xE;
	[tilespmem:$0x28B0] =	vst v61  }
0x82: {  	[tilespmem:$0x29B0] =	vst v0  }
0x83: {  	v0 =	vld [tilespmem:s23+$0x1C0];
	_ =	sdelay $0x4  }
0x84: {  	v62 =	vand.u32 $0x3FFF, v0  }
0x85: {  	v0 =	vshrl.u32 v0, $0xE;
	[tilespmem:$0x28C0] =	vst v62  }
0x86: {  	[tilespmem:$0x29C0] =	vst v0  }
0x87: {  	v0 =	vld [tilespmem:s23+$0x1D0];
	_ =	sdelay $0x4  }
0x88: {  	v63 =	vand.u32 $0x3FFF, v0  }
0x89: {  	v0 =	vshrl.u32 v0, $0xE;
	[tilespmem:$0x28D0] =	vst v63  }
0x8a: {  	s22 =	simm.s32 $0x2;
	[tilespmem:$0x29D0] =	vst v0  }
.LBB2_2:
0x8b: {  	p0 =	sne.s32 s22, $0x4E;
	v0 =	vld [tilespmem:s23+$0x1E0];
	s24 =	smov.u32 s22;
	s22 =	sadd.s32 $0x2, s22  }
0x8c: {  	_ =	sdelay $0x3  }
0x8d: {  	v1 =	vand.u32 $0x3FFF, v0;
	v0 =	vshrl.u32 v0, $0xE  }
0x8e: {  	[tilespmem:$0x28E0] =	vst v1  }
0x8f: {  	[tilespmem:$0x29E0] =	vst v0  }
0x90: {  	v0 =	vld [tilespmem:s23+$0x1F0];
	_ =	sdelay $0x4  }
0x91: {  	v1 =	vand.u32 $0x3FFF, v0;
	v0 =	vshrl.u32 v0, $0xE  }
0x92: {  	[tilespmem:$0x28F0] =	vst v1  }
0x93: {  	[tilespmem:$0x29F0] =	vst v0  }
0x94: {  	[tilespmem:s16], [sflag:$0x2] =	stream.indirect.gather [hbm4b:s4+s12], $0x80, s15, s12, $0xb8;
	[tilespmem:$0x1EE00] =	vst v63  }
0x95: {  	_ =	swait.ge [sflag:s17], $0x4000  }
0x96: {  	[sflag:s17] =	ssyncset.done $0x0  }
0x97: {  	[sflag:s17] =	ssyncadd.s32 $0xFFFFC000  }
0x98: {  	[spmem:s1] =	stream.indirect.scatter.add.f32 [tilespmem:s14], [sflag:$0x3], $0x80, s18, s12, $0xb8;
	[tilespmem:$0x1EE00] =	vst v63  }
0x99: {  	_ =	swait.ge [sflag:s9], $0x4000  }
0x9a: {  	s23 =	smin.u32 s24, $0x4D;
	[sflag:s9] =	ssyncset.done $0x0  }
0x9b: {  	s23 =	sshll.u32 s23, $0x7;
	[sflag:s9] =	ssyncadd.s32 $0xFFFFC000  }
0x9c: {  	v0 =	vld [tilespmem:s23+$0x100];
	_ =	sdelay $0x4  }
0x9d: {  	v1 =	vand.u32 $0x3FFF, v0;
	v0 =	vshrl.u32 v0, $0xE  }
0x9e: {  	[tilespmem:$0x2800] =	vst v1  }
0x9f: {  	[tilespmem:$0x2900] =	vst v0  }
0xa0: {  	v0 =	vld [tilespmem:s23+$0x110];
	_ =	sdelay $0x4  }
0xa1: {  	v1 =	vand.u32 $0x3FFF, v0;
	v0 =	vshrl.u32 v0, $0xE  }
0xa2: {  	[tilespmem:$0x2810] =	vst v1  }
0xa3: {  	[tilespmem:$0x2910] =	vst v0  }
0xa4: {  	v0 =	vld [tilespmem:s23+$0x120];
	_ =	sdelay $0x4  }
0xa5: {  	v1 =	vand.u32 $0x3FFF, v0;
	v0 =	vshrl.u32 v0, $0xE  }
0xa6: {  	[tilespmem:$0x2820] =	vst v1  }
0xa7: {  	[tilespmem:$0x2920] =	vst v0  }
0xa8: {  	v0 =	vld [tilespmem:s23+$0x130];
	_ =	sdelay $0x4  }
0xa9: {  	v1 =	vand.u32 $0x3FFF, v0;
	v0 =	vshrl.u32 v0, $0xE  }
0xaa: {  	[tilespmem:$0x2830] =	vst v1  }
0xab: {  	[tilespmem:$0x2930] =	vst v0  }
0xac: {  	v0 =	vld [tilespmem:s23+$0x140];
	_ =	sdelay $0x4  }
0xad: {  	v1 =	vand.u32 $0x3FFF, v0;
	v0 =	vshrl.u32 v0, $0xE  }
0xae: {  	[tilespmem:$0x2840] =	vst v1  }
0xaf: {  	[tilespmem:$0x2940] =	vst v0  }
0xb0: {  	v0 =	vld [tilespmem:s23+$0x150];
	_ =	sdelay $0x4  }
0xb1: {  	v1 =	vand.u32 $0x3FFF, v0;
	v0 =	vshrl.u32 v0, $0xE  }
0xb2: {  	[tilespmem:$0x2850] =	vst v1  }
0xb3: {  	[tilespmem:$0x2950] =	vst v0  }
0xb4: {  	v0 =	vld [tilespmem:s23+$0x160];
	_ =	sdelay $0x4  }
0xb5: {  	v1 =	vand.u32 $0x3FFF, v0;
	v0 =	vshrl.u32 v0, $0xE  }
0xb6: {  	[tilespmem:$0x2860] =	vst v1  }
0xb7: {  	[tilespmem:$0x2960] =	vst v0  }
0xb8: {  	v0 =	vld [tilespmem:s23+$0x170];
	_ =	sdelay $0x4  }
0xb9: {  	v1 =	vand.u32 $0x3FFF, v0;
	v0 =	vshrl.u32 v0, $0xE  }
0xba: {  	s23 =	smin.u32 s24, $0x4C;
	[tilespmem:$0x2870] =	vst v1  }
0xbb: {  	s23 =	sshll.u32 s23, $0x7;
	[tilespmem:$0x2970] =	vst v0  }
0xbc: {  	[tilespmem:s14], [sflag:$0x1] =	stream.indirect.gather [hbm4b:s4+s12], $0x80, s13, s12, $0xb8;
	[tilespmem:$0x1EE00] =	vst v63  }
0xbd: {  	_ =	swait.ge [sflag:s19], $0x4000  }
0xbe: {  	[sflag:s19] =	ssyncset.done $0x0  }
0xbf: {  	[sflag:s19] =	ssyncadd.s32 $0xFFFFC000  }
0xc0: {  	[spmem:s1] =	stream.indirect.scatter.add.f32 [tilespmem:s16], [sflag:$0x3], $0x80, s20, s12, $0xb8;
	[tilespmem:$0x1EE00] =	vst v63  }
0xc1: {  	_ =	swait.ge [sflag:s9], $0x4000  }
0xc2: {  	[sflag:s9] =	ssyncset.done $0x0  }
0xc3: {  	[sflag:s9] =	ssyncadd.s32 $0xFFFFC000  }
0xc4: {  	v0 =	vld [tilespmem:s23+$0x180];
	_ =	sdelay $0x4  }
0xc5: {  	v1 =	vand.u32 $0x3FFF, v0;
	v0 =	vshrl.u32 v0, $0xE  }
0xc6: {  	[tilespmem:$0x2880] =	vst v1  }
0xc7: {  	[tilespmem:$0x2980] =	vst v0  }
0xc8: {  	v0 =	vld [tilespmem:s23+$0x190];
	_ =	sdelay $0x4  }
0xc9: {  	v1 =	vand.u32 $0x3FFF, v0;
	v0 =	vshrl.u32 v0, $0xE  }
0xca: {  	[tilespmem:$0x2890] =	vst v1  }
0xcb: {  	[tilespmem:$0x2990] =	vst v0  }
0xcc: {  	v0 =	vld [tilespmem:s23+$0x1A0];
	_ =	sdelay $0x4  }
0xcd: {  	v1 =	vand.u32 $0x3FFF, v0;
	v0 =	vshrl.u32 v0, $0xE  }
0xce: {  	[tilespmem:$0x28A0] =	vst v1  }
0xcf: {  	[tilespmem:$0x29A0] =	vst v0  }
0xd0: {  	v0 =	vld [tilespmem:s23+$0x1B0];
	_ =	sdelay $0x4  }
0xd1: {  	v1 =	vand.u32 $0x3FFF, v0;
	v0 =	vshrl.u32 v0, $0xE  }
0xd2: {  	[tilespmem:$0x28B0] =	vst v1  }
0xd3: {  	[tilespmem:$0x29B0] =	vst v0  }
0xd4: {  	v0 =	vld [tilespmem:s23+$0x1C0];
	_ =	sdelay $0x4  }
0xd5: {  	v1 =	vand.u32 $0x3FFF, v0;
	v0 =	vshrl.u32 v0, $0xE  }
0xd6: {  	[tilespmem:$0x28C0] =	vst v1  }
0xd7: {  	[tilespmem:$0x29C0] =	vst v0  }
0xd8: {  	v0 =	vld [tilespmem:s23+$0x1D0];
	_ =	sdelay $0x2  }
.Ltmp0:
0xd9: {  	(pc) =	sbr.rel @p0 .LBB2_2-.Ltmp0, $4  }
0xda: {  	_ = 	snop  }
0xdb: {  	v1 =	vand.u32 $0x3FFF, v0;
	v0 =	vshrl.u32 v0, $0xE  }
0xdc: {  	[tilespmem:$0x28D0] =	vst v1  }
0xdd: {  	[tilespmem:$0x29D0] =	vst v0  }
0xde: {  	v0 =	vld [tilespmem:s23+$0x1E0];
	_ =	sdelay $0x4  }
0xdf: {  	v1 =	vand.u32 $0x3FFF, v0  }
0xe0: {  	v0 =	vshrl.u32 v0, $0xE;
	[tilespmem:$0x28E0] =	vst v1  }
0xe1: {  	[tilespmem:$0x29E0] =	vst v0  }
0xe2: {  	v0 =	vld [tilespmem:s23+$0x1F0];
	_ =	sdelay $0x4  }
0xe3: {  	v63 =	vand.u32 $0x3FFF, v0  }
0xe4: {  	v0 =	vshrl.u32 v0, $0xE;
	[tilespmem:$0x28F0] =	vst v63  }
0xe5: {  	[tilespmem:$0x29F0] =	vst v0  }
0xe6: {  	[tilespmem:s16], [sflag:$0x2] =	stream.indirect.gather [hbm4b:s4+s12], $0x80, s15, s12, $0xb8;
	[tilespmem:$0x1EE00] =	vst v63  }
0xe7: {  	_ =	swait.ge [sflag:s17], $0x4000  }
0xe8: {  	[sflag:s17] =	ssyncset.done $0x0  }
0xe9: {  	[sflag:s17] =	ssyncadd.s32 $0xFFFFC000  }
0xea: {  	_ =	swait.ge [sflag:s19], $0x4000  }
0xeb: {  	s21 =	sadd.s32 $0x1, s21;
	[sflag:s19] =	ssyncset.done $0x0  }
0xec: {  	p0 =	sne.s32 s21, s8;
	[sflag:s19] =	ssyncadd.s32 $0xFFFFC000  }
.Ltmp1:
0xed: {  	[bflag:$0x0] =	sbarrier.arrive $0xFFFF;
	(pc) =	sbr.rel @p0 .LBB2_1-.Ltmp1, $4  }
0xee: {  	[hbm:s7], [sflag:s10] =	dma.local [spmem:s11], $0x2880  }
0xef: {  	_ =	swait.ge [sflag:s9], $0x2880  }
0xf0: {  	[sflag:s9] =	ssyncset.done $0x0  }
0xf1: {  	[sflag:s9] =	ssyncadd.s32 $0xFFFFD780  }
0xf2: {  	_ =	sfence.sel $0x180000  }
0xf3: {  	[bflag:$0x0] =	sbarrier.arrive $0xFFFF  }
0xf4: {  	p0 =	sne.s32 s2, $0x0;
	_ =	strace $0x90000050  }
0xf5: {  	s0 =	sadd.s32 @!p0 $0x100000, s0;
	[bflag:$0x2] =	sbarrier.arrive $0xFFFF  }
0xf6: {  	[sflag:s0] =	ssyncadd.tile.s32 @!p0 $0x1;
	_ =	shalt  }
.Lfunc_end2:
_tile_overlayer_lowered:
.L_overlay_start_2:
0xf7: {  	(tag) =	ssettag $0x2  }
0xf8: {  	s0 =	rddreg [dreg:$0x0];
	s2 =	stileid.u32  }
0xf9: {  	s1 =	rddreg [dreg:$0x1];
	p0 =	sne.s32 s2, $0x0  }
0xfa: {  	s3 =	rddreg [dreg:$0x2];
	[bflag:$0x3] =	sbarrier.arrive $0xFFFF;
	s2 =	simm.s32 @!p0 $0x1C03  }
0xfb: {  	[timem:s3], [sflag:s2] =	dma.local @!p0 [hbm:s0], s1  }
0xfc: {  	s0 =	simm.s32 @!p0 $0x3  }
0xfd: {  	_ =	swait.ge @!p0 [sflag:s0], s1  }
0xfe: {  	s1 =	ssub.s32 @!p0 $0x0, s1;
	[sflag:s0] =	ssyncset.done @!p0 $0x0  }
0xff: {  	[sflag:s0] =	ssyncadd.s32 @!p0 s1  }
0x100: {  	[bflag:$0x3] =	sbarrier.arrive $0xFFFF  }
0x101: {  	_ =	shalt  }

</sc_bundles>
